<compile_context>
chip_gen: v7x
topology: tpu7x:2x2x1
jax: 0.10.2.dev20260603
libtpu: 0.0.44.dev20260713+nightly
codegen_flags: <defaults>
</compile_context>

<pallas_src>
import functools

import jax
import jax.numpy as jnp
from jax import lax
from jax.experimental import pallas as pl
from jax.experimental.pallas import tpu as pltpu
from jax.experimental.pallas import tpu_sc as plsc

N = 10000
E = 320000
D = 128
DF = 16

NC = 2
NS = 16
NW = NC * NS
EW = E // NW
CHUNK = 40
NCHUNKS = EW // CHUNK
NBUF = 8
REM = NCHUNKS - ((NCHUNKS - 1) // NBUF) * NBUF
RPT = 624
TAIL = N - RPT * NS

_MESH = plsc.VectorSubcoreMesh(core_axis_name="c", subcore_axis_name="s")


def _sc_scatter_mean_partials(dest, edge_attr, zsum, zcnt, ones):

    @functools.partial(
        pl.kernel,
        out_type=(
            jax.ShapeDtypeStruct((NC, N, D), jnp.float32),
            jax.ShapeDtypeStruct((NC * N,), jnp.float32),
        ),
        mesh=_MESH,
        scratch_types=(
            [pltpu.VMEM((CHUNK,), jnp.int32)] * NBUF
            + [pltpu.VMEM((CHUNK, D), jnp.float32)] * NBUF
            + [
                pltpu.VMEM((CHUNK,), jnp.float32),
                pltpu.VMEM((RPT,), jnp.float32),
                pltpu.VMEM_SHARED((N, D), jnp.float32),
                pltpu.VMEM_SHARED((N,), jnp.float32),
            ]
            + [pltpu.SemaphoreType.DMA] * (2 * NBUF)
        ),
    )
    def body(dest_hbm, attr_hbm, zsum_hbm, zcnt_hbm, ones_hbm,
             sum_out, cnt_out, *scratch):
        idx = scratch[:NBUF]
        rows = scratch[NBUF:2 * NBUF]
        ones_v, stage1_v, ssum, scnt = scratch[2 * NBUF:2 * NBUF + 4]
        ld = scratch[2 * NBUF + 4:2 * NBUF + 4 + NBUF]
        st = scratch[2 * NBUF + 4 + NBUF:]
        cid = lax.axis_index("c")
        sid = lax.axis_index("s")
        wid = cid * NS + sid
        r0 = sid * RPT
        t0 = RPT * NS
        slices = [(CHUNK * k, CHUNK) for k in range(RPT // CHUNK)]
        if RPT % CHUNK:
            slices.append(((RPT // CHUNK) * CHUNK, RPT % CHUNK))
        rows_v0 = rows[0]

        pltpu.sync_copy(zsum_hbm, rows_v0)
        pltpu.sync_copy(zcnt_hbm, stage1_v)
        zs = [pltpu.async_copy(rows_v0.at[pl.ds(0, sz), :],
                               ssum.at[pl.ds(r0 + o, sz), :], ld[0])
              for o, sz in slices]
        for z in zs:
            z.wait()
        pltpu.sync_copy(stage1_v, scnt.at[pl.ds(r0, RPT)])

        @pl.when(sid == 0)
        def _():
            pltpu.sync_copy(rows_v0.at[pl.ds(0, TAIL), :],
                            ssum.at[pl.ds(t0, TAIL), :])
            pltpu.sync_copy(stage1_v.at[pl.ds(0, TAIL)],
                            scnt.at[pl.ds(t0, TAIL)])

        pltpu.sync_copy(ones_hbm, ones_v)
        plsc.subcore_barrier()

        base = wid * EW

        def start_load(off, b):
            pltpu.async_copy(dest_hbm.at[pl.ds(off, CHUNK)], idx[b], ld[b])
            pltpu.async_copy(attr_hbm.at[pl.ds(off, CHUNK), :], rows[b], ld[b])

        def wait_load(b):
            pltpu.make_async_copy(dest_hbm.at[pl.ds(base, CHUNK)], idx[b],
                                  ld[b]).wait()
            pltpu.make_async_copy(attr_hbm.at[pl.ds(base, CHUNK), :], rows[b],
                                  ld[b]).wait()

        def start_scat(b):
            pltpu.async_copy(rows[b], ssum.at[idx[b]], st[b], add=True)
            pltpu.async_copy(ones_v, scnt.at[idx[b]], st[b], add=True)

        def wait_scat(b):
            pltpu.make_async_copy(rows[b], ssum.at[idx[b]], st[b]).wait()
            pltpu.make_async_copy(ones_v, scnt.at[idx[b]], st[b]).wait()

        maxoff = base + (NCHUNKS - 1) * CHUNK
        for b in range(NBUF):
            start_load(base + b * CHUNK, b)

        @pl.loop(0, NCHUNKS - REM, step=NBUF)
        def _(j):
            off = base + j * CHUNK
            for b in range(NBUF):
                wait_load(b)
                start_scat(b)
            for b in range(NBUF):
                wait_scat(b)
                start_load(jnp.minimum(off + (NBUF + b) * CHUNK, maxoff), b)

        for b in range(REM):
            wait_load(b)
            start_scat(b)
        for b in range(REM, NBUF):
            wait_load(b)
        for b in range(REM):
            wait_scat(b)

        plsc.subcore_barrier()
        outs = []
        for k, (o, sz) in enumerate(slices):
            b = k % 2
            if k >= 2:
                outs[k - 2].wait()
            pltpu.sync_copy(ssum.at[pl.ds(r0 + o, sz), :],
                            rows[b].at[pl.ds(0, sz), :])
            outs.append(pltpu.async_copy(
                rows[b].at[pl.ds(0, sz), :],
                sum_out.at[cid, pl.ds(r0 + o, sz), :], st[b]))
        outs[-2].wait()
        outs[-1].wait()
        pltpu.sync_copy(scnt.at[pl.ds(r0, RPT)], stage1_v)
        pltpu.sync_copy(stage1_v, cnt_out.at[pl.ds(cid * N + r0, RPT)])

        @pl.when(sid == 0)
        def _():
            pltpu.sync_copy(ssum.at[pl.ds(t0, TAIL), :],
                            rows_v0.at[pl.ds(0, TAIL), :])
            pltpu.sync_copy(scnt.at[pl.ds(t0, TAIL)],
                            stage1_v.at[pl.ds(0, TAIL)])
            pltpu.sync_copy(rows_v0.at[pl.ds(0, TAIL), :],
                            sum_out.at[cid, pl.ds(t0, TAIL), :])
            pltpu.sync_copy(stage1_v.at[pl.ds(0, TAIL)],
                            cnt_out.at[pl.ds(cid * N + t0, TAIL)])

    return body(dest, edge_attr, zsum, zcnt, ones)


def _row1_block(ei_ref, out_ref):
    out_ref[...] = ei_ref[1]


def _extract_dest(edge_index):
    return pl.pallas_call(
        _row1_block,
        out_shape=jax.ShapeDtypeStruct((E,), jnp.int32),
    )(edge_index)


def _mlp_block(x_ref, f_ref, s2_ref, c2_ref, w1x_ref, w1a_ref, w1f_ref,
               b1_ref, w2_ref, b2_ref, w3_ref, b3_ref, out_ref):
    s = s2_ref[0] + s2_ref[1]
    c = c2_ref[:, 0:1] + c2_ref[:, 1:2]
    inv = 1.0 / jnp.maximum(c, 1.0)
    h = (jnp.dot(x_ref[...], w1x_ref[...], preferred_element_type=jnp.float32)
         + jnp.dot(s, w1a_ref[...], preferred_element_type=jnp.float32) * inv
         + jnp.dot(f_ref[...], w1f_ref[...], preferred_element_type=jnp.float32)
         + b1_ref[...])
    h = h * jax.nn.sigmoid(h)
    h = jnp.dot(h, w2_ref[...], preferred_element_type=jnp.float32) + b2_ref[...]
    h = h * jax.nn.sigmoid(h)
    out_ref[...] = (jnp.dot(h, w3_ref[...], preferred_element_type=jnp.float32)
                    + b3_ref[...])


def _tc_mlp(x, f, sums2, cnt2, w1x, w1a, w1f, b1, w2, b2, w3, b3):
    B = 2000
    grid = (N // B,)
    return pl.pallas_call(
        _mlp_block,
        grid=grid,
        in_specs=[
            pl.BlockSpec((B, D), lambda i: (i, 0)),
            pl.BlockSpec((B, DF), lambda i: (i, 0)),
            pl.BlockSpec((NC, B, D), lambda i: (0, i, 0)),
            pl.BlockSpec((B, NC), lambda i: (i, 0)),
            pl.BlockSpec((D, D), lambda i: (0, 0)),
            pl.BlockSpec((D, D), lambda i: (0, 0)),
            pl.BlockSpec((DF, D), lambda i: (0, 0)),
            pl.BlockSpec((1, D), lambda i: (0, 0)),
            pl.BlockSpec((D, D), lambda i: (0, 0)),
            pl.BlockSpec((1, D), lambda i: (0, 0)),
            pl.BlockSpec((D, D), lambda i: (0, 0)),
            pl.BlockSpec((1, D), lambda i: (0, 0)),
        ],
        out_specs=pl.BlockSpec((B, D), lambda i: (i, 0)),
        out_shape=jax.ShapeDtypeStruct((N, D), jnp.float32),
    )(x, f, sums2, cnt2, w1x, w1a, w1f, b1, w2, b2, w3, b3)


def kernel(x, edge_index, edge_attr, f, W1, b1, W2, b2, W3, b3):
    dest = _extract_dest(edge_index)
    zsum = jnp.zeros((CHUNK, D), jnp.float32)
    zcnt = jnp.zeros((RPT,), jnp.float32)
    ones = jnp.ones((CHUNK,), jnp.float32)
    sums2, cnt_flat = _sc_scatter_mean_partials(dest, edge_attr, zsum, zcnt,
                                                ones)
    cnt2 = cnt_flat.reshape(NC, N).T

    w1t = W1.T
    w1x = w1t[:D]
    w1a = w1t[D:2 * D]
    w1f = w1t[2 * D:]
    return _tc_mlp(x, f, sums2, cnt2, w1x, w1a, w1f,
                   b1.reshape(1, D), W2.T, b2.reshape(1, D),
                   W3.T, b3.reshape(1, D))

# --- scband reference (transcript-rebuilt; emitter-appended) ---
"""Pipeline reference for scband-node-model-22728966930783 (READ-ONLY COPY).

The authoritative reference and input builder live on the scoring server;
editing this copy changes nothing except your own understanding.
"""

import jax, jax.numpy as jnp
import numpy as np

N = 10000
E = 320000
D = 128
DF = 16
DIN = 2 * D + DF  # 272


def _linear_params(key, fan_in, fan_out):
    k1, k2 = jax.random.split(key)
    bound = 1.0 / np.sqrt(fan_in)
    W = jax.random.uniform(k1, (fan_out, fan_in), dtype=jnp.float32, minval=-bound, maxval=bound)
    b = jax.random.uniform(k2, (fan_out,), dtype=jnp.float32, minval=-bound, maxval=bound)
    return W, b


def setup_inputs(seed: int = 0) -> dict:
    key = jax.random.key(seed)
    ks = jax.random.split(key, 8)
    x = jax.random.normal(ks[0], (N, D), dtype=jnp.float32)
    edge_index = jax.random.randint(ks[1], (2, E), 0, N, dtype=jnp.int32)
    edge_attr = jax.random.normal(ks[2], (E, D), dtype=jnp.float32)
    f = jax.random.normal(ks[3], (N, DF), dtype=jnp.float32)
    W1, b1 = _linear_params(ks[4], DIN, D)
    W2, b2 = _linear_params(ks[5], D, D)
    W3, b3 = _linear_params(ks[6], D, D)
    return {"x": x, "edge_index": edge_index, "edge_attr": edge_attr, "f": f,
            "W1": W1, "b1": b1, "W2": W2, "b2": b2, "W3": W3, "b3": b3}


def reference(x, edge_index, edge_attr, f, W1, b1, W2, b2, W3, b3):
    src = edge_index[0]
    dest = edge_index[1]
    # scatter_mean(edge_attr, dest, dim=0, dim_size=N)
    sums = jnp.zeros((N, D), dtype=edge_attr.dtype).at[dest].add(edge_attr)
    cnt = jnp.zeros((N,), dtype=edge_attr.dtype).at[dest].add(1.0)
    agg = sums / jnp.maximum(cnt, 1.0)[:, None]
    out = jnp.concatenate([x, agg, f], axis=1)
    # MLP: Linear(272->128) SiLU Linear(128->128) SiLU Linear(128->128)
    out = jax.nn.silu(out @ W1.T + b1)
    out = jax.nn.silu(out @ W2.T + b2)
    out = out @ W3.T + b3
    return out

if __name__ == "__main__":
    import jax
    _d = setup_inputs()
    print(jax.jit(kernel)(*tuple(_d.values())))

</pallas_src>

<mosaic_0001>
#map = affine_map<(d0, d1) -> (0)>
#map1 = affine_map<(d0, d1) -> (0, 0)>
#map2 = affine_map<(d0, d1) -> (0, 0, 0)>
module attributes {stable_mosaic.version = 14 : i64} {
  func.func @body(%arg0: i32, %arg1: i32, %arg2: memref<320000xi32, #tpu.memory_space<hbm>>, %arg3: memref<320000x128xf32, #tpu.memory_space<hbm>>, %arg4: memref<40x128xf32, #tpu.memory_space<hbm>>, %arg5: memref<624xf32, #tpu.memory_space<hbm>>, %arg6: memref<40xf32, #tpu.memory_space<hbm>>, %arg7: memref<2x10000x128xf32, #tpu.memory_space<hbm>>, %arg8: memref<20000xf32, #tpu.memory_space<hbm>>, %arg9: memref<40xi32, #tpu.memory_space<vmem>>, %arg10: memref<40xi32, #tpu.memory_space<vmem>>, %arg11: memref<40xi32, #tpu.memory_space<vmem>>, %arg12: memref<40xi32, #tpu.memory_space<vmem>>, %arg13: memref<40xi32, #tpu.memory_space<vmem>>, %arg14: memref<40xi32, #tpu.memory_space<vmem>>, %arg15: memref<40xi32, #tpu.memory_space<vmem>>, %arg16: memref<40xi32, #tpu.memory_space<vmem>>, %arg17: memref<40x128xf32, #tpu.memory_space<vmem>>, %arg18: memref<40x128xf32, #tpu.memory_space<vmem>>, %arg19: memref<40x128xf32, #tpu.memory_space<vmem>>, %arg20: memref<40x128xf32, #tpu.memory_space<vmem>>, %arg21: memref<40x128xf32, #tpu.memory_space<vmem>>, %arg22: memref<40x128xf32, #tpu.memory_space<vmem>>, %arg23: memref<40x128xf32, #tpu.memory_space<vmem>>, %arg24: memref<40x128xf32, #tpu.memory_space<vmem>>, %arg25: memref<40xf32, #tpu.memory_space<vmem>>, %arg26: memref<624xf32, #tpu.memory_space<vmem>>, %arg27: memref<10000x128xf32, #tpu.memory_space<vmem_shared>>, %arg28: memref<10000xf32, #tpu.memory_space<vmem_shared>>, %arg29: memref<!tpu.dma_semaphore, #tpu.memory_space<semaphore_mem>>, %arg30: memref<!tpu.dma_semaphore, #tpu.memory_space<semaphore_mem>>, %arg31: memref<!tpu.dma_semaphore, #tpu.memory_space<semaphore_mem>>, %arg32: memref<!tpu.dma_semaphore, #tpu.memory_space<semaphore_mem>>, %arg33: memref<!tpu.dma_semaphore, #tpu.memory_space<semaphore_mem>>, %arg34: memref<!tpu.dma_semaphore, #tpu.memory_space<semaphore_mem>>, %arg35: memref<!tpu.dma_semaphore, #tpu.memory_space<semaphore_mem>>, %arg36: memref<!tpu.dma_semaphore, #tpu.memory_space<semaphore_mem>>, %arg37: memref<!tpu.dma_semaphore, #tpu.memory_space<semaphore_mem>>, %arg38: memref<!tpu.dma_semaphore, #tpu.memory_space<semaphore_mem>>, %arg39: memref<!tpu.dma_semaphore, #tpu.memory_space<semaphore_mem>>, %arg40: memref<!tpu.dma_semaphore, #tpu.memory_space<semaphore_mem>>, %arg41: memref<!tpu.dma_semaphore, #tpu.memory_space<semaphore_mem>>, %arg42: memref<!tpu.dma_semaphore, #tpu.memory_space<semaphore_mem>>, %arg43: memref<!tpu.dma_semaphore, #tpu.memory_space<semaphore_mem>>, %arg44: memref<!tpu.dma_semaphore, #tpu.memory_space<semaphore_mem>>) attributes {dimension_semantics = [#tpu.dimension_semantics<core_parallel>, #tpu.dimension_semantics<subcore_parallel>], iteration_bounds = array<i64: 2, 16>, scalar_prefetch = 0 : i64, scratch_operands = 36 : i64, tpu.core_type = #tpu.core_type<sc_vector_subcore>, window_params = [{transform_indices = #map}, {transform_indices = #map1}, {transform_indices = #map1}, {transform_indices = #map}, {transform_indices = #map}, {transform_indices = #map2}, {transform_indices = #map}]} {
    %mul3A = arith.constant 16 : i32
    %mul3A_0 = arith.muli %arg0, %mul3A : i32
    %add3A = arith.addi %mul3A_0, %arg1 : i32
    %mul3A_1 = arith.constant 624 : i32
    %mul3A_2 = arith.muli %arg1, %mul3A_1 : i32
    "tpu.region"() ({
      %run_scoped3A = tpu.sem_alloc : memref<!tpu.dma_semaphore, #tpu.memory_space<semaphore_mem>>
      tpu.enqueue_dma source(%arg4 : memref<40x128xf32, #tpu.memory_space<hbm>>) target(%arg17 : memref<40x128xf32, #tpu.memory_space<vmem>>) target_semaphore(%run_scoped3A : memref<!tpu.dma_semaphore, #tpu.memory_space<semaphore_mem>>)
      tpu.wait_dma2 semaphore(%run_scoped3A : memref<!tpu.dma_semaphore, #tpu.memory_space<semaphore_mem>>) src(%arg4 : memref<40x128xf32, #tpu.memory_space<hbm>>) dst(%arg17 : memref<40x128xf32, #tpu.memory_space<vmem>>)
      tpu.yield
    }) : () -> ()
    "tpu.region"() ({
      %run_scoped3A = tpu.sem_alloc : memref<!tpu.dma_semaphore, #tpu.memory_space<semaphore_mem>>
      tpu.enqueue_dma source(%arg5 : memref<624xf32, #tpu.memory_space<hbm>>) target(%arg26 : memref<624xf32, #tpu.memory_space<vmem>>) target_semaphore(%run_scoped3A : memref<!tpu.dma_semaphore, #tpu.memory_space<semaphore_mem>>)
      tpu.wait_dma2 semaphore(%run_scoped3A : memref<!tpu.dma_semaphore, #tpu.memory_space<semaphore_mem>>) src(%arg5 : memref<624xf32, #tpu.memory_space<hbm>>) dst(%arg26 : memref<624xf32, #tpu.memory_space<vmem>>)
      tpu.yield
    }) : () -> ()
    %add3A_3 = arith.constant 0 : i32
    %add3A_4 = arith.addi %mul3A_2, %add3A_3 : i32
    %dma_start3A = arith.constant 0 : i32
    %dma_start3A_5 = arith.constant 0 : i32
    %dma_start3A_6 = tpu.memref_slice %arg17[%dma_start3A, %dma_start3A_5] : memref<40x128xf32, #tpu.memory_space<vmem>> -> memref<40x128xf32, #tpu.memory_space<vmem>>
    %dma_start3A_7 = arith.constant 0 : i32
    %dma_start3A_8 = tpu.memref_slice %arg27[%add3A_4, %dma_start3A_7] : memref<10000x128xf32, #tpu.memory_space<vmem_shared>> -> memref<40x128xf32, #tpu.memory_space<vmem_shared>>
    %dma_start3A_9 = arith.constant 0 : i32
    %dma_start3A_10 = tpu.memref_slice %arg27[%add3A_4, %dma_start3A_9] : memref<10000x128xf32, #tpu.memory_space<vmem_shared>> -> memref<40x128xf32, #tpu.memory_space<vmem_shared>>
    %dma_start3A_11 = arith.constant 0 : i32
    %dma_start3A_12 = arith.constant 0 : i32
    %dma_start3A_13 = tpu.memref_slice %arg17[%dma_start3A_11, %dma_start3A_12] : memref<40x128xf32, #tpu.memory_space<vmem>> -> memref<40x128xf32, #tpu.memory_space<vmem>>
    tpu.enqueue_dma source(%dma_start3A_13 : memref<40x128xf32, #tpu.memory_space<vmem>>) target(%dma_start3A_10 : memref<40x128xf32, #tpu.memory_space<vmem_shared>>) target_semaphore(%arg29 : memref<!tpu.dma_semaphore, #tpu.memory_space<semaphore_mem>>)
    %add3A_14 = arith.constant 40 : i32
    %add3A_15 = arith.addi %mul3A_2, %add3A_14 : i32
    %dma_start3A_16 = arith.constant 0 : i32
    %dma_start3A_17 = arith.constant 0 : i32
    %dma_start3A_18 = tpu.memref_slice %arg17[%dma_start3A_16, %dma_start3A_17] : memref<40x128xf32, #tpu.memory_space<vmem>> -> memref<40x128xf32, #tpu.memory_space<vmem>>
    %dma_start3A_19 = arith.constant 0 : i32
    %dma_start3A_20 = tpu.memref_slice %arg27[%add3A_15, %dma_start3A_19] : memref<10000x128xf32, #tpu.memory_space<vmem_shared>> -> memref<40x128xf32, #tpu.memory_space<vmem_shared>>
    %dma_start3A_21 = arith.constant 0 : i32
    %dma_start3A_22 = tpu.memref_slice %arg27[%add3A_15, %dma_start3A_21] : memref<10000x128xf32, #tpu.memory_space<vmem_shared>> -> memref<40x128xf32, #tpu.memory_space<vmem_shared>>
    %dma_start3A_23 = arith.constant 0 : i32
    %dma_start3A_24 = arith.constant 0 : i32
    %dma_start3A_25 = tpu.memref_slice %arg17[%dma_start3A_23, %dma_start3A_24] : memref<40x128xf32, #tpu.memory_space<vmem>> -> memref<40x128xf32, #tpu.memory_space<vmem>>
    tpu.enqueue_dma source(%dma_start3A_25 : memref<40x128xf32, #tpu.memory_space<vmem>>) target(%dma_start3A_22 : memref<40x128xf32, #tpu.memory_space<vmem_shared>>) target_semaphore(%arg29 : memref<!tpu.dma_semaphore, #tpu.memory_space<semaphore_mem>>)
    %add3A_26 = arith.constant 80 : i32
    %add3A_27 = arith.addi %mul3A_2, %add3A_26 : i32
    %dma_start3A_28 = arith.constant 0 : i32
    %dma_start3A_29 = arith.constant 0 : i32
    %dma_start3A_30 = tpu.memref_slice %arg17[%dma_start3A_28, %dma_start3A_29] : memref<40x128xf32, #tpu.memory_space<vmem>> -> memref<40x128xf32, #tpu.memory_space<vmem>>
    %dma_start3A_31 = arith.constant 0 : i32
    %dma_start3A_32 = tpu.memref_slice %arg27[%add3A_27, %dma_start3A_31] : memref<10000x128xf32, #tpu.memory_space<vmem_shared>> -> memref<40x128xf32, #tpu.memory_space<vmem_shared>>
    %dma_start3A_33 = arith.constant 0 : i32
    %dma_start3A_34 = tpu.memref_slice %arg27[%add3A_27, %dma_start3A_33] : memref<10000x128xf32, #tpu.memory_space<vmem_shared>> -> memref<40x128xf32, #tpu.memory_space<vmem_shared>>
    %dma_start3A_35 = arith.constant 0 : i32
    %dma_start3A_36 = arith.constant 0 : i32
    %dma_start3A_37 = tpu.memref_slice %arg17[%dma_start3A_35, %dma_start3A_36] : memref<40x128xf32, #tpu.memory_space<vmem>> -> memref<40x128xf32, #tpu.memory_space<vmem>>
    tpu.enqueue_dma source(%dma_start3A_37 : memref<40x128xf32, #tpu.memory_space<vmem>>) target(%dma_start3A_34 : memref<40x128xf32, #tpu.memory_space<vmem_shared>>) target_semaphore(%arg29 : memref<!tpu.dma_semaphore, #tpu.memory_space<semaphore_mem>>)
    %add3A_38 = arith.constant 120 : i32
    %add3A_39 = arith.addi %mul3A_2, %add3A_38 : i32
    %dma_start3A_40 = arith.constant 0 : i32
    %dma_start3A_41 = arith.constant 0 : i32
    %dma_start3A_42 = tpu.memref_slice %arg17[%dma_start3A_40, %dma_start3A_41] : memref<40x128xf32, #tpu.memory_space<vmem>> -> memref<40x128xf32, #tpu.memory_space<vmem>>
    %dma_start3A_43 = arith.constant 0 : i32
    %dma_start3A_44 = tpu.memref_slice %arg27[%add3A_39, %dma_start3A_43] : memref<10000x128xf32, #tpu.memory_space<vmem_shared>> -> memref<40x128xf32, #tpu.memory_space<vmem_shared>>
    %dma_start3A_45 = arith.constant 0 : i32
    %dma_start3A_46 = tpu.memref_slice %arg27[%add3A_39, %dma_start3A_45] : memref<10000x128xf32, #tpu.memory_space<vmem_shared>> -> memref<40x128xf32, #tpu.memory_space<vmem_shared>>
    %dma_start3A_47 = arith.constant 0 : i32
    %dma_start3A_48 = arith.constant 0 : i32
    %dma_start3A_49 = tpu.memref_slice %arg17[%dma_start3A_47, %dma_start3A_48] : memref<40x128xf32, #tpu.memory_space<vmem>> -> memref<40x128xf32, #tpu.memory_space<vmem>>
    tpu.enqueue_dma source(%dma_start3A_49 : memref<40x128xf32, #tpu.memory_space<vmem>>) target(%dma_start3A_46 : memref<40x128xf32, #tpu.memory_space<vmem_shared>>) target_semaphore(%arg29 : memref<!tpu.dma_semaphore, #tpu.memory_space<semaphore_mem>>)
    %add3A_50 = arith.constant 160 : i32
    %add3A_51 = arith.addi %mul3A_2, %add3A_50 : i32
    %dma_start3A_52 = arith.constant 0 : i32
    %dma_start3A_53 = arith.constant 0 : i32
    %dma_start3A_54 = tpu.memref_slice %arg17[%dma_start3A_52, %dma_start3A_53] : memref<40x128xf32, #tpu.memory_space<vmem>> -> memref<40x128xf32, #tpu.memory_space<vmem>>
    %dma_start3A_55 = arith.constant 0 : i32
    %dma_start3A_56 = tpu.memref_slice %arg27[%add3A_51, %dma_start3A_55] : memref<10000x128xf32, #tpu.memory_space<vmem_shared>> -> memref<40x128xf32, #tpu.memory_space<vmem_shared>>
    %dma_start3A_57 = arith.constant 0 : i32
    %dma_start3A_58 = tpu.memref_slice %arg27[%add3A_51, %dma_start3A_57] : memref<10000x128xf32, #tpu.memory_space<vmem_shared>> -> memref<40x128xf32, #tpu.memory_space<vmem_shared>>
    %dma_start3A_59 = arith.constant 0 : i32
    %dma_start3A_60 = arith.constant 0 : i32
    %dma_start3A_61 = tpu.memref_slice %arg17[%dma_start3A_59, %dma_start3A_60] : memref<40x128xf32, #tpu.memory_space<vmem>> -> memref<40x128xf32, #tpu.memory_space<vmem>>
    tpu.enqueue_dma source(%dma_start3A_61 : memref<40x128xf32, #tpu.memory_space<vmem>>) target(%dma_start3A_58 : memref<40x128xf32, #tpu.memory_space<vmem_shared>>) target_semaphore(%arg29 : memref<!tpu.dma_semaphore, #tpu.memory_space<semaphore_mem>>)
    %add3A_62 = arith.constant 200 : i32
    %add3A_63 = arith.addi %mul3A_2, %add3A_62 : i32
    %dma_start3A_64 = arith.constant 0 : i32
    %dma_start3A_65 = arith.constant 0 : i32
    %dma_start3A_66 = tpu.memref_slice %arg17[%dma_start3A_64, %dma_start3A_65] : memref<40x128xf32, #tpu.memory_space<vmem>> -> memref<40x128xf32, #tpu.memory_space<vmem>>
    %dma_start3A_67 = arith.constant 0 : i32
    %dma_start3A_68 = tpu.memref_slice %arg27[%add3A_63, %dma_start3A_67] : memref<10000x128xf32, #tpu.memory_space<vmem_shared>> -> memref<40x128xf32, #tpu.memory_space<vmem_shared>>
    %dma_start3A_69 = arith.constant 0 : i32
    %dma_start3A_70 = tpu.memref_slice %arg27[%add3A_63, %dma_start3A_69] : memref<10000x128xf32, #tpu.memory_space<vmem_shared>> -> memref<40x128xf32, #tpu.memory_space<vmem_shared>>
    %dma_start3A_71 = arith.constant 0 : i32
    %dma_start3A_72 = arith.constant 0 : i32
    %dma_start3A_73 = tpu.memref_slice %arg17[%dma_start3A_71, %dma_start3A_72] : memref<40x128xf32, #tpu.memory_space<vmem>> -> memref<40x128xf32, #tpu.memory_space<vmem>>
    tpu.enqueue_dma source(%dma_start3A_73 : memref<40x128xf32, #tpu.memory_space<vmem>>) target(%dma_start3A_70 : memref<40x128xf32, #tpu.memory_space<vmem_shared>>) target_semaphore(%arg29 : memref<!tpu.dma_semaphore, #tpu.memory_space<semaphore_mem>>)
    %add3A_74 = arith.constant 240 : i32
    %add3A_75 = arith.addi %mul3A_2, %add3A_74 : i32
    %dma_start3A_76 = arith.constant 0 : i32
    %dma_start3A_77 = arith.constant 0 : i32
    %dma_start3A_78 = tpu.memref_slice %arg17[%dma_start3A_76, %dma_start3A_77] : memref<40x128xf32, #tpu.memory_space<vmem>> -> memref<40x128xf32, #tpu.memory_space<vmem>>
    %dma_start3A_79 = arith.constant 0 : i32
    %dma_start3A_80 = tpu.memref_slice %arg27[%add3A_75, %dma_start3A_79] : memref<10000x128xf32, #tpu.memory_space<vmem_shared>> -> memref<40x128xf32, #tpu.memory_space<vmem_shared>>
    %dma_start3A_81 = arith.constant 0 : i32
    %dma_start3A_82 = tpu.memref_slice %arg27[%add3A_75, %dma_start3A_81] : memref<10000x128xf32, #tpu.memory_space<vmem_shared>> -> memref<40x128xf32, #tpu.memory_space<vmem_shared>>
    %dma_start3A_83 = arith.constant 0 : i32
    %dma_start3A_84 = arith.constant 0 : i32
    %dma_start3A_85 = tpu.memref_slice %arg17[%dma_start3A_83, %dma_start3A_84] : memref<40x128xf32, #tpu.memory_space<vmem>> -> memref<40x128xf32, #tpu.memory_space<vmem>>
    tpu.enqueue_dma source(%dma_start3A_85 : memref<40x128xf32, #tpu.memory_space<vmem>>) target(%dma_start3A_82 : memref<40x128xf32, #tpu.memory_space<vmem_shared>>) target_semaphore(%arg29 : memref<!tpu.dma_semaphore, #tpu.memory_space<semaphore_mem>>)
    %add3A_86 = arith.constant 280 : i32
    %add3A_87 = arith.addi %mul3A_2, %add3A_86 : i32
    %dma_start3A_88 = arith.constant 0 : i32
    %dma_start3A_89 = arith.constant 0 : i32
    %dma_start3A_90 = tpu.memref_slice %arg17[%dma_start3A_88, %dma_start3A_89] : memref<40x128xf32, #tpu.memory_space<vmem>> -> memref<40x128xf32, #tpu.memory_space<vmem>>
    %dma_start3A_91 = arith.constant 0 : i32
    %dma_start3A_92 = tpu.memref_slice %arg27[%add3A_87, %dma_start3A_91] : memref<10000x128xf32, #tpu.memory_space<vmem_shared>> -> memref<40x128xf32, #tpu.memory_space<vmem_shared>>
    %dma_start3A_93 = arith.constant 0 : i32
    %dma_start3A_94 = tpu.memref_slice %arg27[%add3A_87, %dma_start3A_93] : memref<10000x128xf32, #tpu.memory_space<vmem_shared>> -> memref<40x128xf32, #tpu.memory_space<vmem_shared>>
    %dma_start3A_95 = arith.constant 0 : i32
    %dma_start3A_96 = arith.constant 0 : i32
    %dma_start3A_97 = tpu.memref_slice %arg17[%dma_start3A_95, %dma_start3A_96] : memref<40x128xf32, #tpu.memory_space<vmem>> -> memref<40x128xf32, #tpu.memory_space<vmem>>
    tpu.enqueue_dma source(%dma_start3A_97 : memref<40x128xf32, #tpu.memory_space<vmem>>) target(%dma_start3A_94 : memref<40x128xf32, #tpu.memory_space<vmem_shared>>) target_semaphore(%arg29 : memref<!tpu.dma_semaphore, #tpu.memory_space<semaphore_mem>>)
    %add3A_98 = arith.constant 320 : i32
    %add3A_99 = arith.addi %mul3A_2, %add3A_98 : i32
    %dma_start3A_100 = arith.constant 0 : i32
    %dma_start3A_101 = arith.constant 0 : i32
    %dma_start3A_102 = tpu.memref_slice %arg17[%dma_start3A_100, %dma_start3A_101] : memref<40x128xf32, #tpu.memory_space<vmem>> -> memref<40x128xf32, #tpu.memory_space<vmem>>
    %dma_start3A_103 = arith.constant 0 : i32
    %dma_start3A_104 = tpu.memref_slice %arg27[%add3A_99, %dma_start3A_103] : memref<10000x128xf32, #tpu.memory_space<vmem_shared>> -> memref<40x128xf32, #tpu.memory_space<vmem_shared>>
    %dma_start3A_105 = arith.constant 0 : i32
    %dma_start3A_106 = tpu.memref_slice %arg27[%add3A_99, %dma_start3A_105] : memref<10000x128xf32, #tpu.memory_space<vmem_shared>> -> memref<40x128xf32, #tpu.memory_space<vmem_shared>>
    %dma_start3A_107 = arith.constant 0 : i32
    %dma_start3A_108 = arith.constant 0 : i32
    %dma_start3A_109 = tpu.memref_slice %arg17[%dma_start3A_107, %dma_start3A_108] : memref<40x128xf32, #tpu.memory_space<vmem>> -> memref<40x128xf32, #tpu.memory_space<vmem>>
    tpu.enqueue_dma source(%dma_start3A_109 : memref<40x128xf32, #tpu.memory_space<vmem>>) target(%dma_start3A_106 : memref<40x128xf32, #tpu.memory_space<vmem_shared>>) target_semaphore(%arg29 : memref<!tpu.dma_semaphore, #tpu.memory_space<semaphore_mem>>)
    %add3A_110 = arith.constant 360 : i32
    %add3A_111 = arith.addi %mul3A_2, %add3A_110 : i32
    %dma_start3A_112 = arith.constant 0 : i32
    %dma_start3A_113 = arith.constant 0 : i32
    %dma_start3A_114 = tpu.memref_slice %arg17[%dma_start3A_112, %dma_start3A_113] : memref<40x128xf32, #tpu.memory_space<vmem>> -> memref<40x128xf32, #tpu.memory_space<vmem>>
    %dma_start3A_115 = arith.constant 0 : i32
    %dma_start3A_116 = tpu.memref_slice %arg27[%add3A_111, %dma_start3A_115] : memref<10000x128xf32, #tpu.memory_space<vmem_shared>> -> memref<40x128xf32, #tpu.memory_space<vmem_shared>>
    %dma_start3A_117 = arith.constant 0 : i32
    %dma_start3A_118 = tpu.memref_slice %arg27[%add3A_111, %dma_start3A_117] : memref<10000x128xf32, #tpu.memory_space<vmem_shared>> -> memref<40x128xf32, #tpu.memory_space<vmem_shared>>
    %dma_start3A_119 = arith.constant 0 : i32
    %dma_start3A_120 = arith.constant 0 : i32
    %dma_start3A_121 = tpu.memref_slice %arg17[%dma_start3A_119, %dma_start3A_120] : memref<40x128xf32, #tpu.memory_space<vmem>> -> memref<40x128xf32, #tpu.memory_space<vmem>>
    tpu.enqueue_dma source(%dma_start3A_121 : memref<40x128xf32, #tpu.memory_space<vmem>>) target(%dma_start3A_118 : memref<40x128xf32, #tpu.memory_space<vmem_shared>>) target_semaphore(%arg29 : memref<!tpu.dma_semaphore, #tpu.memory_space<semaphore_mem>>)
    %add3A_122 = arith.constant 400 : i32
    %add3A_123 = arith.addi %mul3A_2, %add3A_122 : i32
    %dma_start3A_124 = arith.constant 0 : i32
    %dma_start3A_125 = arith.constant 0 : i32
    %dma_start3A_126 = tpu.memref_slice %arg17[%dma_start3A_124, %dma_start3A_125] : memref<40x128xf32, #tpu.memory_space<vmem>> -> memref<40x128xf32, #tpu.memory_space<vmem>>
    %dma_start3A_127 = arith.constant 0 : i32
    %dma_start3A_128 = tpu.memref_slice %arg27[%add3A_123, %dma_start3A_127] : memref<10000x128xf32, #tpu.memory_space<vmem_shared>> -> memref<40x128xf32, #tpu.memory_space<vmem_shared>>
    %dma_start3A_129 = arith.constant 0 : i32
    %dma_start3A_130 = tpu.memref_slice %arg27[%add3A_123, %dma_start3A_129] : memref<10000x128xf32, #tpu.memory_space<vmem_shared>> -> memref<40x128xf32, #tpu.memory_space<vmem_shared>>
    %dma_start3A_131 = arith.constant 0 : i32
    %dma_start3A_132 = arith.constant 0 : i32
    %dma_start3A_133 = tpu.memref_slice %arg17[%dma_start3A_131, %dma_start3A_132] : memref<40x128xf32, #tpu.memory_space<vmem>> -> memref<40x128xf32, #tpu.memory_space<vmem>>
    tpu.enqueue_dma source(%dma_start3A_133 : memref<40x128xf32, #tpu.memory_space<vmem>>) target(%dma_start3A_130 : memref<40x128xf32, #tpu.memory_space<vmem_shared>>) target_semaphore(%arg29 : memref<!tpu.dma_semaphore, #tpu.memory_space<semaphore_mem>>)
    %add3A_134 = arith.constant 440 : i32
    %add3A_135 = arith.addi %mul3A_2, %add3A_134 : i32
    %dma_start3A_136 = arith.constant 0 : i32
    %dma_start3A_137 = arith.constant 0 : i32
    %dma_start3A_138 = tpu.memref_slice %arg17[%dma_start3A_136, %dma_start3A_137] : memref<40x128xf32, #tpu.memory_space<vmem>> -> memref<40x128xf32, #tpu.memory_space<vmem>>
    %dma_start3A_139 = arith.constant 0 : i32
    %dma_start3A_140 = tpu.memref_slice %arg27[%add3A_135, %dma_start3A_139] : memref<10000x128xf32, #tpu.memory_space<vmem_shared>> -> memref<40x128xf32, #tpu.memory_space<vmem_shared>>
    %dma_start3A_141 = arith.constant 0 : i32
    %dma_start3A_142 = tpu.memref_slice %arg27[%add3A_135, %dma_start3A_141] : memref<10000x128xf32, #tpu.memory_space<vmem_shared>> -> memref<40x128xf32, #tpu.memory_space<vmem_shared>>
    %dma_start3A_143 = arith.constant 0 : i32
    %dma_start3A_144 = arith.constant 0 : i32
    %dma_start3A_145 = tpu.memref_slice %arg17[%dma_start3A_143, %dma_start3A_144] : memref<40x128xf32, #tpu.memory_space<vmem>> -> memref<40x128xf32, #tpu.memory_space<vmem>>
    tpu.enqueue_dma source(%dma_start3A_145 : memref<40x128xf32, #tpu.memory_space<vmem>>) target(%dma_start3A_142 : memref<40x128xf32, #tpu.memory_space<vmem_shared>>) target_semaphore(%arg29 : memref<!tpu.dma_semaphore, #tpu.memory_space<semaphore_mem>>)
    %add3A_146 = arith.constant 480 : i32
    %add3A_147 = arith.addi %mul3A_2, %add3A_146 : i32
    %dma_start3A_148 = arith.constant 0 : i32
    %dma_start3A_149 = arith.constant 0 : i32
    %dma_start3A_150 = tpu.memref_slice %arg17[%dma_start3A_148, %dma_start3A_149] : memref<40x128xf32, #tpu.memory_space<vmem>> -> memref<40x128xf32, #tpu.memory_space<vmem>>
    %dma_start3A_151 = arith.constant 0 : i32
    %dma_start3A_152 = tpu.memref_slice %arg27[%add3A_147, %dma_start3A_151] : memref<10000x128xf32, #tpu.memory_space<vmem_shared>> -> memref<40x128xf32, #tpu.memory_space<vmem_shared>>
    %dma_start3A_153 = arith.constant 0 : i32
    %dma_start3A_154 = tpu.memref_slice %arg27[%add3A_147, %dma_start3A_153] : memref<10000x128xf32, #tpu.memory_space<vmem_shared>> -> memref<40x128xf32, #tpu.memory_space<vmem_shared>>
    %dma_start3A_155 = arith.constant 0 : i32
    %dma_start3A_156 = arith.constant 0 : i32
    %dma_start3A_157 = tpu.memref_slice %arg17[%dma_start3A_155, %dma_start3A_156] : memref<40x128xf32, #tpu.memory_space<vmem>> -> memref<40x128xf32, #tpu.memory_space<vmem>>
    tpu.enqueue_dma source(%dma_start3A_157 : memref<40x128xf32, #tpu.memory_space<vmem>>) target(%dma_start3A_154 : memref<40x128xf32, #tpu.memory_space<vmem_shared>>) target_semaphore(%arg29 : memref<!tpu.dma_semaphore, #tpu.memory_space<semaphore_mem>>)
    %add3A_158 = arith.constant 520 : i32
    %add3A_159 = arith.addi %mul3A_2, %add3A_158 : i32
    %dma_start3A_160 = arith.constant 0 : i32
    %dma_start3A_161 = arith.constant 0 : i32
    %dma_start3A_162 = tpu.memref_slice %arg17[%dma_start3A_160, %dma_start3A_161] : memref<40x128xf32, #tpu.memory_space<vmem>> -> memref<40x128xf32, #tpu.memory_space<vmem>>
    %dma_start3A_163 = arith.constant 0 : i32
    %dma_start3A_164 = tpu.memref_slice %arg27[%add3A_159, %dma_start3A_163] : memref<10000x128xf32, #tpu.memory_space<vmem_shared>> -> memref<40x128xf32, #tpu.memory_space<vmem_shared>>
    %dma_start3A_165 = arith.constant 0 : i32
    %dma_start3A_166 = tpu.memref_slice %arg27[%add3A_159, %dma_start3A_165] : memref<10000x128xf32, #tpu.memory_space<vmem_shared>> -> memref<40x128xf32, #tpu.memory_space<vmem_shared>>
    %dma_start3A_167 = arith.constant 0 : i32
    %dma_start3A_168 = arith.constant 0 : i32
    %dma_start3A_169 = tpu.memref_slice %arg17[%dma_start3A_167, %dma_start3A_168] : memref<40x128xf32, #tpu.memory_space<vmem>> -> memref<40x128xf32, #tpu.memory_space<vmem>>
    tpu.enqueue_dma source(%dma_start3A_169 : memref<40x128xf32, #tpu.memory_space<vmem>>) target(%dma_start3A_166 : memref<40x128xf32, #tpu.memory_space<vmem_shared>>) target_semaphore(%arg29 : memref<!tpu.dma_semaphore, #tpu.memory_space<semaphore_mem>>)
    %add3A_170 = arith.constant 560 : i32
    %add3A_171 = arith.addi %mul3A_2, %add3A_170 : i32
    %dma_start3A_172 = arith.constant 0 : i32
    %dma_start3A_173 = arith.constant 0 : i32
    %dma_start3A_174 = tpu.memref_slice %arg17[%dma_start3A_172, %dma_start3A_173] : memref<40x128xf32, #tpu.memory_space<vmem>> -> memref<40x128xf32, #tpu.memory_space<vmem>>
    %dma_start3A_175 = arith.constant 0 : i32
    %dma_start3A_176 = tpu.memref_slice %arg27[%add3A_171, %dma_start3A_175] : memref<10000x128xf32, #tpu.memory_space<vmem_shared>> -> memref<40x128xf32, #tpu.memory_space<vmem_shared>>
    %dma_start3A_177 = arith.constant 0 : i32
    %dma_start3A_178 = tpu.memref_slice %arg27[%add3A_171, %dma_start3A_177] : memref<10000x128xf32, #tpu.memory_space<vmem_shared>> -> memref<40x128xf32, #tpu.memory_space<vmem_shared>>
    %dma_start3A_179 = arith.constant 0 : i32
    %dma_start3A_180 = arith.constant 0 : i32
    %dma_start3A_181 = tpu.memref_slice %arg17[%dma_start3A_179, %dma_start3A_180] : memref<40x128xf32, #tpu.memory_space<vmem>> -> memref<40x128xf32, #tpu.memory_space<vmem>>
    tpu.enqueue_dma source(%dma_start3A_181 : memref<40x128xf32, #tpu.memory_space<vmem>>) target(%dma_start3A_178 : memref<40x128xf32, #tpu.memory_space<vmem_shared>>) target_semaphore(%arg29 : memref<!tpu.dma_semaphore, #tpu.memory_space<semaphore_mem>>)
    %add3A_182 = arith.constant 600 : i32
    %add3A_183 = arith.addi %mul3A_2, %add3A_182 : i32
    %dma_start3A_184 = arith.constant 0 : i32
    %dma_start3A_185 = arith.constant 0 : i32
    %dma_start3A_186 = tpu.memref_slice %arg17[%dma_start3A_184, %dma_start3A_185] : memref<40x128xf32, #tpu.memory_space<vmem>> -> memref<24x128xf32, #tpu.memory_space<vmem>>
    %dma_start3A_187 = arith.constant 0 : i32
    %dma_start3A_188 = tpu.memref_slice %arg27[%add3A_183, %dma_start3A_187] : memref<10000x128xf32, #tpu.memory_space<vmem_shared>> -> memref<24x128xf32, #tpu.memory_space<vmem_shared>>
    %dma_start3A_189 = arith.constant 0 : i32
    %dma_start3A_190 = tpu.memref_slice %arg27[%add3A_183, %dma_start3A_189] : memref<10000x128xf32, #tpu.memory_space<vmem_shared>> -> memref<24x128xf32, #tpu.memory_space<vmem_shared>>
    %dma_start3A_191 = arith.constant 0 : i32
    %dma_start3A_192 = arith.constant 0 : i32
    %dma_start3A_193 = tpu.memref_slice %arg17[%dma_start3A_191, %dma_start3A_192] : memref<40x128xf32, #tpu.memory_space<vmem>> -> memref<24x128xf32, #tpu.memory_space<vmem>>
    tpu.enqueue_dma source(%dma_start3A_193 : memref<24x128xf32, #tpu.memory_space<vmem>>) target(%dma_start3A_190 : memref<24x128xf32, #tpu.memory_space<vmem_shared>>) target_semaphore(%arg29 : memref<!tpu.dma_semaphore, #tpu.memory_space<semaphore_mem>>)
    %dma_wait3A = arith.constant 0 : i32
    %dma_wait3A_194 = arith.constant 0 : i32
    %dma_wait3A_195 = tpu.memref_slice %arg17[%dma_wait3A, %dma_wait3A_194] : memref<40x128xf32, #tpu.memory_space<vmem>> -> memref<40x128xf32, #tpu.memory_space<vmem>>
    %dma_wait3A_196 = arith.constant 0 : i32
    %dma_wait3A_197 = tpu.memref_slice %arg27[%add3A_4, %dma_wait3A_196] : memref<10000x128xf32, #tpu.memory_space<vmem_shared>> -> memref<40x128xf32, #tpu.memory_space<vmem_shared>>
    %dma_wait3A_198 = arith.constant 0 : i32
    %dma_wait3A_199 = tpu.memref_slice %arg27[%add3A_4, %dma_wait3A_198] : memref<10000x128xf32, #tpu.memory_space<vmem_shared>> -> memref<40x128xf32, #tpu.memory_space<vmem_shared>>
    %dma_wait3A_200 = arith.constant 0 : i32
    %dma_wait3A_201 = arith.constant 0 : i32
    %dma_wait3A_202 = tpu.memref_slice %arg17[%dma_wait3A_200, %dma_wait3A_201] : memref<40x128xf32, #tpu.memory_space<vmem>> -> memref<40x128xf32, #tpu.memory_space<vmem>>
    tpu.wait_dma2 semaphore(%arg29 : memref<!tpu.dma_semaphore, #tpu.memory_space<semaphore_mem>>) src(%dma_wait3A_202 : memref<40x128xf32, #tpu.memory_space<vmem>>) dst(%dma_wait3A_199 : memref<40x128xf32, #tpu.memory_space<vmem_shared>>)
    %dma_wait3A_203 = arith.constant 0 : i32
    %dma_wait3A_204 = arith.constant 0 : i32
    %dma_wait3A_205 = tpu.memref_slice %arg17[%dma_wait3A_203, %dma_wait3A_204] : memref<40x128xf32, #tpu.memory_space<vmem>> -> memref<40x128xf32, #tpu.memory_space<vmem>>
    %dma_wait3A_206 = arith.constant 0 : i32
    %dma_wait3A_207 = tpu.memref_slice %arg27[%add3A_15, %dma_wait3A_206] : memref<10000x128xf32, #tpu.memory_space<vmem_shared>> -> memref<40x128xf32, #tpu.memory_space<vmem_shared>>
    %dma_wait3A_208 = arith.constant 0 : i32
    %dma_wait3A_209 = tpu.memref_slice %arg27[%add3A_15, %dma_wait3A_208] : memref<10000x128xf32, #tpu.memory_space<vmem_shared>> -> memref<40x128xf32, #tpu.memory_space<vmem_shared>>
    %dma_wait3A_210 = arith.constant 0 : i32
    %dma_wait3A_211 = arith.constant 0 : i32
    %dma_wait3A_212 = tpu.memref_slice %arg17[%dma_wait3A_210, %dma_wait3A_211] : memref<40x128xf32, #tpu.memory_space<vmem>> -> memref<40x128xf32, #tpu.memory_space<vmem>>
    tpu.wait_dma2 semaphore(%arg29 : memref<!tpu.dma_semaphore, #tpu.memory_space<semaphore_mem>>) src(%dma_wait3A_212 : memref<40x128xf32, #tpu.memory_space<vmem>>) dst(%dma_wait3A_209 : memref<40x128xf32, #tpu.memory_space<vmem_shared>>)
    %dma_wait3A_213 = arith.constant 0 : i32
    %dma_wait3A_214 = arith.constant 0 : i32
    %dma_wait3A_215 = tpu.memref_slice %arg17[%dma_wait3A_213, %dma_wait3A_214] : memref<40x128xf32, #tpu.memory_space<vmem>> -> memref<40x128xf32, #tpu.memory_space<vmem>>
    %dma_wait3A_216 = arith.constant 0 : i32
    %dma_wait3A_217 = tpu.memref_slice %arg27[%add3A_27, %dma_wait3A_216] : memref<10000x128xf32, #tpu.memory_space<vmem_shared>> -> memref<40x128xf32, #tpu.memory_space<vmem_shared>>
    %dma_wait3A_218 = arith.constant 0 : i32
    %dma_wait3A_219 = tpu.memref_slice %arg27[%add3A_27, %dma_wait3A_218] : memref<10000x128xf32, #tpu.memory_space<vmem_shared>> -> memref<40x128xf32, #tpu.memory_space<vmem_shared>>
    %dma_wait3A_220 = arith.constant 0 : i32
    %dma_wait3A_221 = arith.constant 0 : i32
    %dma_wait3A_222 = tpu.memref_slice %arg17[%dma_wait3A_220, %dma_wait3A_221] : memref<40x128xf32, #tpu.memory_space<vmem>> -> memref<40x128xf32, #tpu.memory_space<vmem>>
    tpu.wait_dma2 semaphore(%arg29 : memref<!tpu.dma_semaphore, #tpu.memory_space<semaphore_mem>>) src(%dma_wait3A_222 : memref<40x128xf32, #tpu.memory_space<vmem>>) dst(%dma_wait3A_219 : memref<40x128xf32, #tpu.memory_space<vmem_shared>>)
    %dma_wait3A_223 = arith.constant 0 : i32
    %dma_wait3A_224 = arith.constant 0 : i32
    %dma_wait3A_225 = tpu.memref_slice %arg17[%dma_wait3A_223, %dma_wait3A_224] : memref<40x128xf32, #tpu.memory_space<vmem>> -> memref<40x128xf32, #tpu.memory_space<vmem>>
    %dma_wait3A_226 = arith.constant 0 : i32
    %dma_wait3A_227 = tpu.memref_slice %arg27[%add3A_39, %dma_wait3A_226] : memref<10000x128xf32, #tpu.memory_space<vmem_shared>> -> memref<40x128xf32, #tpu.memory_space<vmem_shared>>
    %dma_wait3A_228 = arith.constant 0 : i32
    %dma_wait3A_229 = tpu.memref_slice %arg27[%add3A_39, %dma_wait3A_228] : memref<10000x128xf32, #tpu.memory_space<vmem_shared>> -> memref<40x128xf32, #tpu.memory_space<vmem_shared>>
    %dma_wait3A_230 = arith.constant 0 : i32
    %dma_wait3A_231 = arith.constant 0 : i32
    %dma_wait3A_232 = tpu.memref_slice %arg17[%dma_wait3A_230, %dma_wait3A_231] : memref<40x128xf32, #tpu.memory_space<vmem>> -> memref<40x128xf32, #tpu.memory_space<vmem>>
    tpu.wait_dma2 semaphore(%arg29 : memref<!tpu.dma_semaphore, #tpu.memory_space<semaphore_mem>>) src(%dma_wait3A_232 : memref<40x128xf32, #tpu.memory_space<vmem>>) dst(%dma_wait3A_229 : memref<40x128xf32, #tpu.memory_space<vmem_shared>>)
    %dma_wait3A_233 = arith.constant 0 : i32
    %dma_wait3A_234 = arith.constant 0 : i32
    %dma_wait3A_235 = tpu.memref_slice %arg17[%dma_wait3A_233, %dma_wait3A_234] : memref<40x128xf32, #tpu.memory_space<vmem>> -> memref<40x128xf32, #tpu.memory_space<vmem>>
    %dma_wait3A_236 = arith.constant 0 : i32
    %dma_wait3A_237 = tpu.memref_slice %arg27[%add3A_51, %dma_wait3A_236] : memref<10000x128xf32, #tpu.memory_space<vmem_shared>> -> memref<40x128xf32, #tpu.memory_space<vmem_shared>>
    %dma_wait3A_238 = arith.constant 0 : i32
    %dma_wait3A_239 = tpu.memref_slice %arg27[%add3A_51, %dma_wait3A_238] : memref<10000x128xf32, #tpu.memory_space<vmem_shared>> -> memref<40x128xf32, #tpu.memory_space<vmem_shared>>
    %dma_wait3A_240 = arith.constant 0 : i32
    %dma_wait3A_241 = arith.constant 0 : i32
    %dma_wait3A_242 = tpu.memref_slice %arg17[%dma_wait3A_240, %dma_wait3A_241] : memref<40x128xf32, #tpu.memory_space<vmem>> -> memref<40x128xf32, #tpu.memory_space<vmem>>
    tpu.wait_dma2 semaphore(%arg29 : memref<!tpu.dma_semaphore, #tpu.memory_space<semaphore_mem>>) src(%dma_wait3A_242 : memref<40x128xf32, #tpu.memory_space<vmem>>) dst(%dma_wait3A_239 : memref<40x128xf32, #tpu.memory_space<vmem_shared>>)
    %dma_wait3A_243 = arith.constant 0 : i32
    %dma_wait3A_244 = arith.constant 0 : i32
    %dma_wait3A_245 = tpu.memref_slice %arg17[%dma_wait3A_243, %dma_wait3A_244] : memref<40x128xf32, #tpu.memory_space<vmem>> -> memref<40x128xf32, #tpu.memory_space<vmem>>
    %dma_wait3A_246 = arith.constant 0 : i32
    %dma_wait3A_247 = tpu.memref_slice %arg27[%add3A_63, %dma_wait3A_246] : memref<10000x128xf32, #tpu.memory_space<vmem_shared>> -> memref<40x128xf32, #tpu.memory_space<vmem_shared>>
    %dma_wait3A_248 = arith.constant 0 : i32
    %dma_wait3A_249 = tpu.memref_slice %arg27[%add3A_63, %dma_wait3A_248] : memref<10000x128xf32, #tpu.memory_space<vmem_shared>> -> memref<40x128xf32, #tpu.memory_space<vmem_shared>>
    %dma_wait3A_250 = arith.constant 0 : i32
    %dma_wait3A_251 = arith.constant 0 : i32
    %dma_wait3A_252 = tpu.memref_slice %arg17[%dma_wait3A_250, %dma_wait3A_251] : memref<40x128xf32, #tpu.memory_space<vmem>> -> memref<40x128xf32, #tpu.memory_space<vmem>>
    tpu.wait_dma2 semaphore(%arg29 : memref<!tpu.dma_semaphore, #tpu.memory_space<semaphore_mem>>) src(%dma_wait3A_252 : memref<40x128xf32, #tpu.memory_space<vmem>>) dst(%dma_wait3A_249 : memref<40x128xf32, #tpu.memory_space<vmem_shared>>)
    %dma_wait3A_253 = arith.constant 0 : i32
    %dma_wait3A_254 = arith.constant 0 : i32
    %dma_wait3A_255 = tpu.memref_slice %arg17[%dma_wait3A_253, %dma_wait3A_254] : memref<40x128xf32, #tpu.memory_space<vmem>> -> memref<40x128xf32, #tpu.memory_space<vmem>>
    %dma_wait3A_256 = arith.constant 0 : i32
    %dma_wait3A_257 = tpu.memref_slice %arg27[%add3A_75, %dma_wait3A_256] : memref<10000x128xf32, #tpu.memory_space<vmem_shared>> -> memref<40x128xf32, #tpu.memory_space<vmem_shared>>
    %dma_wait3A_258 = arith.constant 0 : i32
    %dma_wait3A_259 = tpu.memref_slice %arg27[%add3A_75, %dma_wait3A_258] : memref<10000x128xf32, #tpu.memory_space<vmem_shared>> -> memref<40x128xf32, #tpu.memory_space<vmem_shared>>
    %dma_wait3A_260 = arith.constant 0 : i32
    %dma_wait3A_261 = arith.constant 0 : i32
    %dma_wait3A_262 = tpu.memref_slice %arg17[%dma_wait3A_260, %dma_wait3A_261] : memref<40x128xf32, #tpu.memory_space<vmem>> -> memref<40x128xf32, #tpu.memory_space<vmem>>
    tpu.wait_dma2 semaphore(%arg29 : memref<!tpu.dma_semaphore, #tpu.memory_space<semaphore_mem>>) src(%dma_wait3A_262 : memref<40x128xf32, #tpu.memory_space<vmem>>) dst(%dma_wait3A_259 : memref<40x128xf32, #tpu.memory_space<vmem_shared>>)
    %dma_wait3A_263 = arith.constant 0 : i32
    %dma_wait3A_264 = arith.constant 0 : i32
    %dma_wait3A_265 = tpu.memref_slice %arg17[%dma_wait3A_263, %dma_wait3A_264] : memref<40x128xf32, #tpu.memory_space<vmem>> -> memref<40x128xf32, #tpu.memory_space<vmem>>
    %dma_wait3A_266 = arith.constant 0 : i32
    %dma_wait3A_267 = tpu.memref_slice %arg27[%add3A_87, %dma_wait3A_266] : memref<10000x128xf32, #tpu.memory_space<vmem_shared>> -> memref<40x128xf32, #tpu.memory_space<vmem_shared>>
    %dma_wait3A_268 = arith.constant 0 : i32
    %dma_wait3A_269 = tpu.memref_slice %arg27[%add3A_87, %dma_wait3A_268] : memref<10000x128xf32, #tpu.memory_space<vmem_shared>> -> memref<40x128xf32, #tpu.memory_space<vmem_shared>>
    %dma_wait3A_270 = arith.constant 0 : i32
    %dma_wait3A_271 = arith.constant 0 : i32
    %dma_wait3A_272 = tpu.memref_slice %arg17[%dma_wait3A_270, %dma_wait3A_271] : memref<40x128xf32, #tpu.memory_space<vmem>> -> memref<40x128xf32, #tpu.memory_space<vmem>>
    tpu.wait_dma2 semaphore(%arg29 : memref<!tpu.dma_semaphore, #tpu.memory_space<semaphore_mem>>) src(%dma_wait3A_272 : memref<40x128xf32, #tpu.memory_space<vmem>>) dst(%dma_wait3A_269 : memref<40x128xf32, #tpu.memory_space<vmem_shared>>)
    %dma_wait3A_273 = arith.constant 0 : i32
    %dma_wait3A_274 = arith.constant 0 : i32
    %dma_wait3A_275 = tpu.memref_slice %arg17[%dma_wait3A_273, %dma_wait3A_274] : memref<40x128xf32, #tpu.memory_space<vmem>> -> memref<40x128xf32, #tpu.memory_space<vmem>>
    %dma_wait3A_276 = arith.constant 0 : i32
    %dma_wait3A_277 = tpu.memref_slice %arg27[%add3A_99, %dma_wait3A_276] : memref<10000x128xf32, #tpu.memory_space<vmem_shared>> -> memref<40x128xf32, #tpu.memory_space<vmem_shared>>
    %dma_wait3A_278 = arith.constant 0 : i32
    %dma_wait3A_279 = tpu.memref_slice %arg27[%add3A_99, %dma_wait3A_278] : memref<10000x128xf32, #tpu.memory_space<vmem_shared>> -> memref<40x128xf32, #tpu.memory_space<vmem_shared>>
    %dma_wait3A_280 = arith.constant 0 : i32
    %dma_wait3A_281 = arith.constant 0 : i32
    %dma_wait3A_282 = tpu.memref_slice %arg17[%dma_wait3A_280, %dma_wait3A_281] : memref<40x128xf32, #tpu.memory_space<vmem>> -> memref<40x128xf32, #tpu.memory_space<vmem>>
    tpu.wait_dma2 semaphore(%arg29 : memref<!tpu.dma_semaphore, #tpu.memory_space<semaphore_mem>>) src(%dma_wait3A_282 : memref<40x128xf32, #tpu.memory_space<vmem>>) dst(%dma_wait3A_279 : memref<40x128xf32, #tpu.memory_space<vmem_shared>>)
    %dma_wait3A_283 = arith.constant 0 : i32
    %dma_wait3A_284 = arith.constant 0 : i32
    %dma_wait3A_285 = tpu.memref_slice %arg17[%dma_wait3A_283, %dma_wait3A_284] : memref<40x128xf32, #tpu.memory_space<vmem>> -> memref<40x128xf32, #tpu.memory_space<vmem>>
    %dma_wait3A_286 = arith.constant 0 : i32
    %dma_wait3A_287 = tpu.memref_slice %arg27[%add3A_111, %dma_wait3A_286] : memref<10000x128xf32, #tpu.memory_space<vmem_shared>> -> memref<40x128xf32, #tpu.memory_space<vmem_shared>>
    %dma_wait3A_288 = arith.constant 0 : i32
    %dma_wait3A_289 = tpu.memref_slice %arg27[%add3A_111, %dma_wait3A_288] : memref<10000x128xf32, #tpu.memory_space<vmem_shared>> -> memref<40x128xf32, #tpu.memory_space<vmem_shared>>
    %dma_wait3A_290 = arith.constant 0 : i32
    %dma_wait3A_291 = arith.constant 0 : i32
    %dma_wait3A_292 = tpu.memref_slice %arg17[%dma_wait3A_290, %dma_wait3A_291] : memref<40x128xf32, #tpu.memory_space<vmem>> -> memref<40x128xf32, #tpu.memory_space<vmem>>
    tpu.wait_dma2 semaphore(%arg29 : memref<!tpu.dma_semaphore, #tpu.memory_space<semaphore_mem>>) src(%dma_wait3A_292 : memref<40x128xf32, #tpu.memory_space<vmem>>) dst(%dma_wait3A_289 : memref<40x128xf32, #tpu.memory_space<vmem_shared>>)
    %dma_wait3A_293 = arith.constant 0 : i32
    %dma_wait3A_294 = arith.constant 0 : i32
    %dma_wait3A_295 = tpu.memref_slice %arg17[%dma_wait3A_293, %dma_wait3A_294] : memref<40x128xf32, #tpu.memory_space<vmem>> -> memref<40x128xf32, #tpu.memory_space<vmem>>
    %dma_wait3A_296 = arith.constant 0 : i32
    %dma_wait3A_297 = tpu.memref_slice %arg27[%add3A_123, %dma_wait3A_296] : memref<10000x128xf32, #tpu.memory_space<vmem_shared>> -> memref<40x128xf32, #tpu.memory_space<vmem_shared>>
    %dma_wait3A_298 = arith.constant 0 : i32
    %dma_wait3A_299 = tpu.memref_slice %arg27[%add3A_123, %dma_wait3A_298] : memref<10000x128xf32, #tpu.memory_space<vmem_shared>> -> memref<40x128xf32, #tpu.memory_space<vmem_shared>>
    %dma_wait3A_300 = arith.constant 0 : i32
    %dma_wait3A_301 = arith.constant 0 : i32
    %dma_wait3A_302 = tpu.memref_slice %arg17[%dma_wait3A_300, %dma_wait3A_301] : memref<40x128xf32, #tpu.memory_space<vmem>> -> memref<40x128xf32, #tpu.memory_space<vmem>>
    tpu.wait_dma2 semaphore(%arg29 : memref<!tpu.dma_semaphore, #tpu.memory_space<semaphore_mem>>) src(%dma_wait3A_302 : memref<40x128xf32, #tpu.memory_space<vmem>>) dst(%dma_wait3A_299 : memref<40x128xf32, #tpu.memory_space<vmem_shared>>)
    %dma_wait3A_303 = arith.constant 0 : i32
    %dma_wait3A_304 = arith.constant 0 : i32
    %dma_wait3A_305 = tpu.memref_slice %arg17[%dma_wait3A_303, %dma_wait3A_304] : memref<40x128xf32, #tpu.memory_space<vmem>> -> memref<40x128xf32, #tpu.memory_space<vmem>>
    %dma_wait3A_306 = arith.constant 0 : i32
    %dma_wait3A_307 = tpu.memref_slice %arg27[%add3A_135, %dma_wait3A_306] : memref<10000x128xf32, #tpu.memory_space<vmem_shared>> -> memref<40x128xf32, #tpu.memory_space<vmem_shared>>
    %dma_wait3A_308 = arith.constant 0 : i32
    %dma_wait3A_309 = tpu.memref_slice %arg27[%add3A_135, %dma_wait3A_308] : memref<10000x128xf32, #tpu.memory_space<vmem_shared>> -> memref<40x128xf32, #tpu.memory_space<vmem_shared>>
    %dma_wait3A_310 = arith.constant 0 : i32
    %dma_wait3A_311 = arith.constant 0 : i32
    %dma_wait3A_312 = tpu.memref_slice %arg17[%dma_wait3A_310, %dma_wait3A_311] : memref<40x128xf32, #tpu.memory_space<vmem>> -> memref<40x128xf32, #tpu.memory_space<vmem>>
    tpu.wait_dma2 semaphore(%arg29 : memref<!tpu.dma_semaphore, #tpu.memory_space<semaphore_mem>>) src(%dma_wait3A_312 : memref<40x128xf32, #tpu.memory_space<vmem>>) dst(%dma_wait3A_309 : memref<40x128xf32, #tpu.memory_space<vmem_shared>>)
    %dma_wait3A_313 = arith.constant 0 : i32
    %dma_wait3A_314 = arith.constant 0 : i32
    %dma_wait3A_315 = tpu.memref_slice %arg17[%dma_wait3A_313, %dma_wait3A_314] : memref<40x128xf32, #tpu.memory_space<vmem>> -> memref<40x128xf32, #tpu.memory_space<vmem>>
    %dma_wait3A_316 = arith.constant 0 : i32
    %dma_wait3A_317 = tpu.memref_slice %arg27[%add3A_147, %dma_wait3A_316] : memref<10000x128xf32, #tpu.memory_space<vmem_shared>> -> memref<40x128xf32, #tpu.memory_space<vmem_shared>>
    %dma_wait3A_318 = arith.constant 0 : i32
    %dma_wait3A_319 = tpu.memref_slice %arg27[%add3A_147, %dma_wait3A_318] : memref<10000x128xf32, #tpu.memory_space<vmem_shared>> -> memref<40x128xf32, #tpu.memory_space<vmem_shared>>
    %dma_wait3A_320 = arith.constant 0 : i32
    %dma_wait3A_321 = arith.constant 0 : i32
    %dma_wait3A_322 = tpu.memref_slice %arg17[%dma_wait3A_320, %dma_wait3A_321] : memref<40x128xf32, #tpu.memory_space<vmem>> -> memref<40x128xf32, #tpu.memory_space<vmem>>
    tpu.wait_dma2 semaphore(%arg29 : memref<!tpu.dma_semaphore, #tpu.memory_space<semaphore_mem>>) src(%dma_wait3A_322 : memref<40x128xf32, #tpu.memory_space<vmem>>) dst(%dma_wait3A_319 : memref<40x128xf32, #tpu.memory_space<vmem_shared>>)
    %dma_wait3A_323 = arith.constant 0 : i32
    %dma_wait3A_324 = arith.constant 0 : i32
    %dma_wait3A_325 = tpu.memref_slice %arg17[%dma_wait3A_323, %dma_wait3A_324] : memref<40x128xf32, #tpu.memory_space<vmem>> -> memref<40x128xf32, #tpu.memory_space<vmem>>
    %dma_wait3A_326 = arith.constant 0 : i32
    %dma_wait3A_327 = tpu.memref_slice %arg27[%add3A_159, %dma_wait3A_326] : memref<10000x128xf32, #tpu.memory_space<vmem_shared>> -> memref<40x128xf32, #tpu.memory_space<vmem_shared>>
    %dma_wait3A_328 = arith.constant 0 : i32
    %dma_wait3A_329 = tpu.memref_slice %arg27[%add3A_159, %dma_wait3A_328] : memref<10000x128xf32, #tpu.memory_space<vmem_shared>> -> memref<40x128xf32, #tpu.memory_space<vmem_shared>>
    %dma_wait3A_330 = arith.constant 0 : i32
    %dma_wait3A_331 = arith.constant 0 : i32
    %dma_wait3A_332 = tpu.memref_slice %arg17[%dma_wait3A_330, %dma_wait3A_331] : memref<40x128xf32, #tpu.memory_space<vmem>> -> memref<40x128xf32, #tpu.memory_space<vmem>>
    tpu.wait_dma2 semaphore(%arg29 : memref<!tpu.dma_semaphore, #tpu.memory_space<semaphore_mem>>) src(%dma_wait3A_332 : memref<40x128xf32, #tpu.memory_space<vmem>>) dst(%dma_wait3A_329 : memref<40x128xf32, #tpu.memory_space<vmem_shared>>)
    %dma_wait3A_333 = arith.constant 0 : i32
    %dma_wait3A_334 = arith.constant 0 : i32
    %dma_wait3A_335 = tpu.memref_slice %arg17[%dma_wait3A_333, %dma_wait3A_334] : memref<40x128xf32, #tpu.memory_space<vmem>> -> memref<40x128xf32, #tpu.memory_space<vmem>>
    %dma_wait3A_336 = arith.constant 0 : i32
    %dma_wait3A_337 = tpu.memref_slice %arg27[%add3A_171, %dma_wait3A_336] : memref<10000x128xf32, #tpu.memory_space<vmem_shared>> -> memref<40x128xf32, #tpu.memory_space<vmem_shared>>
    %dma_wait3A_338 = arith.constant 0 : i32
    %dma_wait3A_339 = tpu.memref_slice %arg27[%add3A_171, %dma_wait3A_338] : memref<10000x128xf32, #tpu.memory_space<vmem_shared>> -> memref<40x128xf32, #tpu.memory_space<vmem_shared>>
    %dma_wait3A_340 = arith.constant 0 : i32
    %dma_wait3A_341 = arith.constant 0 : i32
    %dma_wait3A_342 = tpu.memref_slice %arg17[%dma_wait3A_340, %dma_wait3A_341] : memref<40x128xf32, #tpu.memory_space<vmem>> -> memref<40x128xf32, #tpu.memory_space<vmem>>
    tpu.wait_dma2 semaphore(%arg29 : memref<!tpu.dma_semaphore, #tpu.memory_space<semaphore_mem>>) src(%dma_wait3A_342 : memref<40x128xf32, #tpu.memory_space<vmem>>) dst(%dma_wait3A_339 : memref<40x128xf32, #tpu.memory_space<vmem_shared>>)
    %dma_wait3A_343 = arith.constant 0 : i32
    %dma_wait3A_344 = arith.constant 0 : i32
    %dma_wait3A_345 = tpu.memref_slice %arg17[%dma_wait3A_343, %dma_wait3A_344] : memref<40x128xf32, #tpu.memory_space<vmem>> -> memref<24x128xf32, #tpu.memory_space<vmem>>
    %dma_wait3A_346 = arith.constant 0 : i32
    %dma_wait3A_347 = tpu.memref_slice %arg27[%add3A_183, %dma_wait3A_346] : memref<10000x128xf32, #tpu.memory_space<vmem_shared>> -> memref<24x128xf32, #tpu.memory_space<vmem_shared>>
    %dma_wait3A_348 = arith.constant 0 : i32
    %dma_wait3A_349 = tpu.memref_slice %arg27[%add3A_183, %dma_wait3A_348] : memref<10000x128xf32, #tpu.memory_space<vmem_shared>> -> memref<24x128xf32, #tpu.memory_space<vmem_shared>>
    %dma_wait3A_350 = arith.constant 0 : i32
    %dma_wait3A_351 = arith.constant 0 : i32
    %dma_wait3A_352 = tpu.memref_slice %arg17[%dma_wait3A_350, %dma_wait3A_351] : memref<40x128xf32, #tpu.memory_space<vmem>> -> memref<24x128xf32, #tpu.memory_space<vmem>>
    tpu.wait_dma2 semaphore(%arg29 : memref<!tpu.dma_semaphore, #tpu.memory_space<semaphore_mem>>) src(%dma_wait3A_352 : memref<24x128xf32, #tpu.memory_space<vmem>>) dst(%dma_wait3A_349 : memref<24x128xf32, #tpu.memory_space<vmem_shared>>)
    "tpu.region"() ({
      %run_scoped3A = tpu.sem_alloc : memref<!tpu.dma_semaphore, #tpu.memory_space<semaphore_mem>>
      %dma_start3A_952 = tpu.memref_slice %arg28[%mul3A_2] : memref<10000xf32, #tpu.memory_space<vmem_shared>> -> memref<624xf32, #tpu.memory_space<vmem_shared>>
      %dma_start3A_953 = tpu.memref_slice %arg28[%mul3A_2] : memref<10000xf32, #tpu.memory_space<vmem_shared>> -> memref<624xf32, #tpu.memory_space<vmem_shared>>
      tpu.enqueue_dma source(%arg26 : memref<624xf32, #tpu.memory_space<vmem>>) target(%dma_start3A_953 : memref<624xf32, #tpu.memory_space<vmem_shared>>) target_semaphore(%run_scoped3A : memref<!tpu.dma_semaphore, #tpu.memory_space<semaphore_mem>>)
      %dma_wait3A_954 = tpu.memref_slice %arg28[%mul3A_2] : memref<10000xf32, #tpu.memory_space<vmem_shared>> -> memref<624xf32, #tpu.memory_space<vmem_shared>>
      %dma_wait3A_955 = tpu.memref_slice %arg28[%mul3A_2] : memref<10000xf32, #tpu.memory_space<vmem_shared>> -> memref<624xf32, #tpu.memory_space<vmem_shared>>
      tpu.wait_dma2 semaphore(%run_scoped3A : memref<!tpu.dma_semaphore, #tpu.memory_space<semaphore_mem>>) src(%arg26 : memref<624xf32, #tpu.memory_space<vmem>>) dst(%dma_wait3A_955 : memref<624xf32, #tpu.memory_space<vmem_shared>>)
      tpu.yield
    }) : () -> ()
    %eq3A = arith.constant 0 : i32
    %eq3A_353 = arith.cmpi eq, %arg1, %eq3A : i32
    %convert_element_type3A = arith.extui %eq3A_353 : i1 to i32
    %cond3A = arith.constant 0 : i32
    %cond3A_354 = arith.cmpi ne, %convert_element_type3A, %cond3A : i32
    scf.if %cond3A_354 {
      "tpu.region"() ({
        %run_scoped3A = tpu.sem_alloc : memref<!tpu.dma_semaphore, #tpu.memory_space<semaphore_mem>>
        %dma_start3A_952 = arith.constant 0 : i32
        %dma_start3A_953 = arith.constant 0 : i32
        %dma_start3A_954 = tpu.memref_slice %arg17[%dma_start3A_952, %dma_start3A_953] : memref<40x128xf32, #tpu.memory_space<vmem>> -> memref<16x128xf32, #tpu.memory_space<vmem>>
        %dma_start3A_955 = arith.constant 9984 : i32
        %dma_start3A_956 = arith.constant 0 : i32
        %dma_start3A_957 = tpu.memref_slice %arg27[%dma_start3A_955, %dma_start3A_956] : memref<10000x128xf32, #tpu.memory_space<vmem_shared>> -> memref<16x128xf32, #tpu.memory_space<vmem_shared>>
        %dma_start3A_958 = arith.constant 9984 : i32
        %dma_start3A_959 = arith.constant 0 : i32
        %dma_start3A_960 = tpu.memref_slice %arg27[%dma_start3A_958, %dma_start3A_959] : memref<10000x128xf32, #tpu.memory_space<vmem_shared>> -> memref<16x128xf32, #tpu.memory_space<vmem_shared>>
        %dma_start3A_961 = arith.constant 0 : i32
        %dma_start3A_962 = arith.constant 0 : i32
        %dma_start3A_963 = tpu.memref_slice %arg17[%dma_start3A_961, %dma_start3A_962] : memref<40x128xf32, #tpu.memory_space<vmem>> -> memref<16x128xf32, #tpu.memory_space<vmem>>
        tpu.enqueue_dma source(%dma_start3A_963 : memref<16x128xf32, #tpu.memory_space<vmem>>) target(%dma_start3A_960 : memref<16x128xf32, #tpu.memory_space<vmem_shared>>) target_semaphore(%run_scoped3A : memref<!tpu.dma_semaphore, #tpu.memory_space<semaphore_mem>>)
        %dma_wait3A_964 = arith.constant 0 : i32
        %dma_wait3A_965 = arith.constant 0 : i32
        %dma_wait3A_966 = tpu.memref_slice %arg17[%dma_wait3A_964, %dma_wait3A_965] : memref<40x128xf32, #tpu.memory_space<vmem>> -> memref<16x128xf32, #tpu.memory_space<vmem>>
        %dma_wait3A_967 = arith.constant 9984 : i32
        %dma_wait3A_968 = arith.constant 0 : i32
        %dma_wait3A_969 = tpu.memref_slice %arg27[%dma_wait3A_967, %dma_wait3A_968] : memref<10000x128xf32, #tpu.memory_space<vmem_shared>> -> memref<16x128xf32, #tpu.memory_space<vmem_shared>>
        %dma_wait3A_970 = arith.constant 9984 : i32
        %dma_wait3A_971 = arith.constant 0 : i32
        %dma_wait3A_972 = tpu.memref_slice %arg27[%dma_wait3A_970, %dma_wait3A_971] : memref<10000x128xf32, #tpu.memory_space<vmem_shared>> -> memref<16x128xf32, #tpu.memory_space<vmem_shared>>
        %dma_wait3A_973 = arith.constant 0 : i32
        %dma_wait3A_974 = arith.constant 0 : i32
        %dma_wait3A_975 = tpu.memref_slice %arg17[%dma_wait3A_973, %dma_wait3A_974] : memref<40x128xf32, #tpu.memory_space<vmem>> -> memref<16x128xf32, #tpu.memory_space<vmem>>
        tpu.wait_dma2 semaphore(%run_scoped3A : memref<!tpu.dma_semaphore, #tpu.memory_space<semaphore_mem>>) src(%dma_wait3A_975 : memref<16x128xf32, #tpu.memory_space<vmem>>) dst(%dma_wait3A_972 : memref<16x128xf32, #tpu.memory_space<vmem_shared>>)
        tpu.yield
      }) : () -> ()
      "tpu.region"() ({
        %run_scoped3A = tpu.sem_alloc : memref<!tpu.dma_semaphore, #tpu.memory_space<semaphore_mem>>
        %dma_start3A_952 = arith.constant 0 : i32
        %dma_start3A_953 = tpu.memref_slice %arg26[%dma_start3A_952] : memref<624xf32, #tpu.memory_space<vmem>> -> memref<16xf32, #tpu.memory_space<vmem>>
        %dma_start3A_954 = arith.constant 9984 : i32
        %dma_start3A_955 = tpu.memref_slice %arg28[%dma_start3A_954] : memref<10000xf32, #tpu.memory_space<vmem_shared>> -> memref<16xf32, #tpu.memory_space<vmem_shared>>
        %dma_start3A_956 = arith.constant 9984 : i32
        %dma_start3A_957 = tpu.memref_slice %arg28[%dma_start3A_956] : memref<10000xf32, #tpu.memory_space<vmem_shared>> -> memref<16xf32, #tpu.memory_space<vmem_shared>>
        %dma_start3A_958 = arith.constant 0 : i32
        %dma_start3A_959 = tpu.memref_slice %arg26[%dma_start3A_958] : memref<624xf32, #tpu.memory_space<vmem>> -> memref<16xf32, #tpu.memory_space<vmem>>
        tpu.enqueue_dma source(%dma_start3A_959 : memref<16xf32, #tpu.memory_space<vmem>>) target(%dma_start3A_957 : memref<16xf32, #tpu.memory_space<vmem_shared>>) target_semaphore(%run_scoped3A : memref<!tpu.dma_semaphore, #tpu.memory_space<semaphore_mem>>)
        %dma_wait3A_960 = arith.constant 0 : i32
        %dma_wait3A_961 = tpu.memref_slice %arg26[%dma_wait3A_960] : memref<624xf32, #tpu.memory_space<vmem>> -> memref<16xf32, #tpu.memory_space<vmem>>
        %dma_wait3A_962 = arith.constant 9984 : i32
        %dma_wait3A_963 = tpu.memref_slice %arg28[%dma_wait3A_962] : memref<10000xf32, #tpu.memory_space<vmem_shared>> -> memref<16xf32, #tpu.memory_space<vmem_shared>>
        %dma_wait3A_964 = arith.constant 9984 : i32
        %dma_wait3A_965 = tpu.memref_slice %arg28[%dma_wait3A_964] : memref<10000xf32, #tpu.memory_space<vmem_shared>> -> memref<16xf32, #tpu.memory_space<vmem_shared>>
        %dma_wait3A_966 = arith.constant 0 : i32
        %dma_wait3A_967 = tpu.memref_slice %arg26[%dma_wait3A_966] : memref<624xf32, #tpu.memory_space<vmem>> -> memref<16xf32, #tpu.memory_space<vmem>>
        tpu.wait_dma2 semaphore(%run_scoped3A : memref<!tpu.dma_semaphore, #tpu.memory_space<semaphore_mem>>) src(%dma_wait3A_967 : memref<16xf32, #tpu.memory_space<vmem>>) dst(%dma_wait3A_965 : memref<16xf32, #tpu.memory_space<vmem_shared>>)
        tpu.yield
      }) : () -> ()
    } else {
    }
    "tpu.region"() ({
      %run_scoped3A = tpu.sem_alloc : memref<!tpu.dma_semaphore, #tpu.memory_space<semaphore_mem>>
      tpu.enqueue_dma source(%arg6 : memref<40xf32, #tpu.memory_space<hbm>>) target(%arg25 : memref<40xf32, #tpu.memory_space<vmem>>) target_semaphore(%run_scoped3A : memref<!tpu.dma_semaphore, #tpu.memory_space<semaphore_mem>>)
      tpu.wait_dma2 semaphore(%run_scoped3A : memref<!tpu.dma_semaphore, #tpu.memory_space<semaphore_mem>>) src(%arg6 : memref<40xf32, #tpu.memory_space<hbm>>) dst(%arg25 : memref<40xf32, #tpu.memory_space<vmem>>)
      tpu.yield
    }) : () -> ()
    %barrier3A = arith.constant 0 : index
    tpu.barrier barrier_id(%barrier3A)
    %mul3A_355 = arith.constant 10000 : i32
    %mul3A_356 = arith.muli %add3A, %mul3A_355 : i32
    %add3A_357 = arith.constant 9960 : i32
    %add3A_358 = arith.addi %mul3A_356, %add3A_357 : i32
    %add3A_359 = arith.constant 0 : i32
    %add3A_360 = arith.addi %mul3A_356, %add3A_359 : i32
    %dma_start3A_361 = tpu.memref_slice %arg2[%add3A_360] : memref<320000xi32, #tpu.memory_space<hbm>> -> memref<40xi32, #tpu.memory_space<hbm>>
    %dma_start3A_362 = tpu.memref_slice %arg2[%add3A_360] : memref<320000xi32, #tpu.memory_space<hbm>> -> memref<40xi32, #tpu.memory_space<hbm>>
    tpu.enqueue_dma source(%dma_start3A_362 : memref<40xi32, #tpu.memory_space<hbm>>) target(%arg9 : memref<40xi32, #tpu.memory_space<vmem>>) target_semaphore(%arg29 : memref<!tpu.dma_semaphore, #tpu.memory_space<semaphore_mem>>)
    %dma_start3A_363 = arith.constant 0 : i32
    %dma_start3A_364 = tpu.memref_slice %arg3[%add3A_360, %dma_start3A_363] : memref<320000x128xf32, #tpu.memory_space<hbm>> -> memref<40x128xf32, #tpu.memory_space<hbm>>
    %dma_start3A_365 = arith.constant 0 : i32
    %dma_start3A_366 = tpu.memref_slice %arg3[%add3A_360, %dma_start3A_365] : memref<320000x128xf32, #tpu.memory_space<hbm>> -> memref<40x128xf32, #tpu.memory_space<hbm>>
    tpu.enqueue_dma source(%dma_start3A_366 : memref<40x128xf32, #tpu.memory_space<hbm>>) target(%arg17 : memref<40x128xf32, #tpu.memory_space<vmem>>) target_semaphore(%arg29 : memref<!tpu.dma_semaphore, #tpu.memory_space<semaphore_mem>>)
    %add3A_367 = arith.constant 40 : i32
    %add3A_368 = arith.addi %mul3A_356, %add3A_367 : i32
    %dma_start3A_369 = tpu.memref_slice %arg2[%add3A_368] : memref<320000xi32, #tpu.memory_space<hbm>> -> memref<40xi32, #tpu.memory_space<hbm>>
    %dma_start3A_370 = tpu.memref_slice %arg2[%add3A_368] : memref<320000xi32, #tpu.memory_space<hbm>> -> memref<40xi32, #tpu.memory_space<hbm>>
    tpu.enqueue_dma source(%dma_start3A_370 : memref<40xi32, #tpu.memory_space<hbm>>) target(%arg10 : memref<40xi32, #tpu.memory_space<vmem>>) target_semaphore(%arg30 : memref<!tpu.dma_semaphore, #tpu.memory_space<semaphore_mem>>)
    %dma_start3A_371 = arith.constant 0 : i32
    %dma_start3A_372 = tpu.memref_slice %arg3[%add3A_368, %dma_start3A_371] : memref<320000x128xf32, #tpu.memory_space<hbm>> -> memref<40x128xf32, #tpu.memory_space<hbm>>
    %dma_start3A_373 = arith.constant 0 : i32
    %dma_start3A_374 = tpu.memref_slice %arg3[%add3A_368, %dma_start3A_373] : memref<320000x128xf32, #tpu.memory_space<hbm>> -> memref<40x128xf32, #tpu.memory_space<hbm>>
    tpu.enqueue_dma source(%dma_start3A_374 : memref<40x128xf32, #tpu.memory_space<hbm>>) target(%arg18 : memref<40x128xf32, #tpu.memory_space<vmem>>) target_semaphore(%arg30 : memref<!tpu.dma_semaphore, #tpu.memory_space<semaphore_mem>>)
    %add3A_375 = arith.constant 80 : i32
    %add3A_376 = arith.addi %mul3A_356, %add3A_375 : i32
    %dma_start3A_377 = tpu.memref_slice %arg2[%add3A_376] : memref<320000xi32, #tpu.memory_space<hbm>> -> memref<40xi32, #tpu.memory_space<hbm>>
    %dma_start3A_378 = tpu.memref_slice %arg2[%add3A_376] : memref<320000xi32, #tpu.memory_space<hbm>> -> memref<40xi32, #tpu.memory_space<hbm>>
    tpu.enqueue_dma source(%dma_start3A_378 : memref<40xi32, #tpu.memory_space<hbm>>) target(%arg11 : memref<40xi32, #tpu.memory_space<vmem>>) target_semaphore(%arg31 : memref<!tpu.dma_semaphore, #tpu.memory_space<semaphore_mem>>)
    %dma_start3A_379 = arith.constant 0 : i32
    %dma_start3A_380 = tpu.memref_slice %arg3[%add3A_376, %dma_start3A_379] : memref<320000x128xf32, #tpu.memory_space<hbm>> -> memref<40x128xf32, #tpu.memory_space<hbm>>
    %dma_start3A_381 = arith.constant 0 : i32
    %dma_start3A_382 = tpu.memref_slice %arg3[%add3A_376, %dma_start3A_381] : memref<320000x128xf32, #tpu.memory_space<hbm>> -> memref<40x128xf32, #tpu.memory_space<hbm>>
    tpu.enqueue_dma source(%dma_start3A_382 : memref<40x128xf32, #tpu.memory_space<hbm>>) target(%arg19 : memref<40x128xf32, #tpu.memory_space<vmem>>) target_semaphore(%arg31 : memref<!tpu.dma_semaphore, #tpu.memory_space<semaphore_mem>>)
    %add3A_383 = arith.constant 120 : i32
    %add3A_384 = arith.addi %mul3A_356, %add3A_383 : i32
    %dma_start3A_385 = tpu.memref_slice %arg2[%add3A_384] : memref<320000xi32, #tpu.memory_space<hbm>> -> memref<40xi32, #tpu.memory_space<hbm>>
    %dma_start3A_386 = tpu.memref_slice %arg2[%add3A_384] : memref<320000xi32, #tpu.memory_space<hbm>> -> memref<40xi32, #tpu.memory_space<hbm>>
    tpu.enqueue_dma source(%dma_start3A_386 : memref<40xi32, #tpu.memory_space<hbm>>) target(%arg12 : memref<40xi32, #tpu.memory_space<vmem>>) target_semaphore(%arg32 : memref<!tpu.dma_semaphore, #tpu.memory_space<semaphore_mem>>)
    %dma_start3A_387 = arith.constant 0 : i32
    %dma_start3A_388 = tpu.memref_slice %arg3[%add3A_384, %dma_start3A_387] : memref<320000x128xf32, #tpu.memory_space<hbm>> -> memref<40x128xf32, #tpu.memory_space<hbm>>
    %dma_start3A_389 = arith.constant 0 : i32
    %dma_start3A_390 = tpu.memref_slice %arg3[%add3A_384, %dma_start3A_389] : memref<320000x128xf32, #tpu.memory_space<hbm>> -> memref<40x128xf32, #tpu.memory_space<hbm>>
    tpu.enqueue_dma source(%dma_start3A_390 : memref<40x128xf32, #tpu.memory_space<hbm>>) target(%arg20 : memref<40x128xf32, #tpu.memory_space<vmem>>) target_semaphore(%arg32 : memref<!tpu.dma_semaphore, #tpu.memory_space<semaphore_mem>>)
    %add3A_391 = arith.constant 160 : i32
    %add3A_392 = arith.addi %mul3A_356, %add3A_391 : i32
    %dma_start3A_393 = tpu.memref_slice %arg2[%add3A_392] : memref<320000xi32, #tpu.memory_space<hbm>> -> memref<40xi32, #tpu.memory_space<hbm>>
    %dma_start3A_394 = tpu.memref_slice %arg2[%add3A_392] : memref<320000xi32, #tpu.memory_space<hbm>> -> memref<40xi32, #tpu.memory_space<hbm>>
    tpu.enqueue_dma source(%dma_start3A_394 : memref<40xi32, #tpu.memory_space<hbm>>) target(%arg13 : memref<40xi32, #tpu.memory_space<vmem>>) target_semaphore(%arg33 : memref<!tpu.dma_semaphore, #tpu.memory_space<semaphore_mem>>)
    %dma_start3A_395 = arith.constant 0 : i32
    %dma_start3A_396 = tpu.memref_slice %arg3[%add3A_392, %dma_start3A_395] : memref<320000x128xf32, #tpu.memory_space<hbm>> -> memref<40x128xf32, #tpu.memory_space<hbm>>
    %dma_start3A_397 = arith.constant 0 : i32
    %dma_start3A_398 = tpu.memref_slice %arg3[%add3A_392, %dma_start3A_397] : memref<320000x128xf32, #tpu.memory_space<hbm>> -> memref<40x128xf32, #tpu.memory_space<hbm>>
    tpu.enqueue_dma source(%dma_start3A_398 : memref<40x128xf32, #tpu.memory_space<hbm>>) target(%arg21 : memref<40x128xf32, #tpu.memory_space<vmem>>) target_semaphore(%arg33 : memref<!tpu.dma_semaphore, #tpu.memory_space<semaphore_mem>>)
    %add3A_399 = arith.constant 200 : i32
    %add3A_400 = arith.addi %mul3A_356, %add3A_399 : i32
    %dma_start3A_401 = tpu.memref_slice %arg2[%add3A_400] : memref<320000xi32, #tpu.memory_space<hbm>> -> memref<40xi32, #tpu.memory_space<hbm>>
    %dma_start3A_402 = tpu.memref_slice %arg2[%add3A_400] : memref<320000xi32, #tpu.memory_space<hbm>> -> memref<40xi32, #tpu.memory_space<hbm>>
    tpu.enqueue_dma source(%dma_start3A_402 : memref<40xi32, #tpu.memory_space<hbm>>) target(%arg14 : memref<40xi32, #tpu.memory_space<vmem>>) target_semaphore(%arg34 : memref<!tpu.dma_semaphore, #tpu.memory_space<semaphore_mem>>)
    %dma_start3A_403 = arith.constant 0 : i32
    %dma_start3A_404 = tpu.memref_slice %arg3[%add3A_400, %dma_start3A_403] : memref<320000x128xf32, #tpu.memory_space<hbm>> -> memref<40x128xf32, #tpu.memory_space<hbm>>
    %dma_start3A_405 = arith.constant 0 : i32
    %dma_start3A_406 = tpu.memref_slice %arg3[%add3A_400, %dma_start3A_405] : memref<320000x128xf32, #tpu.memory_space<hbm>> -> memref<40x128xf32, #tpu.memory_space<hbm>>
    tpu.enqueue_dma source(%dma_start3A_406 : memref<40x128xf32, #tpu.memory_space<hbm>>) target(%arg22 : memref<40x128xf32, #tpu.memory_space<vmem>>) target_semaphore(%arg34 : memref<!tpu.dma_semaphore, #tpu.memory_space<semaphore_mem>>)
    %add3A_407 = arith.constant 240 : i32
    %add3A_408 = arith.addi %mul3A_356, %add3A_407 : i32
    %dma_start3A_409 = tpu.memref_slice %arg2[%add3A_408] : memref<320000xi32, #tpu.memory_space<hbm>> -> memref<40xi32, #tpu.memory_space<hbm>>
    %dma_start3A_410 = tpu.memref_slice %arg2[%add3A_408] : memref<320000xi32, #tpu.memory_space<hbm>> -> memref<40xi32, #tpu.memory_space<hbm>>
    tpu.enqueue_dma source(%dma_start3A_410 : memref<40xi32, #tpu.memory_space<hbm>>) target(%arg15 : memref<40xi32, #tpu.memory_space<vmem>>) target_semaphore(%arg35 : memref<!tpu.dma_semaphore, #tpu.memory_space<semaphore_mem>>)
    %dma_start3A_411 = arith.constant 0 : i32
    %dma_start3A_412 = tpu.memref_slice %arg3[%add3A_408, %dma_start3A_411] : memref<320000x128xf32, #tpu.memory_space<hbm>> -> memref<40x128xf32, #tpu.memory_space<hbm>>
    %dma_start3A_413 = arith.constant 0 : i32
    %dma_start3A_414 = tpu.memref_slice %arg3[%add3A_408, %dma_start3A_413] : memref<320000x128xf32, #tpu.memory_space<hbm>> -> memref<40x128xf32, #tpu.memory_space<hbm>>
    tpu.enqueue_dma source(%dma_start3A_414 : memref<40x128xf32, #tpu.memory_space<hbm>>) target(%arg23 : memref<40x128xf32, #tpu.memory_space<vmem>>) target_semaphore(%arg35 : memref<!tpu.dma_semaphore, #tpu.memory_space<semaphore_mem>>)
    %add3A_415 = arith.constant 280 : i32
    %add3A_416 = arith.addi %mul3A_356, %add3A_415 : i32
    %dma_start3A_417 = tpu.memref_slice %arg2[%add3A_416] : memref<320000xi32, #tpu.memory_space<hbm>> -> memref<40xi32, #tpu.memory_space<hbm>>
    %dma_start3A_418 = tpu.memref_slice %arg2[%add3A_416] : memref<320000xi32, #tpu.memory_space<hbm>> -> memref<40xi32, #tpu.memory_space<hbm>>
    tpu.enqueue_dma source(%dma_start3A_418 : memref<40xi32, #tpu.memory_space<hbm>>) target(%arg16 : memref<40xi32, #tpu.memory_space<vmem>>) target_semaphore(%arg36 : memref<!tpu.dma_semaphore, #tpu.memory_space<semaphore_mem>>)
    %dma_start3A_419 = arith.constant 0 : i32
    %dma_start3A_420 = tpu.memref_slice %arg3[%add3A_416, %dma_start3A_419] : memref<320000x128xf32, #tpu.memory_space<hbm>> -> memref<40x128xf32, #tpu.memory_space<hbm>>
    %dma_start3A_421 = arith.constant 0 : i32
    %dma_start3A_422 = tpu.memref_slice %arg3[%add3A_416, %dma_start3A_421] : memref<320000x128xf32, #tpu.memory_space<hbm>> -> memref<40x128xf32, #tpu.memory_space<hbm>>
    tpu.enqueue_dma source(%dma_start3A_422 : memref<40x128xf32, #tpu.memory_space<hbm>>) target(%arg24 : memref<40x128xf32, #tpu.memory_space<vmem>>) target_semaphore(%arg36 : memref<!tpu.dma_semaphore, #tpu.memory_space<semaphore_mem>>)
    %scan3A = arith.constant 0 : i32
    %scan3A_423 = arith.constant 31 : i32
    %scan3A_424 = arith.addi %scan3A, %scan3A_423 : i32
    %scan3A_425 = arith.constant 1 : i32
    scf.for %scan3A_952 = %scan3A to %scan3A_424 step %scan3A_425  : i32 {
      %mul3A_953 = arith.constant 8 : i32
      %mul3A_954 = arith.muli %scan3A_952, %mul3A_953 : i32
      %add3A_955 = arith.constant 0 : i32
      %add3A_956 = arith.addi %add3A_955, %mul3A_954 : i32
      %mul3A_957 = arith.constant 40 : i32
      %mul3A_958 = arith.muli %add3A_956, %mul3A_957 : i32
      %add3A_959 = arith.addi %mul3A_356, %mul3A_958 : i32
      %dma_wait3A_960 = tpu.memref_slice %arg2[%mul3A_356] : memref<320000xi32, #tpu.memory_space<hbm>> -> memref<40xi32, #tpu.memory_space<hbm>>
      %dma_wait3A_961 = tpu.memref_slice %arg2[%mul3A_356] : memref<320000xi32, #tpu.memory_space<hbm>> -> memref<40xi32, #tpu.memory_space<hbm>>
      tpu.wait_dma2 semaphore(%arg29 : memref<!tpu.dma_semaphore, #tpu.memory_space<semaphore_mem>>) src(%dma_wait3A_961 : memref<40xi32, #tpu.memory_space<hbm>>) dst(%arg9 : memref<40xi32, #tpu.memory_space<vmem>>)
      %dma_wait3A_962 = arith.constant 0 : i32
      %dma_wait3A_963 = tpu.memref_slice %arg3[%mul3A_356, %dma_wait3A_962] : memref<320000x128xf32, #tpu.memory_space<hbm>> -> memref<40x128xf32, #tpu.memory_space<hbm>>
      %dma_wait3A_964 = arith.constant 0 : i32
      %dma_wait3A_965 = tpu.memref_slice %arg3[%mul3A_356, %dma_wait3A_964] : memref<320000x128xf32, #tpu.memory_space<hbm>> -> memref<40x128xf32, #tpu.memory_space<hbm>>
      tpu.wait_dma2 semaphore(%arg29 : memref<!tpu.dma_semaphore, #tpu.memory_space<semaphore_mem>>) src(%dma_wait3A_965 : memref<40x128xf32, #tpu.memory_space<hbm>>) dst(%arg17 : memref<40x128xf32, #tpu.memory_space<vmem>>)
      %dma_start3A_966 = arith.constant 0 : i32
      %dma_start3A_967 = arith.constant 0 : i32
      %dma_start3A_968 = tpu.memref_slice %arg27[%dma_start3A_966, %dma_start3A_967] : memref<10000x128xf32, #tpu.memory_space<vmem_shared>> -> memref<10000x128xf32, #tpu.memory_space<vmem_shared>>
      tpu.enqueue_indirect_dma source(%arg17 : memref<40x128xf32, #tpu.memory_space<vmem>>) target(%dma_start3A_968 : memref<10000x128xf32, #tpu.memory_space<vmem_shared>>) offsets(%arg9 : memref<40xi32, #tpu.memory_space<vmem>>) semaphore(%arg37 : memref<!tpu.dma_semaphore, #tpu.memory_space<semaphore_mem>>) {add = true}
      %dma_start3A_969 = arith.constant 0 : i32
      %dma_start3A_970 = tpu.memref_slice %arg28[%dma_start3A_969] : memref<10000xf32, #tpu.memory_space<vmem_shared>> -> memref<10000xf32, #tpu.memory_space<vmem_shared>>
      tpu.enqueue_indirect_dma source(%arg25 : memref<40xf32, #tpu.memory_space<vmem>>) target(%dma_start3A_970 : memref<10000xf32, #tpu.memory_space<vmem_shared>>) offsets(%arg9 : memref<40xi32, #tpu.memory_space<vmem>>) semaphore(%arg37 : memref<!tpu.dma_semaphore, #tpu.memory_space<semaphore_mem>>) {add = true}
      %dma_wait3A_971 = tpu.memref_slice %arg2[%mul3A_356] : memref<320000xi32, #tpu.memory_space<hbm>> -> memref<40xi32, #tpu.memory_space<hbm>>
      %dma_wait3A_972 = tpu.memref_slice %arg2[%mul3A_356] : memref<320000xi32, #tpu.memory_space<hbm>> -> memref<40xi32, #tpu.memory_space<hbm>>
      tpu.wait_dma2 semaphore(%arg30 : memref<!tpu.dma_semaphore, #tpu.memory_space<semaphore_mem>>) src(%dma_wait3A_972 : memref<40xi32, #tpu.memory_space<hbm>>) dst(%arg10 : memref<40xi32, #tpu.memory_space<vmem>>)
      %dma_wait3A_973 = arith.constant 0 : i32
      %dma_wait3A_974 = tpu.memref_slice %arg3[%mul3A_356, %dma_wait3A_973] : memref<320000x128xf32, #tpu.memory_space<hbm>> -> memref<40x128xf32, #tpu.memory_space<hbm>>
      %dma_wait3A_975 = arith.constant 0 : i32
      %dma_wait3A_976 = tpu.memref_slice %arg3[%mul3A_356, %dma_wait3A_975] : memref<320000x128xf32, #tpu.memory_space<hbm>> -> memref<40x128xf32, #tpu.memory_space<hbm>>
      tpu.wait_dma2 semaphore(%arg30 : memref<!tpu.dma_semaphore, #tpu.memory_space<semaphore_mem>>) src(%dma_wait3A_976 : memref<40x128xf32, #tpu.memory_space<hbm>>) dst(%arg18 : memref<40x128xf32, #tpu.memory_space<vmem>>)
      %dma_start3A_977 = arith.constant 0 : i32
      %dma_start3A_978 = arith.constant 0 : i32
      %dma_start3A_979 = tpu.memref_slice %arg27[%dma_start3A_977, %dma_start3A_978] : memref<10000x128xf32, #tpu.memory_space<vmem_shared>> -> memref<10000x128xf32, #tpu.memory_space<vmem_shared>>
      tpu.enqueue_indirect_dma source(%arg18 : memref<40x128xf32, #tpu.memory_space<vmem>>) target(%dma_start3A_979 : memref<10000x128xf32, #tpu.memory_space<vmem_shared>>) offsets(%arg10 : memref<40xi32, #tpu.memory_space<vmem>>) semaphore(%arg38 : memref<!tpu.dma_semaphore, #tpu.memory_space<semaphore_mem>>) {add = true}
      %dma_start3A_980 = arith.constant 0 : i32
      %dma_start3A_981 = tpu.memref_slice %arg28[%dma_start3A_980] : memref<10000xf32, #tpu.memory_space<vmem_shared>> -> memref<10000xf32, #tpu.memory_space<vmem_shared>>
      tpu.enqueue_indirect_dma source(%arg25 : memref<40xf32, #tpu.memory_space<vmem>>) target(%dma_start3A_981 : memref<10000xf32, #tpu.memory_space<vmem_shared>>) offsets(%arg10 : memref<40xi32, #tpu.memory_space<vmem>>) semaphore(%arg38 : memref<!tpu.dma_semaphore, #tpu.memory_space<semaphore_mem>>) {add = true}
      %dma_wait3A_982 = tpu.memref_slice %arg2[%mul3A_356] : memref<320000xi32, #tpu.memory_space<hbm>> -> memref<40xi32, #tpu.memory_space<hbm>>
      %dma_wait3A_983 = tpu.memref_slice %arg2[%mul3A_356] : memref<320000xi32, #tpu.memory_space<hbm>> -> memref<40xi32, #tpu.memory_space<hbm>>
      tpu.wait_dma2 semaphore(%arg31 : memref<!tpu.dma_semaphore, #tpu.memory_space<semaphore_mem>>) src(%dma_wait3A_983 : memref<40xi32, #tpu.memory_space<hbm>>) dst(%arg11 : memref<40xi32, #tpu.memory_space<vmem>>)
      %dma_wait3A_984 = arith.constant 0 : i32
      %dma_wait3A_985 = tpu.memref_slice %arg3[%mul3A_356, %dma_wait3A_984] : memref<320000x128xf32, #tpu.memory_space<hbm>> -> memref<40x128xf32, #tpu.memory_space<hbm>>
      %dma_wait3A_986 = arith.constant 0 : i32
      %dma_wait3A_987 = tpu.memref_slice %arg3[%mul3A_356, %dma_wait3A_986] : memref<320000x128xf32, #tpu.memory_space<hbm>> -> memref<40x128xf32, #tpu.memory_space<hbm>>
      tpu.wait_dma2 semaphore(%arg31 : memref<!tpu.dma_semaphore, #tpu.memory_space<semaphore_mem>>) src(%dma_wait3A_987 : memref<40x128xf32, #tpu.memory_space<hbm>>) dst(%arg19 : memref<40x128xf32, #tpu.memory_space<vmem>>)
      %dma_start3A_988 = arith.constant 0 : i32
      %dma_start3A_989 = arith.constant 0 : i32
      %dma_start3A_990 = tpu.memref_slice %arg27[%dma_start3A_988, %dma_start3A_989] : memref<10000x128xf32, #tpu.memory_space<vmem_shared>> -> memref<10000x128xf32, #tpu.memory_space<vmem_shared>>
      tpu.enqueue_indirect_dma source(%arg19 : memref<40x128xf32, #tpu.memory_space<vmem>>) target(%dma_start3A_990 : memref<10000x128xf32, #tpu.memory_space<vmem_shared>>) offsets(%arg11 : memref<40xi32, #tpu.memory_space<vmem>>) semaphore(%arg39 : memref<!tpu.dma_semaphore, #tpu.memory_space<semaphore_mem>>) {add = true}
      %dma_start3A_991 = arith.constant 0 : i32
      %dma_start3A_992 = tpu.memref_slice %arg28[%dma_start3A_991] : memref<10000xf32, #tpu.memory_space<vmem_shared>> -> memref<10000xf32, #tpu.memory_space<vmem_shared>>
      tpu.enqueue_indirect_dma source(%arg25 : memref<40xf32, #tpu.memory_space<vmem>>) target(%dma_start3A_992 : memref<10000xf32, #tpu.memory_space<vmem_shared>>) offsets(%arg11 : memref<40xi32, #tpu.memory_space<vmem>>) semaphore(%arg39 : memref<!tpu.dma_semaphore, #tpu.memory_space<semaphore_mem>>) {add = true}
      %dma_wait3A_993 = tpu.memref_slice %arg2[%mul3A_356] : memref<320000xi32, #tpu.memory_space<hbm>> -> memref<40xi32, #tpu.memory_space<hbm>>
      %dma_wait3A_994 = tpu.memref_slice %arg2[%mul3A_356] : memref<320000xi32, #tpu.memory_space<hbm>> -> memref<40xi32, #tpu.memory_space<hbm>>
      tpu.wait_dma2 semaphore(%arg32 : memref<!tpu.dma_semaphore, #tpu.memory_space<semaphore_mem>>) src(%dma_wait3A_994 : memref<40xi32, #tpu.memory_space<hbm>>) dst(%arg12 : memref<40xi32, #tpu.memory_space<vmem>>)
      %dma_wait3A_995 = arith.constant 0 : i32
      %dma_wait3A_996 = tpu.memref_slice %arg3[%mul3A_356, %dma_wait3A_995] : memref<320000x128xf32, #tpu.memory_space<hbm>> -> memref<40x128xf32, #tpu.memory_space<hbm>>
      %dma_wait3A_997 = arith.constant 0 : i32
      %dma_wait3A_998 = tpu.memref_slice %arg3[%mul3A_356, %dma_wait3A_997] : memref<320000x128xf32, #tpu.memory_space<hbm>> -> memref<40x128xf32, #tpu.memory_space<hbm>>
      tpu.wait_dma2 semaphore(%arg32 : memref<!tpu.dma_semaphore, #tpu.memory_space<semaphore_mem>>) src(%dma_wait3A_998 : memref<40x128xf32, #tpu.memory_space<hbm>>) dst(%arg20 : memref<40x128xf32, #tpu.memory_space<vmem>>)
      %dma_start3A_999 = arith.constant 0 : i32
      %dma_start3A_1000 = arith.constant 0 : i32
      %dma_start3A_1001 = tpu.memref_slice %arg27[%dma_start3A_999, %dma_start3A_1000] : memref<10000x128xf32, #tpu.memory_space<vmem_shared>> -> memref<10000x128xf32, #tpu.memory_space<vmem_shared>>
      tpu.enqueue_indirect_dma source(%arg20 : memref<40x128xf32, #tpu.memory_space<vmem>>) target(%dma_start3A_1001 : memref<10000x128xf32, #tpu.memory_space<vmem_shared>>) offsets(%arg12 : memref<40xi32, #tpu.memory_space<vmem>>) semaphore(%arg40 : memref<!tpu.dma_semaphore, #tpu.memory_space<semaphore_mem>>) {add = true}
      %dma_start3A_1002 = arith.constant 0 : i32
      %dma_start3A_1003 = tpu.memref_slice %arg28[%dma_start3A_1002] : memref<10000xf32, #tpu.memory_space<vmem_shared>> -> memref<10000xf32, #tpu.memory_space<vmem_shared>>
      tpu.enqueue_indirect_dma source(%arg25 : memref<40xf32, #tpu.memory_space<vmem>>) target(%dma_start3A_1003 : memref<10000xf32, #tpu.memory_space<vmem_shared>>) offsets(%arg12 : memref<40xi32, #tpu.memory_space<vmem>>) semaphore(%arg40 : memref<!tpu.dma_semaphore, #tpu.memory_space<semaphore_mem>>) {add = true}
      %dma_wait3A_1004 = tpu.memref_slice %arg2[%mul3A_356] : memref<320000xi32, #tpu.memory_space<hbm>> -> memref<40xi32, #tpu.memory_space<hbm>>
      %dma_wait3A_1005 = tpu.memref_slice %arg2[%mul3A_356] : memref<320000xi32, #tpu.memory_space<hbm>> -> memref<40xi32, #tpu.memory_space<hbm>>
      tpu.wait_dma2 semaphore(%arg33 : memref<!tpu.dma_semaphore, #tpu.memory_space<semaphore_mem>>) src(%dma_wait3A_1005 : memref<40xi32, #tpu.memory_space<hbm>>) dst(%arg13 : memref<40xi32, #tpu.memory_space<vmem>>)
      %dma_wait3A_1006 = arith.constant 0 : i32
      %dma_wait3A_1007 = tpu.memref_slice %arg3[%mul3A_356, %dma_wait3A_1006] : memref<320000x128xf32, #tpu.memory_space<hbm>> -> memref<40x128xf32, #tpu.memory_space<hbm>>
      %dma_wait3A_1008 = arith.constant 0 : i32
      %dma_wait3A_1009 = tpu.memref_slice %arg3[%mul3A_356, %dma_wait3A_1008] : memref<320000x128xf32, #tpu.memory_space<hbm>> -> memref<40x128xf32, #tpu.memory_space<hbm>>
      tpu.wait_dma2 semaphore(%arg33 : memref<!tpu.dma_semaphore, #tpu.memory_space<semaphore_mem>>) src(%dma_wait3A_1009 : memref<40x128xf32, #tpu.memory_space<hbm>>) dst(%arg21 : memref<40x128xf32, #tpu.memory_space<vmem>>)
      %dma_start3A_1010 = arith.constant 0 : i32
      %dma_start3A_1011 = arith.constant 0 : i32
      %dma_start3A_1012 = tpu.memref_slice %arg27[%dma_start3A_1010, %dma_start3A_1011] : memref<10000x128xf32, #tpu.memory_space<vmem_shared>> -> memref<10000x128xf32, #tpu.memory_space<vmem_shared>>
      tpu.enqueue_indirect_dma source(%arg21 : memref<40x128xf32, #tpu.memory_space<vmem>>) target(%dma_start3A_1012 : memref<10000x128xf32, #tpu.memory_space<vmem_shared>>) offsets(%arg13 : memref<40xi32, #tpu.memory_space<vmem>>) semaphore(%arg41 : memref<!tpu.dma_semaphore, #tpu.memory_space<semaphore_mem>>) {add = true}
      %dma_start3A_1013 = arith.constant 0 : i32
      %dma_start3A_1014 = tpu.memref_slice %arg28[%dma_start3A_1013] : memref<10000xf32, #tpu.memory_space<vmem_shared>> -> memref<10000xf32, #tpu.memory_space<vmem_shared>>
      tpu.enqueue_indirect_dma source(%arg25 : memref<40xf32, #tpu.memory_space<vmem>>) target(%dma_start3A_1014 : memref<10000xf32, #tpu.memory_space<vmem_shared>>) offsets(%arg13 : memref<40xi32, #tpu.memory_space<vmem>>) semaphore(%arg41 : memref<!tpu.dma_semaphore, #tpu.memory_space<semaphore_mem>>) {add = true}
      %dma_wait3A_1015 = tpu.memref_slice %arg2[%mul3A_356] : memref<320000xi32, #tpu.memory_space<hbm>> -> memref<40xi32, #tpu.memory_space<hbm>>
      %dma_wait3A_1016 = tpu.memref_slice %arg2[%mul3A_356] : memref<320000xi32, #tpu.memory_space<hbm>> -> memref<40xi32, #tpu.memory_space<hbm>>
      tpu.wait_dma2 semaphore(%arg34 : memref<!tpu.dma_semaphore, #tpu.memory_space<semaphore_mem>>) src(%dma_wait3A_1016 : memref<40xi32, #tpu.memory_space<hbm>>) dst(%arg14 : memref<40xi32, #tpu.memory_space<vmem>>)
      %dma_wait3A_1017 = arith.constant 0 : i32
      %dma_wait3A_1018 = tpu.memref_slice %arg3[%mul3A_356, %dma_wait3A_1017] : memref<320000x128xf32, #tpu.memory_space<hbm>> -> memref<40x128xf32, #tpu.memory_space<hbm>>
      %dma_wait3A_1019 = arith.constant 0 : i32
      %dma_wait3A_1020 = tpu.memref_slice %arg3[%mul3A_356, %dma_wait3A_1019] : memref<320000x128xf32, #tpu.memory_space<hbm>> -> memref<40x128xf32, #tpu.memory_space<hbm>>
      tpu.wait_dma2 semaphore(%arg34 : memref<!tpu.dma_semaphore, #tpu.memory_space<semaphore_mem>>) src(%dma_wait3A_1020 : memref<40x128xf32, #tpu.memory_space<hbm>>) dst(%arg22 : memref<40x128xf32, #tpu.memory_space<vmem>>)
      %dma_start3A_1021 = arith.constant 0 : i32
      %dma_start3A_1022 = arith.constant 0 : i32
      %dma_start3A_1023 = tpu.memref_slice %arg27[%dma_start3A_1021, %dma_start3A_1022] : memref<10000x128xf32, #tpu.memory_space<vmem_shared>> -> memref<10000x128xf32, #tpu.memory_space<vmem_shared>>
      tpu.enqueue_indirect_dma source(%arg22 : memref<40x128xf32, #tpu.memory_space<vmem>>) target(%dma_start3A_1023 : memref<10000x128xf32, #tpu.memory_space<vmem_shared>>) offsets(%arg14 : memref<40xi32, #tpu.memory_space<vmem>>) semaphore(%arg42 : memref<!tpu.dma_semaphore, #tpu.memory_space<semaphore_mem>>) {add = true}
      %dma_start3A_1024 = arith.constant 0 : i32
      %dma_start3A_1025 = tpu.memref_slice %arg28[%dma_start3A_1024] : memref<10000xf32, #tpu.memory_space<vmem_shared>> -> memref<10000xf32, #tpu.memory_space<vmem_shared>>
      tpu.enqueue_indirect_dma source(%arg25 : memref<40xf32, #tpu.memory_space<vmem>>) target(%dma_start3A_1025 : memref<10000xf32, #tpu.memory_space<vmem_shared>>) offsets(%arg14 : memref<40xi32, #tpu.memory_space<vmem>>) semaphore(%arg42 : memref<!tpu.dma_semaphore, #tpu.memory_space<semaphore_mem>>) {add = true}
      %dma_wait3A_1026 = tpu.memref_slice %arg2[%mul3A_356] : memref<320000xi32, #tpu.memory_space<hbm>> -> memref<40xi32, #tpu.memory_space<hbm>>
      %dma_wait3A_1027 = tpu.memref_slice %arg2[%mul3A_356] : memref<320000xi32, #tpu.memory_space<hbm>> -> memref<40xi32, #tpu.memory_space<hbm>>
      tpu.wait_dma2 semaphore(%arg35 : memref<!tpu.dma_semaphore, #tpu.memory_space<semaphore_mem>>) src(%dma_wait3A_1027 : memref<40xi32, #tpu.memory_space<hbm>>) dst(%arg15 : memref<40xi32, #tpu.memory_space<vmem>>)
      %dma_wait3A_1028 = arith.constant 0 : i32
      %dma_wait3A_1029 = tpu.memref_slice %arg3[%mul3A_356, %dma_wait3A_1028] : memref<320000x128xf32, #tpu.memory_space<hbm>> -> memref<40x128xf32, #tpu.memory_space<hbm>>
      %dma_wait3A_1030 = arith.constant 0 : i32
      %dma_wait3A_1031 = tpu.memref_slice %arg3[%mul3A_356, %dma_wait3A_1030] : memref<320000x128xf32, #tpu.memory_space<hbm>> -> memref<40x128xf32, #tpu.memory_space<hbm>>
      tpu.wait_dma2 semaphore(%arg35 : memref<!tpu.dma_semaphore, #tpu.memory_space<semaphore_mem>>) src(%dma_wait3A_1031 : memref<40x128xf32, #tpu.memory_space<hbm>>) dst(%arg23 : memref<40x128xf32, #tpu.memory_space<vmem>>)
      %dma_start3A_1032 = arith.constant 0 : i32
      %dma_start3A_1033 = arith.constant 0 : i32
      %dma_start3A_1034 = tpu.memref_slice %arg27[%dma_start3A_1032, %dma_start3A_1033] : memref<10000x128xf32, #tpu.memory_space<vmem_shared>> -> memref<10000x128xf32, #tpu.memory_space<vmem_shared>>
      tpu.enqueue_indirect_dma source(%arg23 : memref<40x128xf32, #tpu.memory_space<vmem>>) target(%dma_start3A_1034 : memref<10000x128xf32, #tpu.memory_space<vmem_shared>>) offsets(%arg15 : memref<40xi32, #tpu.memory_space<vmem>>) semaphore(%arg43 : memref<!tpu.dma_semaphore, #tpu.memory_space<semaphore_mem>>) {add = true}
      %dma_start3A_1035 = arith.constant 0 : i32
      %dma_start3A_1036 = tpu.memref_slice %arg28[%dma_start3A_1035] : memref<10000xf32, #tpu.memory_space<vmem_shared>> -> memref<10000xf32, #tpu.memory_space<vmem_shared>>
      tpu.enqueue_indirect_dma source(%arg25 : memref<40xf32, #tpu.memory_space<vmem>>) target(%dma_start3A_1036 : memref<10000xf32, #tpu.memory_space<vmem_shared>>) offsets(%arg15 : memref<40xi32, #tpu.memory_space<vmem>>) semaphore(%arg43 : memref<!tpu.dma_semaphore, #tpu.memory_space<semaphore_mem>>) {add = true}
      %dma_wait3A_1037 = tpu.memref_slice %arg2[%mul3A_356] : memref<320000xi32, #tpu.memory_space<hbm>> -> memref<40xi32, #tpu.memory_space<hbm>>
      %dma_wait3A_1038 = tpu.memref_slice %arg2[%mul3A_356] : memref<320000xi32, #tpu.memory_space<hbm>> -> memref<40xi32, #tpu.memory_space<hbm>>
      tpu.wait_dma2 semaphore(%arg36 : memref<!tpu.dma_semaphore, #tpu.memory_space<semaphore_mem>>) src(%dma_wait3A_1038 : memref<40xi32, #tpu.memory_space<hbm>>) dst(%arg16 : memref<40xi32, #tpu.memory_space<vmem>>)
      %dma_wait3A_1039 = arith.constant 0 : i32
      %dma_wait3A_1040 = tpu.memref_slice %arg3[%mul3A_356, %dma_wait3A_1039] : memref<320000x128xf32, #tpu.memory_space<hbm>> -> memref<40x128xf32, #tpu.memory_space<hbm>>
      %dma_wait3A_1041 = arith.constant 0 : i32
      %dma_wait3A_1042 = tpu.memref_slice %arg3[%mul3A_356, %dma_wait3A_1041] : memref<320000x128xf32, #tpu.memory_space<hbm>> -> memref<40x128xf32, #tpu.memory_space<hbm>>
      tpu.wait_dma2 semaphore(%arg36 : memref<!tpu.dma_semaphore, #tpu.memory_space<semaphore_mem>>) src(%dma_wait3A_1042 : memref<40x128xf32, #tpu.memory_space<hbm>>) dst(%arg24 : memref<40x128xf32, #tpu.memory_space<vmem>>)
      %dma_start3A_1043 = arith.constant 0 : i32
      %dma_start3A_1044 = arith.constant 0 : i32
      %dma_start3A_1045 = tpu.memref_slice %arg27[%dma_start3A_1043, %dma_start3A_1044] : memref<10000x128xf32, #tpu.memory_space<vmem_shared>> -> memref<10000x128xf32, #tpu.memory_space<vmem_shared>>
      tpu.enqueue_indirect_dma source(%arg24 : memref<40x128xf32, #tpu.memory_space<vmem>>) target(%dma_start3A_1045 : memref<10000x128xf32, #tpu.memory_space<vmem_shared>>) offsets(%arg16 : memref<40xi32, #tpu.memory_space<vmem>>) semaphore(%arg44 : memref<!tpu.dma_semaphore, #tpu.memory_space<semaphore_mem>>) {add = true}
      %dma_start3A_1046 = arith.constant 0 : i32
      %dma_start3A_1047 = tpu.memref_slice %arg28[%dma_start3A_1046] : memref<10000xf32, #tpu.memory_space<vmem_shared>> -> memref<10000xf32, #tpu.memory_space<vmem_shared>>
      tpu.enqueue_indirect_dma source(%arg25 : memref<40xf32, #tpu.memory_space<vmem>>) target(%dma_start3A_1047 : memref<10000xf32, #tpu.memory_space<vmem_shared>>) offsets(%arg16 : memref<40xi32, #tpu.memory_space<vmem>>) semaphore(%arg44 : memref<!tpu.dma_semaphore, #tpu.memory_space<semaphore_mem>>) {add = true}
      %dma_wait3A_1048 = arith.constant 0 : i32
      %dma_wait3A_1049 = arith.constant 0 : i32
      %dma_wait3A_1050 = tpu.memref_slice %arg27[%dma_wait3A_1048, %dma_wait3A_1049] : memref<10000x128xf32, #tpu.memory_space<vmem_shared>> -> memref<10000x128xf32, #tpu.memory_space<vmem_shared>>
      tpu.wait_indirect_dma semaphore(%arg37 : memref<!tpu.dma_semaphore, #tpu.memory_space<semaphore_mem>>) src(%arg17 : memref<40x128xf32, #tpu.memory_space<vmem>>) dst(%dma_wait3A_1050 : memref<10000x128xf32, #tpu.memory_space<vmem_shared>>)
      %dma_wait3A_1051 = arith.constant 0 : i32
      %dma_wait3A_1052 = tpu.memref_slice %arg28[%dma_wait3A_1051] : memref<10000xf32, #tpu.memory_space<vmem_shared>> -> memref<10000xf32, #tpu.memory_space<vmem_shared>>
      tpu.wait_indirect_dma semaphore(%arg37 : memref<!tpu.dma_semaphore, #tpu.memory_space<semaphore_mem>>) src(%arg25 : memref<40xf32, #tpu.memory_space<vmem>>) dst(%dma_wait3A_1052 : memref<10000xf32, #tpu.memory_space<vmem_shared>>)
      %add3A_1053 = arith.constant 320 : i32
      %add3A_1054 = arith.addi %add3A_959, %add3A_1053 : i32
      %min3A = arith.minsi %add3A_1054, %add3A_358 : i32
      %dma_start3A_1055 = tpu.memref_slice %arg2[%min3A] : memref<320000xi32, #tpu.memory_space<hbm>> -> memref<40xi32, #tpu.memory_space<hbm>>
      %dma_start3A_1056 = tpu.memref_slice %arg2[%min3A] : memref<320000xi32, #tpu.memory_space<hbm>> -> memref<40xi32, #tpu.memory_space<hbm>>
      tpu.enqueue_dma source(%dma_start3A_1056 : memref<40xi32, #tpu.memory_space<hbm>>) target(%arg9 : memref<40xi32, #tpu.memory_space<vmem>>) target_semaphore(%arg29 : memref<!tpu.dma_semaphore, #tpu.memory_space<semaphore_mem>>)
      %dma_start3A_1057 = arith.constant 0 : i32
      %dma_start3A_1058 = tpu.memref_slice %arg3[%min3A, %dma_start3A_1057] : memref<320000x128xf32, #tpu.memory_space<hbm>> -> memref<40x128xf32, #tpu.memory_space<hbm>>
      %dma_start3A_1059 = arith.constant 0 : i32
      %dma_start3A_1060 = tpu.memref_slice %arg3[%min3A, %dma_start3A_1059] : memref<320000x128xf32, #tpu.memory_space<hbm>> -> memref<40x128xf32, #tpu.memory_space<hbm>>
      tpu.enqueue_dma source(%dma_start3A_1060 : memref<40x128xf32, #tpu.memory_space<hbm>>) target(%arg17 : memref<40x128xf32, #tpu.memory_space<vmem>>) target_semaphore(%arg29 : memref<!tpu.dma_semaphore, #tpu.memory_space<semaphore_mem>>)
      %dma_wait3A_1061 = arith.constant 0 : i32
      %dma_wait3A_1062 = arith.constant 0 : i32
      %dma_wait3A_1063 = tpu.memref_slice %arg27[%dma_wait3A_1061, %dma_wait3A_1062] : memref<10000x128xf32, #tpu.memory_space<vmem_shared>> -> memref<10000x128xf32, #tpu.memory_space<vmem_shared>>
      tpu.wait_indirect_dma semaphore(%arg38 : memref<!tpu.dma_semaphore, #tpu.memory_space<semaphore_mem>>) src(%arg18 : memref<40x128xf32, #tpu.memory_space<vmem>>) dst(%dma_wait3A_1063 : memref<10000x128xf32, #tpu.memory_space<vmem_shared>>)
      %dma_wait3A_1064 = arith.constant 0 : i32
      %dma_wait3A_1065 = tpu.memref_slice %arg28[%dma_wait3A_1064] : memref<10000xf32, #tpu.memory_space<vmem_shared>> -> memref<10000xf32, #tpu.memory_space<vmem_shared>>
      tpu.wait_indirect_dma semaphore(%arg38 : memref<!tpu.dma_semaphore, #tpu.memory_space<semaphore_mem>>) src(%arg25 : memref<40xf32, #tpu.memory_space<vmem>>) dst(%dma_wait3A_1065 : memref<10000xf32, #tpu.memory_space<vmem_shared>>)
      %add3A_1066 = arith.constant 360 : i32
      %add3A_1067 = arith.addi %add3A_959, %add3A_1066 : i32
      %min3A_1068 = arith.minsi %add3A_1067, %add3A_358 : i32
      %dma_start3A_1069 = tpu.memref_slice %arg2[%min3A_1068] : memref<320000xi32, #tpu.memory_space<hbm>> -> memref<40xi32, #tpu.memory_space<hbm>>
      %dma_start3A_1070 = tpu.memref_slice %arg2[%min3A_1068] : memref<320000xi32, #tpu.memory_space<hbm>> -> memref<40xi32, #tpu.memory_space<hbm>>
      tpu.enqueue_dma source(%dma_start3A_1070 : memref<40xi32, #tpu.memory_space<hbm>>) target(%arg10 : memref<40xi32, #tpu.memory_space<vmem>>) target_semaphore(%arg30 : memref<!tpu.dma_semaphore, #tpu.memory_space<semaphore_mem>>)
      %dma_start3A_1071 = arith.constant 0 : i32
      %dma_start3A_1072 = tpu.memref_slice %arg3[%min3A_1068, %dma_start3A_1071] : memref<320000x128xf32, #tpu.memory_space<hbm>> -> memref<40x128xf32, #tpu.memory_space<hbm>>
      %dma_start3A_1073 = arith.constant 0 : i32
      %dma_start3A_1074 = tpu.memref_slice %arg3[%min3A_1068, %dma_start3A_1073] : memref<320000x128xf32, #tpu.memory_space<hbm>> -> memref<40x128xf32, #tpu.memory_space<hbm>>
      tpu.enqueue_dma source(%dma_start3A_1074 : memref<40x128xf32, #tpu.memory_space<hbm>>) target(%arg18 : memref<40x128xf32, #tpu.memory_space<vmem>>) target_semaphore(%arg30 : memref<!tpu.dma_semaphore, #tpu.memory_space<semaphore_mem>>)
      %dma_wait3A_1075 = arith.constant 0 : i32
      %dma_wait3A_1076 = arith.constant 0 : i32
      %dma_wait3A_1077 = tpu.memref_slice %arg27[%dma_wait3A_1075, %dma_wait3A_1076] : memref<10000x128xf32, #tpu.memory_space<vmem_shared>> -> memref<10000x128xf32, #tpu.memory_space<vmem_shared>>
      tpu.wait_indirect_dma semaphore(%arg39 : memref<!tpu.dma_semaphore, #tpu.memory_space<semaphore_mem>>) src(%arg19 : memref<40x128xf32, #tpu.memory_space<vmem>>) dst(%dma_wait3A_1077 : memref<10000x128xf32, #tpu.memory_space<vmem_shared>>)
      %dma_wait3A_1078 = arith.constant 0 : i32
      %dma_wait3A_1079 = tpu.memref_slice %arg28[%dma_wait3A_1078] : memref<10000xf32, #tpu.memory_space<vmem_shared>> -> memref<10000xf32, #tpu.memory_space<vmem_shared>>
      tpu.wait_indirect_dma semaphore(%arg39 : memref<!tpu.dma_semaphore, #tpu.memory_space<semaphore_mem>>) src(%arg25 : memref<40xf32, #tpu.memory_space<vmem>>) dst(%dma_wait3A_1079 : memref<10000xf32, #tpu.memory_space<vmem_shared>>)
      %add3A_1080 = arith.constant 400 : i32
      %add3A_1081 = arith.addi %add3A_959, %add3A_1080 : i32
      %min3A_1082 = arith.minsi %add3A_1081, %add3A_358 : i32
      %dma_start3A_1083 = tpu.memref_slice %arg2[%min3A_1082] : memref<320000xi32, #tpu.memory_space<hbm>> -> memref<40xi32, #tpu.memory_space<hbm>>
      %dma_start3A_1084 = tpu.memref_slice %arg2[%min3A_1082] : memref<320000xi32, #tpu.memory_space<hbm>> -> memref<40xi32, #tpu.memory_space<hbm>>
      tpu.enqueue_dma source(%dma_start3A_1084 : memref<40xi32, #tpu.memory_space<hbm>>) target(%arg11 : memref<40xi32, #tpu.memory_space<vmem>>) target_semaphore(%arg31 : memref<!tpu.dma_semaphore, #tpu.memory_space<semaphore_mem>>)
      %dma_start3A_1085 = arith.constant 0 : i32
      %dma_start3A_1086 = tpu.memref_slice %arg3[%min3A_1082, %dma_start3A_1085] : memref<320000x128xf32, #tpu.memory_space<hbm>> -> memref<40x128xf32, #tpu.memory_space<hbm>>
      %dma_start3A_1087 = arith.constant 0 : i32
      %dma_start3A_1088 = tpu.memref_slice %arg3[%min3A_1082, %dma_start3A_1087] : memref<320000x128xf32, #tpu.memory_space<hbm>> -> memref<40x128xf32, #tpu.memory_space<hbm>>
      tpu.enqueue_dma source(%dma_start3A_1088 : memref<40x128xf32, #tpu.memory_space<hbm>>) target(%arg19 : memref<40x128xf32, #tpu.memory_space<vmem>>) target_semaphore(%arg31 : memref<!tpu.dma_semaphore, #tpu.memory_space<semaphore_mem>>)
      %dma_wait3A_1089 = arith.constant 0 : i32
      %dma_wait3A_1090 = arith.constant 0 : i32
      %dma_wait3A_1091 = tpu.memref_slice %arg27[%dma_wait3A_1089, %dma_wait3A_1090] : memref<10000x128xf32, #tpu.memory_space<vmem_shared>> -> memref<10000x128xf32, #tpu.memory_space<vmem_shared>>
      tpu.wait_indirect_dma semaphore(%arg40 : memref<!tpu.dma_semaphore, #tpu.memory_space<semaphore_mem>>) src(%arg20 : memref<40x128xf32, #tpu.memory_space<vmem>>) dst(%dma_wait3A_1091 : memref<10000x128xf32, #tpu.memory_space<vmem_shared>>)
      %dma_wait3A_1092 = arith.constant 0 : i32
      %dma_wait3A_1093 = tpu.memref_slice %arg28[%dma_wait3A_1092] : memref<10000xf32, #tpu.memory_space<vmem_shared>> -> memref<10000xf32, #tpu.memory_space<vmem_shared>>
      tpu.wait_indirect_dma semaphore(%arg40 : memref<!tpu.dma_semaphore, #tpu.memory_space<semaphore_mem>>) src(%arg25 : memref<40xf32, #tpu.memory_space<vmem>>) dst(%dma_wait3A_1093 : memref<10000xf32, #tpu.memory_space<vmem_shared>>)
      %add3A_1094 = arith.constant 440 : i32
      %add3A_1095 = arith.addi %add3A_959, %add3A_1094 : i32
      %min3A_1096 = arith.minsi %add3A_1095, %add3A_358 : i32
      %dma_start3A_1097 = tpu.memref_slice %arg2[%min3A_1096] : memref<320000xi32, #tpu.memory_space<hbm>> -> memref<40xi32, #tpu.memory_space<hbm>>
      %dma_start3A_1098 = tpu.memref_slice %arg2[%min3A_1096] : memref<320000xi32, #tpu.memory_space<hbm>> -> memref<40xi32, #tpu.memory_space<hbm>>
      tpu.enqueue_dma source(%dma_start3A_1098 : memref<40xi32, #tpu.memory_space<hbm>>) target(%arg12 : memref<40xi32, #tpu.memory_space<vmem>>) target_semaphore(%arg32 : memref<!tpu.dma_semaphore, #tpu.memory_space<semaphore_mem>>)
      %dma_start3A_1099 = arith.constant 0 : i32
      %dma_start3A_1100 = tpu.memref_slice %arg3[%min3A_1096, %dma_start3A_1099] : memref<320000x128xf32, #tpu.memory_space<hbm>> -> memref<40x128xf32, #tpu.memory_space<hbm>>
      %dma_start3A_1101 = arith.constant 0 : i32
      %dma_start3A_1102 = tpu.memref_slice %arg3[%min3A_1096, %dma_start3A_1101] : memref<320000x128xf32, #tpu.memory_space<hbm>> -> memref<40x128xf32, #tpu.memory_space<hbm>>
      tpu.enqueue_dma source(%dma_start3A_1102 : memref<40x128xf32, #tpu.memory_space<hbm>>) target(%arg20 : memref<40x128xf32, #tpu.memory_space<vmem>>) target_semaphore(%arg32 : memref<!tpu.dma_semaphore, #tpu.memory_space<semaphore_mem>>)
      %dma_wait3A_1103 = arith.constant 0 : i32
      %dma_wait3A_1104 = arith.constant 0 : i32
      %dma_wait3A_1105 = tpu.memref_slice %arg27[%dma_wait3A_1103, %dma_wait3A_1104] : memref<10000x128xf32, #tpu.memory_space<vmem_shared>> -> memref<10000x128xf32, #tpu.memory_space<vmem_shared>>
      tpu.wait_indirect_dma semaphore(%arg41 : memref<!tpu.dma_semaphore, #tpu.memory_space<semaphore_mem>>) src(%arg21 : memref<40x128xf32, #tpu.memory_space<vmem>>) dst(%dma_wait3A_1105 : memref<10000x128xf32, #tpu.memory_space<vmem_shared>>)
      %dma_wait3A_1106 = arith.constant 0 : i32
      %dma_wait3A_1107 = tpu.memref_slice %arg28[%dma_wait3A_1106] : memref<10000xf32, #tpu.memory_space<vmem_shared>> -> memref<10000xf32, #tpu.memory_space<vmem_shared>>
      tpu.wait_indirect_dma semaphore(%arg41 : memref<!tpu.dma_semaphore, #tpu.memory_space<semaphore_mem>>) src(%arg25 : memref<40xf32, #tpu.memory_space<vmem>>) dst(%dma_wait3A_1107 : memref<10000xf32, #tpu.memory_space<vmem_shared>>)
      %add3A_1108 = arith.constant 480 : i32
      %add3A_1109 = arith.addi %add3A_959, %add3A_1108 : i32
      %min3A_1110 = arith.minsi %add3A_1109, %add3A_358 : i32
      %dma_start3A_1111 = tpu.memref_slice %arg2[%min3A_1110] : memref<320000xi32, #tpu.memory_space<hbm>> -> memref<40xi32, #tpu.memory_space<hbm>>
      %dma_start3A_1112 = tpu.memref_slice %arg2[%min3A_1110] : memref<320000xi32, #tpu.memory_space<hbm>> -> memref<40xi32, #tpu.memory_space<hbm>>
      tpu.enqueue_dma source(%dma_start3A_1112 : memref<40xi32, #tpu.memory_space<hbm>>) target(%arg13 : memref<40xi32, #tpu.memory_space<vmem>>) target_semaphore(%arg33 : memref<!tpu.dma_semaphore, #tpu.memory_space<semaphore_mem>>)
      %dma_start3A_1113 = arith.constant 0 : i32
      %dma_start3A_1114 = tpu.memref_slice %arg3[%min3A_1110, %dma_start3A_1113] : memref<320000x128xf32, #tpu.memory_space<hbm>> -> memref<40x128xf32, #tpu.memory_space<hbm>>
      %dma_start3A_1115 = arith.constant 0 : i32
      %dma_start3A_1116 = tpu.memref_slice %arg3[%min3A_1110, %dma_start3A_1115] : memref<320000x128xf32, #tpu.memory_space<hbm>> -> memref<40x128xf32, #tpu.memory_space<hbm>>
      tpu.enqueue_dma source(%dma_start3A_1116 : memref<40x128xf32, #tpu.memory_space<hbm>>) target(%arg21 : memref<40x128xf32, #tpu.memory_space<vmem>>) target_semaphore(%arg33 : memref<!tpu.dma_semaphore, #tpu.memory_space<semaphore_mem>>)
      %dma_wait3A_1117 = arith.constant 0 : i32
      %dma_wait3A_1118 = arith.constant 0 : i32
      %dma_wait3A_1119 = tpu.memref_slice %arg27[%dma_wait3A_1117, %dma_wait3A_1118] : memref<10000x128xf32, #tpu.memory_space<vmem_shared>> -> memref<10000x128xf32, #tpu.memory_space<vmem_shared>>
      tpu.wait_indirect_dma semaphore(%arg42 : memref<!tpu.dma_semaphore, #tpu.memory_space<semaphore_mem>>) src(%arg22 : memref<40x128xf32, #tpu.memory_space<vmem>>) dst(%dma_wait3A_1119 : memref<10000x128xf32, #tpu.memory_space<vmem_shared>>)
      %dma_wait3A_1120 = arith.constant 0 : i32
      %dma_wait3A_1121 = tpu.memref_slice %arg28[%dma_wait3A_1120] : memref<10000xf32, #tpu.memory_space<vmem_shared>> -> memref<10000xf32, #tpu.memory_space<vmem_shared>>
      tpu.wait_indirect_dma semaphore(%arg42 : memref<!tpu.dma_semaphore, #tpu.memory_space<semaphore_mem>>) src(%arg25 : memref<40xf32, #tpu.memory_space<vmem>>) dst(%dma_wait3A_1121 : memref<10000xf32, #tpu.memory_space<vmem_shared>>)
      %add3A_1122 = arith.constant 520 : i32
      %add3A_1123 = arith.addi %add3A_959, %add3A_1122 : i32
      %min3A_1124 = arith.minsi %add3A_1123, %add3A_358 : i32
      %dma_start3A_1125 = tpu.memref_slice %arg2[%min3A_1124] : memref<320000xi32, #tpu.memory_space<hbm>> -> memref<40xi32, #tpu.memory_space<hbm>>
      %dma_start3A_1126 = tpu.memref_slice %arg2[%min3A_1124] : memref<320000xi32, #tpu.memory_space<hbm>> -> memref<40xi32, #tpu.memory_space<hbm>>
      tpu.enqueue_dma source(%dma_start3A_1126 : memref<40xi32, #tpu.memory_space<hbm>>) target(%arg14 : memref<40xi32, #tpu.memory_space<vmem>>) target_semaphore(%arg34 : memref<!tpu.dma_semaphore, #tpu.memory_space<semaphore_mem>>)
      %dma_start3A_1127 = arith.constant 0 : i32
      %dma_start3A_1128 = tpu.memref_slice %arg3[%min3A_1124, %dma_start3A_1127] : memref<320000x128xf32, #tpu.memory_space<hbm>> -> memref<40x128xf32, #tpu.memory_space<hbm>>
      %dma_start3A_1129 = arith.constant 0 : i32
      %dma_start3A_1130 = tpu.memref_slice %arg3[%min3A_1124, %dma_start3A_1129] : memref<320000x128xf32, #tpu.memory_space<hbm>> -> memref<40x128xf32, #tpu.memory_space<hbm>>
      tpu.enqueue_dma source(%dma_start3A_1130 : memref<40x128xf32, #tpu.memory_space<hbm>>) target(%arg22 : memref<40x128xf32, #tpu.memory_space<vmem>>) target_semaphore(%arg34 : memref<!tpu.dma_semaphore, #tpu.memory_space<semaphore_mem>>)
      %dma_wait3A_1131 = arith.constant 0 : i32
      %dma_wait3A_1132 = arith.constant 0 : i32
      %dma_wait3A_1133 = tpu.memref_slice %arg27[%dma_wait3A_1131, %dma_wait3A_1132] : memref<10000x128xf32, #tpu.memory_space<vmem_shared>> -> memref<10000x128xf32, #tpu.memory_space<vmem_shared>>
      tpu.wait_indirect_dma semaphore(%arg43 : memref<!tpu.dma_semaphore, #tpu.memory_space<semaphore_mem>>) src(%arg23 : memref<40x128xf32, #tpu.memory_space<vmem>>) dst(%dma_wait3A_1133 : memref<10000x128xf32, #tpu.memory_space<vmem_shared>>)
      %dma_wait3A_1134 = arith.constant 0 : i32
      %dma_wait3A_1135 = tpu.memref_slice %arg28[%dma_wait3A_1134] : memref<10000xf32, #tpu.memory_space<vmem_shared>> -> memref<10000xf32, #tpu.memory_space<vmem_shared>>
      tpu.wait_indirect_dma semaphore(%arg43 : memref<!tpu.dma_semaphore, #tpu.memory_space<semaphore_mem>>) src(%arg25 : memref<40xf32, #tpu.memory_space<vmem>>) dst(%dma_wait3A_1135 : memref<10000xf32, #tpu.memory_space<vmem_shared>>)
      %add3A_1136 = arith.constant 560 : i32
      %add3A_1137 = arith.addi %add3A_959, %add3A_1136 : i32
      %min3A_1138 = arith.minsi %add3A_1137, %add3A_358 : i32
      %dma_start3A_1139 = tpu.memref_slice %arg2[%min3A_1138] : memref<320000xi32, #tpu.memory_space<hbm>> -> memref<40xi32, #tpu.memory_space<hbm>>
      %dma_start3A_1140 = tpu.memref_slice %arg2[%min3A_1138] : memref<320000xi32, #tpu.memory_space<hbm>> -> memref<40xi32, #tpu.memory_space<hbm>>
      tpu.enqueue_dma source(%dma_start3A_1140 : memref<40xi32, #tpu.memory_space<hbm>>) target(%arg15 : memref<40xi32, #tpu.memory_space<vmem>>) target_semaphore(%arg35 : memref<!tpu.dma_semaphore, #tpu.memory_space<semaphore_mem>>)
      %dma_start3A_1141 = arith.constant 0 : i32
      %dma_start3A_1142 = tpu.memref_slice %arg3[%min3A_1138, %dma_start3A_1141] : memref<320000x128xf32, #tpu.memory_space<hbm>> -> memref<40x128xf32, #tpu.memory_space<hbm>>
      %dma_start3A_1143 = arith.constant 0 : i32
      %dma_start3A_1144 = tpu.memref_slice %arg3[%min3A_1138, %dma_start3A_1143] : memref<320000x128xf32, #tpu.memory_space<hbm>> -> memref<40x128xf32, #tpu.memory_space<hbm>>
      tpu.enqueue_dma source(%dma_start3A_1144 : memref<40x128xf32, #tpu.memory_space<hbm>>) target(%arg23 : memref<40x128xf32, #tpu.memory_space<vmem>>) target_semaphore(%arg35 : memref<!tpu.dma_semaphore, #tpu.memory_space<semaphore_mem>>)
      %dma_wait3A_1145 = arith.constant 0 : i32
      %dma_wait3A_1146 = arith.constant 0 : i32
      %dma_wait3A_1147 = tpu.memref_slice %arg27[%dma_wait3A_1145, %dma_wait3A_1146] : memref<10000x128xf32, #tpu.memory_space<vmem_shared>> -> memref<10000x128xf32, #tpu.memory_space<vmem_shared>>
      tpu.wait_indirect_dma semaphore(%arg44 : memref<!tpu.dma_semaphore, #tpu.memory_space<semaphore_mem>>) src(%arg24 : memref<40x128xf32, #tpu.memory_space<vmem>>) dst(%dma_wait3A_1147 : memref<10000x128xf32, #tpu.memory_space<vmem_shared>>)
      %dma_wait3A_1148 = arith.constant 0 : i32
      %dma_wait3A_1149 = tpu.memref_slice %arg28[%dma_wait3A_1148] : memref<10000xf32, #tpu.memory_space<vmem_shared>> -> memref<10000xf32, #tpu.memory_space<vmem_shared>>
      tpu.wait_indirect_dma semaphore(%arg44 : memref<!tpu.dma_semaphore, #tpu.memory_space<semaphore_mem>>) src(%arg25 : memref<40xf32, #tpu.memory_space<vmem>>) dst(%dma_wait3A_1149 : memref<10000xf32, #tpu.memory_space<vmem_shared>>)
      %add3A_1150 = arith.constant 600 : i32
      %add3A_1151 = arith.addi %add3A_959, %add3A_1150 : i32
      %min3A_1152 = arith.minsi %add3A_1151, %add3A_358 : i32
      %dma_start3A_1153 = tpu.memref_slice %arg2[%min3A_1152] : memref<320000xi32, #tpu.memory_space<hbm>> -> memref<40xi32, #tpu.memory_space<hbm>>
      %dma_start3A_1154 = tpu.memref_slice %arg2[%min3A_1152] : memref<320000xi32, #tpu.memory_space<hbm>> -> memref<40xi32, #tpu.memory_space<hbm>>
      tpu.enqueue_dma source(%dma_start3A_1154 : memref<40xi32, #tpu.memory_space<hbm>>) target(%arg16 : memref<40xi32, #tpu.memory_space<vmem>>) target_semaphore(%arg36 : memref<!tpu.dma_semaphore, #tpu.memory_space<semaphore_mem>>)
      %dma_start3A_1155 = arith.constant 0 : i32
      %dma_start3A_1156 = tpu.memref_slice %arg3[%min3A_1152, %dma_start3A_1155] : memref<320000x128xf32, #tpu.memory_space<hbm>> -> memref<40x128xf32, #tpu.memory_space<hbm>>
      %dma_start3A_1157 = arith.constant 0 : i32
      %dma_start3A_1158 = tpu.memref_slice %arg3[%min3A_1152, %dma_start3A_1157] : memref<320000x128xf32, #tpu.memory_space<hbm>> -> memref<40x128xf32, #tpu.memory_space<hbm>>
      tpu.enqueue_dma source(%dma_start3A_1158 : memref<40x128xf32, #tpu.memory_space<hbm>>) target(%arg24 : memref<40x128xf32, #tpu.memory_space<vmem>>) target_semaphore(%arg36 : memref<!tpu.dma_semaphore, #tpu.memory_space<semaphore_mem>>)
    }
    %scan3A_426 = arith.constant 31 : i32
    %dma_wait3A_427 = tpu.memref_slice %arg2[%mul3A_356] : memref<320000xi32, #tpu.memory_space<hbm>> -> memref<40xi32, #tpu.memory_space<hbm>>
    %dma_wait3A_428 = tpu.memref_slice %arg2[%mul3A_356] : memref<320000xi32, #tpu.memory_space<hbm>> -> memref<40xi32, #tpu.memory_space<hbm>>
    tpu.wait_dma2 semaphore(%arg29 : memref<!tpu.dma_semaphore, #tpu.memory_space<semaphore_mem>>) src(%dma_wait3A_428 : memref<40xi32, #tpu.memory_space<hbm>>) dst(%arg9 : memref<40xi32, #tpu.memory_space<vmem>>)
    %dma_wait3A_429 = arith.constant 0 : i32
    %dma_wait3A_430 = tpu.memref_slice %arg3[%mul3A_356, %dma_wait3A_429] : memref<320000x128xf32, #tpu.memory_space<hbm>> -> memref<40x128xf32, #tpu.memory_space<hbm>>
    %dma_wait3A_431 = arith.constant 0 : i32
    %dma_wait3A_432 = tpu.memref_slice %arg3[%mul3A_356, %dma_wait3A_431] : memref<320000x128xf32, #tpu.memory_space<hbm>> -> memref<40x128xf32, #tpu.memory_space<hbm>>
    tpu.wait_dma2 semaphore(%arg29 : memref<!tpu.dma_semaphore, #tpu.memory_space<semaphore_mem>>) src(%dma_wait3A_432 : memref<40x128xf32, #tpu.memory_space<hbm>>) dst(%arg17 : memref<40x128xf32, #tpu.memory_space<vmem>>)
    %dma_start3A_433 = arith.constant 0 : i32
    %dma_start3A_434 = arith.constant 0 : i32
    %dma_start3A_435 = tpu.memref_slice %arg27[%dma_start3A_433, %dma_start3A_434] : memref<10000x128xf32, #tpu.memory_space<vmem_shared>> -> memref<10000x128xf32, #tpu.memory_space<vmem_shared>>
    tpu.enqueue_indirect_dma source(%arg17 : memref<40x128xf32, #tpu.memory_space<vmem>>) target(%dma_start3A_435 : memref<10000x128xf32, #tpu.memory_space<vmem_shared>>) offsets(%arg9 : memref<40xi32, #tpu.memory_space<vmem>>) semaphore(%arg37 : memref<!tpu.dma_semaphore, #tpu.memory_space<semaphore_mem>>) {add = true}
    %dma_start3A_436 = arith.constant 0 : i32
    %dma_start3A_437 = tpu.memref_slice %arg28[%dma_start3A_436] : memref<10000xf32, #tpu.memory_space<vmem_shared>> -> memref<10000xf32, #tpu.memory_space<vmem_shared>>
    tpu.enqueue_indirect_dma source(%arg25 : memref<40xf32, #tpu.memory_space<vmem>>) target(%dma_start3A_437 : memref<10000xf32, #tpu.memory_space<vmem_shared>>) offsets(%arg9 : memref<40xi32, #tpu.memory_space<vmem>>) semaphore(%arg37 : memref<!tpu.dma_semaphore, #tpu.memory_space<semaphore_mem>>) {add = true}
    %dma_wait3A_438 = tpu.memref_slice %arg2[%mul3A_356] : memref<320000xi32, #tpu.memory_space<hbm>> -> memref<40xi32, #tpu.memory_space<hbm>>
    %dma_wait3A_439 = tpu.memref_slice %arg2[%mul3A_356] : memref<320000xi32, #tpu.memory_space<hbm>> -> memref<40xi32, #tpu.memory_space<hbm>>
    tpu.wait_dma2 semaphore(%arg30 : memref<!tpu.dma_semaphore, #tpu.memory_space<semaphore_mem>>) src(%dma_wait3A_439 : memref<40xi32, #tpu.memory_space<hbm>>) dst(%arg10 : memref<40xi32, #tpu.memory_space<vmem>>)
    %dma_wait3A_440 = arith.constant 0 : i32
    %dma_wait3A_441 = tpu.memref_slice %arg3[%mul3A_356, %dma_wait3A_440] : memref<320000x128xf32, #tpu.memory_space<hbm>> -> memref<40x128xf32, #tpu.memory_space<hbm>>
    %dma_wait3A_442 = arith.constant 0 : i32
    %dma_wait3A_443 = tpu.memref_slice %arg3[%mul3A_356, %dma_wait3A_442] : memref<320000x128xf32, #tpu.memory_space<hbm>> -> memref<40x128xf32, #tpu.memory_space<hbm>>
    tpu.wait_dma2 semaphore(%arg30 : memref<!tpu.dma_semaphore, #tpu.memory_space<semaphore_mem>>) src(%dma_wait3A_443 : memref<40x128xf32, #tpu.memory_space<hbm>>) dst(%arg18 : memref<40x128xf32, #tpu.memory_space<vmem>>)
    %dma_start3A_444 = arith.constant 0 : i32
    %dma_start3A_445 = arith.constant 0 : i32
    %dma_start3A_446 = tpu.memref_slice %arg27[%dma_start3A_444, %dma_start3A_445] : memref<10000x128xf32, #tpu.memory_space<vmem_shared>> -> memref<10000x128xf32, #tpu.memory_space<vmem_shared>>
    tpu.enqueue_indirect_dma source(%arg18 : memref<40x128xf32, #tpu.memory_space<vmem>>) target(%dma_start3A_446 : memref<10000x128xf32, #tpu.memory_space<vmem_shared>>) offsets(%arg10 : memref<40xi32, #tpu.memory_space<vmem>>) semaphore(%arg38 : memref<!tpu.dma_semaphore, #tpu.memory_space<semaphore_mem>>) {add = true}
    %dma_start3A_447 = arith.constant 0 : i32
    %dma_start3A_448 = tpu.memref_slice %arg28[%dma_start3A_447] : memref<10000xf32, #tpu.memory_space<vmem_shared>> -> memref<10000xf32, #tpu.memory_space<vmem_shared>>
    tpu.enqueue_indirect_dma source(%arg25 : memref<40xf32, #tpu.memory_space<vmem>>) target(%dma_start3A_448 : memref<10000xf32, #tpu.memory_space<vmem_shared>>) offsets(%arg10 : memref<40xi32, #tpu.memory_space<vmem>>) semaphore(%arg38 : memref<!tpu.dma_semaphore, #tpu.memory_space<semaphore_mem>>) {add = true}
    %dma_wait3A_449 = tpu.memref_slice %arg2[%mul3A_356] : memref<320000xi32, #tpu.memory_space<hbm>> -> memref<40xi32, #tpu.memory_space<hbm>>
    %dma_wait3A_450 = tpu.memref_slice %arg2[%mul3A_356] : memref<320000xi32, #tpu.memory_space<hbm>> -> memref<40xi32, #tpu.memory_space<hbm>>
    tpu.wait_dma2 semaphore(%arg31 : memref<!tpu.dma_semaphore, #tpu.memory_space<semaphore_mem>>) src(%dma_wait3A_450 : memref<40xi32, #tpu.memory_space<hbm>>) dst(%arg11 : memref<40xi32, #tpu.memory_space<vmem>>)
    %dma_wait3A_451 = arith.constant 0 : i32
    %dma_wait3A_452 = tpu.memref_slice %arg3[%mul3A_356, %dma_wait3A_451] : memref<320000x128xf32, #tpu.memory_space<hbm>> -> memref<40x128xf32, #tpu.memory_space<hbm>>
    %dma_wait3A_453 = arith.constant 0 : i32
    %dma_wait3A_454 = tpu.memref_slice %arg3[%mul3A_356, %dma_wait3A_453] : memref<320000x128xf32, #tpu.memory_space<hbm>> -> memref<40x128xf32, #tpu.memory_space<hbm>>
    tpu.wait_dma2 semaphore(%arg31 : memref<!tpu.dma_semaphore, #tpu.memory_space<semaphore_mem>>) src(%dma_wait3A_454 : memref<40x128xf32, #tpu.memory_space<hbm>>) dst(%arg19 : memref<40x128xf32, #tpu.memory_space<vmem>>)
    %dma_wait3A_455 = tpu.memref_slice %arg2[%mul3A_356] : memref<320000xi32, #tpu.memory_space<hbm>> -> memref<40xi32, #tpu.memory_space<hbm>>
    %dma_wait3A_456 = tpu.memref_slice %arg2[%mul3A_356] : memref<320000xi32, #tpu.memory_space<hbm>> -> memref<40xi32, #tpu.memory_space<hbm>>
    tpu.wait_dma2 semaphore(%arg32 : memref<!tpu.dma_semaphore, #tpu.memory_space<semaphore_mem>>) src(%dma_wait3A_456 : memref<40xi32, #tpu.memory_space<hbm>>) dst(%arg12 : memref<40xi32, #tpu.memory_space<vmem>>)
    %dma_wait3A_457 = arith.constant 0 : i32
    %dma_wait3A_458 = tpu.memref_slice %arg3[%mul3A_356, %dma_wait3A_457] : memref<320000x128xf32, #tpu.memory_space<hbm>> -> memref<40x128xf32, #tpu.memory_space<hbm>>
    %dma_wait3A_459 = arith.constant 0 : i32
    %dma_wait3A_460 = tpu.memref_slice %arg3[%mul3A_356, %dma_wait3A_459] : memref<320000x128xf32, #tpu.memory_space<hbm>> -> memref<40x128xf32, #tpu.memory_space<hbm>>
    tpu.wait_dma2 semaphore(%arg32 : memref<!tpu.dma_semaphore, #tpu.memory_space<semaphore_mem>>) src(%dma_wait3A_460 : memref<40x128xf32, #tpu.memory_space<hbm>>) dst(%arg20 : memref<40x128xf32, #tpu.memory_space<vmem>>)
    %dma_wait3A_461 = tpu.memref_slice %arg2[%mul3A_356] : memref<320000xi32, #tpu.memory_space<hbm>> -> memref<40xi32, #tpu.memory_space<hbm>>
    %dma_wait3A_462 = tpu.memref_slice %arg2[%mul3A_356] : memref<320000xi32, #tpu.memory_space<hbm>> -> memref<40xi32, #tpu.memory_space<hbm>>
    tpu.wait_dma2 semaphore(%arg33 : memref<!tpu.dma_semaphore, #tpu.memory_space<semaphore_mem>>) src(%dma_wait3A_462 : memref<40xi32, #tpu.memory_space<hbm>>) dst(%arg13 : memref<40xi32, #tpu.memory_space<vmem>>)
    %dma_wait3A_463 = arith.constant 0 : i32
    %dma_wait3A_464 = tpu.memref_slice %arg3[%mul3A_356, %dma_wait3A_463] : memref<320000x128xf32, #tpu.memory_space<hbm>> -> memref<40x128xf32, #tpu.memory_space<hbm>>
    %dma_wait3A_465 = arith.constant 0 : i32
    %dma_wait3A_466 = tpu.memref_slice %arg3[%mul3A_356, %dma_wait3A_465] : memref<320000x128xf32, #tpu.memory_space<hbm>> -> memref<40x128xf32, #tpu.memory_space<hbm>>
    tpu.wait_dma2 semaphore(%arg33 : memref<!tpu.dma_semaphore, #tpu.memory_space<semaphore_mem>>) src(%dma_wait3A_466 : memref<40x128xf32, #tpu.memory_space<hbm>>) dst(%arg21 : memref<40x128xf32, #tpu.memory_space<vmem>>)
    %dma_wait3A_467 = tpu.memref_slice %arg2[%mul3A_356] : memref<320000xi32, #tpu.memory_space<hbm>> -> memref<40xi32, #tpu.memory_space<hbm>>
    %dma_wait3A_468 = tpu.memref_slice %arg2[%mul3A_356] : memref<320000xi32, #tpu.memory_space<hbm>> -> memref<40xi32, #tpu.memory_space<hbm>>
    tpu.wait_dma2 semaphore(%arg34 : memref<!tpu.dma_semaphore, #tpu.memory_space<semaphore_mem>>) src(%dma_wait3A_468 : memref<40xi32, #tpu.memory_space<hbm>>) dst(%arg14 : memref<40xi32, #tpu.memory_space<vmem>>)
    %dma_wait3A_469 = arith.constant 0 : i32
    %dma_wait3A_470 = tpu.memref_slice %arg3[%mul3A_356, %dma_wait3A_469] : memref<320000x128xf32, #tpu.memory_space<hbm>> -> memref<40x128xf32, #tpu.memory_space<hbm>>
    %dma_wait3A_471 = arith.constant 0 : i32
    %dma_wait3A_472 = tpu.memref_slice %arg3[%mul3A_356, %dma_wait3A_471] : memref<320000x128xf32, #tpu.memory_space<hbm>> -> memref<40x128xf32, #tpu.memory_space<hbm>>
    tpu.wait_dma2 semaphore(%arg34 : memref<!tpu.dma_semaphore, #tpu.memory_space<semaphore_mem>>) src(%dma_wait3A_472 : memref<40x128xf32, #tpu.memory_space<hbm>>) dst(%arg22 : memref<40x128xf32, #tpu.memory_space<vmem>>)
    %dma_wait3A_473 = tpu.memref_slice %arg2[%mul3A_356] : memref<320000xi32, #tpu.memory_space<hbm>> -> memref<40xi32, #tpu.memory_space<hbm>>
    %dma_wait3A_474 = tpu.memref_slice %arg2[%mul3A_356] : memref<320000xi32, #tpu.memory_space<hbm>> -> memref<40xi32, #tpu.memory_space<hbm>>
    tpu.wait_dma2 semaphore(%arg35 : memref<!tpu.dma_semaphore, #tpu.memory_space<semaphore_mem>>) src(%dma_wait3A_474 : memref<40xi32, #tpu.memory_space<hbm>>) dst(%arg15 : memref<40xi32, #tpu.memory_space<vmem>>)
    %dma_wait3A_475 = arith.constant 0 : i32
    %dma_wait3A_476 = tpu.memref_slice %arg3[%mul3A_356, %dma_wait3A_475] : memref<320000x128xf32, #tpu.memory_space<hbm>> -> memref<40x128xf32, #tpu.memory_space<hbm>>
    %dma_wait3A_477 = arith.constant 0 : i32
    %dma_wait3A_478 = tpu.memref_slice %arg3[%mul3A_356, %dma_wait3A_477] : memref<320000x128xf32, #tpu.memory_space<hbm>> -> memref<40x128xf32, #tpu.memory_space<hbm>>
    tpu.wait_dma2 semaphore(%arg35 : memref<!tpu.dma_semaphore, #tpu.memory_space<semaphore_mem>>) src(%dma_wait3A_478 : memref<40x128xf32, #tpu.memory_space<hbm>>) dst(%arg23 : memref<40x128xf32, #tpu.memory_space<vmem>>)
    %dma_wait3A_479 = tpu.memref_slice %arg2[%mul3A_356] : memref<320000xi32, #tpu.memory_space<hbm>> -> memref<40xi32, #tpu.memory_space<hbm>>
    %dma_wait3A_480 = tpu.memref_slice %arg2[%mul3A_356] : memref<320000xi32, #tpu.memory_space<hbm>> -> memref<40xi32, #tpu.memory_space<hbm>>
    tpu.wait_dma2 semaphore(%arg36 : memref<!tpu.dma_semaphore, #tpu.memory_space<semaphore_mem>>) src(%dma_wait3A_480 : memref<40xi32, #tpu.memory_space<hbm>>) dst(%arg16 : memref<40xi32, #tpu.memory_space<vmem>>)
    %dma_wait3A_481 = arith.constant 0 : i32
    %dma_wait3A_482 = tpu.memref_slice %arg3[%mul3A_356, %dma_wait3A_481] : memref<320000x128xf32, #tpu.memory_space<hbm>> -> memref<40x128xf32, #tpu.memory_space<hbm>>
    %dma_wait3A_483 = arith.constant 0 : i32
    %dma_wait3A_484 = tpu.memref_slice %arg3[%mul3A_356, %dma_wait3A_483] : memref<320000x128xf32, #tpu.memory_space<hbm>> -> memref<40x128xf32, #tpu.memory_space<hbm>>
    tpu.wait_dma2 semaphore(%arg36 : memref<!tpu.dma_semaphore, #tpu.memory_space<semaphore_mem>>) src(%dma_wait3A_484 : memref<40x128xf32, #tpu.memory_space<hbm>>) dst(%arg24 : memref<40x128xf32, #tpu.memory_space<vmem>>)
    %dma_wait3A_485 = arith.constant 0 : i32
    %dma_wait3A_486 = arith.constant 0 : i32
    %dma_wait3A_487 = tpu.memref_slice %arg27[%dma_wait3A_485, %dma_wait3A_486] : memref<10000x128xf32, #tpu.memory_space<vmem_shared>> -> memref<10000x128xf32, #tpu.memory_space<vmem_shared>>
    tpu.wait_indirect_dma semaphore(%arg37 : memref<!tpu.dma_semaphore, #tpu.memory_space<semaphore_mem>>) src(%arg17 : memref<40x128xf32, #tpu.memory_space<vmem>>) dst(%dma_wait3A_487 : memref<10000x128xf32, #tpu.memory_space<vmem_shared>>)
    %dma_wait3A_488 = arith.constant 0 : i32
    %dma_wait3A_489 = tpu.memref_slice %arg28[%dma_wait3A_488] : memref<10000xf32, #tpu.memory_space<vmem_shared>> -> memref<10000xf32, #tpu.memory_space<vmem_shared>>
    tpu.wait_indirect_dma semaphore(%arg37 : memref<!tpu.dma_semaphore, #tpu.memory_space<semaphore_mem>>) src(%arg25 : memref<40xf32, #tpu.memory_space<vmem>>) dst(%dma_wait3A_489 : memref<10000xf32, #tpu.memory_space<vmem_shared>>)
    %dma_wait3A_490 = arith.constant 0 : i32
    %dma_wait3A_491 = arith.constant 0 : i32
    %dma_wait3A_492 = tpu.memref_slice %arg27[%dma_wait3A_490, %dma_wait3A_491] : memref<10000x128xf32, #tpu.memory_space<vmem_shared>> -> memref<10000x128xf32, #tpu.memory_space<vmem_shared>>
    tpu.wait_indirect_dma semaphore(%arg38 : memref<!tpu.dma_semaphore, #tpu.memory_space<semaphore_mem>>) src(%arg18 : memref<40x128xf32, #tpu.memory_space<vmem>>) dst(%dma_wait3A_492 : memref<10000x128xf32, #tpu.memory_space<vmem_shared>>)
    %dma_wait3A_493 = arith.constant 0 : i32
    %dma_wait3A_494 = tpu.memref_slice %arg28[%dma_wait3A_493] : memref<10000xf32, #tpu.memory_space<vmem_shared>> -> memref<10000xf32, #tpu.memory_space<vmem_shared>>
    tpu.wait_indirect_dma semaphore(%arg38 : memref<!tpu.dma_semaphore, #tpu.memory_space<semaphore_mem>>) src(%arg25 : memref<40xf32, #tpu.memory_space<vmem>>) dst(%dma_wait3A_494 : memref<10000xf32, #tpu.memory_space<vmem_shared>>)
    %barrier3A_495 = arith.constant 0 : index
    tpu.barrier barrier_id(%barrier3A_495)
    %add3A_496 = arith.constant 0 : i32
    %add3A_497 = arith.addi %mul3A_2, %add3A_496 : i32
    "tpu.region"() ({
      %run_scoped3A = tpu.sem_alloc : memref<!tpu.dma_semaphore, #tpu.memory_space<semaphore_mem>>
      %dma_start3A_952 = arith.constant 0 : i32
      %dma_start3A_953 = arith.constant 0 : i32
      %dma_start3A_954 = tpu.memref_slice %arg17[%dma_start3A_952, %dma_start3A_953] : memref<40x128xf32, #tpu.memory_space<vmem>> -> memref<40x128xf32, #tpu.memory_space<vmem>>
      %dma_start3A_955 = arith.constant 0 : i32
      %dma_start3A_956 = tpu.memref_slice %arg27[%add3A_497, %dma_start3A_955] : memref<10000x128xf32, #tpu.memory_space<vmem_shared>> -> memref<40x128xf32, #tpu.memory_space<vmem_shared>>
      %dma_start3A_957 = arith.constant 0 : i32
      %dma_start3A_958 = arith.constant 0 : i32
      %dma_start3A_959 = tpu.memref_slice %arg17[%dma_start3A_957, %dma_start3A_958] : memref<40x128xf32, #tpu.memory_space<vmem>> -> memref<40x128xf32, #tpu.memory_space<vmem>>
      %dma_start3A_960 = arith.constant 0 : i32
      %dma_start3A_961 = tpu.memref_slice %arg27[%add3A_497, %dma_start3A_960] : memref<10000x128xf32, #tpu.memory_space<vmem_shared>> -> memref<40x128xf32, #tpu.memory_space<vmem_shared>>
      tpu.enqueue_dma source(%dma_start3A_961 : memref<40x128xf32, #tpu.memory_space<vmem_shared>>) target(%dma_start3A_959 : memref<40x128xf32, #tpu.memory_space<vmem>>) target_semaphore(%run_scoped3A : memref<!tpu.dma_semaphore, #tpu.memory_space<semaphore_mem>>)
      %dma_wait3A_962 = arith.constant 0 : i32
      %dma_wait3A_963 = arith.constant 0 : i32
      %dma_wait3A_964 = tpu.memref_slice %arg17[%dma_wait3A_962, %dma_wait3A_963] : memref<40x128xf32, #tpu.memory_space<vmem>> -> memref<40x128xf32, #tpu.memory_space<vmem>>
      %dma_wait3A_965 = arith.constant 0 : i32
      %dma_wait3A_966 = tpu.memref_slice %arg27[%add3A_497, %dma_wait3A_965] : memref<10000x128xf32, #tpu.memory_space<vmem_shared>> -> memref<40x128xf32, #tpu.memory_space<vmem_shared>>
      %dma_wait3A_967 = arith.constant 0 : i32
      %dma_wait3A_968 = arith.constant 0 : i32
      %dma_wait3A_969 = tpu.memref_slice %arg17[%dma_wait3A_967, %dma_wait3A_968] : memref<40x128xf32, #tpu.memory_space<vmem>> -> memref<40x128xf32, #tpu.memory_space<vmem>>
      %dma_wait3A_970 = arith.constant 0 : i32
      %dma_wait3A_971 = tpu.memref_slice %arg27[%add3A_497, %dma_wait3A_970] : memref<10000x128xf32, #tpu.memory_space<vmem_shared>> -> memref<40x128xf32, #tpu.memory_space<vmem_shared>>
      tpu.wait_dma2 semaphore(%run_scoped3A : memref<!tpu.dma_semaphore, #tpu.memory_space<semaphore_mem>>) src(%dma_wait3A_971 : memref<40x128xf32, #tpu.memory_space<vmem_shared>>) dst(%dma_wait3A_969 : memref<40x128xf32, #tpu.memory_space<vmem>>)
      tpu.yield
    }) : () -> ()
    %add3A_498 = arith.constant 0 : i32
    %add3A_499 = arith.addi %mul3A_2, %add3A_498 : i32
    %dma_start3A_500 = arith.constant 0 : i32
    %dma_start3A_501 = arith.constant 0 : i32
    %dma_start3A_502 = tpu.memref_slice %arg17[%dma_start3A_500, %dma_start3A_501] : memref<40x128xf32, #tpu.memory_space<vmem>> -> memref<40x128xf32, #tpu.memory_space<vmem>>
    %dma_start3A_503 = arith.constant 0 : i32
    %dma_start3A_504 = tpu.memref_slice %arg7[%arg0, %add3A_499, %dma_start3A_503] : memref<2x10000x128xf32, #tpu.memory_space<hbm>> -> memref<1x40x128xf32, #tpu.memory_space<hbm>>
    %dma_start3A_505 = tpu.memref_squeeze %dma_start3A_504 : memref<1x40x128xf32, #tpu.memory_space<hbm>> -> memref<40x128xf32, #tpu.memory_space<hbm>>
    %dma_start3A_506 = arith.constant 0 : i32
    %dma_start3A_507 = tpu.memref_slice %arg7[%arg0, %add3A_499, %dma_start3A_506] : memref<2x10000x128xf32, #tpu.memory_space<hbm>> -> memref<1x40x128xf32, #tpu.memory_space<hbm>>
    %dma_start3A_508 = tpu.memref_squeeze %dma_start3A_507 : memref<1x40x128xf32, #tpu.memory_space<hbm>> -> memref<40x128xf32, #tpu.memory_space<hbm>>
    %dma_start3A_509 = arith.constant 0 : i32
    %dma_start3A_510 = arith.constant 0 : i32
    %dma_start3A_511 = tpu.memref_slice %arg17[%dma_start3A_509, %dma_start3A_510] : memref<40x128xf32, #tpu.memory_space<vmem>> -> memref<40x128xf32, #tpu.memory_space<vmem>>
    tpu.enqueue_dma source(%dma_start3A_511 : memref<40x128xf32, #tpu.memory_space<vmem>>) target(%dma_start3A_508 : memref<40x128xf32, #tpu.memory_space<hbm>>) target_semaphore(%arg37 : memref<!tpu.dma_semaphore, #tpu.memory_space<semaphore_mem>>)
    %add3A_512 = arith.constant 40 : i32
    %add3A_513 = arith.addi %mul3A_2, %add3A_512 : i32
    "tpu.region"() ({
      %run_scoped3A = tpu.sem_alloc : memref<!tpu.dma_semaphore, #tpu.memory_space<semaphore_mem>>
      %dma_start3A_952 = arith.constant 0 : i32
      %dma_start3A_953 = arith.constant 0 : i32
      %dma_start3A_954 = tpu.memref_slice %arg18[%dma_start3A_952, %dma_start3A_953] : memref<40x128xf32, #tpu.memory_space<vmem>> -> memref<40x128xf32, #tpu.memory_space<vmem>>
      %dma_start3A_955 = arith.constant 0 : i32
      %dma_start3A_956 = tpu.memref_slice %arg27[%add3A_513, %dma_start3A_955] : memref<10000x128xf32, #tpu.memory_space<vmem_shared>> -> memref<40x128xf32, #tpu.memory_space<vmem_shared>>
      %dma_start3A_957 = arith.constant 0 : i32
      %dma_start3A_958 = arith.constant 0 : i32
      %dma_start3A_959 = tpu.memref_slice %arg18[%dma_start3A_957, %dma_start3A_958] : memref<40x128xf32, #tpu.memory_space<vmem>> -> memref<40x128xf32, #tpu.memory_space<vmem>>
      %dma_start3A_960 = arith.constant 0 : i32
      %dma_start3A_961 = tpu.memref_slice %arg27[%add3A_513, %dma_start3A_960] : memref<10000x128xf32, #tpu.memory_space<vmem_shared>> -> memref<40x128xf32, #tpu.memory_space<vmem_shared>>
      tpu.enqueue_dma source(%dma_start3A_961 : memref<40x128xf32, #tpu.memory_space<vmem_shared>>) target(%dma_start3A_959 : memref<40x128xf32, #tpu.memory_space<vmem>>) target_semaphore(%run_scoped3A : memref<!tpu.dma_semaphore, #tpu.memory_space<semaphore_mem>>)
      %dma_wait3A_962 = arith.constant 0 : i32
      %dma_wait3A_963 = arith.constant 0 : i32
      %dma_wait3A_964 = tpu.memref_slice %arg18[%dma_wait3A_962, %dma_wait3A_963] : memref<40x128xf32, #tpu.memory_space<vmem>> -> memref<40x128xf32, #tpu.memory_space<vmem>>
      %dma_wait3A_965 = arith.constant 0 : i32
      %dma_wait3A_966 = tpu.memref_slice %arg27[%add3A_513, %dma_wait3A_965] : memref<10000x128xf32, #tpu.memory_space<vmem_shared>> -> memref<40x128xf32, #tpu.memory_space<vmem_shared>>
      %dma_wait3A_967 = arith.constant 0 : i32
      %dma_wait3A_968 = arith.constant 0 : i32
      %dma_wait3A_969 = tpu.memref_slice %arg18[%dma_wait3A_967, %dma_wait3A_968] : memref<40x128xf32, #tpu.memory_space<vmem>> -> memref<40x128xf32, #tpu.memory_space<vmem>>
      %dma_wait3A_970 = arith.constant 0 : i32
      %dma_wait3A_971 = tpu.memref_slice %arg27[%add3A_513, %dma_wait3A_970] : memref<10000x128xf32, #tpu.memory_space<vmem_shared>> -> memref<40x128xf32, #tpu.memory_space<vmem_shared>>
      tpu.wait_dma2 semaphore(%run_scoped3A : memref<!tpu.dma_semaphore, #tpu.memory_space<semaphore_mem>>) src(%dma_wait3A_971 : memref<40x128xf32, #tpu.memory_space<vmem_shared>>) dst(%dma_wait3A_969 : memref<40x128xf32, #tpu.memory_space<vmem>>)
      tpu.yield
    }) : () -> ()
    %add3A_514 = arith.constant 40 : i32
    %add3A_515 = arith.addi %mul3A_2, %add3A_514 : i32
    %dma_start3A_516 = arith.constant 0 : i32
    %dma_start3A_517 = arith.constant 0 : i32
    %dma_start3A_518 = tpu.memref_slice %arg18[%dma_start3A_516, %dma_start3A_517] : memref<40x128xf32, #tpu.memory_space<vmem>> -> memref<40x128xf32, #tpu.memory_space<vmem>>
    %dma_start3A_519 = arith.constant 0 : i32
    %dma_start3A_520 = tpu.memref_slice %arg7[%arg0, %add3A_515, %dma_start3A_519] : memref<2x10000x128xf32, #tpu.memory_space<hbm>> -> memref<1x40x128xf32, #tpu.memory_space<hbm>>
    %dma_start3A_521 = tpu.memref_squeeze %dma_start3A_520 : memref<1x40x128xf32, #tpu.memory_space<hbm>> -> memref<40x128xf32, #tpu.memory_space<hbm>>
    %dma_start3A_522 = arith.constant 0 : i32
    %dma_start3A_523 = tpu.memref_slice %arg7[%arg0, %add3A_515, %dma_start3A_522] : memref<2x10000x128xf32, #tpu.memory_space<hbm>> -> memref<1x40x128xf32, #tpu.memory_space<hbm>>
    %dma_start3A_524 = tpu.memref_squeeze %dma_start3A_523 : memref<1x40x128xf32, #tpu.memory_space<hbm>> -> memref<40x128xf32, #tpu.memory_space<hbm>>
    %dma_start3A_525 = arith.constant 0 : i32
    %dma_start3A_526 = arith.constant 0 : i32
    %dma_start3A_527 = tpu.memref_slice %arg18[%dma_start3A_525, %dma_start3A_526] : memref<40x128xf32, #tpu.memory_space<vmem>> -> memref<40x128xf32, #tpu.memory_space<vmem>>
    tpu.enqueue_dma source(%dma_start3A_527 : memref<40x128xf32, #tpu.memory_space<vmem>>) target(%dma_start3A_524 : memref<40x128xf32, #tpu.memory_space<hbm>>) target_semaphore(%arg38 : memref<!tpu.dma_semaphore, #tpu.memory_space<semaphore_mem>>)
    %dma_wait3A_528 = arith.constant 0 : i32
    %dma_wait3A_529 = arith.constant 0 : i32
    %dma_wait3A_530 = tpu.memref_slice %arg17[%dma_wait3A_528, %dma_wait3A_529] : memref<40x128xf32, #tpu.memory_space<vmem>> -> memref<40x128xf32, #tpu.memory_space<vmem>>
    %dma_wait3A_531 = arith.constant 0 : i32
    %dma_wait3A_532 = tpu.memref_slice %arg7[%arg0, %add3A_499, %dma_wait3A_531] : memref<2x10000x128xf32, #tpu.memory_space<hbm>> -> memref<1x40x128xf32, #tpu.memory_space<hbm>>
    %dma_wait3A_533 = tpu.memref_squeeze %dma_wait3A_532 : memref<1x40x128xf32, #tpu.memory_space<hbm>> -> memref<40x128xf32, #tpu.memory_space<hbm>>
    %dma_wait3A_534 = arith.constant 0 : i32
    %dma_wait3A_535 = tpu.memref_slice %arg7[%arg0, %add3A_499, %dma_wait3A_534] : memref<2x10000x128xf32, #tpu.memory_space<hbm>> -> memref<1x40x128xf32, #tpu.memory_space<hbm>>
    %dma_wait3A_536 = tpu.memref_squeeze %dma_wait3A_535 : memref<1x40x128xf32, #tpu.memory_space<hbm>> -> memref<40x128xf32, #tpu.memory_space<hbm>>
    %dma_wait3A_537 = arith.constant 0 : i32
    %dma_wait3A_538 = arith.constant 0 : i32
    %dma_wait3A_539 = tpu.memref_slice %arg17[%dma_wait3A_537, %dma_wait3A_538] : memref<40x128xf32, #tpu.memory_space<vmem>> -> memref<40x128xf32, #tpu.memory_space<vmem>>
    tpu.wait_dma2 semaphore(%arg37 : memref<!tpu.dma_semaphore, #tpu.memory_space<semaphore_mem>>) src(%dma_wait3A_539 : memref<40x128xf32, #tpu.memory_space<vmem>>) dst(%dma_wait3A_536 : memref<40x128xf32, #tpu.memory_space<hbm>>)
    %add3A_540 = arith.constant 80 : i32
    %add3A_541 = arith.addi %mul3A_2, %add3A_540 : i32
    "tpu.region"() ({
      %run_scoped3A = tpu.sem_alloc : memref<!tpu.dma_semaphore, #tpu.memory_space<semaphore_mem>>
      %dma_start3A_952 = arith.constant 0 : i32
      %dma_start3A_953 = arith.constant 0 : i32
      %dma_start3A_954 = tpu.memref_slice %arg17[%dma_start3A_952, %dma_start3A_953] : memref<40x128xf32, #tpu.memory_space<vmem>> -> memref<40x128xf32, #tpu.memory_space<vmem>>
      %dma_start3A_955 = arith.constant 0 : i32
      %dma_start3A_956 = tpu.memref_slice %arg27[%add3A_541, %dma_start3A_955] : memref<10000x128xf32, #tpu.memory_space<vmem_shared>> -> memref<40x128xf32, #tpu.memory_space<vmem_shared>>
      %dma_start3A_957 = arith.constant 0 : i32
      %dma_start3A_958 = arith.constant 0 : i32
      %dma_start3A_959 = tpu.memref_slice %arg17[%dma_start3A_957, %dma_start3A_958] : memref<40x128xf32, #tpu.memory_space<vmem>> -> memref<40x128xf32, #tpu.memory_space<vmem>>
      %dma_start3A_960 = arith.constant 0 : i32
      %dma_start3A_961 = tpu.memref_slice %arg27[%add3A_541, %dma_start3A_960] : memref<10000x128xf32, #tpu.memory_space<vmem_shared>> -> memref<40x128xf32, #tpu.memory_space<vmem_shared>>
      tpu.enqueue_dma source(%dma_start3A_961 : memref<40x128xf32, #tpu.memory_space<vmem_shared>>) target(%dma_start3A_959 : memref<40x128xf32, #tpu.memory_space<vmem>>) target_semaphore(%run_scoped3A : memref<!tpu.dma_semaphore, #tpu.memory_space<semaphore_mem>>)
      %dma_wait3A_962 = arith.constant 0 : i32
      %dma_wait3A_963 = arith.constant 0 : i32
      %dma_wait3A_964 = tpu.memref_slice %arg17[%dma_wait3A_962, %dma_wait3A_963] : memref<40x128xf32, #tpu.memory_space<vmem>> -> memref<40x128xf32, #tpu.memory_space<vmem>>
      %dma_wait3A_965 = arith.constant 0 : i32
      %dma_wait3A_966 = tpu.memref_slice %arg27[%add3A_541, %dma_wait3A_965] : memref<10000x128xf32, #tpu.memory_space<vmem_shared>> -> memref<40x128xf32, #tpu.memory_space<vmem_shared>>
      %dma_wait3A_967 = arith.constant 0 : i32
      %dma_wait3A_968 = arith.constant 0 : i32
      %dma_wait3A_969 = tpu.memref_slice %arg17[%dma_wait3A_967, %dma_wait3A_968] : memref<40x128xf32, #tpu.memory_space<vmem>> -> memref<40x128xf32, #tpu.memory_space<vmem>>
      %dma_wait3A_970 = arith.constant 0 : i32
      %dma_wait3A_971 = tpu.memref_slice %arg27[%add3A_541, %dma_wait3A_970] : memref<10000x128xf32, #tpu.memory_space<vmem_shared>> -> memref<40x128xf32, #tpu.memory_space<vmem_shared>>
      tpu.wait_dma2 semaphore(%run_scoped3A : memref<!tpu.dma_semaphore, #tpu.memory_space<semaphore_mem>>) src(%dma_wait3A_971 : memref<40x128xf32, #tpu.memory_space<vmem_shared>>) dst(%dma_wait3A_969 : memref<40x128xf32, #tpu.memory_space<vmem>>)
      tpu.yield
    }) : () -> ()
    %add3A_542 = arith.constant 80 : i32
    %add3A_543 = arith.addi %mul3A_2, %add3A_542 : i32
    %dma_start3A_544 = arith.constant 0 : i32
    %dma_start3A_545 = arith.constant 0 : i32
    %dma_start3A_546 = tpu.memref_slice %arg17[%dma_start3A_544, %dma_start3A_545] : memref<40x128xf32, #tpu.memory_space<vmem>> -> memref<40x128xf32, #tpu.memory_space<vmem>>
    %dma_start3A_547 = arith.constant 0 : i32
    %dma_start3A_548 = tpu.memref_slice %arg7[%arg0, %add3A_543, %dma_start3A_547] : memref<2x10000x128xf32, #tpu.memory_space<hbm>> -> memref<1x40x128xf32, #tpu.memory_space<hbm>>
    %dma_start3A_549 = tpu.memref_squeeze %dma_start3A_548 : memref<1x40x128xf32, #tpu.memory_space<hbm>> -> memref<40x128xf32, #tpu.memory_space<hbm>>
    %dma_start3A_550 = arith.constant 0 : i32
    %dma_start3A_551 = tpu.memref_slice %arg7[%arg0, %add3A_543, %dma_start3A_550] : memref<2x10000x128xf32, #tpu.memory_space<hbm>> -> memref<1x40x128xf32, #tpu.memory_space<hbm>>
    %dma_start3A_552 = tpu.memref_squeeze %dma_start3A_551 : memref<1x40x128xf32, #tpu.memory_space<hbm>> -> memref<40x128xf32, #tpu.memory_space<hbm>>
    %dma_start3A_553 = arith.constant 0 : i32
    %dma_start3A_554 = arith.constant 0 : i32
    %dma_start3A_555 = tpu.memref_slice %arg17[%dma_start3A_553, %dma_start3A_554] : memref<40x128xf32, #tpu.memory_space<vmem>> -> memref<40x128xf32, #tpu.memory_space<vmem>>
    tpu.enqueue_dma source(%dma_start3A_555 : memref<40x128xf32, #tpu.memory_space<vmem>>) target(%dma_start3A_552 : memref<40x128xf32, #tpu.memory_space<hbm>>) target_semaphore(%arg37 : memref<!tpu.dma_semaphore, #tpu.memory_space<semaphore_mem>>)
    %dma_wait3A_556 = arith.constant 0 : i32
    %dma_wait3A_557 = arith.constant 0 : i32
    %dma_wait3A_558 = tpu.memref_slice %arg18[%dma_wait3A_556, %dma_wait3A_557] : memref<40x128xf32, #tpu.memory_space<vmem>> -> memref<40x128xf32, #tpu.memory_space<vmem>>
    %dma_wait3A_559 = arith.constant 0 : i32
    %dma_wait3A_560 = tpu.memref_slice %arg7[%arg0, %add3A_515, %dma_wait3A_559] : memref<2x10000x128xf32, #tpu.memory_space<hbm>> -> memref<1x40x128xf32, #tpu.memory_space<hbm>>
    %dma_wait3A_561 = tpu.memref_squeeze %dma_wait3A_560 : memref<1x40x128xf32, #tpu.memory_space<hbm>> -> memref<40x128xf32, #tpu.memory_space<hbm>>
    %dma_wait3A_562 = arith.constant 0 : i32
    %dma_wait3A_563 = tpu.memref_slice %arg7[%arg0, %add3A_515, %dma_wait3A_562] : memref<2x10000x128xf32, #tpu.memory_space<hbm>> -> memref<1x40x128xf32, #tpu.memory_space<hbm>>
    %dma_wait3A_564 = tpu.memref_squeeze %dma_wait3A_563 : memref<1x40x128xf32, #tpu.memory_space<hbm>> -> memref<40x128xf32, #tpu.memory_space<hbm>>
    %dma_wait3A_565 = arith.constant 0 : i32
    %dma_wait3A_566 = arith.constant 0 : i32
    %dma_wait3A_567 = tpu.memref_slice %arg18[%dma_wait3A_565, %dma_wait3A_566] : memref<40x128xf32, #tpu.memory_space<vmem>> -> memref<40x128xf32, #tpu.memory_space<vmem>>
    tpu.wait_dma2 semaphore(%arg38 : memref<!tpu.dma_semaphore, #tpu.memory_space<semaphore_mem>>) src(%dma_wait3A_567 : memref<40x128xf32, #tpu.memory_space<vmem>>) dst(%dma_wait3A_564 : memref<40x128xf32, #tpu.memory_space<hbm>>)
    %add3A_568 = arith.constant 120 : i32
    %add3A_569 = arith.addi %mul3A_2, %add3A_568 : i32
    "tpu.region"() ({
      %run_scoped3A = tpu.sem_alloc : memref<!tpu.dma_semaphore, #tpu.memory_space<semaphore_mem>>
      %dma_start3A_952 = arith.constant 0 : i32
      %dma_start3A_953 = arith.constant 0 : i32
      %dma_start3A_954 = tpu.memref_slice %arg18[%dma_start3A_952, %dma_start3A_953] : memref<40x128xf32, #tpu.memory_space<vmem>> -> memref<40x128xf32, #tpu.memory_space<vmem>>
      %dma_start3A_955 = arith.constant 0 : i32
      %dma_start3A_956 = tpu.memref_slice %arg27[%add3A_569, %dma_start3A_955] : memref<10000x128xf32, #tpu.memory_space<vmem_shared>> -> memref<40x128xf32, #tpu.memory_space<vmem_shared>>
      %dma_start3A_957 = arith.constant 0 : i32
      %dma_start3A_958 = arith.constant 0 : i32
      %dma_start3A_959 = tpu.memref_slice %arg18[%dma_start3A_957, %dma_start3A_958] : memref<40x128xf32, #tpu.memory_space<vmem>> -> memref<40x128xf32, #tpu.memory_space<vmem>>
      %dma_start3A_960 = arith.constant 0 : i32
      %dma_start3A_961 = tpu.memref_slice %arg27[%add3A_569, %dma_start3A_960] : memref<10000x128xf32, #tpu.memory_space<vmem_shared>> -> memref<40x128xf32, #tpu.memory_space<vmem_shared>>
      tpu.enqueue_dma source(%dma_start3A_961 : memref<40x128xf32, #tpu.memory_space<vmem_shared>>) target(%dma_start3A_959 : memref<40x128xf32, #tpu.memory_space<vmem>>) target_semaphore(%run_scoped3A : memref<!tpu.dma_semaphore, #tpu.memory_space<semaphore_mem>>)
      %dma_wait3A_962 = arith.constant 0 : i32
      %dma_wait3A_963 = arith.constant 0 : i32
      %dma_wait3A_964 = tpu.memref_slice %arg18[%dma_wait3A_962, %dma_wait3A_963] : memref<40x128xf32, #tpu.memory_space<vmem>> -> memref<40x128xf32, #tpu.memory_space<vmem>>
      %dma_wait3A_965 = arith.constant 0 : i32
      %dma_wait3A_966 = tpu.memref_slice %arg27[%add3A_569, %dma_wait3A_965] : memref<10000x128xf32, #tpu.memory_space<vmem_shared>> -> memref<40x128xf32, #tpu.memory_space<vmem_shared>>
      %dma_wait3A_967 = arith.constant 0 : i32
      %dma_wait3A_968 = arith.constant 0 : i32
      %dma_wait3A_969 = tpu.memref_slice %arg18[%dma_wait3A_967, %dma_wait3A_968] : memref<40x128xf32, #tpu.memory_space<vmem>> -> memref<40x128xf32, #tpu.memory_space<vmem>>
      %dma_wait3A_970 = arith.constant 0 : i32
      %dma_wait3A_971 = tpu.memref_slice %arg27[%add3A_569, %dma_wait3A_970] : memref<10000x128xf32, #tpu.memory_space<vmem_shared>> -> memref<40x128xf32, #tpu.memory_space<vmem_shared>>
      tpu.wait_dma2 semaphore(%run_scoped3A : memref<!tpu.dma_semaphore, #tpu.memory_space<semaphore_mem>>) src(%dma_wait3A_971 : memref<40x128xf32, #tpu.memory_space<vmem_shared>>) dst(%dma_wait3A_969 : memref<40x128xf32, #tpu.memory_space<vmem>>)
      tpu.yield
    }) : () -> ()
    %add3A_570 = arith.constant 120 : i32
    %add3A_571 = arith.addi %mul3A_2, %add3A_570 : i32
    %dma_start3A_572 = arith.constant 0 : i32
    %dma_start3A_573 = arith.constant 0 : i32
    %dma_start3A_574 = tpu.memref_slice %arg18[%dma_start3A_572, %dma_start3A_573] : memref<40x128xf32, #tpu.memory_space<vmem>> -> memref<40x128xf32, #tpu.memory_space<vmem>>
    %dma_start3A_575 = arith.constant 0 : i32
    %dma_start3A_576 = tpu.memref_slice %arg7[%arg0, %add3A_571, %dma_start3A_575] : memref<2x10000x128xf32, #tpu.memory_space<hbm>> -> memref<1x40x128xf32, #tpu.memory_space<hbm>>
    %dma_start3A_577 = tpu.memref_squeeze %dma_start3A_576 : memref<1x40x128xf32, #tpu.memory_space<hbm>> -> memref<40x128xf32, #tpu.memory_space<hbm>>
    %dma_start3A_578 = arith.constant 0 : i32
    %dma_start3A_579 = tpu.memref_slice %arg7[%arg0, %add3A_571, %dma_start3A_578] : memref<2x10000x128xf32, #tpu.memory_space<hbm>> -> memref<1x40x128xf32, #tpu.memory_space<hbm>>
    %dma_start3A_580 = tpu.memref_squeeze %dma_start3A_579 : memref<1x40x128xf32, #tpu.memory_space<hbm>> -> memref<40x128xf32, #tpu.memory_space<hbm>>
    %dma_start3A_581 = arith.constant 0 : i32
    %dma_start3A_582 = arith.constant 0 : i32
    %dma_start3A_583 = tpu.memref_slice %arg18[%dma_start3A_581, %dma_start3A_582] : memref<40x128xf32, #tpu.memory_space<vmem>> -> memref<40x128xf32, #tpu.memory_space<vmem>>
    tpu.enqueue_dma source(%dma_start3A_583 : memref<40x128xf32, #tpu.memory_space<vmem>>) target(%dma_start3A_580 : memref<40x128xf32, #tpu.memory_space<hbm>>) target_semaphore(%arg38 : memref<!tpu.dma_semaphore, #tpu.memory_space<semaphore_mem>>)
    %dma_wait3A_584 = arith.constant 0 : i32
    %dma_wait3A_585 = arith.constant 0 : i32
    %dma_wait3A_586 = tpu.memref_slice %arg17[%dma_wait3A_584, %dma_wait3A_585] : memref<40x128xf32, #tpu.memory_space<vmem>> -> memref<40x128xf32, #tpu.memory_space<vmem>>
    %dma_wait3A_587 = arith.constant 0 : i32
    %dma_wait3A_588 = tpu.memref_slice %arg7[%arg0, %add3A_543, %dma_wait3A_587] : memref<2x10000x128xf32, #tpu.memory_space<hbm>> -> memref<1x40x128xf32, #tpu.memory_space<hbm>>
    %dma_wait3A_589 = tpu.memref_squeeze %dma_wait3A_588 : memref<1x40x128xf32, #tpu.memory_space<hbm>> -> memref<40x128xf32, #tpu.memory_space<hbm>>
    %dma_wait3A_590 = arith.constant 0 : i32
    %dma_wait3A_591 = tpu.memref_slice %arg7[%arg0, %add3A_543, %dma_wait3A_590] : memref<2x10000x128xf32, #tpu.memory_space<hbm>> -> memref<1x40x128xf32, #tpu.memory_space<hbm>>
    %dma_wait3A_592 = tpu.memref_squeeze %dma_wait3A_591 : memref<1x40x128xf32, #tpu.memory_space<hbm>> -> memref<40x128xf32, #tpu.memory_space<hbm>>
    %dma_wait3A_593 = arith.constant 0 : i32
    %dma_wait3A_594 = arith.constant 0 : i32
    %dma_wait3A_595 = tpu.memref_slice %arg17[%dma_wait3A_593, %dma_wait3A_594] : memref<40x128xf32, #tpu.memory_space<vmem>> -> memref<40x128xf32, #tpu.memory_space<vmem>>
    tpu.wait_dma2 semaphore(%arg37 : memref<!tpu.dma_semaphore, #tpu.memory_space<semaphore_mem>>) src(%dma_wait3A_595 : memref<40x128xf32, #tpu.memory_space<vmem>>) dst(%dma_wait3A_592 : memref<40x128xf32, #tpu.memory_space<hbm>>)
    %add3A_596 = arith.constant 160 : i32
    %add3A_597 = arith.addi %mul3A_2, %add3A_596 : i32
    "tpu.region"() ({
      %run_scoped3A = tpu.sem_alloc : memref<!tpu.dma_semaphore, #tpu.memory_space<semaphore_mem>>
      %dma_start3A_952 = arith.constant 0 : i32
      %dma_start3A_953 = arith.constant 0 : i32
      %dma_start3A_954 = tpu.memref_slice %arg17[%dma_start3A_952, %dma_start3A_953] : memref<40x128xf32, #tpu.memory_space<vmem>> -> memref<40x128xf32, #tpu.memory_space<vmem>>
      %dma_start3A_955 = arith.constant 0 : i32
      %dma_start3A_956 = tpu.memref_slice %arg27[%add3A_597, %dma_start3A_955] : memref<10000x128xf32, #tpu.memory_space<vmem_shared>> -> memref<40x128xf32, #tpu.memory_space<vmem_shared>>
      %dma_start3A_957 = arith.constant 0 : i32
      %dma_start3A_958 = arith.constant 0 : i32
      %dma_start3A_959 = tpu.memref_slice %arg17[%dma_start3A_957, %dma_start3A_958] : memref<40x128xf32, #tpu.memory_space<vmem>> -> memref<40x128xf32, #tpu.memory_space<vmem>>
      %dma_start3A_960 = arith.constant 0 : i32
      %dma_start3A_961 = tpu.memref_slice %arg27[%add3A_597, %dma_start3A_960] : memref<10000x128xf32, #tpu.memory_space<vmem_shared>> -> memref<40x128xf32, #tpu.memory_space<vmem_shared>>
      tpu.enqueue_dma source(%dma_start3A_961 : memref<40x128xf32, #tpu.memory_space<vmem_shared>>) target(%dma_start3A_959 : memref<40x128xf32, #tpu.memory_space<vmem>>) target_semaphore(%run_scoped3A : memref<!tpu.dma_semaphore, #tpu.memory_space<semaphore_mem>>)
      %dma_wait3A_962 = arith.constant 0 : i32
      %dma_wait3A_963 = arith.constant 0 : i32
      %dma_wait3A_964 = tpu.memref_slice %arg17[%dma_wait3A_962, %dma_wait3A_963] : memref<40x128xf32, #tpu.memory_space<vmem>> -> memref<40x128xf32, #tpu.memory_space<vmem>>
      %dma_wait3A_965 = arith.constant 0 : i32
      %dma_wait3A_966 = tpu.memref_slice %arg27[%add3A_597, %dma_wait3A_965] : memref<10000x128xf32, #tpu.memory_space<vmem_shared>> -> memref<40x128xf32, #tpu.memory_space<vmem_shared>>
      %dma_wait3A_967 = arith.constant 0 : i32
      %dma_wait3A_968 = arith.constant 0 : i32
      %dma_wait3A_969 = tpu.memref_slice %arg17[%dma_wait3A_967, %dma_wait3A_968] : memref<40x128xf32, #tpu.memory_space<vmem>> -> memref<40x128xf32, #tpu.memory_space<vmem>>
      %dma_wait3A_970 = arith.constant 0 : i32
      %dma_wait3A_971 = tpu.memref_slice %arg27[%add3A_597, %dma_wait3A_970] : memref<10000x128xf32, #tpu.memory_space<vmem_shared>> -> memref<40x128xf32, #tpu.memory_space<vmem_shared>>
      tpu.wait_dma2 semaphore(%run_scoped3A : memref<!tpu.dma_semaphore, #tpu.memory_space<semaphore_mem>>) src(%dma_wait3A_971 : memref<40x128xf32, #tpu.memory_space<vmem_shared>>) dst(%dma_wait3A_969 : memref<40x128xf32, #tpu.memory_space<vmem>>)
      tpu.yield
    }) : () -> ()
    %add3A_598 = arith.constant 160 : i32
    %add3A_599 = arith.addi %mul3A_2, %add3A_598 : i32
    %dma_start3A_600 = arith.constant 0 : i32
    %dma_start3A_601 = arith.constant 0 : i32
    %dma_start3A_602 = tpu.memref_slice %arg17[%dma_start3A_600, %dma_start3A_601] : memref<40x128xf32, #tpu.memory_space<vmem>> -> memref<40x128xf32, #tpu.memory_space<vmem>>
    %dma_start3A_603 = arith.constant 0 : i32
    %dma_start3A_604 = tpu.memref_slice %arg7[%arg0, %add3A_599, %dma_start3A_603] : memref<2x10000x128xf32, #tpu.memory_space<hbm>> -> memref<1x40x128xf32, #tpu.memory_space<hbm>>
    %dma_start3A_605 = tpu.memref_squeeze %dma_start3A_604 : memref<1x40x128xf32, #tpu.memory_space<hbm>> -> memref<40x128xf32, #tpu.memory_space<hbm>>
    %dma_start3A_606 = arith.constant 0 : i32
    %dma_start3A_607 = tpu.memref_slice %arg7[%arg0, %add3A_599, %dma_start3A_606] : memref<2x10000x128xf32, #tpu.memory_space<hbm>> -> memref<1x40x128xf32, #tpu.memory_space<hbm>>
    %dma_start3A_608 = tpu.memref_squeeze %dma_start3A_607 : memref<1x40x128xf32, #tpu.memory_space<hbm>> -> memref<40x128xf32, #tpu.memory_space<hbm>>
    %dma_start3A_609 = arith.constant 0 : i32
    %dma_start3A_610 = arith.constant 0 : i32
    %dma_start3A_611 = tpu.memref_slice %arg17[%dma_start3A_609, %dma_start3A_610] : memref<40x128xf32, #tpu.memory_space<vmem>> -> memref<40x128xf32, #tpu.memory_space<vmem>>
    tpu.enqueue_dma source(%dma_start3A_611 : memref<40x128xf32, #tpu.memory_space<vmem>>) target(%dma_start3A_608 : memref<40x128xf32, #tpu.memory_space<hbm>>) target_semaphore(%arg37 : memref<!tpu.dma_semaphore, #tpu.memory_space<semaphore_mem>>)
    %dma_wait3A_612 = arith.constant 0 : i32
    %dma_wait3A_613 = arith.constant 0 : i32
    %dma_wait3A_614 = tpu.memref_slice %arg18[%dma_wait3A_612, %dma_wait3A_613] : memref<40x128xf32, #tpu.memory_space<vmem>> -> memref<40x128xf32, #tpu.memory_space<vmem>>
    %dma_wait3A_615 = arith.constant 0 : i32
    %dma_wait3A_616 = tpu.memref_slice %arg7[%arg0, %add3A_571, %dma_wait3A_615] : memref<2x10000x128xf32, #tpu.memory_space<hbm>> -> memref<1x40x128xf32, #tpu.memory_space<hbm>>
    %dma_wait3A_617 = tpu.memref_squeeze %dma_wait3A_616 : memref<1x40x128xf32, #tpu.memory_space<hbm>> -> memref<40x128xf32, #tpu.memory_space<hbm>>
    %dma_wait3A_618 = arith.constant 0 : i32
    %dma_wait3A_619 = tpu.memref_slice %arg7[%arg0, %add3A_571, %dma_wait3A_618] : memref<2x10000x128xf32, #tpu.memory_space<hbm>> -> memref<1x40x128xf32, #tpu.memory_space<hbm>>
    %dma_wait3A_620 = tpu.memref_squeeze %dma_wait3A_619 : memref<1x40x128xf32, #tpu.memory_space<hbm>> -> memref<40x128xf32, #tpu.memory_space<hbm>>
    %dma_wait3A_621 = arith.constant 0 : i32
    %dma_wait3A_622 = arith.constant 0 : i32
    %dma_wait3A_623 = tpu.memref_slice %arg18[%dma_wait3A_621, %dma_wait3A_622] : memref<40x128xf32, #tpu.memory_space<vmem>> -> memref<40x128xf32, #tpu.memory_space<vmem>>
    tpu.wait_dma2 semaphore(%arg38 : memref<!tpu.dma_semaphore, #tpu.memory_space<semaphore_mem>>) src(%dma_wait3A_623 : memref<40x128xf32, #tpu.memory_space<vmem>>) dst(%dma_wait3A_620 : memref<40x128xf32, #tpu.memory_space<hbm>>)
    %add3A_624 = arith.constant 200 : i32
    %add3A_625 = arith.addi %mul3A_2, %add3A_624 : i32
    "tpu.region"() ({
      %run_scoped3A = tpu.sem_alloc : memref<!tpu.dma_semaphore, #tpu.memory_space<semaphore_mem>>
      %dma_start3A_952 = arith.constant 0 : i32
      %dma_start3A_953 = arith.constant 0 : i32
      %dma_start3A_954 = tpu.memref_slice %arg18[%dma_start3A_952, %dma_start3A_953] : memref<40x128xf32, #tpu.memory_space<vmem>> -> memref<40x128xf32, #tpu.memory_space<vmem>>
      %dma_start3A_955 = arith.constant 0 : i32
      %dma_start3A_956 = tpu.memref_slice %arg27[%add3A_625, %dma_start3A_955] : memref<10000x128xf32, #tpu.memory_space<vmem_shared>> -> memref<40x128xf32, #tpu.memory_space<vmem_shared>>
      %dma_start3A_957 = arith.constant 0 : i32
      %dma_start3A_958 = arith.constant 0 : i32
      %dma_start3A_959 = tpu.memref_slice %arg18[%dma_start3A_957, %dma_start3A_958] : memref<40x128xf32, #tpu.memory_space<vmem>> -> memref<40x128xf32, #tpu.memory_space<vmem>>
      %dma_start3A_960 = arith.constant 0 : i32
      %dma_start3A_961 = tpu.memref_slice %arg27[%add3A_625, %dma_start3A_960] : memref<10000x128xf32, #tpu.memory_space<vmem_shared>> -> memref<40x128xf32, #tpu.memory_space<vmem_shared>>
      tpu.enqueue_dma source(%dma_start3A_961 : memref<40x128xf32, #tpu.memory_space<vmem_shared>>) target(%dma_start3A_959 : memref<40x128xf32, #tpu.memory_space<vmem>>) target_semaphore(%run_scoped3A : memref<!tpu.dma_semaphore, #tpu.memory_space<semaphore_mem>>)
      %dma_wait3A_962 = arith.constant 0 : i32
      %dma_wait3A_963 = arith.constant 0 : i32
      %dma_wait3A_964 = tpu.memref_slice %arg18[%dma_wait3A_962, %dma_wait3A_963] : memref<40x128xf32, #tpu.memory_space<vmem>> -> memref<40x128xf32, #tpu.memory_space<vmem>>
      %dma_wait3A_965 = arith.constant 0 : i32
      %dma_wait3A_966 = tpu.memref_slice %arg27[%add3A_625, %dma_wait3A_965] : memref<10000x128xf32, #tpu.memory_space<vmem_shared>> -> memref<40x128xf32, #tpu.memory_space<vmem_shared>>
      %dma_wait3A_967 = arith.constant 0 : i32
      %dma_wait3A_968 = arith.constant 0 : i32
      %dma_wait3A_969 = tpu.memref_slice %arg18[%dma_wait3A_967, %dma_wait3A_968] : memref<40x128xf32, #tpu.memory_space<vmem>> -> memref<40x128xf32, #tpu.memory_space<vmem>>
      %dma_wait3A_970 = arith.constant 0 : i32
      %dma_wait3A_971 = tpu.memref_slice %arg27[%add3A_625, %dma_wait3A_970] : memref<10000x128xf32, #tpu.memory_space<vmem_shared>> -> memref<40x128xf32, #tpu.memory_space<vmem_shared>>
      tpu.wait_dma2 semaphore(%run_scoped3A : memref<!tpu.dma_semaphore, #tpu.memory_space<semaphore_mem>>) src(%dma_wait3A_971 : memref<40x128xf32, #tpu.memory_space<vmem_shared>>) dst(%dma_wait3A_969 : memref<40x128xf32, #tpu.memory_space<vmem>>)
      tpu.yield
    }) : () -> ()
    %add3A_626 = arith.constant 200 : i32
    %add3A_627 = arith.addi %mul3A_2, %add3A_626 : i32
    %dma_start3A_628 = arith.constant 0 : i32
    %dma_start3A_629 = arith.constant 0 : i32
    %dma_start3A_630 = tpu.memref_slice %arg18[%dma_start3A_628, %dma_start3A_629] : memref<40x128xf32, #tpu.memory_space<vmem>> -> memref<40x128xf32, #tpu.memory_space<vmem>>
    %dma_start3A_631 = arith.constant 0 : i32
    %dma_start3A_632 = tpu.memref_slice %arg7[%arg0, %add3A_627, %dma_start3A_631] : memref<2x10000x128xf32, #tpu.memory_space<hbm>> -> memref<1x40x128xf32, #tpu.memory_space<hbm>>
    %dma_start3A_633 = tpu.memref_squeeze %dma_start3A_632 : memref<1x40x128xf32, #tpu.memory_space<hbm>> -> memref<40x128xf32, #tpu.memory_space<hbm>>
    %dma_start3A_634 = arith.constant 0 : i32
    %dma_start3A_635 = tpu.memref_slice %arg7[%arg0, %add3A_627, %dma_start3A_634] : memref<2x10000x128xf32, #tpu.memory_space<hbm>> -> memref<1x40x128xf32, #tpu.memory_space<hbm>>
    %dma_start3A_636 = tpu.memref_squeeze %dma_start3A_635 : memref<1x40x128xf32, #tpu.memory_space<hbm>> -> memref<40x128xf32, #tpu.memory_space<hbm>>
    %dma_start3A_637 = arith.constant 0 : i32
    %dma_start3A_638 = arith.constant 0 : i32
    %dma_start3A_639 = tpu.memref_slice %arg18[%dma_start3A_637, %dma_start3A_638] : memref<40x128xf32, #tpu.memory_space<vmem>> -> memref<40x128xf32, #tpu.memory_space<vmem>>
    tpu.enqueue_dma source(%dma_start3A_639 : memref<40x128xf32, #tpu.memory_space<vmem>>) target(%dma_start3A_636 : memref<40x128xf32, #tpu.memory_space<hbm>>) target_semaphore(%arg38 : memref<!tpu.dma_semaphore, #tpu.memory_space<semaphore_mem>>)
    %dma_wait3A_640 = arith.constant 0 : i32
    %dma_wait3A_641 = arith.constant 0 : i32
    %dma_wait3A_642 = tpu.memref_slice %arg17[%dma_wait3A_640, %dma_wait3A_641] : memref<40x128xf32, #tpu.memory_space<vmem>> -> memref<40x128xf32, #tpu.memory_space<vmem>>
    %dma_wait3A_643 = arith.constant 0 : i32
    %dma_wait3A_644 = tpu.memref_slice %arg7[%arg0, %add3A_599, %dma_wait3A_643] : memref<2x10000x128xf32, #tpu.memory_space<hbm>> -> memref<1x40x128xf32, #tpu.memory_space<hbm>>
    %dma_wait3A_645 = tpu.memref_squeeze %dma_wait3A_644 : memref<1x40x128xf32, #tpu.memory_space<hbm>> -> memref<40x128xf32, #tpu.memory_space<hbm>>
    %dma_wait3A_646 = arith.constant 0 : i32
    %dma_wait3A_647 = tpu.memref_slice %arg7[%arg0, %add3A_599, %dma_wait3A_646] : memref<2x10000x128xf32, #tpu.memory_space<hbm>> -> memref<1x40x128xf32, #tpu.memory_space<hbm>>
    %dma_wait3A_648 = tpu.memref_squeeze %dma_wait3A_647 : memref<1x40x128xf32, #tpu.memory_space<hbm>> -> memref<40x128xf32, #tpu.memory_space<hbm>>
    %dma_wait3A_649 = arith.constant 0 : i32
    %dma_wait3A_650 = arith.constant 0 : i32
    %dma_wait3A_651 = tpu.memref_slice %arg17[%dma_wait3A_649, %dma_wait3A_650] : memref<40x128xf32, #tpu.memory_space<vmem>> -> memref<40x128xf32, #tpu.memory_space<vmem>>
    tpu.wait_dma2 semaphore(%arg37 : memref<!tpu.dma_semaphore, #tpu.memory_space<semaphore_mem>>) src(%dma_wait3A_651 : memref<40x128xf32, #tpu.memory_space<vmem>>) dst(%dma_wait3A_648 : memref<40x128xf32, #tpu.memory_space<hbm>>)
    %add3A_652 = arith.constant 240 : i32
    %add3A_653 = arith.addi %mul3A_2, %add3A_652 : i32
    "tpu.region"() ({
      %run_scoped3A = tpu.sem_alloc : memref<!tpu.dma_semaphore, #tpu.memory_space<semaphore_mem>>
      %dma_start3A_952 = arith.constant 0 : i32
      %dma_start3A_953 = arith.constant 0 : i32
      %dma_start3A_954 = tpu.memref_slice %arg17[%dma_start3A_952, %dma_start3A_953] : memref<40x128xf32, #tpu.memory_space<vmem>> -> memref<40x128xf32, #tpu.memory_space<vmem>>
      %dma_start3A_955 = arith.constant 0 : i32
      %dma_start3A_956 = tpu.memref_slice %arg27[%add3A_653, %dma_start3A_955] : memref<10000x128xf32, #tpu.memory_space<vmem_shared>> -> memref<40x128xf32, #tpu.memory_space<vmem_shared>>
      %dma_start3A_957 = arith.constant 0 : i32
      %dma_start3A_958 = arith.constant 0 : i32
      %dma_start3A_959 = tpu.memref_slice %arg17[%dma_start3A_957, %dma_start3A_958] : memref<40x128xf32, #tpu.memory_space<vmem>> -> memref<40x128xf32, #tpu.memory_space<vmem>>
      %dma_start3A_960 = arith.constant 0 : i32
      %dma_start3A_961 = tpu.memref_slice %arg27[%add3A_653, %dma_start3A_960] : memref<10000x128xf32, #tpu.memory_space<vmem_shared>> -> memref<40x128xf32, #tpu.memory_space<vmem_shared>>
      tpu.enqueue_dma source(%dma_start3A_961 : memref<40x128xf32, #tpu.memory_space<vmem_shared>>) target(%dma_start3A_959 : memref<40x128xf32, #tpu.memory_space<vmem>>) target_semaphore(%run_scoped3A : memref<!tpu.dma_semaphore, #tpu.memory_space<semaphore_mem>>)
      %dma_wait3A_962 = arith.constant 0 : i32
      %dma_wait3A_963 = arith.constant 0 : i32
      %dma_wait3A_964 = tpu.memref_slice %arg17[%dma_wait3A_962, %dma_wait3A_963] : memref<40x128xf32, #tpu.memory_space<vmem>> -> memref<40x128xf32, #tpu.memory_space<vmem>>
      %dma_wait3A_965 = arith.constant 0 : i32
      %dma_wait3A_966 = tpu.memref_slice %arg27[%add3A_653, %dma_wait3A_965] : memref<10000x128xf32, #tpu.memory_space<vmem_shared>> -> memref<40x128xf32, #tpu.memory_space<vmem_shared>>
      %dma_wait3A_967 = arith.constant 0 : i32
      %dma_wait3A_968 = arith.constant 0 : i32
      %dma_wait3A_969 = tpu.memref_slice %arg17[%dma_wait3A_967, %dma_wait3A_968] : memref<40x128xf32, #tpu.memory_space<vmem>> -> memref<40x128xf32, #tpu.memory_space<vmem>>
      %dma_wait3A_970 = arith.constant 0 : i32
      %dma_wait3A_971 = tpu.memref_slice %arg27[%add3A_653, %dma_wait3A_970] : memref<10000x128xf32, #tpu.memory_space<vmem_shared>> -> memref<40x128xf32, #tpu.memory_space<vmem_shared>>
      tpu.wait_dma2 semaphore(%run_scoped3A : memref<!tpu.dma_semaphore, #tpu.memory_space<semaphore_mem>>) src(%dma_wait3A_971 : memref<40x128xf32, #tpu.memory_space<vmem_shared>>) dst(%dma_wait3A_969 : memref<40x128xf32, #tpu.memory_space<vmem>>)
      tpu.yield
    }) : () -> ()
    %add3A_654 = arith.constant 240 : i32
    %add3A_655 = arith.addi %mul3A_2, %add3A_654 : i32
    %dma_start3A_656 = arith.constant 0 : i32
    %dma_start3A_657 = arith.constant 0 : i32
    %dma_start3A_658 = tpu.memref_slice %arg17[%dma_start3A_656, %dma_start3A_657] : memref<40x128xf32, #tpu.memory_space<vmem>> -> memref<40x128xf32, #tpu.memory_space<vmem>>
    %dma_start3A_659 = arith.constant 0 : i32
    %dma_start3A_660 = tpu.memref_slice %arg7[%arg0, %add3A_655, %dma_start3A_659] : memref<2x10000x128xf32, #tpu.memory_space<hbm>> -> memref<1x40x128xf32, #tpu.memory_space<hbm>>
    %dma_start3A_661 = tpu.memref_squeeze %dma_start3A_660 : memref<1x40x128xf32, #tpu.memory_space<hbm>> -> memref<40x128xf32, #tpu.memory_space<hbm>>
    %dma_start3A_662 = arith.constant 0 : i32
    %dma_start3A_663 = tpu.memref_slice %arg7[%arg0, %add3A_655, %dma_start3A_662] : memref<2x10000x128xf32, #tpu.memory_space<hbm>> -> memref<1x40x128xf32, #tpu.memory_space<hbm>>
    %dma_start3A_664 = tpu.memref_squeeze %dma_start3A_663 : memref<1x40x128xf32, #tpu.memory_space<hbm>> -> memref<40x128xf32, #tpu.memory_space<hbm>>
    %dma_start3A_665 = arith.constant 0 : i32
    %dma_start3A_666 = arith.constant 0 : i32
    %dma_start3A_667 = tpu.memref_slice %arg17[%dma_start3A_665, %dma_start3A_666] : memref<40x128xf32, #tpu.memory_space<vmem>> -> memref<40x128xf32, #tpu.memory_space<vmem>>
    tpu.enqueue_dma source(%dma_start3A_667 : memref<40x128xf32, #tpu.memory_space<vmem>>) target(%dma_start3A_664 : memref<40x128xf32, #tpu.memory_space<hbm>>) target_semaphore(%arg37 : memref<!tpu.dma_semaphore, #tpu.memory_space<semaphore_mem>>)
    %dma_wait3A_668 = arith.constant 0 : i32
    %dma_wait3A_669 = arith.constant 0 : i32
    %dma_wait3A_670 = tpu.memref_slice %arg18[%dma_wait3A_668, %dma_wait3A_669] : memref<40x128xf32, #tpu.memory_space<vmem>> -> memref<40x128xf32, #tpu.memory_space<vmem>>
    %dma_wait3A_671 = arith.constant 0 : i32
    %dma_wait3A_672 = tpu.memref_slice %arg7[%arg0, %add3A_627, %dma_wait3A_671] : memref<2x10000x128xf32, #tpu.memory_space<hbm>> -> memref<1x40x128xf32, #tpu.memory_space<hbm>>
    %dma_wait3A_673 = tpu.memref_squeeze %dma_wait3A_672 : memref<1x40x128xf32, #tpu.memory_space<hbm>> -> memref<40x128xf32, #tpu.memory_space<hbm>>
    %dma_wait3A_674 = arith.constant 0 : i32
    %dma_wait3A_675 = tpu.memref_slice %arg7[%arg0, %add3A_627, %dma_wait3A_674] : memref<2x10000x128xf32, #tpu.memory_space<hbm>> -> memref<1x40x128xf32, #tpu.memory_space<hbm>>
    %dma_wait3A_676 = tpu.memref_squeeze %dma_wait3A_675 : memref<1x40x128xf32, #tpu.memory_space<hbm>> -> memref<40x128xf32, #tpu.memory_space<hbm>>
    %dma_wait3A_677 = arith.constant 0 : i32
    %dma_wait3A_678 = arith.constant 0 : i32
    %dma_wait3A_679 = tpu.memref_slice %arg18[%dma_wait3A_677, %dma_wait3A_678] : memref<40x128xf32, #tpu.memory_space<vmem>> -> memref<40x128xf32, #tpu.memory_space<vmem>>
    tpu.wait_dma2 semaphore(%arg38 : memref<!tpu.dma_semaphore, #tpu.memory_space<semaphore_mem>>) src(%dma_wait3A_679 : memref<40x128xf32, #tpu.memory_space<vmem>>) dst(%dma_wait3A_676 : memref<40x128xf32, #tpu.memory_space<hbm>>)
    %add3A_680 = arith.constant 280 : i32
    %add3A_681 = arith.addi %mul3A_2, %add3A_680 : i32
    "tpu.region"() ({
      %run_scoped3A = tpu.sem_alloc : memref<!tpu.dma_semaphore, #tpu.memory_space<semaphore_mem>>
      %dma_start3A_952 = arith.constant 0 : i32
      %dma_start3A_953 = arith.constant 0 : i32
      %dma_start3A_954 = tpu.memref_slice %arg18[%dma_start3A_952, %dma_start3A_953] : memref<40x128xf32, #tpu.memory_space<vmem>> -> memref<40x128xf32, #tpu.memory_space<vmem>>
      %dma_start3A_955 = arith.constant 0 : i32
      %dma_start3A_956 = tpu.memref_slice %arg27[%add3A_681, %dma_start3A_955] : memref<10000x128xf32, #tpu.memory_space<vmem_shared>> -> memref<40x128xf32, #tpu.memory_space<vmem_shared>>
      %dma_start3A_957 = arith.constant 0 : i32
      %dma_start3A_958 = arith.constant 0 : i32
      %dma_start3A_959 = tpu.memref_slice %arg18[%dma_start3A_957, %dma_start3A_958] : memref<40x128xf32, #tpu.memory_space<vmem>> -> memref<40x128xf32, #tpu.memory_space<vmem>>
      %dma_start3A_960 = arith.constant 0 : i32
      %dma_start3A_961 = tpu.memref_slice %arg27[%add3A_681, %dma_start3A_960] : memref<10000x128xf32, #tpu.memory_space<vmem_shared>> -> memref<40x128xf32, #tpu.memory_space<vmem_shared>>
      tpu.enqueue_dma source(%dma_start3A_961 : memref<40x128xf32, #tpu.memory_space<vmem_shared>>) target(%dma_start3A_959 : memref<40x128xf32, #tpu.memory_space<vmem>>) target_semaphore(%run_scoped3A : memref<!tpu.dma_semaphore, #tpu.memory_space<semaphore_mem>>)
      %dma_wait3A_962 = arith.constant 0 : i32
      %dma_wait3A_963 = arith.constant 0 : i32
      %dma_wait3A_964 = tpu.memref_slice %arg18[%dma_wait3A_962, %dma_wait3A_963] : memref<40x128xf32, #tpu.memory_space<vmem>> -> memref<40x128xf32, #tpu.memory_space<vmem>>
      %dma_wait3A_965 = arith.constant 0 : i32
      %dma_wait3A_966 = tpu.memref_slice %arg27[%add3A_681, %dma_wait3A_965] : memref<10000x128xf32, #tpu.memory_space<vmem_shared>> -> memref<40x128xf32, #tpu.memory_space<vmem_shared>>
      %dma_wait3A_967 = arith.constant 0 : i32
      %dma_wait3A_968 = arith.constant 0 : i32
      %dma_wait3A_969 = tpu.memref_slice %arg18[%dma_wait3A_967, %dma_wait3A_968] : memref<40x128xf32, #tpu.memory_space<vmem>> -> memref<40x128xf32, #tpu.memory_space<vmem>>
      %dma_wait3A_970 = arith.constant 0 : i32
      %dma_wait3A_971 = tpu.memref_slice %arg27[%add3A_681, %dma_wait3A_970] : memref<10000x128xf32, #tpu.memory_space<vmem_shared>> -> memref<40x128xf32, #tpu.memory_space<vmem_shared>>
      tpu.wait_dma2 semaphore(%run_scoped3A : memref<!tpu.dma_semaphore, #tpu.memory_space<semaphore_mem>>) src(%dma_wait3A_971 : memref<40x128xf32, #tpu.memory_space<vmem_shared>>) dst(%dma_wait3A_969 : memref<40x128xf32, #tpu.memory_space<vmem>>)
      tpu.yield
    }) : () -> ()
    %add3A_682 = arith.constant 280 : i32
    %add3A_683 = arith.addi %mul3A_2, %add3A_682 : i32
    %dma_start3A_684 = arith.constant 0 : i32
    %dma_start3A_685 = arith.constant 0 : i32
    %dma_start3A_686 = tpu.memref_slice %arg18[%dma_start3A_684, %dma_start3A_685] : memref<40x128xf32, #tpu.memory_space<vmem>> -> memref<40x128xf32, #tpu.memory_space<vmem>>
    %dma_start3A_687 = arith.constant 0 : i32
    %dma_start3A_688 = tpu.memref_slice %arg7[%arg0, %add3A_683, %dma_start3A_687] : memref<2x10000x128xf32, #tpu.memory_space<hbm>> -> memref<1x40x128xf32, #tpu.memory_space<hbm>>
    %dma_start3A_689 = tpu.memref_squeeze %dma_start3A_688 : memref<1x40x128xf32, #tpu.memory_space<hbm>> -> memref<40x128xf32, #tpu.memory_space<hbm>>
    %dma_start3A_690 = arith.constant 0 : i32
    %dma_start3A_691 = tpu.memref_slice %arg7[%arg0, %add3A_683, %dma_start3A_690] : memref<2x10000x128xf32, #tpu.memory_space<hbm>> -> memref<1x40x128xf32, #tpu.memory_space<hbm>>
    %dma_start3A_692 = tpu.memref_squeeze %dma_start3A_691 : memref<1x40x128xf32, #tpu.memory_space<hbm>> -> memref<40x128xf32, #tpu.memory_space<hbm>>
    %dma_start3A_693 = arith.constant 0 : i32
    %dma_start3A_694 = arith.constant 0 : i32
    %dma_start3A_695 = tpu.memref_slice %arg18[%dma_start3A_693, %dma_start3A_694] : memref<40x128xf32, #tpu.memory_space<vmem>> -> memref<40x128xf32, #tpu.memory_space<vmem>>
    tpu.enqueue_dma source(%dma_start3A_695 : memref<40x128xf32, #tpu.memory_space<vmem>>) target(%dma_start3A_692 : memref<40x128xf32, #tpu.memory_space<hbm>>) target_semaphore(%arg38 : memref<!tpu.dma_semaphore, #tpu.memory_space<semaphore_mem>>)
    %dma_wait3A_696 = arith.constant 0 : i32
    %dma_wait3A_697 = arith.constant 0 : i32
    %dma_wait3A_698 = tpu.memref_slice %arg17[%dma_wait3A_696, %dma_wait3A_697] : memref<40x128xf32, #tpu.memory_space<vmem>> -> memref<40x128xf32, #tpu.memory_space<vmem>>
    %dma_wait3A_699 = arith.constant 0 : i32
    %dma_wait3A_700 = tpu.memref_slice %arg7[%arg0, %add3A_655, %dma_wait3A_699] : memref<2x10000x128xf32, #tpu.memory_space<hbm>> -> memref<1x40x128xf32, #tpu.memory_space<hbm>>
    %dma_wait3A_701 = tpu.memref_squeeze %dma_wait3A_700 : memref<1x40x128xf32, #tpu.memory_space<hbm>> -> memref<40x128xf32, #tpu.memory_space<hbm>>
    %dma_wait3A_702 = arith.constant 0 : i32
    %dma_wait3A_703 = tpu.memref_slice %arg7[%arg0, %add3A_655, %dma_wait3A_702] : memref<2x10000x128xf32, #tpu.memory_space<hbm>> -> memref<1x40x128xf32, #tpu.memory_space<hbm>>
    %dma_wait3A_704 = tpu.memref_squeeze %dma_wait3A_703 : memref<1x40x128xf32, #tpu.memory_space<hbm>> -> memref<40x128xf32, #tpu.memory_space<hbm>>
    %dma_wait3A_705 = arith.constant 0 : i32
    %dma_wait3A_706 = arith.constant 0 : i32
    %dma_wait3A_707 = tpu.memref_slice %arg17[%dma_wait3A_705, %dma_wait3A_706] : memref<40x128xf32, #tpu.memory_space<vmem>> -> memref<40x128xf32, #tpu.memory_space<vmem>>
    tpu.wait_dma2 semaphore(%arg37 : memref<!tpu.dma_semaphore, #tpu.memory_space<semaphore_mem>>) src(%dma_wait3A_707 : memref<40x128xf32, #tpu.memory_space<vmem>>) dst(%dma_wait3A_704 : memref<40x128xf32, #tpu.memory_space<hbm>>)
    %add3A_708 = arith.constant 320 : i32
    %add3A_709 = arith.addi %mul3A_2, %add3A_708 : i32
    "tpu.region"() ({
      %run_scoped3A = tpu.sem_alloc : memref<!tpu.dma_semaphore, #tpu.memory_space<semaphore_mem>>
      %dma_start3A_952 = arith.constant 0 : i32
      %dma_start3A_953 = arith.constant 0 : i32
      %dma_start3A_954 = tpu.memref_slice %arg17[%dma_start3A_952, %dma_start3A_953] : memref<40x128xf32, #tpu.memory_space<vmem>> -> memref<40x128xf32, #tpu.memory_space<vmem>>
      %dma_start3A_955 = arith.constant 0 : i32
      %dma_start3A_956 = tpu.memref_slice %arg27[%add3A_709, %dma_start3A_955] : memref<10000x128xf32, #tpu.memory_space<vmem_shared>> -> memref<40x128xf32, #tpu.memory_space<vmem_shared>>
      %dma_start3A_957 = arith.constant 0 : i32
      %dma_start3A_958 = arith.constant 0 : i32
      %dma_start3A_959 = tpu.memref_slice %arg17[%dma_start3A_957, %dma_start3A_958] : memref<40x128xf32, #tpu.memory_space<vmem>> -> memref<40x128xf32, #tpu.memory_space<vmem>>
      %dma_start3A_960 = arith.constant 0 : i32
      %dma_start3A_961 = tpu.memref_slice %arg27[%add3A_709, %dma_start3A_960] : memref<10000x128xf32, #tpu.memory_space<vmem_shared>> -> memref<40x128xf32, #tpu.memory_space<vmem_shared>>
      tpu.enqueue_dma source(%dma_start3A_961 : memref<40x128xf32, #tpu.memory_space<vmem_shared>>) target(%dma_start3A_959 : memref<40x128xf32, #tpu.memory_space<vmem>>) target_semaphore(%run_scoped3A : memref<!tpu.dma_semaphore, #tpu.memory_space<semaphore_mem>>)
      %dma_wait3A_962 = arith.constant 0 : i32
      %dma_wait3A_963 = arith.constant 0 : i32
      %dma_wait3A_964 = tpu.memref_slice %arg17[%dma_wait3A_962, %dma_wait3A_963] : memref<40x128xf32, #tpu.memory_space<vmem>> -> memref<40x128xf32, #tpu.memory_space<vmem>>
      %dma_wait3A_965 = arith.constant 0 : i32
      %dma_wait3A_966 = tpu.memref_slice %arg27[%add3A_709, %dma_wait3A_965] : memref<10000x128xf32, #tpu.memory_space<vmem_shared>> -> memref<40x128xf32, #tpu.memory_space<vmem_shared>>
      %dma_wait3A_967 = arith.constant 0 : i32
      %dma_wait3A_968 = arith.constant 0 : i32
      %dma_wait3A_969 = tpu.memref_slice %arg17[%dma_wait3A_967, %dma_wait3A_968] : memref<40x128xf32, #tpu.memory_space<vmem>> -> memref<40x128xf32, #tpu.memory_space<vmem>>
      %dma_wait3A_970 = arith.constant 0 : i32
      %dma_wait3A_971 = tpu.memref_slice %arg27[%add3A_709, %dma_wait3A_970] : memref<10000x128xf32, #tpu.memory_space<vmem_shared>> -> memref<40x128xf32, #tpu.memory_space<vmem_shared>>
      tpu.wait_dma2 semaphore(%run_scoped3A : memref<!tpu.dma_semaphore, #tpu.memory_space<semaphore_mem>>) src(%dma_wait3A_971 : memref<40x128xf32, #tpu.memory_space<vmem_shared>>) dst(%dma_wait3A_969 : memref<40x128xf32, #tpu.memory_space<vmem>>)
      tpu.yield
    }) : () -> ()
    %add3A_710 = arith.constant 320 : i32
    %add3A_711 = arith.addi %mul3A_2, %add3A_710 : i32
    %dma_start3A_712 = arith.constant 0 : i32
    %dma_start3A_713 = arith.constant 0 : i32
    %dma_start3A_714 = tpu.memref_slice %arg17[%dma_start3A_712, %dma_start3A_713] : memref<40x128xf32, #tpu.memory_space<vmem>> -> memref<40x128xf32, #tpu.memory_space<vmem>>
    %dma_start3A_715 = arith.constant 0 : i32
    %dma_start3A_716 = tpu.memref_slice %arg7[%arg0, %add3A_711, %dma_start3A_715] : memref<2x10000x128xf32, #tpu.memory_space<hbm>> -> memref<1x40x128xf32, #tpu.memory_space<hbm>>
    %dma_start3A_717 = tpu.memref_squeeze %dma_start3A_716 : memref<1x40x128xf32, #tpu.memory_space<hbm>> -> memref<40x128xf32, #tpu.memory_space<hbm>>
    %dma_start3A_718 = arith.constant 0 : i32
    %dma_start3A_719 = tpu.memref_slice %arg7[%arg0, %add3A_711, %dma_start3A_718] : memref<2x10000x128xf32, #tpu.memory_space<hbm>> -> memref<1x40x128xf32, #tpu.memory_space<hbm>>
    %dma_start3A_720 = tpu.memref_squeeze %dma_start3A_719 : memref<1x40x128xf32, #tpu.memory_space<hbm>> -> memref<40x128xf32, #tpu.memory_space<hbm>>
    %dma_start3A_721 = arith.constant 0 : i32
    %dma_start3A_722 = arith.constant 0 : i32
    %dma_start3A_723 = tpu.memref_slice %arg17[%dma_start3A_721, %dma_start3A_722] : memref<40x128xf32, #tpu.memory_space<vmem>> -> memref<40x128xf32, #tpu.memory_space<vmem>>
    tpu.enqueue_dma source(%dma_start3A_723 : memref<40x128xf32, #tpu.memory_space<vmem>>) target(%dma_start3A_720 : memref<40x128xf32, #tpu.memory_space<hbm>>) target_semaphore(%arg37 : memref<!tpu.dma_semaphore, #tpu.memory_space<semaphore_mem>>)
    %dma_wait3A_724 = arith.constant 0 : i32
    %dma_wait3A_725 = arith.constant 0 : i32
    %dma_wait3A_726 = tpu.memref_slice %arg18[%dma_wait3A_724, %dma_wait3A_725] : memref<40x128xf32, #tpu.memory_space<vmem>> -> memref<40x128xf32, #tpu.memory_space<vmem>>
    %dma_wait3A_727 = arith.constant 0 : i32
    %dma_wait3A_728 = tpu.memref_slice %arg7[%arg0, %add3A_683, %dma_wait3A_727] : memref<2x10000x128xf32, #tpu.memory_space<hbm>> -> memref<1x40x128xf32, #tpu.memory_space<hbm>>
    %dma_wait3A_729 = tpu.memref_squeeze %dma_wait3A_728 : memref<1x40x128xf32, #tpu.memory_space<hbm>> -> memref<40x128xf32, #tpu.memory_space<hbm>>
    %dma_wait3A_730 = arith.constant 0 : i32
    %dma_wait3A_731 = tpu.memref_slice %arg7[%arg0, %add3A_683, %dma_wait3A_730] : memref<2x10000x128xf32, #tpu.memory_space<hbm>> -> memref<1x40x128xf32, #tpu.memory_space<hbm>>
    %dma_wait3A_732 = tpu.memref_squeeze %dma_wait3A_731 : memref<1x40x128xf32, #tpu.memory_space<hbm>> -> memref<40x128xf32, #tpu.memory_space<hbm>>
    %dma_wait3A_733 = arith.constant 0 : i32
    %dma_wait3A_734 = arith.constant 0 : i32
    %dma_wait3A_735 = tpu.memref_slice %arg18[%dma_wait3A_733, %dma_wait3A_734] : memref<40x128xf32, #tpu.memory_space<vmem>> -> memref<40x128xf32, #tpu.memory_space<vmem>>
    tpu.wait_dma2 semaphore(%arg38 : memref<!tpu.dma_semaphore, #tpu.memory_space<semaphore_mem>>) src(%dma_wait3A_735 : memref<40x128xf32, #tpu.memory_space<vmem>>) dst(%dma_wait3A_732 : memref<40x128xf32, #tpu.memory_space<hbm>>)
    %add3A_736 = arith.constant 360 : i32
    %add3A_737 = arith.addi %mul3A_2, %add3A_736 : i32
    "tpu.region"() ({
      %run_scoped3A = tpu.sem_alloc : memref<!tpu.dma_semaphore, #tpu.memory_space<semaphore_mem>>
      %dma_start3A_952 = arith.constant 0 : i32
      %dma_start3A_953 = arith.constant 0 : i32
      %dma_start3A_954 = tpu.memref_slice %arg18[%dma_start3A_952, %dma_start3A_953] : memref<40x128xf32, #tpu.memory_space<vmem>> -> memref<40x128xf32, #tpu.memory_space<vmem>>
      %dma_start3A_955 = arith.constant 0 : i32
      %dma_start3A_956 = tpu.memref_slice %arg27[%add3A_737, %dma_start3A_955] : memref<10000x128xf32, #tpu.memory_space<vmem_shared>> -> memref<40x128xf32, #tpu.memory_space<vmem_shared>>
      %dma_start3A_957 = arith.constant 0 : i32
      %dma_start3A_958 = arith.constant 0 : i32
      %dma_start3A_959 = tpu.memref_slice %arg18[%dma_start3A_957, %dma_start3A_958] : memref<40x128xf32, #tpu.memory_space<vmem>> -> memref<40x128xf32, #tpu.memory_space<vmem>>
      %dma_start3A_960 = arith.constant 0 : i32
      %dma_start3A_961 = tpu.memref_slice %arg27[%add3A_737, %dma_start3A_960] : memref<10000x128xf32, #tpu.memory_space<vmem_shared>> -> memref<40x128xf32, #tpu.memory_space<vmem_shared>>
      tpu.enqueue_dma source(%dma_start3A_961 : memref<40x128xf32, #tpu.memory_space<vmem_shared>>) target(%dma_start3A_959 : memref<40x128xf32, #tpu.memory_space<vmem>>) target_semaphore(%run_scoped3A : memref<!tpu.dma_semaphore, #tpu.memory_space<semaphore_mem>>)
      %dma_wait3A_962 = arith.constant 0 : i32
      %dma_wait3A_963 = arith.constant 0 : i32
      %dma_wait3A_964 = tpu.memref_slice %arg18[%dma_wait3A_962, %dma_wait3A_963] : memref<40x128xf32, #tpu.memory_space<vmem>> -> memref<40x128xf32, #tpu.memory_space<vmem>>
      %dma_wait3A_965 = arith.constant 0 : i32
      %dma_wait3A_966 = tpu.memref_slice %arg27[%add3A_737, %dma_wait3A_965] : memref<10000x128xf32, #tpu.memory_space<vmem_shared>> -> memref<40x128xf32, #tpu.memory_space<vmem_shared>>
      %dma_wait3A_967 = arith.constant 0 : i32
      %dma_wait3A_968 = arith.constant 0 : i32
      %dma_wait3A_969 = tpu.memref_slice %arg18[%dma_wait3A_967, %dma_wait3A_968] : memref<40x128xf32, #tpu.memory_space<vmem>> -> memref<40x128xf32, #tpu.memory_space<vmem>>
      %dma_wait3A_970 = arith.constant 0 : i32
      %dma_wait3A_971 = tpu.memref_slice %arg27[%add3A_737, %dma_wait3A_970] : memref<10000x128xf32, #tpu.memory_space<vmem_shared>> -> memref<40x128xf32, #tpu.memory_space<vmem_shared>>
      tpu.wait_dma2 semaphore(%run_scoped3A : memref<!tpu.dma_semaphore, #tpu.memory_space<semaphore_mem>>) src(%dma_wait3A_971 : memref<40x128xf32, #tpu.memory_space<vmem_shared>>) dst(%dma_wait3A_969 : memref<40x128xf32, #tpu.memory_space<vmem>>)
      tpu.yield
    }) : () -> ()
    %add3A_738 = arith.constant 360 : i32
    %add3A_739 = arith.addi %mul3A_2, %add3A_738 : i32
    %dma_start3A_740 = arith.constant 0 : i32
    %dma_start3A_741 = arith.constant 0 : i32
    %dma_start3A_742 = tpu.memref_slice %arg18[%dma_start3A_740, %dma_start3A_741] : memref<40x128xf32, #tpu.memory_space<vmem>> -> memref<40x128xf32, #tpu.memory_space<vmem>>
    %dma_start3A_743 = arith.constant 0 : i32
    %dma_start3A_744 = tpu.memref_slice %arg7[%arg0, %add3A_739, %dma_start3A_743] : memref<2x10000x128xf32, #tpu.memory_space<hbm>> -> memref<1x40x128xf32, #tpu.memory_space<hbm>>
    %dma_start3A_745 = tpu.memref_squeeze %dma_start3A_744 : memref<1x40x128xf32, #tpu.memory_space<hbm>> -> memref<40x128xf32, #tpu.memory_space<hbm>>
    %dma_start3A_746 = arith.constant 0 : i32
    %dma_start3A_747 = tpu.memref_slice %arg7[%arg0, %add3A_739, %dma_start3A_746] : memref<2x10000x128xf32, #tpu.memory_space<hbm>> -> memref<1x40x128xf32, #tpu.memory_space<hbm>>
    %dma_start3A_748 = tpu.memref_squeeze %dma_start3A_747 : memref<1x40x128xf32, #tpu.memory_space<hbm>> -> memref<40x128xf32, #tpu.memory_space<hbm>>
    %dma_start3A_749 = arith.constant 0 : i32
    %dma_start3A_750 = arith.constant 0 : i32
    %dma_start3A_751 = tpu.memref_slice %arg18[%dma_start3A_749, %dma_start3A_750] : memref<40x128xf32, #tpu.memory_space<vmem>> -> memref<40x128xf32, #tpu.memory_space<vmem>>
    tpu.enqueue_dma source(%dma_start3A_751 : memref<40x128xf32, #tpu.memory_space<vmem>>) target(%dma_start3A_748 : memref<40x128xf32, #tpu.memory_space<hbm>>) target_semaphore(%arg38 : memref<!tpu.dma_semaphore, #tpu.memory_space<semaphore_mem>>)
    %dma_wait3A_752 = arith.constant 0 : i32
    %dma_wait3A_753 = arith.constant 0 : i32
    %dma_wait3A_754 = tpu.memref_slice %arg17[%dma_wait3A_752, %dma_wait3A_753] : memref<40x128xf32, #tpu.memory_space<vmem>> -> memref<40x128xf32, #tpu.memory_space<vmem>>
    %dma_wait3A_755 = arith.constant 0 : i32
    %dma_wait3A_756 = tpu.memref_slice %arg7[%arg0, %add3A_711, %dma_wait3A_755] : memref<2x10000x128xf32, #tpu.memory_space<hbm>> -> memref<1x40x128xf32, #tpu.memory_space<hbm>>
    %dma_wait3A_757 = tpu.memref_squeeze %dma_wait3A_756 : memref<1x40x128xf32, #tpu.memory_space<hbm>> -> memref<40x128xf32, #tpu.memory_space<hbm>>
    %dma_wait3A_758 = arith.constant 0 : i32
    %dma_wait3A_759 = tpu.memref_slice %arg7[%arg0, %add3A_711, %dma_wait3A_758] : memref<2x10000x128xf32, #tpu.memory_space<hbm>> -> memref<1x40x128xf32, #tpu.memory_space<hbm>>
    %dma_wait3A_760 = tpu.memref_squeeze %dma_wait3A_759 : memref<1x40x128xf32, #tpu.memory_space<hbm>> -> memref<40x128xf32, #tpu.memory_space<hbm>>
    %dma_wait3A_761 = arith.constant 0 : i32
    %dma_wait3A_762 = arith.constant 0 : i32
    %dma_wait3A_763 = tpu.memref_slice %arg17[%dma_wait3A_761, %dma_wait3A_762] : memref<40x128xf32, #tpu.memory_space<vmem>> -> memref<40x128xf32, #tpu.memory_space<vmem>>
    tpu.wait_dma2 semaphore(%arg37 : memref<!tpu.dma_semaphore, #tpu.memory_space<semaphore_mem>>) src(%dma_wait3A_763 : memref<40x128xf32, #tpu.memory_space<vmem>>) dst(%dma_wait3A_760 : memref<40x128xf32, #tpu.memory_space<hbm>>)
    %add3A_764 = arith.constant 400 : i32
    %add3A_765 = arith.addi %mul3A_2, %add3A_764 : i32
    "tpu.region"() ({
      %run_scoped3A = tpu.sem_alloc : memref<!tpu.dma_semaphore, #tpu.memory_space<semaphore_mem>>
      %dma_start3A_952 = arith.constant 0 : i32
      %dma_start3A_953 = arith.constant 0 : i32
      %dma_start3A_954 = tpu.memref_slice %arg17[%dma_start3A_952, %dma_start3A_953] : memref<40x128xf32, #tpu.memory_space<vmem>> -> memref<40x128xf32, #tpu.memory_space<vmem>>
      %dma_start3A_955 = arith.constant 0 : i32
      %dma_start3A_956 = tpu.memref_slice %arg27[%add3A_765, %dma_start3A_955] : memref<10000x128xf32, #tpu.memory_space<vmem_shared>> -> memref<40x128xf32, #tpu.memory_space<vmem_shared>>
      %dma_start3A_957 = arith.constant 0 : i32
      %dma_start3A_958 = arith.constant 0 : i32
      %dma_start3A_959 = tpu.memref_slice %arg17[%dma_start3A_957, %dma_start3A_958] : memref<40x128xf32, #tpu.memory_space<vmem>> -> memref<40x128xf32, #tpu.memory_space<vmem>>
      %dma_start3A_960 = arith.constant 0 : i32
      %dma_start3A_961 = tpu.memref_slice %arg27[%add3A_765, %dma_start3A_960] : memref<10000x128xf32, #tpu.memory_space<vmem_shared>> -> memref<40x128xf32, #tpu.memory_space<vmem_shared>>
      tpu.enqueue_dma source(%dma_start3A_961 : memref<40x128xf32, #tpu.memory_space<vmem_shared>>) target(%dma_start3A_959 : memref<40x128xf32, #tpu.memory_space<vmem>>) target_semaphore(%run_scoped3A : memref<!tpu.dma_semaphore, #tpu.memory_space<semaphore_mem>>)
      %dma_wait3A_962 = arith.constant 0 : i32
      %dma_wait3A_963 = arith.constant 0 : i32
      %dma_wait3A_964 = tpu.memref_slice %arg17[%dma_wait3A_962, %dma_wait3A_963] : memref<40x128xf32, #tpu.memory_space<vmem>> -> memref<40x128xf32, #tpu.memory_space<vmem>>
      %dma_wait3A_965 = arith.constant 0 : i32
      %dma_wait3A_966 = tpu.memref_slice %arg27[%add3A_765, %dma_wait3A_965] : memref<10000x128xf32, #tpu.memory_space<vmem_shared>> -> memref<40x128xf32, #tpu.memory_space<vmem_shared>>
      %dma_wait3A_967 = arith.constant 0 : i32
      %dma_wait3A_968 = arith.constant 0 : i32
      %dma_wait3A_969 = tpu.memref_slice %arg17[%dma_wait3A_967, %dma_wait3A_968] : memref<40x128xf32, #tpu.memory_space<vmem>> -> memref<40x128xf32, #tpu.memory_space<vmem>>
      %dma_wait3A_970 = arith.constant 0 : i32
      %dma_wait3A_971 = tpu.memref_slice %arg27[%add3A_765, %dma_wait3A_970] : memref<10000x128xf32, #tpu.memory_space<vmem_shared>> -> memref<40x128xf32, #tpu.memory_space<vmem_shared>>
      tpu.wait_dma2 semaphore(%run_scoped3A : memref<!tpu.dma_semaphore, #tpu.memory_space<semaphore_mem>>) src(%dma_wait3A_971 : memref<40x128xf32, #tpu.memory_space<vmem_shared>>) dst(%dma_wait3A_969 : memref<40x128xf32, #tpu.memory_space<vmem>>)
      tpu.yield
    }) : () -> ()
    %add3A_766 = arith.constant 400 : i32
    %add3A_767 = arith.addi %mul3A_2, %add3A_766 : i32
    %dma_start3A_768 = arith.constant 0 : i32
    %dma_start3A_769 = arith.constant 0 : i32
    %dma_start3A_770 = tpu.memref_slice %arg17[%dma_start3A_768, %dma_start3A_769] : memref<40x128xf32, #tpu.memory_space<vmem>> -> memref<40x128xf32, #tpu.memory_space<vmem>>
    %dma_start3A_771 = arith.constant 0 : i32
    %dma_start3A_772 = tpu.memref_slice %arg7[%arg0, %add3A_767, %dma_start3A_771] : memref<2x10000x128xf32, #tpu.memory_space<hbm>> -> memref<1x40x128xf32, #tpu.memory_space<hbm>>
    %dma_start3A_773 = tpu.memref_squeeze %dma_start3A_772 : memref<1x40x128xf32, #tpu.memory_space<hbm>> -> memref<40x128xf32, #tpu.memory_space<hbm>>
    %dma_start3A_774 = arith.constant 0 : i32
    %dma_start3A_775 = tpu.memref_slice %arg7[%arg0, %add3A_767, %dma_start3A_774] : memref<2x10000x128xf32, #tpu.memory_space<hbm>> -> memref<1x40x128xf32, #tpu.memory_space<hbm>>
    %dma_start3A_776 = tpu.memref_squeeze %dma_start3A_775 : memref<1x40x128xf32, #tpu.memory_space<hbm>> -> memref<40x128xf32, #tpu.memory_space<hbm>>
    %dma_start3A_777 = arith.constant 0 : i32
    %dma_start3A_778 = arith.constant 0 : i32
    %dma_start3A_779 = tpu.memref_slice %arg17[%dma_start3A_777, %dma_start3A_778] : memref<40x128xf32, #tpu.memory_space<vmem>> -> memref<40x128xf32, #tpu.memory_space<vmem>>
    tpu.enqueue_dma source(%dma_start3A_779 : memref<40x128xf32, #tpu.memory_space<vmem>>) target(%dma_start3A_776 : memref<40x128xf32, #tpu.memory_space<hbm>>) target_semaphore(%arg37 : memref<!tpu.dma_semaphore, #tpu.memory_space<semaphore_mem>>)
    %dma_wait3A_780 = arith.constant 0 : i32
    %dma_wait3A_781 = arith.constant 0 : i32
    %dma_wait3A_782 = tpu.memref_slice %arg18[%dma_wait3A_780, %dma_wait3A_781] : memref<40x128xf32, #tpu.memory_space<vmem>> -> memref<40x128xf32, #tpu.memory_space<vmem>>
    %dma_wait3A_783 = arith.constant 0 : i32
    %dma_wait3A_784 = tpu.memref_slice %arg7[%arg0, %add3A_739, %dma_wait3A_783] : memref<2x10000x128xf32, #tpu.memory_space<hbm>> -> memref<1x40x128xf32, #tpu.memory_space<hbm>>
    %dma_wait3A_785 = tpu.memref_squeeze %dma_wait3A_784 : memref<1x40x128xf32, #tpu.memory_space<hbm>> -> memref<40x128xf32, #tpu.memory_space<hbm>>
    %dma_wait3A_786 = arith.constant 0 : i32
    %dma_wait3A_787 = tpu.memref_slice %arg7[%arg0, %add3A_739, %dma_wait3A_786] : memref<2x10000x128xf32, #tpu.memory_space<hbm>> -> memref<1x40x128xf32, #tpu.memory_space<hbm>>
    %dma_wait3A_788 = tpu.memref_squeeze %dma_wait3A_787 : memref<1x40x128xf32, #tpu.memory_space<hbm>> -> memref<40x128xf32, #tpu.memory_space<hbm>>
    %dma_wait3A_789 = arith.constant 0 : i32
    %dma_wait3A_790 = arith.constant 0 : i32
    %dma_wait3A_791 = tpu.memref_slice %arg18[%dma_wait3A_789, %dma_wait3A_790] : memref<40x128xf32, #tpu.memory_space<vmem>> -> memref<40x128xf32, #tpu.memory_space<vmem>>
    tpu.wait_dma2 semaphore(%arg38 : memref<!tpu.dma_semaphore, #tpu.memory_space<semaphore_mem>>) src(%dma_wait3A_791 : memref<40x128xf32, #tpu.memory_space<vmem>>) dst(%dma_wait3A_788 : memref<40x128xf32, #tpu.memory_space<hbm>>)
    %add3A_792 = arith.constant 440 : i32
    %add3A_793 = arith.addi %mul3A_2, %add3A_792 : i32
    "tpu.region"() ({
      %run_scoped3A = tpu.sem_alloc : memref<!tpu.dma_semaphore, #tpu.memory_space<semaphore_mem>>
      %dma_start3A_952 = arith.constant 0 : i32
      %dma_start3A_953 = arith.constant 0 : i32
      %dma_start3A_954 = tpu.memref_slice %arg18[%dma_start3A_952, %dma_start3A_953] : memref<40x128xf32, #tpu.memory_space<vmem>> -> memref<40x128xf32, #tpu.memory_space<vmem>>
      %dma_start3A_955 = arith.constant 0 : i32
      %dma_start3A_956 = tpu.memref_slice %arg27[%add3A_793, %dma_start3A_955] : memref<10000x128xf32, #tpu.memory_space<vmem_shared>> -> memref<40x128xf32, #tpu.memory_space<vmem_shared>>
      %dma_start3A_957 = arith.constant 0 : i32
      %dma_start3A_958 = arith.constant 0 : i32
      %dma_start3A_959 = tpu.memref_slice %arg18[%dma_start3A_957, %dma_start3A_958] : memref<40x128xf32, #tpu.memory_space<vmem>> -> memref<40x128xf32, #tpu.memory_space<vmem>>
      %dma_start3A_960 = arith.constant 0 : i32
      %dma_start3A_961 = tpu.memref_slice %arg27[%add3A_793, %dma_start3A_960] : memref<10000x128xf32, #tpu.memory_space<vmem_shared>> -> memref<40x128xf32, #tpu.memory_space<vmem_shared>>
      tpu.enqueue_dma source(%dma_start3A_961 : memref<40x128xf32, #tpu.memory_space<vmem_shared>>) target(%dma_start3A_959 : memref<40x128xf32, #tpu.memory_space<vmem>>) target_semaphore(%run_scoped3A : memref<!tpu.dma_semaphore, #tpu.memory_space<semaphore_mem>>)
      %dma_wait3A_962 = arith.constant 0 : i32
      %dma_wait3A_963 = arith.constant 0 : i32
      %dma_wait3A_964 = tpu.memref_slice %arg18[%dma_wait3A_962, %dma_wait3A_963] : memref<40x128xf32, #tpu.memory_space<vmem>> -> memref<40x128xf32, #tpu.memory_space<vmem>>
      %dma_wait3A_965 = arith.constant 0 : i32
      %dma_wait3A_966 = tpu.memref_slice %arg27[%add3A_793, %dma_wait3A_965] : memref<10000x128xf32, #tpu.memory_space<vmem_shared>> -> memref<40x128xf32, #tpu.memory_space<vmem_shared>>
      %dma_wait3A_967 = arith.constant 0 : i32
      %dma_wait3A_968 = arith.constant 0 : i32
      %dma_wait3A_969 = tpu.memref_slice %arg18[%dma_wait3A_967, %dma_wait3A_968] : memref<40x128xf32, #tpu.memory_space<vmem>> -> memref<40x128xf32, #tpu.memory_space<vmem>>
      %dma_wait3A_970 = arith.constant 0 : i32
      %dma_wait3A_971 = tpu.memref_slice %arg27[%add3A_793, %dma_wait3A_970] : memref<10000x128xf32, #tpu.memory_space<vmem_shared>> -> memref<40x128xf32, #tpu.memory_space<vmem_shared>>
      tpu.wait_dma2 semaphore(%run_scoped3A : memref<!tpu.dma_semaphore, #tpu.memory_space<semaphore_mem>>) src(%dma_wait3A_971 : memref<40x128xf32, #tpu.memory_space<vmem_shared>>) dst(%dma_wait3A_969 : memref<40x128xf32, #tpu.memory_space<vmem>>)
      tpu.yield
    }) : () -> ()
    %add3A_794 = arith.constant 440 : i32
    %add3A_795 = arith.addi %mul3A_2, %add3A_794 : i32
    %dma_start3A_796 = arith.constant 0 : i32
    %dma_start3A_797 = arith.constant 0 : i32
    %dma_start3A_798 = tpu.memref_slice %arg18[%dma_start3A_796, %dma_start3A_797] : memref<40x128xf32, #tpu.memory_space<vmem>> -> memref<40x128xf32, #tpu.memory_space<vmem>>
    %dma_start3A_799 = arith.constant 0 : i32
    %dma_start3A_800 = tpu.memref_slice %arg7[%arg0, %add3A_795, %dma_start3A_799] : memref<2x10000x128xf32, #tpu.memory_space<hbm>> -> memref<1x40x128xf32, #tpu.memory_space<hbm>>
    %dma_start3A_801 = tpu.memref_squeeze %dma_start3A_800 : memref<1x40x128xf32, #tpu.memory_space<hbm>> -> memref<40x128xf32, #tpu.memory_space<hbm>>
    %dma_start3A_802 = arith.constant 0 : i32
    %dma_start3A_803 = tpu.memref_slice %arg7[%arg0, %add3A_795, %dma_start3A_802] : memref<2x10000x128xf32, #tpu.memory_space<hbm>> -> memref<1x40x128xf32, #tpu.memory_space<hbm>>
    %dma_start3A_804 = tpu.memref_squeeze %dma_start3A_803 : memref<1x40x128xf32, #tpu.memory_space<hbm>> -> memref<40x128xf32, #tpu.memory_space<hbm>>
    %dma_start3A_805 = arith.constant 0 : i32
    %dma_start3A_806 = arith.constant 0 : i32
    %dma_start3A_807 = tpu.memref_slice %arg18[%dma_start3A_805, %dma_start3A_806] : memref<40x128xf32, #tpu.memory_space<vmem>> -> memref<40x128xf32, #tpu.memory_space<vmem>>
    tpu.enqueue_dma source(%dma_start3A_807 : memref<40x128xf32, #tpu.memory_space<vmem>>) target(%dma_start3A_804 : memref<40x128xf32, #tpu.memory_space<hbm>>) target_semaphore(%arg38 : memref<!tpu.dma_semaphore, #tpu.memory_space<semaphore_mem>>)
    %dma_wait3A_808 = arith.constant 0 : i32
    %dma_wait3A_809 = arith.constant 0 : i32
    %dma_wait3A_810 = tpu.memref_slice %arg17[%dma_wait3A_808, %dma_wait3A_809] : memref<40x128xf32, #tpu.memory_space<vmem>> -> memref<40x128xf32, #tpu.memory_space<vmem>>
    %dma_wait3A_811 = arith.constant 0 : i32
    %dma_wait3A_812 = tpu.memref_slice %arg7[%arg0, %add3A_767, %dma_wait3A_811] : memref<2x10000x128xf32, #tpu.memory_space<hbm>> -> memref<1x40x128xf32, #tpu.memory_space<hbm>>
    %dma_wait3A_813 = tpu.memref_squeeze %dma_wait3A_812 : memref<1x40x128xf32, #tpu.memory_space<hbm>> -> memref<40x128xf32, #tpu.memory_space<hbm>>
    %dma_wait3A_814 = arith.constant 0 : i32
    %dma_wait3A_815 = tpu.memref_slice %arg7[%arg0, %add3A_767, %dma_wait3A_814] : memref<2x10000x128xf32, #tpu.memory_space<hbm>> -> memref<1x40x128xf32, #tpu.memory_space<hbm>>
    %dma_wait3A_816 = tpu.memref_squeeze %dma_wait3A_815 : memref<1x40x128xf32, #tpu.memory_space<hbm>> -> memref<40x128xf32, #tpu.memory_space<hbm>>
    %dma_wait3A_817 = arith.constant 0 : i32
    %dma_wait3A_818 = arith.constant 0 : i32
    %dma_wait3A_819 = tpu.memref_slice %arg17[%dma_wait3A_817, %dma_wait3A_818] : memref<40x128xf32, #tpu.memory_space<vmem>> -> memref<40x128xf32, #tpu.memory_space<vmem>>
    tpu.wait_dma2 semaphore(%arg37 : memref<!tpu.dma_semaphore, #tpu.memory_space<semaphore_mem>>) src(%dma_wait3A_819 : memref<40x128xf32, #tpu.memory_space<vmem>>) dst(%dma_wait3A_816 : memref<40x128xf32, #tpu.memory_space<hbm>>)
    %add3A_820 = arith.constant 480 : i32
    %add3A_821 = arith.addi %mul3A_2, %add3A_820 : i32
    "tpu.region"() ({
      %run_scoped3A = tpu.sem_alloc : memref<!tpu.dma_semaphore, #tpu.memory_space<semaphore_mem>>
      %dma_start3A_952 = arith.constant 0 : i32
      %dma_start3A_953 = arith.constant 0 : i32
      %dma_start3A_954 = tpu.memref_slice %arg17[%dma_start3A_952, %dma_start3A_953] : memref<40x128xf32, #tpu.memory_space<vmem>> -> memref<40x128xf32, #tpu.memory_space<vmem>>
      %dma_start3A_955 = arith.constant 0 : i32
      %dma_start3A_956 = tpu.memref_slice %arg27[%add3A_821, %dma_start3A_955] : memref<10000x128xf32, #tpu.memory_space<vmem_shared>> -> memref<40x128xf32, #tpu.memory_space<vmem_shared>>
      %dma_start3A_957 = arith.constant 0 : i32
      %dma_start3A_958 = arith.constant 0 : i32
      %dma_start3A_959 = tpu.memref_slice %arg17[%dma_start3A_957, %dma_start3A_958] : memref<40x128xf32, #tpu.memory_space<vmem>> -> memref<40x128xf32, #tpu.memory_space<vmem>>
      %dma_start3A_960 = arith.constant 0 : i32
      %dma_start3A_961 = tpu.memref_slice %arg27[%add3A_821, %dma_start3A_960] : memref<10000x128xf32, #tpu.memory_space<vmem_shared>> -> memref<40x128xf32, #tpu.memory_space<vmem_shared>>
      tpu.enqueue_dma source(%dma_start3A_961 : memref<40x128xf32, #tpu.memory_space<vmem_shared>>) target(%dma_start3A_959 : memref<40x128xf32, #tpu.memory_space<vmem>>) target_semaphore(%run_scoped3A : memref<!tpu.dma_semaphore, #tpu.memory_space<semaphore_mem>>)
      %dma_wait3A_962 = arith.constant 0 : i32
      %dma_wait3A_963 = arith.constant 0 : i32
      %dma_wait3A_964 = tpu.memref_slice %arg17[%dma_wait3A_962, %dma_wait3A_963] : memref<40x128xf32, #tpu.memory_space<vmem>> -> memref<40x128xf32, #tpu.memory_space<vmem>>
      %dma_wait3A_965 = arith.constant 0 : i32
      %dma_wait3A_966 = tpu.memref_slice %arg27[%add3A_821, %dma_wait3A_965] : memref<10000x128xf32, #tpu.memory_space<vmem_shared>> -> memref<40x128xf32, #tpu.memory_space<vmem_shared>>
      %dma_wait3A_967 = arith.constant 0 : i32
      %dma_wait3A_968 = arith.constant 0 : i32
      %dma_wait3A_969 = tpu.memref_slice %arg17[%dma_wait3A_967, %dma_wait3A_968] : memref<40x128xf32, #tpu.memory_space<vmem>> -> memref<40x128xf32, #tpu.memory_space<vmem>>
      %dma_wait3A_970 = arith.constant 0 : i32
      %dma_wait3A_971 = tpu.memref_slice %arg27[%add3A_821, %dma_wait3A_970] : memref<10000x128xf32, #tpu.memory_space<vmem_shared>> -> memref<40x128xf32, #tpu.memory_space<vmem_shared>>
      tpu.wait_dma2 semaphore(%run_scoped3A : memref<!tpu.dma_semaphore, #tpu.memory_space<semaphore_mem>>) src(%dma_wait3A_971 : memref<40x128xf32, #tpu.memory_space<vmem_shared>>) dst(%dma_wait3A_969 : memref<40x128xf32, #tpu.memory_space<vmem>>)
      tpu.yield
    }) : () -> ()
    %add3A_822 = arith.constant 480 : i32
    %add3A_823 = arith.addi %mul3A_2, %add3A_822 : i32
    %dma_start3A_824 = arith.constant 0 : i32
    %dma_start3A_825 = arith.constant 0 : i32
    %dma_start3A_826 = tpu.memref_slice %arg17[%dma_start3A_824, %dma_start3A_825] : memref<40x128xf32, #tpu.memory_space<vmem>> -> memref<40x128xf32, #tpu.memory_space<vmem>>
    %dma_start3A_827 = arith.constant 0 : i32
    %dma_start3A_828 = tpu.memref_slice %arg7[%arg0, %add3A_823, %dma_start3A_827] : memref<2x10000x128xf32, #tpu.memory_space<hbm>> -> memref<1x40x128xf32, #tpu.memory_space<hbm>>
    %dma_start3A_829 = tpu.memref_squeeze %dma_start3A_828 : memref<1x40x128xf32, #tpu.memory_space<hbm>> -> memref<40x128xf32, #tpu.memory_space<hbm>>
    %dma_start3A_830 = arith.constant 0 : i32
    %dma_start3A_831 = tpu.memref_slice %arg7[%arg0, %add3A_823, %dma_start3A_830] : memref<2x10000x128xf32, #tpu.memory_space<hbm>> -> memref<1x40x128xf32, #tpu.memory_space<hbm>>
    %dma_start3A_832 = tpu.memref_squeeze %dma_start3A_831 : memref<1x40x128xf32, #tpu.memory_space<hbm>> -> memref<40x128xf32, #tpu.memory_space<hbm>>
    %dma_start3A_833 = arith.constant 0 : i32
    %dma_start3A_834 = arith.constant 0 : i32
    %dma_start3A_835 = tpu.memref_slice %arg17[%dma_start3A_833, %dma_start3A_834] : memref<40x128xf32, #tpu.memory_space<vmem>> -> memref<40x128xf32, #tpu.memory_space<vmem>>
    tpu.enqueue_dma source(%dma_start3A_835 : memref<40x128xf32, #tpu.memory_space<vmem>>) target(%dma_start3A_832 : memref<40x128xf32, #tpu.memory_space<hbm>>) target_semaphore(%arg37 : memref<!tpu.dma_semaphore, #tpu.memory_space<semaphore_mem>>)
    %dma_wait3A_836 = arith.constant 0 : i32
    %dma_wait3A_837 = arith.constant 0 : i32
    %dma_wait3A_838 = tpu.memref_slice %arg18[%dma_wait3A_836, %dma_wait3A_837] : memref<40x128xf32, #tpu.memory_space<vmem>> -> memref<40x128xf32, #tpu.memory_space<vmem>>
    %dma_wait3A_839 = arith.constant 0 : i32
    %dma_wait3A_840 = tpu.memref_slice %arg7[%arg0, %add3A_795, %dma_wait3A_839] : memref<2x10000x128xf32, #tpu.memory_space<hbm>> -> memref<1x40x128xf32, #tpu.memory_space<hbm>>
    %dma_wait3A_841 = tpu.memref_squeeze %dma_wait3A_840 : memref<1x40x128xf32, #tpu.memory_space<hbm>> -> memref<40x128xf32, #tpu.memory_space<hbm>>
    %dma_wait3A_842 = arith.constant 0 : i32
    %dma_wait3A_843 = tpu.memref_slice %arg7[%arg0, %add3A_795, %dma_wait3A_842] : memref<2x10000x128xf32, #tpu.memory_space<hbm>> -> memref<1x40x128xf32, #tpu.memory_space<hbm>>
    %dma_wait3A_844 = tpu.memref_squeeze %dma_wait3A_843 : memref<1x40x128xf32, #tpu.memory_space<hbm>> -> memref<40x128xf32, #tpu.memory_space<hbm>>
    %dma_wait3A_845 = arith.constant 0 : i32
    %dma_wait3A_846 = arith.constant 0 : i32
    %dma_wait3A_847 = tpu.memref_slice %arg18[%dma_wait3A_845, %dma_wait3A_846] : memref<40x128xf32, #tpu.memory_space<vmem>> -> memref<40x128xf32, #tpu.memory_space<vmem>>
    tpu.wait_dma2 semaphore(%arg38 : memref<!tpu.dma_semaphore, #tpu.memory_space<semaphore_mem>>) src(%dma_wait3A_847 : memref<40x128xf32, #tpu.memory_space<vmem>>) dst(%dma_wait3A_844 : memref<40x128xf32, #tpu.memory_space<hbm>>)
    %add3A_848 = arith.constant 520 : i32
    %add3A_849 = arith.addi %mul3A_2, %add3A_848 : i32
    "tpu.region"() ({
      %run_scoped3A = tpu.sem_alloc : memref<!tpu.dma_semaphore, #tpu.memory_space<semaphore_mem>>
      %dma_start3A_952 = arith.constant 0 : i32
      %dma_start3A_953 = arith.constant 0 : i32
      %dma_start3A_954 = tpu.memref_slice %arg18[%dma_start3A_952, %dma_start3A_953] : memref<40x128xf32, #tpu.memory_space<vmem>> -> memref<40x128xf32, #tpu.memory_space<vmem>>
      %dma_start3A_955 = arith.constant 0 : i32
      %dma_start3A_956 = tpu.memref_slice %arg27[%add3A_849, %dma_start3A_955] : memref<10000x128xf32, #tpu.memory_space<vmem_shared>> -> memref<40x128xf32, #tpu.memory_space<vmem_shared>>
      %dma_start3A_957 = arith.constant 0 : i32
      %dma_start3A_958 = arith.constant 0 : i32
      %dma_start3A_959 = tpu.memref_slice %arg18[%dma_start3A_957, %dma_start3A_958] : memref<40x128xf32, #tpu.memory_space<vmem>> -> memref<40x128xf32, #tpu.memory_space<vmem>>
      %dma_start3A_960 = arith.constant 0 : i32
      %dma_start3A_961 = tpu.memref_slice %arg27[%add3A_849, %dma_start3A_960] : memref<10000x128xf32, #tpu.memory_space<vmem_shared>> -> memref<40x128xf32, #tpu.memory_space<vmem_shared>>
      tpu.enqueue_dma source(%dma_start3A_961 : memref<40x128xf32, #tpu.memory_space<vmem_shared>>) target(%dma_start3A_959 : memref<40x128xf32, #tpu.memory_space<vmem>>) target_semaphore(%run_scoped3A : memref<!tpu.dma_semaphore, #tpu.memory_space<semaphore_mem>>)
      %dma_wait3A_962 = arith.constant 0 : i32
      %dma_wait3A_963 = arith.constant 0 : i32
      %dma_wait3A_964 = tpu.memref_slice %arg18[%dma_wait3A_962, %dma_wait3A_963] : memref<40x128xf32, #tpu.memory_space<vmem>> -> memref<40x128xf32, #tpu.memory_space<vmem>>
      %dma_wait3A_965 = arith.constant 0 : i32
      %dma_wait3A_966 = tpu.memref_slice %arg27[%add3A_849, %dma_wait3A_965] : memref<10000x128xf32, #tpu.memory_space<vmem_shared>> -> memref<40x128xf32, #tpu.memory_space<vmem_shared>>
      %dma_wait3A_967 = arith.constant 0 : i32
      %dma_wait3A_968 = arith.constant 0 : i32
      %dma_wait3A_969 = tpu.memref_slice %arg18[%dma_wait3A_967, %dma_wait3A_968] : memref<40x128xf32, #tpu.memory_space<vmem>> -> memref<40x128xf32, #tpu.memory_space<vmem>>
      %dma_wait3A_970 = arith.constant 0 : i32
      %dma_wait3A_971 = tpu.memref_slice %arg27[%add3A_849, %dma_wait3A_970] : memref<10000x128xf32, #tpu.memory_space<vmem_shared>> -> memref<40x128xf32, #tpu.memory_space<vmem_shared>>
      tpu.wait_dma2 semaphore(%run_scoped3A : memref<!tpu.dma_semaphore, #tpu.memory_space<semaphore_mem>>) src(%dma_wait3A_971 : memref<40x128xf32, #tpu.memory_space<vmem_shared>>) dst(%dma_wait3A_969 : memref<40x128xf32, #tpu.memory_space<vmem>>)
      tpu.yield
    }) : () -> ()
    %add3A_850 = arith.constant 520 : i32
    %add3A_851 = arith.addi %mul3A_2, %add3A_850 : i32
    %dma_start3A_852 = arith.constant 0 : i32
    %dma_start3A_853 = arith.constant 0 : i32
    %dma_start3A_854 = tpu.memref_slice %arg18[%dma_start3A_852, %dma_start3A_853] : memref<40x128xf32, #tpu.memory_space<vmem>> -> memref<40x128xf32, #tpu.memory_space<vmem>>
    %dma_start3A_855 = arith.constant 0 : i32
    %dma_start3A_856 = tpu.memref_slice %arg7[%arg0, %add3A_851, %dma_start3A_855] : memref<2x10000x128xf32, #tpu.memory_space<hbm>> -> memref<1x40x128xf32, #tpu.memory_space<hbm>>
    %dma_start3A_857 = tpu.memref_squeeze %dma_start3A_856 : memref<1x40x128xf32, #tpu.memory_space<hbm>> -> memref<40x128xf32, #tpu.memory_space<hbm>>
    %dma_start3A_858 = arith.constant 0 : i32
    %dma_start3A_859 = tpu.memref_slice %arg7[%arg0, %add3A_851, %dma_start3A_858] : memref<2x10000x128xf32, #tpu.memory_space<hbm>> -> memref<1x40x128xf32, #tpu.memory_space<hbm>>
    %dma_start3A_860 = tpu.memref_squeeze %dma_start3A_859 : memref<1x40x128xf32, #tpu.memory_space<hbm>> -> memref<40x128xf32, #tpu.memory_space<hbm>>
    %dma_start3A_861 = arith.constant 0 : i32
    %dma_start3A_862 = arith.constant 0 : i32
    %dma_start3A_863 = tpu.memref_slice %arg18[%dma_start3A_861, %dma_start3A_862] : memref<40x128xf32, #tpu.memory_space<vmem>> -> memref<40x128xf32, #tpu.memory_space<vmem>>
    tpu.enqueue_dma source(%dma_start3A_863 : memref<40x128xf32, #tpu.memory_space<vmem>>) target(%dma_start3A_860 : memref<40x128xf32, #tpu.memory_space<hbm>>) target_semaphore(%arg38 : memref<!tpu.dma_semaphore, #tpu.memory_space<semaphore_mem>>)
    %dma_wait3A_864 = arith.constant 0 : i32
    %dma_wait3A_865 = arith.constant 0 : i32
    %dma_wait3A_866 = tpu.memref_slice %arg17[%dma_wait3A_864, %dma_wait3A_865] : memref<40x128xf32, #tpu.memory_space<vmem>> -> memref<40x128xf32, #tpu.memory_space<vmem>>
    %dma_wait3A_867 = arith.constant 0 : i32
    %dma_wait3A_868 = tpu.memref_slice %arg7[%arg0, %add3A_823, %dma_wait3A_867] : memref<2x10000x128xf32, #tpu.memory_space<hbm>> -> memref<1x40x128xf32, #tpu.memory_space<hbm>>
    %dma_wait3A_869 = tpu.memref_squeeze %dma_wait3A_868 : memref<1x40x128xf32, #tpu.memory_space<hbm>> -> memref<40x128xf32, #tpu.memory_space<hbm>>
    %dma_wait3A_870 = arith.constant 0 : i32
    %dma_wait3A_871 = tpu.memref_slice %arg7[%arg0, %add3A_823, %dma_wait3A_870] : memref<2x10000x128xf32, #tpu.memory_space<hbm>> -> memref<1x40x128xf32, #tpu.memory_space<hbm>>
    %dma_wait3A_872 = tpu.memref_squeeze %dma_wait3A_871 : memref<1x40x128xf32, #tpu.memory_space<hbm>> -> memref<40x128xf32, #tpu.memory_space<hbm>>
    %dma_wait3A_873 = arith.constant 0 : i32
    %dma_wait3A_874 = arith.constant 0 : i32
    %dma_wait3A_875 = tpu.memref_slice %arg17[%dma_wait3A_873, %dma_wait3A_874] : memref<40x128xf32, #tpu.memory_space<vmem>> -> memref<40x128xf32, #tpu.memory_space<vmem>>
    tpu.wait_dma2 semaphore(%arg37 : memref<!tpu.dma_semaphore, #tpu.memory_space<semaphore_mem>>) src(%dma_wait3A_875 : memref<40x128xf32, #tpu.memory_space<vmem>>) dst(%dma_wait3A_872 : memref<40x128xf32, #tpu.memory_space<hbm>>)
    %add3A_876 = arith.constant 560 : i32
    %add3A_877 = arith.addi %mul3A_2, %add3A_876 : i32
    "tpu.region"() ({
      %run_scoped3A = tpu.sem_alloc : memref<!tpu.dma_semaphore, #tpu.memory_space<semaphore_mem>>
      %dma_start3A_952 = arith.constant 0 : i32
      %dma_start3A_953 = arith.constant 0 : i32
      %dma_start3A_954 = tpu.memref_slice %arg17[%dma_start3A_952, %dma_start3A_953] : memref<40x128xf32, #tpu.memory_space<vmem>> -> memref<40x128xf32, #tpu.memory_space<vmem>>
      %dma_start3A_955 = arith.constant 0 : i32
      %dma_start3A_956 = tpu.memref_slice %arg27[%add3A_877, %dma_start3A_955] : memref<10000x128xf32, #tpu.memory_space<vmem_shared>> -> memref<40x128xf32, #tpu.memory_space<vmem_shared>>
      %dma_start3A_957 = arith.constant 0 : i32
      %dma_start3A_958 = arith.constant 0 : i32
      %dma_start3A_959 = tpu.memref_slice %arg17[%dma_start3A_957, %dma_start3A_958] : memref<40x128xf32, #tpu.memory_space<vmem>> -> memref<40x128xf32, #tpu.memory_space<vmem>>
      %dma_start3A_960 = arith.constant 0 : i32
      %dma_start3A_961 = tpu.memref_slice %arg27[%add3A_877, %dma_start3A_960] : memref<10000x128xf32, #tpu.memory_space<vmem_shared>> -> memref<40x128xf32, #tpu.memory_space<vmem_shared>>
      tpu.enqueue_dma source(%dma_start3A_961 : memref<40x128xf32, #tpu.memory_space<vmem_shared>>) target(%dma_start3A_959 : memref<40x128xf32, #tpu.memory_space<vmem>>) target_semaphore(%run_scoped3A : memref<!tpu.dma_semaphore, #tpu.memory_space<semaphore_mem>>)
      %dma_wait3A_962 = arith.constant 0 : i32
      %dma_wait3A_963 = arith.constant 0 : i32
      %dma_wait3A_964 = tpu.memref_slice %arg17[%dma_wait3A_962, %dma_wait3A_963] : memref<40x128xf32, #tpu.memory_space<vmem>> -> memref<40x128xf32, #tpu.memory_space<vmem>>
      %dma_wait3A_965 = arith.constant 0 : i32
      %dma_wait3A_966 = tpu.memref_slice %arg27[%add3A_877, %dma_wait3A_965] : memref<10000x128xf32, #tpu.memory_space<vmem_shared>> -> memref<40x128xf32, #tpu.memory_space<vmem_shared>>
      %dma_wait3A_967 = arith.constant 0 : i32
      %dma_wait3A_968 = arith.constant 0 : i32
      %dma_wait3A_969 = tpu.memref_slice %arg17[%dma_wait3A_967, %dma_wait3A_968] : memref<40x128xf32, #tpu.memory_space<vmem>> -> memref<40x128xf32, #tpu.memory_space<vmem>>
      %dma_wait3A_970 = arith.constant 0 : i32
      %dma_wait3A_971 = tpu.memref_slice %arg27[%add3A_877, %dma_wait3A_970] : memref<10000x128xf32, #tpu.memory_space<vmem_shared>> -> memref<40x128xf32, #tpu.memory_space<vmem_shared>>
      tpu.wait_dma2 semaphore(%run_scoped3A : memref<!tpu.dma_semaphore, #tpu.memory_space<semaphore_mem>>) src(%dma_wait3A_971 : memref<40x128xf32, #tpu.memory_space<vmem_shared>>) dst(%dma_wait3A_969 : memref<40x128xf32, #tpu.memory_space<vmem>>)
      tpu.yield
    }) : () -> ()
    %add3A_878 = arith.constant 560 : i32
    %add3A_879 = arith.addi %mul3A_2, %add3A_878 : i32
    %dma_start3A_880 = arith.constant 0 : i32
    %dma_start3A_881 = arith.constant 0 : i32
    %dma_start3A_882 = tpu.memref_slice %arg17[%dma_start3A_880, %dma_start3A_881] : memref<40x128xf32, #tpu.memory_space<vmem>> -> memref<40x128xf32, #tpu.memory_space<vmem>>
    %dma_start3A_883 = arith.constant 0 : i32
    %dma_start3A_884 = tpu.memref_slice %arg7[%arg0, %add3A_879, %dma_start3A_883] : memref<2x10000x128xf32, #tpu.memory_space<hbm>> -> memref<1x40x128xf32, #tpu.memory_space<hbm>>
    %dma_start3A_885 = tpu.memref_squeeze %dma_start3A_884 : memref<1x40x128xf32, #tpu.memory_space<hbm>> -> memref<40x128xf32, #tpu.memory_space<hbm>>
    %dma_start3A_886 = arith.constant 0 : i32
    %dma_start3A_887 = tpu.memref_slice %arg7[%arg0, %add3A_879, %dma_start3A_886] : memref<2x10000x128xf32, #tpu.memory_space<hbm>> -> memref<1x40x128xf32, #tpu.memory_space<hbm>>
    %dma_start3A_888 = tpu.memref_squeeze %dma_start3A_887 : memref<1x40x128xf32, #tpu.memory_space<hbm>> -> memref<40x128xf32, #tpu.memory_space<hbm>>
    %dma_start3A_889 = arith.constant 0 : i32
    %dma_start3A_890 = arith.constant 0 : i32
    %dma_start3A_891 = tpu.memref_slice %arg17[%dma_start3A_889, %dma_start3A_890] : memref<40x128xf32, #tpu.memory_space<vmem>> -> memref<40x128xf32, #tpu.memory_space<vmem>>
    tpu.enqueue_dma source(%dma_start3A_891 : memref<40x128xf32, #tpu.memory_space<vmem>>) target(%dma_start3A_888 : memref<40x128xf32, #tpu.memory_space<hbm>>) target_semaphore(%arg37 : memref<!tpu.dma_semaphore, #tpu.memory_space<semaphore_mem>>)
    %dma_wait3A_892 = arith.constant 0 : i32
    %dma_wait3A_893 = arith.constant 0 : i32
    %dma_wait3A_894 = tpu.memref_slice %arg18[%dma_wait3A_892, %dma_wait3A_893] : memref<40x128xf32, #tpu.memory_space<vmem>> -> memref<40x128xf32, #tpu.memory_space<vmem>>
    %dma_wait3A_895 = arith.constant 0 : i32
    %dma_wait3A_896 = tpu.memref_slice %arg7[%arg0, %add3A_851, %dma_wait3A_895] : memref<2x10000x128xf32, #tpu.memory_space<hbm>> -> memref<1x40x128xf32, #tpu.memory_space<hbm>>
    %dma_wait3A_897 = tpu.memref_squeeze %dma_wait3A_896 : memref<1x40x128xf32, #tpu.memory_space<hbm>> -> memref<40x128xf32, #tpu.memory_space<hbm>>
    %dma_wait3A_898 = arith.constant 0 : i32
    %dma_wait3A_899 = tpu.memref_slice %arg7[%arg0, %add3A_851, %dma_wait3A_898] : memref<2x10000x128xf32, #tpu.memory_space<hbm>> -> memref<1x40x128xf32, #tpu.memory_space<hbm>>
    %dma_wait3A_900 = tpu.memref_squeeze %dma_wait3A_899 : memref<1x40x128xf32, #tpu.memory_space<hbm>> -> memref<40x128xf32, #tpu.memory_space<hbm>>
    %dma_wait3A_901 = arith.constant 0 : i32
    %dma_wait3A_902 = arith.constant 0 : i32
    %dma_wait3A_903 = tpu.memref_slice %arg18[%dma_wait3A_901, %dma_wait3A_902] : memref<40x128xf32, #tpu.memory_space<vmem>> -> memref<40x128xf32, #tpu.memory_space<vmem>>
    tpu.wait_dma2 semaphore(%arg38 : memref<!tpu.dma_semaphore, #tpu.memory_space<semaphore_mem>>) src(%dma_wait3A_903 : memref<40x128xf32, #tpu.memory_space<vmem>>) dst(%dma_wait3A_900 : memref<40x128xf32, #tpu.memory_space<hbm>>)
    %add3A_904 = arith.constant 600 : i32
    %add3A_905 = arith.addi %mul3A_2, %add3A_904 : i32
    "tpu.region"() ({
      %run_scoped3A = tpu.sem_alloc : memref<!tpu.dma_semaphore, #tpu.memory_space<semaphore_mem>>
      %dma_start3A_952 = arith.constant 0 : i32
      %dma_start3A_953 = arith.constant 0 : i32
      %dma_start3A_954 = tpu.memref_slice %arg18[%dma_start3A_952, %dma_start3A_953] : memref<40x128xf32, #tpu.memory_space<vmem>> -> memref<24x128xf32, #tpu.memory_space<vmem>>
      %dma_start3A_955 = arith.constant 0 : i32
      %dma_start3A_956 = tpu.memref_slice %arg27[%add3A_905, %dma_start3A_955] : memref<10000x128xf32, #tpu.memory_space<vmem_shared>> -> memref<24x128xf32, #tpu.memory_space<vmem_shared>>
      %dma_start3A_957 = arith.constant 0 : i32
      %dma_start3A_958 = arith.constant 0 : i32
      %dma_start3A_959 = tpu.memref_slice %arg18[%dma_start3A_957, %dma_start3A_958] : memref<40x128xf32, #tpu.memory_space<vmem>> -> memref<24x128xf32, #tpu.memory_space<vmem>>
      %dma_start3A_960 = arith.constant 0 : i32
      %dma_start3A_961 = tpu.memref_slice %arg27[%add3A_905, %dma_start3A_960] : memref<10000x128xf32, #tpu.memory_space<vmem_shared>> -> memref<24x128xf32, #tpu.memory_space<vmem_shared>>
      tpu.enqueue_dma source(%dma_start3A_961 : memref<24x128xf32, #tpu.memory_space<vmem_shared>>) target(%dma_start3A_959 : memref<24x128xf32, #tpu.memory_space<vmem>>) target_semaphore(%run_scoped3A : memref<!tpu.dma_semaphore, #tpu.memory_space<semaphore_mem>>)
      %dma_wait3A_962 = arith.constant 0 : i32
      %dma_wait3A_963 = arith.constant 0 : i32
      %dma_wait3A_964 = tpu.memref_slice %arg18[%dma_wait3A_962, %dma_wait3A_963] : memref<40x128xf32, #tpu.memory_space<vmem>> -> memref<24x128xf32, #tpu.memory_space<vmem>>
      %dma_wait3A_965 = arith.constant 0 : i32
      %dma_wait3A_966 = tpu.memref_slice %arg27[%add3A_905, %dma_wait3A_965] : memref<10000x128xf32, #tpu.memory_space<vmem_shared>> -> memref<24x128xf32, #tpu.memory_space<vmem_shared>>
      %dma_wait3A_967 = arith.constant 0 : i32
      %dma_wait3A_968 = arith.constant 0 : i32
      %dma_wait3A_969 = tpu.memref_slice %arg18[%dma_wait3A_967, %dma_wait3A_968] : memref<40x128xf32, #tpu.memory_space<vmem>> -> memref<24x128xf32, #tpu.memory_space<vmem>>
      %dma_wait3A_970 = arith.constant 0 : i32
      %dma_wait3A_971 = tpu.memref_slice %arg27[%add3A_905, %dma_wait3A_970] : memref<10000x128xf32, #tpu.memory_space<vmem_shared>> -> memref<24x128xf32, #tpu.memory_space<vmem_shared>>
      tpu.wait_dma2 semaphore(%run_scoped3A : memref<!tpu.dma_semaphore, #tpu.memory_space<semaphore_mem>>) src(%dma_wait3A_971 : memref<24x128xf32, #tpu.memory_space<vmem_shared>>) dst(%dma_wait3A_969 : memref<24x128xf32, #tpu.memory_space<vmem>>)
      tpu.yield
    }) : () -> ()
    %add3A_906 = arith.constant 600 : i32
    %add3A_907 = arith.addi %mul3A_2, %add3A_906 : i32
    %dma_start3A_908 = arith.constant 0 : i32
    %dma_start3A_909 = arith.constant 0 : i32
    %dma_start3A_910 = tpu.memref_slice %arg18[%dma_start3A_908, %dma_start3A_909] : memref<40x128xf32, #tpu.memory_space<vmem>> -> memref<24x128xf32, #tpu.memory_space<vmem>>
    %dma_start3A_911 = arith.constant 0 : i32
    %dma_start3A_912 = tpu.memref_slice %arg7[%arg0, %add3A_907, %dma_start3A_911] : memref<2x10000x128xf32, #tpu.memory_space<hbm>> -> memref<1x24x128xf32, #tpu.memory_space<hbm>>
    %dma_start3A_913 = tpu.memref_squeeze %dma_start3A_912 : memref<1x24x128xf32, #tpu.memory_space<hbm>> -> memref<24x128xf32, #tpu.memory_space<hbm>>
    %dma_start3A_914 = arith.constant 0 : i32
    %dma_start3A_915 = tpu.memref_slice %arg7[%arg0, %add3A_907, %dma_start3A_914] : memref<2x10000x128xf32, #tpu.memory_space<hbm>> -> memref<1x24x128xf32, #tpu.memory_space<hbm>>
    %dma_start3A_916 = tpu.memref_squeeze %dma_start3A_915 : memref<1x24x128xf32, #tpu.memory_space<hbm>> -> memref<24x128xf32, #tpu.memory_space<hbm>>
    %dma_start3A_917 = arith.constant 0 : i32
    %dma_start3A_918 = arith.constant 0 : i32
    %dma_start3A_919 = tpu.memref_slice %arg18[%dma_start3A_917, %dma_start3A_918] : memref<40x128xf32, #tpu.memory_space<vmem>> -> memref<24x128xf32, #tpu.memory_space<vmem>>
    tpu.enqueue_dma source(%dma_start3A_919 : memref<24x128xf32, #tpu.memory_space<vmem>>) target(%dma_start3A_916 : memref<24x128xf32, #tpu.memory_space<hbm>>) target_semaphore(%arg38 : memref<!tpu.dma_semaphore, #tpu.memory_space<semaphore_mem>>)
    %dma_wait3A_920 = arith.constant 0 : i32
    %dma_wait3A_921 = arith.constant 0 : i32
    %dma_wait3A_922 = tpu.memref_slice %arg17[%dma_wait3A_920, %dma_wait3A_921] : memref<40x128xf32, #tpu.memory_space<vmem>> -> memref<40x128xf32, #tpu.memory_space<vmem>>
    %dma_wait3A_923 = arith.constant 0 : i32
    %dma_wait3A_924 = tpu.memref_slice %arg7[%arg0, %add3A_879, %dma_wait3A_923] : memref<2x10000x128xf32, #tpu.memory_space<hbm>> -> memref<1x40x128xf32, #tpu.memory_space<hbm>>
    %dma_wait3A_925 = tpu.memref_squeeze %dma_wait3A_924 : memref<1x40x128xf32, #tpu.memory_space<hbm>> -> memref<40x128xf32, #tpu.memory_space<hbm>>
    %dma_wait3A_926 = arith.constant 0 : i32
    %dma_wait3A_927 = tpu.memref_slice %arg7[%arg0, %add3A_879, %dma_wait3A_926] : memref<2x10000x128xf32, #tpu.memory_space<hbm>> -> memref<1x40x128xf32, #tpu.memory_space<hbm>>
    %dma_wait3A_928 = tpu.memref_squeeze %dma_wait3A_927 : memref<1x40x128xf32, #tpu.memory_space<hbm>> -> memref<40x128xf32, #tpu.memory_space<hbm>>
    %dma_wait3A_929 = arith.constant 0 : i32
    %dma_wait3A_930 = arith.constant 0 : i32
    %dma_wait3A_931 = tpu.memref_slice %arg17[%dma_wait3A_929, %dma_wait3A_930] : memref<40x128xf32, #tpu.memory_space<vmem>> -> memref<40x128xf32, #tpu.memory_space<vmem>>
    tpu.wait_dma2 semaphore(%arg37 : memref<!tpu.dma_semaphore, #tpu.memory_space<semaphore_mem>>) src(%dma_wait3A_931 : memref<40x128xf32, #tpu.memory_space<vmem>>) dst(%dma_wait3A_928 : memref<40x128xf32, #tpu.memory_space<hbm>>)
    %dma_wait3A_932 = arith.constant 0 : i32
    %dma_wait3A_933 = arith.constant 0 : i32
    %dma_wait3A_934 = tpu.memref_slice %arg18[%dma_wait3A_932, %dma_wait3A_933] : memref<40x128xf32, #tpu.memory_space<vmem>> -> memref<24x128xf32, #tpu.memory_space<vmem>>
    %dma_wait3A_935 = arith.constant 0 : i32
    %dma_wait3A_936 = tpu.memref_slice %arg7[%arg0, %add3A_907, %dma_wait3A_935] : memref<2x10000x128xf32, #tpu.memory_space<hbm>> -> memref<1x24x128xf32, #tpu.memory_space<hbm>>
    %dma_wait3A_937 = tpu.memref_squeeze %dma_wait3A_936 : memref<1x24x128xf32, #tpu.memory_space<hbm>> -> memref<24x128xf32, #tpu.memory_space<hbm>>
    %dma_wait3A_938 = arith.constant 0 : i32
    %dma_wait3A_939 = tpu.memref_slice %arg7[%arg0, %add3A_907, %dma_wait3A_938] : memref<2x10000x128xf32, #tpu.memory_space<hbm>> -> memref<1x24x128xf32, #tpu.memory_space<hbm>>
    %dma_wait3A_940 = tpu.memref_squeeze %dma_wait3A_939 : memref<1x24x128xf32, #tpu.memory_space<hbm>> -> memref<24x128xf32, #tpu.memory_space<hbm>>
    %dma_wait3A_941 = arith.constant 0 : i32
    %dma_wait3A_942 = arith.constant 0 : i32
    %dma_wait3A_943 = tpu.memref_slice %arg18[%dma_wait3A_941, %dma_wait3A_942] : memref<40x128xf32, #tpu.memory_space<vmem>> -> memref<24x128xf32, #tpu.memory_space<vmem>>
    tpu.wait_dma2 semaphore(%arg38 : memref<!tpu.dma_semaphore, #tpu.memory_space<semaphore_mem>>) src(%dma_wait3A_943 : memref<24x128xf32, #tpu.memory_space<vmem>>) dst(%dma_wait3A_940 : memref<24x128xf32, #tpu.memory_space<hbm>>)
    "tpu.region"() ({
      %run_scoped3A = tpu.sem_alloc : memref<!tpu.dma_semaphore, #tpu.memory_space<semaphore_mem>>
      %dma_start3A_952 = tpu.memref_slice %arg28[%mul3A_2] : memref<10000xf32, #tpu.memory_space<vmem_shared>> -> memref<624xf32, #tpu.memory_space<vmem_shared>>
      %dma_start3A_953 = tpu.memref_slice %arg28[%mul3A_2] : memref<10000xf32, #tpu.memory_space<vmem_shared>> -> memref<624xf32, #tpu.memory_space<vmem_shared>>
      tpu.enqueue_dma source(%dma_start3A_953 : memref<624xf32, #tpu.memory_space<vmem_shared>>) target(%arg26 : memref<624xf32, #tpu.memory_space<vmem>>) target_semaphore(%run_scoped3A : memref<!tpu.dma_semaphore, #tpu.memory_space<semaphore_mem>>)
      %dma_wait3A_954 = tpu.memref_slice %arg28[%mul3A_2] : memref<10000xf32, #tpu.memory_space<vmem_shared>> -> memref<624xf32, #tpu.memory_space<vmem_shared>>
      %dma_wait3A_955 = tpu.memref_slice %arg28[%mul3A_2] : memref<10000xf32, #tpu.memory_space<vmem_shared>> -> memref<624xf32, #tpu.memory_space<vmem_shared>>
      tpu.wait_dma2 semaphore(%run_scoped3A : memref<!tpu.dma_semaphore, #tpu.memory_space<semaphore_mem>>) src(%dma_wait3A_955 : memref<624xf32, #tpu.memory_space<vmem_shared>>) dst(%arg26 : memref<624xf32, #tpu.memory_space<vmem>>)
      tpu.yield
    }) : () -> ()
    %mul3A_944 = arith.constant 10000 : i32
    %mul3A_945 = arith.muli %arg0, %mul3A_944 : i32
    %add3A_946 = arith.addi %mul3A_945, %mul3A_2 : i32
    "tpu.region"() ({
      %run_scoped3A = tpu.sem_alloc : memref<!tpu.dma_semaphore, #tpu.memory_space<semaphore_mem>>
      %dma_start3A_952 = tpu.memref_slice %arg8[%add3A_946] : memref<20000xf32, #tpu.memory_space<hbm>> -> memref<624xf32, #tpu.memory_space<hbm>>
      %dma_start3A_953 = tpu.memref_slice %arg8[%add3A_946] : memref<20000xf32, #tpu.memory_space<hbm>> -> memref<624xf32, #tpu.memory_space<hbm>>
      tpu.enqueue_dma source(%arg26 : memref<624xf32, #tpu.memory_space<vmem>>) target(%dma_start3A_953 : memref<624xf32, #tpu.memory_space<hbm>>) target_semaphore(%run_scoped3A : memref<!tpu.dma_semaphore, #tpu.memory_space<semaphore_mem>>)
      %dma_wait3A_954 = tpu.memref_slice %arg8[%add3A_946] : memref<20000xf32, #tpu.memory_space<hbm>> -> memref<624xf32, #tpu.memory_space<hbm>>
      %dma_wait3A_955 = tpu.memref_slice %arg8[%add3A_946] : memref<20000xf32, #tpu.memory_space<hbm>> -> memref<624xf32, #tpu.memory_space<hbm>>
      tpu.wait_dma2 semaphore(%run_scoped3A : memref<!tpu.dma_semaphore, #tpu.memory_space<semaphore_mem>>) src(%arg26 : memref<624xf32, #tpu.memory_space<vmem>>) dst(%dma_wait3A_955 : memref<624xf32, #tpu.memory_space<hbm>>)
      tpu.yield
    }) : () -> ()
    %eq3A_947 = arith.constant 0 : i32
    %eq3A_948 = arith.cmpi eq, %arg1, %eq3A_947 : i32
    %convert_element_type3A_949 = arith.extui %eq3A_948 : i1 to i32
    %cond3A_950 = arith.constant 0 : i32
    %cond3A_951 = arith.cmpi ne, %convert_element_type3A_949, %cond3A_950 : i32
    scf.if %cond3A_951 {
      "tpu.region"() ({
        %run_scoped3A = tpu.sem_alloc : memref<!tpu.dma_semaphore, #tpu.memory_space<semaphore_mem>>
        %dma_start3A_956 = arith.constant 0 : i32
        %dma_start3A_957 = arith.constant 0 : i32
        %dma_start3A_958 = tpu.memref_slice %arg17[%dma_start3A_956, %dma_start3A_957] : memref<40x128xf32, #tpu.memory_space<vmem>> -> memref<16x128xf32, #tpu.memory_space<vmem>>
        %dma_start3A_959 = arith.constant 9984 : i32
        %dma_start3A_960 = arith.constant 0 : i32
        %dma_start3A_961 = tpu.memref_slice %arg27[%dma_start3A_959, %dma_start3A_960] : memref<10000x128xf32, #tpu.memory_space<vmem_shared>> -> memref<16x128xf32, #tpu.memory_space<vmem_shared>>
        %dma_start3A_962 = arith.constant 0 : i32
        %dma_start3A_963 = arith.constant 0 : i32
        %dma_start3A_964 = tpu.memref_slice %arg17[%dma_start3A_962, %dma_start3A_963] : memref<40x128xf32, #tpu.memory_space<vmem>> -> memref<16x128xf32, #tpu.memory_space<vmem>>
        %dma_start3A_965 = arith.constant 9984 : i32
        %dma_start3A_966 = arith.constant 0 : i32
        %dma_start3A_967 = tpu.memref_slice %arg27[%dma_start3A_965, %dma_start3A_966] : memref<10000x128xf32, #tpu.memory_space<vmem_shared>> -> memref<16x128xf32, #tpu.memory_space<vmem_shared>>
        tpu.enqueue_dma source(%dma_start3A_967 : memref<16x128xf32, #tpu.memory_space<vmem_shared>>) target(%dma_start3A_964 : memref<16x128xf32, #tpu.memory_space<vmem>>) target_semaphore(%run_scoped3A : memref<!tpu.dma_semaphore, #tpu.memory_space<semaphore_mem>>)
        %dma_wait3A_968 = arith.constant 0 : i32
        %dma_wait3A_969 = arith.constant 0 : i32
        %dma_wait3A_970 = tpu.memref_slice %arg17[%dma_wait3A_968, %dma_wait3A_969] : memref<40x128xf32, #tpu.memory_space<vmem>> -> memref<16x128xf32, #tpu.memory_space<vmem>>
        %dma_wait3A_971 = arith.constant 9984 : i32
        %dma_wait3A_972 = arith.constant 0 : i32
        %dma_wait3A_973 = tpu.memref_slice %arg27[%dma_wait3A_971, %dma_wait3A_972] : memref<10000x128xf32, #tpu.memory_space<vmem_shared>> -> memref<16x128xf32, #tpu.memory_space<vmem_shared>>
        %dma_wait3A_974 = arith.constant 0 : i32
        %dma_wait3A_975 = arith.constant 0 : i32
        %dma_wait3A_976 = tpu.memref_slice %arg17[%dma_wait3A_974, %dma_wait3A_975] : memref<40x128xf32, #tpu.memory_space<vmem>> -> memref<16x128xf32, #tpu.memory_space<vmem>>
        %dma_wait3A_977 = arith.constant 9984 : i32
        %dma_wait3A_978 = arith.constant 0 : i32
        %dma_wait3A_979 = tpu.memref_slice %arg27[%dma_wait3A_977, %dma_wait3A_978] : memref<10000x128xf32, #tpu.memory_space<vmem_shared>> -> memref<16x128xf32, #tpu.memory_space<vmem_shared>>
        tpu.wait_dma2 semaphore(%run_scoped3A : memref<!tpu.dma_semaphore, #tpu.memory_space<semaphore_mem>>) src(%dma_wait3A_979 : memref<16x128xf32, #tpu.memory_space<vmem_shared>>) dst(%dma_wait3A_976 : memref<16x128xf32, #tpu.memory_space<vmem>>)
        tpu.yield
      }) : () -> ()
      "tpu.region"() ({
        %run_scoped3A = tpu.sem_alloc : memref<!tpu.dma_semaphore, #tpu.memory_space<semaphore_mem>>
        %dma_start3A_956 = arith.constant 0 : i32
        %dma_start3A_957 = tpu.memref_slice %arg26[%dma_start3A_956] : memref<624xf32, #tpu.memory_space<vmem>> -> memref<16xf32, #tpu.memory_space<vmem>>
        %dma_start3A_958 = arith.constant 9984 : i32
        %dma_start3A_959 = tpu.memref_slice %arg28[%dma_start3A_958] : memref<10000xf32, #tpu.memory_space<vmem_shared>> -> memref<16xf32, #tpu.memory_space<vmem_shared>>
        %dma_start3A_960 = arith.constant 0 : i32
        %dma_start3A_961 = tpu.memref_slice %arg26[%dma_start3A_960] : memref<624xf32, #tpu.memory_space<vmem>> -> memref<16xf32, #tpu.memory_space<vmem>>
        %dma_start3A_962 = arith.constant 9984 : i32
        %dma_start3A_963 = tpu.memref_slice %arg28[%dma_start3A_962] : memref<10000xf32, #tpu.memory_space<vmem_shared>> -> memref<16xf32, #tpu.memory_space<vmem_shared>>
        tpu.enqueue_dma source(%dma_start3A_963 : memref<16xf32, #tpu.memory_space<vmem_shared>>) target(%dma_start3A_961 : memref<16xf32, #tpu.memory_space<vmem>>) target_semaphore(%run_scoped3A : memref<!tpu.dma_semaphore, #tpu.memory_space<semaphore_mem>>)
        %dma_wait3A_964 = arith.constant 0 : i32
        %dma_wait3A_965 = tpu.memref_slice %arg26[%dma_wait3A_964] : memref<624xf32, #tpu.memory_space<vmem>> -> memref<16xf32, #tpu.memory_space<vmem>>
        %dma_wait3A_966 = arith.constant 9984 : i32
        %dma_wait3A_967 = tpu.memref_slice %arg28[%dma_wait3A_966] : memref<10000xf32, #tpu.memory_space<vmem_shared>> -> memref<16xf32, #tpu.memory_space<vmem_shared>>
        %dma_wait3A_968 = arith.constant 0 : i32
        %dma_wait3A_969 = tpu.memref_slice %arg26[%dma_wait3A_968] : memref<624xf32, #tpu.memory_space<vmem>> -> memref<16xf32, #tpu.memory_space<vmem>>
        %dma_wait3A_970 = arith.constant 9984 : i32
        %dma_wait3A_971 = tpu.memref_slice %arg28[%dma_wait3A_970] : memref<10000xf32, #tpu.memory_space<vmem_shared>> -> memref<16xf32, #tpu.memory_space<vmem_shared>>
        tpu.wait_dma2 semaphore(%run_scoped3A : memref<!tpu.dma_semaphore, #tpu.memory_space<semaphore_mem>>) src(%dma_wait3A_971 : memref<16xf32, #tpu.memory_space<vmem_shared>>) dst(%dma_wait3A_969 : memref<16xf32, #tpu.memory_space<vmem>>)
        tpu.yield
      }) : () -> ()
      "tpu.region"() ({
        %run_scoped3A = tpu.sem_alloc : memref<!tpu.dma_semaphore, #tpu.memory_space<semaphore_mem>>
        %dma_start3A_956 = arith.constant 0 : i32
        %dma_start3A_957 = arith.constant 0 : i32
        %dma_start3A_958 = tpu.memref_slice %arg17[%dma_start3A_956, %dma_start3A_957] : memref<40x128xf32, #tpu.memory_space<vmem>> -> memref<16x128xf32, #tpu.memory_space<vmem>>
        %dma_start3A_959 = arith.constant 9984 : i32
        %dma_start3A_960 = arith.constant 0 : i32
        %dma_start3A_961 = tpu.memref_slice %arg7[%arg0, %dma_start3A_959, %dma_start3A_960] : memref<2x10000x128xf32, #tpu.memory_space<hbm>> -> memref<1x16x128xf32, #tpu.memory_space<hbm>>
        %dma_start3A_962 = tpu.memref_squeeze %dma_start3A_961 : memref<1x16x128xf32, #tpu.memory_space<hbm>> -> memref<16x128xf32, #tpu.memory_space<hbm>>
        %dma_start3A_963 = arith.constant 9984 : i32
        %dma_start3A_964 = arith.constant 0 : i32
        %dma_start3A_965 = tpu.memref_slice %arg7[%arg0, %dma_start3A_963, %dma_start3A_964] : memref<2x10000x128xf32, #tpu.memory_space<hbm>> -> memref<1x16x128xf32, #tpu.memory_space<hbm>>
        %dma_start3A_966 = tpu.memref_squeeze %dma_start3A_965 : memref<1x16x128xf32, #tpu.memory_space<hbm>> -> memref<16x128xf32, #tpu.memory_space<hbm>>
        %dma_start3A_967 = arith.constant 0 : i32
        %dma_start3A_968 = arith.constant 0 : i32
        %dma_start3A_969 = tpu.memref_slice %arg17[%dma_start3A_967, %dma_start3A_968] : memref<40x128xf32, #tpu.memory_space<vmem>> -> memref<16x128xf32, #tpu.memory_space<vmem>>
        tpu.enqueue_dma source(%dma_start3A_969 : memref<16x128xf32, #tpu.memory_space<vmem>>) target(%dma_start3A_966 : memref<16x128xf32, #tpu.memory_space<hbm>>) target_semaphore(%run_scoped3A : memref<!tpu.dma_semaphore, #tpu.memory_space<semaphore_mem>>)
        %dma_wait3A_970 = arith.constant 0 : i32
        %dma_wait3A_971 = arith.constant 0 : i32
        %dma_wait3A_972 = tpu.memref_slice %arg17[%dma_wait3A_970, %dma_wait3A_971] : memref<40x128xf32, #tpu.memory_space<vmem>> -> memref<16x128xf32, #tpu.memory_space<vmem>>
        %dma_wait3A_973 = arith.constant 9984 : i32
        %dma_wait3A_974 = arith.constant 0 : i32
        %dma_wait3A_975 = tpu.memref_slice %arg7[%arg0, %dma_wait3A_973, %dma_wait3A_974] : memref<2x10000x128xf32, #tpu.memory_space<hbm>> -> memref<1x16x128xf32, #tpu.memory_space<hbm>>
        %dma_wait3A_976 = tpu.memref_squeeze %dma_wait3A_975 : memref<1x16x128xf32, #tpu.memory_space<hbm>> -> memref<16x128xf32, #tpu.memory_space<hbm>>
        %dma_wait3A_977 = arith.constant 9984 : i32
        %dma_wait3A_978 = arith.constant 0 : i32
        %dma_wait3A_979 = tpu.memref_slice %arg7[%arg0, %dma_wait3A_977, %dma_wait3A_978] : memref<2x10000x128xf32, #tpu.memory_space<hbm>> -> memref<1x16x128xf32, #tpu.memory_space<hbm>>
        %dma_wait3A_980 = tpu.memref_squeeze %dma_wait3A_979 : memref<1x16x128xf32, #tpu.memory_space<hbm>> -> memref<16x128xf32, #tpu.memory_space<hbm>>
        %dma_wait3A_981 = arith.constant 0 : i32
        %dma_wait3A_982 = arith.constant 0 : i32
        %dma_wait3A_983 = tpu.memref_slice %arg17[%dma_wait3A_981, %dma_wait3A_982] : memref<40x128xf32, #tpu.memory_space<vmem>> -> memref<16x128xf32, #tpu.memory_space<vmem>>
        tpu.wait_dma2 semaphore(%run_scoped3A : memref<!tpu.dma_semaphore, #tpu.memory_space<semaphore_mem>>) src(%dma_wait3A_983 : memref<16x128xf32, #tpu.memory_space<vmem>>) dst(%dma_wait3A_980 : memref<16x128xf32, #tpu.memory_space<hbm>>)
        tpu.yield
      }) : () -> ()
      %mul3A_952 = arith.constant 10000 : i32
      %mul3A_953 = arith.muli %arg0, %mul3A_952 : i32
      %add3A_954 = arith.constant 9984 : i32
      %add3A_955 = arith.addi %mul3A_953, %add3A_954 : i32
      "tpu.region"() ({
        %run_scoped3A = tpu.sem_alloc : memref<!tpu.dma_semaphore, #tpu.memory_space<semaphore_mem>>
        %dma_start3A_956 = arith.constant 0 : i32
        %dma_start3A_957 = tpu.memref_slice %arg26[%dma_start3A_956] : memref<624xf32, #tpu.memory_space<vmem>> -> memref<16xf32, #tpu.memory_space<vmem>>
        %dma_start3A_958 = tpu.memref_slice %arg8[%add3A_955] : memref<20000xf32, #tpu.memory_space<hbm>> -> memref<16xf32, #tpu.memory_space<hbm>>
        %dma_start3A_959 = tpu.memref_slice %arg8[%add3A_955] : memref<20000xf32, #tpu.memory_space<hbm>> -> memref<16xf32, #tpu.memory_space<hbm>>
        %dma_start3A_960 = arith.constant 0 : i32
        %dma_start3A_961 = tpu.memref_slice %arg26[%dma_start3A_960] : memref<624xf32, #tpu.memory_space<vmem>> -> memref<16xf32, #tpu.memory_space<vmem>>
        tpu.enqueue_dma source(%dma_start3A_961 : memref<16xf32, #tpu.memory_space<vmem>>) target(%dma_start3A_959 : memref<16xf32, #tpu.memory_space<hbm>>) target_semaphore(%run_scoped3A : memref<!tpu.dma_semaphore, #tpu.memory_space<semaphore_mem>>)
        %dma_wait3A_962 = arith.constant 0 : i32
        %dma_wait3A_963 = tpu.memref_slice %arg26[%dma_wait3A_962] : memref<624xf32, #tpu.memory_space<vmem>> -> memref<16xf32, #tpu.memory_space<vmem>>
        %dma_wait3A_964 = tpu.memref_slice %arg8[%add3A_955] : memref<20000xf32, #tpu.memory_space<hbm>> -> memref<16xf32, #tpu.memory_space<hbm>>
        %dma_wait3A_965 = tpu.memref_slice %arg8[%add3A_955] : memref<20000xf32, #tpu.memory_space<hbm>> -> memref<16xf32, #tpu.memory_space<hbm>>
        %dma_wait3A_966 = arith.constant 0 : i32
        %dma_wait3A_967 = tpu.memref_slice %arg26[%dma_wait3A_966] : memref<624xf32, #tpu.memory_space<vmem>> -> memref<16xf32, #tpu.memory_space<vmem>>
        tpu.wait_dma2 semaphore(%run_scoped3A : memref<!tpu.dma_semaphore, #tpu.memory_space<semaphore_mem>>) src(%dma_wait3A_967 : memref<16xf32, #tpu.memory_space<vmem>>) dst(%dma_wait3A_965 : memref<16xf32, #tpu.memory_space<hbm>>)
        tpu.yield
      }) : () -> ()
    } else {
    }
    return
  }
}

module attributes {stable_mosaic.version = 14 : i64} {
  func.func @_row1_block(%arg0: memref<2x320000xi32, #tpu.memory_space<vmem>>, %arg1: memref<320000xi32, #tpu.memory_space<vmem>>) attributes {dimension_semantics = [], scalar_prefetch = 0 : i64, scratch_operands = 0 : i64, tpu.core_type = #tpu.core_type<tc>} {
    %get3A = arith.constant 1 : index
    %get3A_0 = arith.constant 0 : index
    %get3A_1 = vector.load %arg0[%get3A, %get3A_0] : memref<2x320000xi32, #tpu.memory_space<vmem>>, vector<1x320000xi32>
    %get3A_2 = vector.shape_cast %get3A_1 : vector<1x320000xi32> to vector<320000xi32>
    %swap3A = arith.constant 0 : index
    %swap3A_3 = vector.load %arg1[%swap3A] : memref<320000xi32, #tpu.memory_space<vmem>>, vector<320000xi32>
    tpu.vector_store %arg1[%swap3A], %get3A_2 {strides = array<i32>} : memref<320000xi32, #tpu.memory_space<vmem>>, vector<320000xi32>,
    return
  }
}

module attributes {stable_mosaic.version = 14 : i64} {
  func.func @_mlp_block(%arg0: i32, %arg1: memref<2000x128xf32, #tpu.memory_space<vmem>>, %arg2: memref<2000x16xf32, #tpu.memory_space<vmem>>, %arg3: memref<2x2000x128xf32, #tpu.memory_space<vmem>>, %arg4: memref<2000x2xf32, #tpu.memory_space<vmem>>, %arg5: memref<128x128xf32, #tpu.memory_space<vmem>>, %arg6: memref<128x128xf32, #tpu.memory_space<vmem>>, %arg7: memref<16x128xf32, #tpu.memory_space<vmem>>, %arg8: memref<1x128xf32, #tpu.memory_space<vmem>>, %arg9: memref<128x128xf32, #tpu.memory_space<vmem>>, %arg10: memref<1x128xf32, #tpu.memory_space<vmem>>, %arg11: memref<128x128xf32, #tpu.memory_space<vmem>>, %arg12: memref<1x128xf32, #tpu.memory_space<vmem>>, %arg13: memref<2000x128xf32, #tpu.memory_space<vmem>>) attributes {dimension_semantics = [#tpu.dimension_semantics<arbitrary>], iteration_bounds = array<i64: 5>, scalar_prefetch = 0 : i64, scratch_operands = 0 : i64, tpu.core_type = #tpu.core_type<tc>, window_params = [{transform_indices = @transform_0, window_bounds = array<i64: 2000, 128>}, {transform_indices = @transform_1, window_bounds = array<i64: 2000, 16>}, {transform_indices = @transform_2, window_bounds = array<i64: 2, 2000, 128>}, {transform_indices = @transform_3, window_bounds = array<i64: 2000, 2>}, {pipeline_mode = #tpu.pipeline_mode<synchronous>, transform_indices = @transform_4, window_bounds = array<i64: 128, 128>}, {pipeline_mode = #tpu.pipeline_mode<synchronous>, transform_indices = @transform_5, window_bounds = array<i64: 128, 128>}, {pipeline_mode = #tpu.pipeline_mode<synchronous>, transform_indices = @transform_6, window_bounds = array<i64: 16, 128>}, {pipeline_mode = #tpu.pipeline_mode<synchronous>, transform_indices = @transform_7, window_bounds = array<i64: 1, 128>}, {pipeline_mode = #tpu.pipeline_mode<synchronous>, transform_indices = @transform_8, window_bounds = array<i64: 128, 128>}, {pipeline_mode = #tpu.pipeline_mode<synchronous>, transform_indices = @transform_9, window_bounds = array<i64: 1, 128>}, {pipeline_mode = #tpu.pipeline_mode<synchronous>, transform_indices = @transform_10, window_bounds = array<i64: 128, 128>}, {pipeline_mode = #tpu.pipeline_mode<synchronous>, transform_indices = @transform_11, window_bounds = array<i64: 1, 128>}, {transform_indices = @transform_12, window_bounds = array<i64: 2000, 128>}]} {
    %get3A = arith.constant 0 : index
    %get3A_0 = arith.constant 0 : index
    %get3A_1 = arith.constant 0 : index
    %get3A_2 = vector.load %arg3[%get3A, %get3A_0, %get3A_1] : memref<2x2000x128xf32, #tpu.memory_space<vmem>>, vector<1x2000x128xf32>
    %get3A_3 = vector.shape_cast %get3A_2 : vector<1x2000x128xf32> to vector<2000x128xf32>
    %get3A_4 = arith.constant 1 : index
    %get3A_5 = arith.constant 0 : index
    %get3A_6 = arith.constant 0 : index
    %get3A_7 = vector.load %arg3[%get3A_4, %get3A_5, %get3A_6] : memref<2x2000x128xf32, #tpu.memory_space<vmem>>, vector<1x2000x128xf32>
    %get3A_8 = vector.shape_cast %get3A_7 : vector<1x2000x128xf32> to vector<2000x128xf32>
    %add3A = arith.addf %get3A_3, %get3A_8 : vector<2000x128xf32>
    %get3A_9 = arith.constant 0 : index
    %get3A_10 = arith.constant 0 : index
    %get3A_11 = vector.load %arg4[%get3A_9, %get3A_10] : memref<2000x2xf32, #tpu.memory_space<vmem>>, vector<2000x1xf32>
    %get3A_12 = arith.constant 0 : index
    %get3A_13 = arith.constant 1 : index
    %get3A_14 = vector.load %arg4[%get3A_12, %get3A_13] : memref<2000x2xf32, #tpu.memory_space<vmem>>, vector<2000x1xf32>
    %add3A_15 = arith.addf %get3A_11, %get3A_14 : vector<2000x1xf32>
    %max3A = arith.constant 1.000000e+00 : f32
    %max3A_16 = vector.broadcast %max3A : f32 to vector<2000x1xf32>
    %max3A_17 = arith.maximumf %add3A_15, %max3A_16 : vector<2000x1xf32>
    %div3A = arith.constant 1.000000e+00 : f32
    %div3A_18 = vector.broadcast %div3A : f32 to vector<2000x1xf32>
    %div3A_19 = arith.divf %div3A_18, %max3A_17 : vector<2000x1xf32>
    %get3A_20 = arith.constant 0 : index
    %get3A_21 = arith.constant 0 : index
    %get3A_22 = vector.load %arg1[%get3A_20, %get3A_21] : memref<2000x128xf32, #tpu.memory_space<vmem>>, vector<2000x128xf32>
    %get3A_23 = arith.constant 0 : index
    %get3A_24 = arith.constant 0 : index
    %get3A_25 = vector.load %arg5[%get3A_23, %get3A_24] : memref<128x128xf32, #tpu.memory_space<vmem>>, vector<128x128xf32>
    %dot_general3A = arith.constant dense<0.000000e+00> : vector<2000x128xf32>
    %dot_general3A_26 = tpu.matmul %get3A_22, %get3A_25, %dot_general3A {dimension_numbers = #tpu.dot_dimension_numbers<[1], [0], [0], [1], [0, 0, 1, 1], [], []>, transpose_lhs_hint = false} : vector<2000x128xf32>, vector<128x128xf32>, vector<2000x128xf32> -> vector<2000x128xf32>
    %get3A_27 = arith.constant 0 : index
    %get3A_28 = arith.constant 0 : index
    %get3A_29 = vector.load %arg6[%get3A_27, %get3A_28] : memref<128x128xf32, #tpu.memory_space<vmem>>, vector<128x128xf32>
    %dot_general3A_30 = arith.constant dense<0.000000e+00> : vector<2000x128xf32>
    %dot_general3A_31 = tpu.matmul %add3A, %get3A_29, %dot_general3A_30 {dimension_numbers = #tpu.dot_dimension_numbers<[1], [0], [0], [1], [0, 0, 1, 1], [], []>, transpose_lhs_hint = false} : vector<2000x128xf32>, vector<128x128xf32>, vector<2000x128xf32> -> vector<2000x128xf32>
    %mul3A = vector.broadcast %div3A_19 : vector<2000x1xf32> to vector<2000x128xf32>
    %mul3A_32 = arith.mulf %dot_general3A_31, %mul3A : vector<2000x128xf32>
    %add3A_33 = arith.addf %dot_general3A_26, %mul3A_32 : vector<2000x128xf32>
    %get3A_34 = arith.constant 0 : index
    %get3A_35 = arith.constant 0 : index
    %get3A_36 = vector.load %arg2[%get3A_34, %get3A_35] : memref<2000x16xf32, #tpu.memory_space<vmem>>, vector<2000x16xf32>
    %get3A_37 = arith.constant 0 : index
    %get3A_38 = arith.constant 0 : index
    %get3A_39 = vector.load %arg7[%get3A_37, %get3A_38] : memref<16x128xf32, #tpu.memory_space<vmem>>, vector<16x128xf32>
    %dot_general3A_40 = arith.constant dense<0.000000e+00> : vector<2000x128xf32>
    %dot_general3A_41 = tpu.matmul %get3A_36, %get3A_39, %dot_general3A_40 {dimension_numbers = #tpu.dot_dimension_numbers<[1], [0], [0], [1], [0, 0, 1, 1], [], []>, transpose_lhs_hint = false} : vector<2000x16xf32>, vector<16x128xf32>, vector<2000x128xf32> -> vector<2000x128xf32>
    %add3A_42 = arith.addf %add3A_33, %dot_general3A_41 : vector<2000x128xf32>
    %get3A_43 = arith.constant 0 : index
    %get3A_44 = arith.constant 0 : index
    %get3A_45 = vector.load %arg8[%get3A_43, %get3A_44] : memref<1x128xf32, #tpu.memory_space<vmem>>, vector<1x128xf32>
    %add3A_46 = vector.broadcast %get3A_45 : vector<1x128xf32> to vector<2000x128xf32>
    %add3A_47 = arith.addf %add3A_42, %add3A_46 : vector<2000x128xf32>
    %logistic3A = arith.negf %add3A_47 : vector<2000x128xf32>
    %logistic3A_48 = math.exp %logistic3A : vector<2000x128xf32>
    %logistic3A_49 = arith.constant 1.000000e+00 : f32
    %logistic3A_50 = vector.broadcast %logistic3A_49 : f32 to vector<2000x128xf32>
    %logistic3A_51 = arith.addf %logistic3A_50, %logistic3A_48 : vector<2000x128xf32>
    %logistic3A_52 = arith.divf %logistic3A_50, %logistic3A_51 : vector<2000x128xf32>
    %mul3A_53 = arith.mulf %add3A_47, %logistic3A_52 : vector<2000x128xf32>
    %get3A_54 = arith.constant 0 : index
    %get3A_55 = arith.constant 0 : index
    %get3A_56 = vector.load %arg9[%get3A_54, %get3A_55] : memref<128x128xf32, #tpu.memory_space<vmem>>, vector<128x128xf32>
    %dot_general3A_57 = arith.constant dense<0.000000e+00> : vector<2000x128xf32>
    %dot_general3A_58 = tpu.matmul %mul3A_53, %get3A_56, %dot_general3A_57 {dimension_numbers = #tpu.dot_dimension_numbers<[1], [0], [0], [1], [0, 0, 1, 1], [], []>, transpose_lhs_hint = false} : vector<2000x128xf32>, vector<128x128xf32>, vector<2000x128xf32> -> vector<2000x128xf32>
    %get3A_59 = arith.constant 0 : index
    %get3A_60 = arith.constant 0 : index
    %get3A_61 = vector.load %arg10[%get3A_59, %get3A_60] : memref<1x128xf32, #tpu.memory_space<vmem>>, vector<1x128xf32>
    %add3A_62 = vector.broadcast %get3A_61 : vector<1x128xf32> to vector<2000x128xf32>
    %add3A_63 = arith.addf %dot_general3A_58, %add3A_62 : vector<2000x128xf32>
    %logistic3A_64 = arith.negf %add3A_63 : vector<2000x128xf32>
    %logistic3A_65 = math.exp %logistic3A_64 : vector<2000x128xf32>
    %logistic3A_66 = arith.constant 1.000000e+00 : f32
    %logistic3A_67 = vector.broadcast %logistic3A_66 : f32 to vector<2000x128xf32>
    %logistic3A_68 = arith.addf %logistic3A_67, %logistic3A_65 : vector<2000x128xf32>
    %logistic3A_69 = arith.divf %logistic3A_67, %logistic3A_68 : vector<2000x128xf32>
    %mul3A_70 = arith.mulf %add3A_63, %logistic3A_69 : vector<2000x128xf32>
    %get3A_71 = arith.constant 0 : index
    %get3A_72 = arith.constant 0 : index
    %get3A_73 = vector.load %arg11[%get3A_71, %get3A_72] : memref<128x128xf32, #tpu.memory_space<vmem>>, vector<128x128xf32>
    %dot_general3A_74 = arith.constant dense<0.000000e+00> : vector<2000x128xf32>
    %dot_general3A_75 = tpu.matmul %mul3A_70, %get3A_73, %dot_general3A_74 {dimension_numbers = #tpu.dot_dimension_numbers<[1], [0], [0], [1], [0, 0, 1, 1], [], []>, transpose_lhs_hint = false} : vector<2000x128xf32>, vector<128x128xf32>, vector<2000x128xf32> -> vector<2000x128xf32>
    %get3A_76 = arith.constant 0 : index
    %get3A_77 = arith.constant 0 : index
    %get3A_78 = vector.load %arg12[%get3A_76, %get3A_77] : memref<1x128xf32, #tpu.memory_space<vmem>>, vector<1x128xf32>
    %add3A_79 = vector.broadcast %get3A_78 : vector<1x128xf32> to vector<2000x128xf32>
    %add3A_80 = arith.addf %dot_general3A_75, %add3A_79 : vector<2000x128xf32>
    %swap3A = arith.constant 0 : index
    %swap3A_81 = arith.constant 0 : index
    %swap3A_82 = vector.load %arg13[%swap3A, %swap3A_81] : memref<2000x128xf32, #tpu.memory_space<vmem>>, vector<2000x128xf32>
    tpu.vector_store %arg13[%swap3A, %swap3A_81], %add3A_80 {strides = array<i32>} : memref<2000x128xf32, #tpu.memory_space<vmem>>, vector<2000x128xf32>,
    return
  }
  func.func @transform_0(%arg0: i32) -> (i32, i32) {
    %c0_i32 = arith.constant 0 : i32
    %c0_i32_0 = arith.constant 0 : i32
    return %arg0, %c0_i32 : i32, i32
  }
  func.func @transform_1(%arg0: i32) -> (i32, i32) {
    %c0_i32 = arith.constant 0 : i32
    %c0_i32_0 = arith.constant 0 : i32
    return %arg0, %c0_i32 : i32, i32
  }
  func.func @transform_2(%arg0: i32) -> (i32, i32, i32) {
    %c0_i32 = arith.constant 0 : i32
    %c0_i32_0 = arith.constant 0 : i32
    %c0_i32_1 = arith.constant 0 : i32
    return %c0_i32, %arg0, %c0_i32_0 : i32, i32, i32
  }
  func.func @transform_3(%arg0: i32) -> (i32, i32) {
    %c0_i32 = arith.constant 0 : i32
    %c0_i32_0 = arith.constant 0 : i32
    return %arg0, %c0_i32 : i32, i32
  }
  func.func @transform_4(%arg0: i32) -> (i32, i32) {
    %c0_i32 = arith.constant 0 : i32
    %c0_i32_0 = arith.constant 0 : i32
    %c0_i32_1 = arith.constant 0 : i32
    return %c0_i32, %c0_i32_0 : i32, i32
  }
  func.func @transform_5(%arg0: i32) -> (i32, i32) {
    %c0_i32 = arith.constant 0 : i32
    %c0_i32_0 = arith.constant 0 : i32
    %c0_i32_1 = arith.constant 0 : i32
    return %c0_i32, %c0_i32_0 : i32, i32
  }
  func.func @transform_6(%arg0: i32) -> (i32, i32) {
    %c0_i32 = arith.constant 0 : i32
    %c0_i32_0 = arith.constant 0 : i32
    %c0_i32_1 = arith.constant 0 : i32
    return %c0_i32, %c0_i32_0 : i32, i32
  }
  func.func @transform_7(%arg0: i32) -> (i32, i32) {
    %c0_i32 = arith.constant 0 : i32
    %c0_i32_0 = arith.constant 0 : i32
    %c0_i32_1 = arith.constant 0 : i32
    return %c0_i32, %c0_i32_0 : i32, i32
  }
  func.func @transform_8(%arg0: i32) -> (i32, i32) {
    %c0_i32 = arith.constant 0 : i32
    %c0_i32_0 = arith.constant 0 : i32
    %c0_i32_1 = arith.constant 0 : i32
    return %c0_i32, %c0_i32_0 : i32, i32
  }
  func.func @transform_9(%arg0: i32) -> (i32, i32) {
    %c0_i32 = arith.constant 0 : i32
    %c0_i32_0 = arith.constant 0 : i32
    %c0_i32_1 = arith.constant 0 : i32
    return %c0_i32, %c0_i32_0 : i32, i32
  }
  func.func @transform_10(%arg0: i32) -> (i32, i32) {
    %c0_i32 = arith.constant 0 : i32
    %c0_i32_0 = arith.constant 0 : i32
    %c0_i32_1 = arith.constant 0 : i32
    return %c0_i32, %c0_i32_0 : i32, i32
  }
  func.func @transform_11(%arg0: i32) -> (i32, i32) {
    %c0_i32 = arith.constant 0 : i32
    %c0_i32_0 = arith.constant 0 : i32
    %c0_i32_1 = arith.constant 0 : i32
    return %c0_i32, %c0_i32_0 : i32, i32
  }
  func.func @transform_12(%arg0: i32) -> (i32, i32) {
    %c0_i32 = arith.constant 0 : i32
    %c0_i32_0 = arith.constant 0 : i32
    return %arg0, %c0_i32 : i32, i32
  }
}

</mosaic_0001>

<sc_bundles>
// kernel: kernel.5.cloned.1.call-start
scs
__scs_entry_jumppad:
0x0: {  	(pc) =	sbr.rel $0x88, $3  }
0x1: {  	(tag) =	ssettag $0x0;
	lr =	simm.s32 $0x1  }
0x2: {  	[smem:$0x3F97] =	sst lr;
	_ =	strace $0xD0000000  }
0x3: {  	_ = 	snop  }
0x4: {  	_ = 	snop  }
0x5: {  	_ = 	snop  }
0x6: {  	_ = 	snop  }
0x7: {  	_ = 	snop  }
__scs_overlays_trampoline_lowered:
0x8: {  	[smem:$0x3FA6] =	sst s0  }
0x9: {  	[smem:$0x3FA7] =	sst s1  }
0xa: {  	[smem:$0x3FA8] =	sst s2  }
0xb: {  	[smem:$0x3FA9] =	sst s3  }
0xc: {  	[smem:$0x3FAA] =	sst s4  }
0xd: {  	[smem:$0x3FAB] =	sst s5  }
0xe: {  	[smem:$0x3FAC] =	sst s6  }
0xf: {  	[smem:$0x3FAD] =	sst s7  }
0x10: {  	[smem:$0x3FAE] =	sst s8  }
0x11: {  	[smem:$0x3FAF] =	sst s9;
	s0 =	simm.s32 @!p0 $0x0  }
0x12: {  	s1 =	sld [smem:$0x3F95];
	s0 =	simm.s32 @p0 $0x1  }
0x13: {  	[smem:$0x3FB0] =	sst s0;
	s0 =	simm.s32 @!p1 $0x0  }
0x14: {  	s2 =	sld [smem:$0x3F94];
	s0 =	simm.s32 @p1 $0x1  }
0x15: {  	[smem:$0x3FB1] =	sst s0;
	s0 =	simm.s32 @!p2 $0x0  }
0x16: {  	s3 =	sld [smem:$0x3FDB];
	s0 =	simm.s32 @p2 $0x1  }
0x17: {  	s4 =	simm.s32 $0x1BF5;
	[smem:$0x3FB3] =	sst s0  }
0x18: {  	s0 =	sld [smem:$0x3F96];
	_ =	swait.ge [sflag:s4], $0x0  }
0x19: {  	s7 =	sld [smem:$0x3F97]  }
0x1a: {  	s8 =	sadd.s32 $0xFFFFE003, lr  }
0x1b: {  	s9 =	sadd.s32 $0xFFFFFEF7, lr;
	s5 =	simm.s32 $0xFFFFFFFF;
	p2 =	slt.u32 s8, $0xFFFFF086  }
0x1c: {  	p1 =	slt.u32 s9, $0xF7A;
	s5 =	simm.s32 @!p2 $0x0  }
0x1d: {  	s5 =	simm.s32 @p1 $0x1;
	p0 =	seq.s32 s7, s2  }
0x1e: {  	s7 =	smul.u32 @!p0 $0xF7A, s2;
	p2 =	seq.s32 @!p0 s5, $0x0  }
0x1f: {  	s9 =	smul.u32 $0xF7A, s1;
	s8 =	simm.s32 @!p0 $0x1BF5;
	p2 =	por !p2, p0  }
0x20: {  	[sflag:s8] =	ssyncset.s32 @!p0 $0xFFFFF086;
	s6 =	sadd.s32 @!p0 s3, s7;
	s7 =	simm.s32 @!p0 $0x108  }
0x21: {  	s3 =	sadd.s32 s3, s9;
	s6 =	sadd.s32 @!p0 $0x88, s6;
	s7 =	simm.s32 @p2 $0x1082  }
0x22: {  	[simem:s7], [sflag:s8] =	dma.local @!p0 [hbm:s6], $0xF7A  }
0x23: {  	s9 =	sor.u32 $0xD0000000, s2;
	s6 =	simm.s32 $0x108;
	_ =	swait.ge @!p0 [sflag:s8], $0x0  }
0x24: {  	s3 =	sadd.s32 $0x88, s3;
	s6 =	simm.s32 @!p1 $0x1082;
	[sflag:s4] =	ssyncset.s32 $0xFFFFF086  }
0x25: {  	[simem:s6], [sflag:s4] =	dma.local [hbm:s3], $0xF7A  }
0x26: {  	[smem:$0x3F97] =	sst s1;
	(tag) =	ssettag s2;
	_ =	strace s9  }
0x27: {  	s1 =	sld [smem:$0x3FA7]  }
0x28: {  	s2 =	sld [smem:$0x3FA8]  }
0x29: {  	s4 =	sld [smem:$0x3FAA]  }
0x2a: {  	p0 =	seq.s32 s5, $0x0;
	s5 =	sld [smem:$0x3FAB]  }
0x2b: {  	s6 =	sld [smem:$0x3FAC]  }
0x2c: {  	s7 =	sld [smem:$0x3FAD]  }
0x2d: {  	s3 =	simm.s32 $0x108;
	s8 =	sld [smem:$0x3FAE]  }
0x2e: {  	s3 =	simm.s32 @!p0 $0x1082;
	s9 =	sld [smem:$0x3FAF]  }
0x2f: {  	lr =	sadd.s32 s0, s3;
	s0 =	sld [smem:$0x3FA6]  }
0x30: {  	s3 =	sld [smem:$0x3FA9]  }
0x31: {  	[smem:$0x3FB2] =	sst s10  }
0x32: {  	s10 =	sld [smem:$0x3FB0];
	_ =	sdelay $0x3  }
0x33: {  	p0 =	seq.s32 s10, $0x1;
	s10 =	sld [smem:$0x3FB2];
	_ =	sdelay $0x3  }
0x34: {  	[smem:$0x3FB2] =	sst s10  }
0x35: {  	s10 =	sld [smem:$0x3FB1];
	_ =	sdelay $0x3  }
0x36: {  	p1 =	seq.s32 s10, $0x1;
	s10 =	sld [smem:$0x3FB2];
	_ =	sdelay $0x3  }
0x37: {  	[smem:$0x3FB2] =	sst s10  }
0x38: {  	s10 =	sld [smem:$0x3FB3]  }
0x39: {  	_ = 	snop;
	(pc) =	sbr.ind lr, $3  }
0x3a: {  	_ = 	snop  }
0x3b: {  	_ = 	snop  }
0x3c: {  	p2 =	seq.s32 s10, $0x1;
	s10 =	sld [smem:$0x3FB2]  }
0x3d: {  	_ =	shalt  }
0x3e: {  	_ =	shalt  }
0x3f: {  	_ =	shalt  }
0x40: {  	_ =	shalt  }
0x41: {  	_ =	shalt  }
0x42: {  	_ =	shalt  }
0x43: {  	_ =	shalt  }
0x44: {  	_ =	shalt  }
0x45: {  	_ =	shalt  }
0x46: {  	_ =	shalt  }
0x47: {  	_ =	shalt  }
0x48: {  	_ =	shalt  }
0x49: {  	_ =	shalt  }
0x4a: {  	_ =	shalt  }
0x4b: {  	_ =	shalt  }
0x4c: {  	_ =	shalt  }
0x4d: {  	_ =	shalt  }
0x4e: {  	_ =	shalt  }
0x4f: {  	_ =	shalt  }
0x50: {  	_ =	shalt  }
0x51: {  	_ =	shalt  }
0x52: {  	_ =	shalt  }
0x53: {  	_ =	shalt  }
0x54: {  	_ =	shalt  }
0x55: {  	_ =	shalt  }
0x56: {  	_ =	shalt  }
0x57: {  	_ =	shalt  }
0x58: {  	_ =	shalt  }
0x59: {  	_ =	shalt  }
0x5a: {  	_ =	shalt  }
0x5b: {  	_ =	shalt  }
0x5c: {  	_ =	shalt  }
0x5d: {  	_ =	shalt  }
0x5e: {  	_ =	shalt  }
0x5f: {  	_ =	shalt  }
0x60: {  	_ =	shalt  }
0x61: {  	_ =	shalt  }
0x62: {  	_ =	shalt  }
0x63: {  	_ =	shalt  }
0x64: {  	_ =	shalt  }
0x65: {  	_ =	shalt  }
0x66: {  	_ =	shalt  }
0x67: {  	_ =	shalt  }
0x68: {  	_ =	shalt  }
0x69: {  	_ =	shalt  }
0x6a: {  	_ =	shalt  }
0x6b: {  	_ =	shalt  }
0x6c: {  	_ =	shalt  }
0x6d: {  	_ =	shalt  }
0x6e: {  	_ =	shalt  }
0x6f: {  	_ =	shalt  }
0x70: {  	_ =	shalt  }
0x71: {  	_ =	shalt  }
0x72: {  	_ =	shalt  }
0x73: {  	_ =	shalt  }
0x74: {  	_ =	shalt  }
0x75: {  	_ =	shalt  }
0x76: {  	_ =	shalt  }
0x77: {  	_ =	shalt  }
0x78: {  	_ =	shalt  }
0x79: {  	_ =	shalt  }
0x7a: {  	_ =	shalt  }
0x7b: {  	_ =	shalt  }
0x7c: {  	_ =	shalt  }
0x7d: {  	_ =	shalt  }
0x7e: {  	_ =	shalt  }
0x7f: {  	_ =	shalt  }
0x80: {  	_ =	shalt  }
0x81: {  	_ =	shalt  }
0x82: {  	_ =	shalt  }
0x83: {  	_ =	shalt  }
0x84: {  	_ =	shalt  }
0x85: {  	_ =	shalt  }
0x86: {  	_ =	shalt  }
0x87: {  	_ =	shalt  }
.Lfunc_end0:
.L_simem_size_0:
called_computation_lowered:
.L_overlay_start_0:
0x88: {  	s2 =	sld [smem:$0x3FD9]  }
0x89: {  	s3 =	sld [smem:$0x3FFE];
	_ =	sdelay $0x1  }
0x8a: {  	s1 =	srdreg.scid  }
0x8b: {  	s0 =	sand.u32 $0x1, s1  }
0x8c: {  	s17 =	sshll.u32 s0, $0xA;
	s2 =	sadd.s32 s3, s2  }
0x8d: {  	s2 =	sadd.s32 s2, s17  }
0x8e: {  	[smem:$0x3FBE] =	sst s2  }
0x8f: {  	_ = 	snop  }
0x90: {  	s2 =	sld [smem:$0x3FC7]  }
0x91: {  	s18 =	sld [smem:$0x3FD0];
	(tm) =	ssettm $0x1  }
0x92: {  	s4 =	sld [smem:$0x3FFB];
	_ =	sdelay $0x3  }
0x93: {  	_ =	strace s4  }
0x94: {  	s4 =	sld [smem:$0x3FFC];
	_ =	sdelay $0x3  }
0x95: {  	_ =	strace s4  }
0x96: {  	s4 =	sld [smem:$0x3FFD];
	_ =	sdelay $0x3  }
0x97: {  	_ =	strace s4  }
0x98: {  	_ =	strace $0x8FFFFFFF  }
0x99: {  	s19 =	sld [smem:$0x3FDB];
	_ =	sdelay $0x1  }
0x9a: {  	s5 =	simm.s32 $_scs_section_size  }
0x9b: {  	s6 =	simm.s32 $_size__tile_overlayer_lowered;
	s7 =	simm.s32 $_tile_overlayer_lowered  }
0x9c: {  	s22 =	simm.s32 $0x1BFF;
	s21 =	sshll.u32 s7, $0x1;
	s4 =	sadd.s32 s5, s19  }
0x9d: {  	s8 =	simm.s32 $0x0;
	s20 =	sshll.u32 s6, $0x1;
	s6 =	sadd.s32 s21, s4  }
0x9e: {  	[timem:s8], [sflag:s22] =	dma.local [hbm:s6], s20  }
0x9f: {  	_ =	swait.ge [sflag:s22], s20  }
0xa0: {  	s5 =	ssub.s32 $0x0, s20;
	[sflag:s22] =	ssyncset.done $0x0  }
0xa1: {  	[sflag:s22] =	ssyncadd.s32 s5;
	_ =	sdelay $0x1  }
0xa2: {  	s23 =	simm.s32 $0x1B8B  }
0xa3: {  	_ =	swait.ge [sflag:s23], $0x1  }
0xa4: {  	[sflag:s23] =	ssyncset.done $0x0  }
0xa5: {  	s25 =	simm.s32 $0x1B8E;
	s24 =	sld [smem:$0x3FFE];
	[sflag:s23] =	ssyncadd.s32 $0xFFFFFFFF  }
0xa6: {  	s26 =	simm.s32 $execute0_lowered;
	[smem:$0x3FD2] =	sst s25  }
0xa7: {  	s6 =	sshll.u32 s26, $0x1;
	_ =	strace $0x80000046;
	[dreg:$0x1] =	wrdreg $0xFFFFFFFF  }
0xa8: {  	s28 =	simm.s32 $_size_execute0_lowered;
	s4 =	sadd.s32 s4, s6;
	[dreg:$0x0] =	wrdreg $0x0  }
0xa9: {  	s6 =	sshll.u32 s28, $0x1;
	[dreg:$0x2] =	wrdreg s4  }
0xaa: {  	[dreg:$0x3] =	wrdreg s6  }
0xab: {  	[dreg:$0x4] =	wrdreg $0xC0  }
0xac: {  	_ =	task [dreg:s8], $0x5FFFF  }
0xad: {  	[dreg:$0x1] =	wrdreg $0xFFFFFFFF  }
0xae: {  	[dreg:$0x0] =	wrdreg $0x60  }
0xaf: {  	[dreg:$0x2] =	wrdreg s18  }
0xb0: {  	[dreg:$0x3] =	wrdreg s2  }
0xb1: {  	[dreg:$0x4] =	wrdreg s24  }
0xb2: {  	[dreg:$0x5] =	wrdreg $0xA7000  }
0xb3: {  	[dreg:$0x6] =	wrdreg $0x1DF800  }
0xb4: {  	[dreg:$0x7] =	wrdreg $0x9  }
0xb5: {  	_ =	task.clear_ibuf [dreg:s8], $0x8FFFF;
	_ =	strace $0x90000046  }
0xb6: {  	s29 =	simm.s32 $0x9;
	_ =	strace $0x80000048  }
0xb7: {  	_ =	swait.ge [sflag:s29], $0x1  }
0xb8: {  	[sflag:s29] =	ssyncadd.s32 $0xFFFFFFFF  }
0xb9: {  	_ =	strace $0x90000048  }
0xba: {  	_ =	sfence  }
0xbb: {  	s30 =	sld [smem:$0x0];
	_ =	sdelay $0x2  }
0xbc: {  	s31 =	sshll.u32 s1, $0xD;
	s1 =	sshrl.u32 s1, $0x2  }
0xbd: {  	s3 =	sand.u32 $0x4000, s31;
	s1 =	sadd.s32 s1, s30  }
0xbe: {  	s0 =	sor.u32 s3, s0;
	s1 =	sshll.u32 s1, $0x11  }
0xbf: {  	s0 =	sor.u32 s1, s0  }
0xc0: {  	s0 =	sadd.s32 $0x8F2B, s0  }
0xc1: {  	[sflag:s0] =	ssyncadd.remote.s32 $0x1  }
0xc2: {  	_ =	sfence.sel $0xFFFF  }
0xc3: {  	[dreg:$0x0] =	wrdreg $0xFFFFFFFF;
	(pc) =	sbr.abs _section_cstart, $3  }
0xc4: {  	[dreg:$0x1] =	wrdreg $0xFFFFFFFF  }
0xc5: {  	_ =	task.clear_ibuf [dreg:s8], $0x2FFFF;
	_ =	strace $0x9FFFFFFF  }
0xc6: {  	(tm) =	ssettm $0x7FFFFFFF  }
0xc7: {  	_ =	shalt  }
tec
execute0_lowered:
.L_overlay_start_1:
0x0: {  	(tag) =	ssettag $0x1  }
0x1: {  	s0 =	srdreg.scid  }
0x2: {  	s3 =	stileid.u32;
	s2 =	rddreg [dreg:$0x2]  }
0x3: {  	s30 =	rddreg [dreg:$0x1];
	s22 =	sand.u32 $0x1, s0;
	s1 =	smul.u32 $0x270, s3  }
0x4: {  	s16 =	sadd.s32 $0x3600, s2;
	s20 =	smul.u32 $0x13800, s3;
	s0 =	ssub.s32 $0x2, s22  }
0x5: {  	s28 =	smul.u32 $0x2710, s3;
	s4 =	sshrl.u32 s0, $0x1;
	s19 =	sshll.u32 s1, $0x7  }
0x6: {  	s21 =	smul.u32 $0x138800, s22;
	s0 =	ssub.s32 s0, s4;
	s4 =	sadd.s32 $0x1400, s19  }
0x7: {  	s5 =	sadd.s32 $0x2800, s19;
	s6 =	sadd.s32 $0x3C00, s19;
	s7 =	sadd.s32 $0x5000, s19  }
0x8: {  	s8 =	sadd.s32 $0x6400, s19;
	s9 =	sadd.s32 $0x7800, s19;
	s10 =	sadd.s32 $0x8C00, s19  }
0x9: {  	s11 =	sadd.s32 $0xA000, s19;
	s12 =	sadd.s32 $0xB400, s19;
	s17 =	sadd.s32 $0xC800, s19  }
0xa: {  	s18 =	sadd.s32 $0xDC00, s19;
	s13 =	sadd.s32 $0xF000, s19;
	s14 =	sadd.s32 $0x10400, s19  }
0xb: {  	s15 =	sadd.s32 $0x11800, s19;
	s23 =	sadd.s32 s20, s21;
	s20 =	sadd.s32 $0x12C00, s19  }
0xc: {  	s23 =	sshrl.u32 s23, $0x3;
	s24 =	sadd.s32 s21, s4;
	s26 =	sadd.s32 s21, s5  }
0xd: {  	s19 =	sadd.s32 s16, s23;
	s25 =	sshrl.u32 s24, $0x3;
	s23 =	sshrl.u32 s26, $0x3  }
0xe: {  	s24 =	sadd.s32 s21, s6;
	s26 =	sadd.s32 s21, s7;
	[dreg:$0x7] =	wrdreg s19  }
0xf: {  	s19 =	sadd.s32 s16, s25;
	s25 =	sshrl.u32 s24, $0x3;
	s24 =	sadd.s32 s21, s8  }
0x10: {  	[dreg:$0x8] =	wrdreg s19;
	s19 =	sadd.s32 s16, s23;
	s23 =	sshrl.u32 s26, $0x3  }
0x11: {  	s26 =	sadd.s32 s21, s9;
	[dreg:$0x9] =	wrdreg s19;
	s19 =	sadd.s32 s16, s25  }
0x12: {  	s25 =	sshrl.u32 s24, $0x3;
	s24 =	sadd.s32 s21, s10;
	[dreg:$0xa] =	wrdreg s19  }
0x13: {  	s19 =	sadd.s32 s16, s23;
	s23 =	sshrl.u32 s26, $0x3;
	s26 =	sadd.s32 s21, s11  }
0x14: {  	[dreg:$0xb] =	wrdreg s19;
	s19 =	sadd.s32 s16, s25;
	s25 =	sshrl.u32 s24, $0x3  }
0x15: {  	s24 =	sadd.s32 s21, s12;
	[dreg:$0xc] =	wrdreg s19;
	s19 =	sadd.s32 s16, s23  }
0x16: {  	s23 =	sshrl.u32 s26, $0x3;
	s26 =	sadd.s32 s21, s17;
	[dreg:$0xd] =	wrdreg s19  }
0x17: {  	s19 =	sadd.s32 s16, s25;
	s25 =	sshrl.u32 s24, $0x3;
	s24 =	sadd.s32 s21, s18  }
0x18: {  	[dreg:$0xe] =	wrdreg s19;
	s19 =	sadd.s32 s16, s23;
	s23 =	sshrl.u32 s26, $0x3  }
0x19: {  	s26 =	sadd.s32 s21, s13;
	[dreg:$0xf] =	wrdreg s19;
	s19 =	sadd.s32 s16, s25  }
0x1a: {  	s25 =	sshrl.u32 s24, $0x3;
	[dreg:$0x10] =	wrdreg s19;
	s19 =	sadd.s32 s16, s23  }
0x1b: {  	s24 =	sshrl.u32 s26, $0x3;
	[dreg:$0x11] =	wrdreg s19;
	s19 =	sadd.s32 s16, s25  }
0x1c: {  	s25 =	sadd.s32 s21, s14;
	[dreg:$0x12] =	wrdreg s19;
	s19 =	sadd.s32 s16, s24  }
0x1d: {  	s26 =	sshrl.u32 s25, $0x3;
	s25 =	sadd.s32 s21, s15;
	s24 =	sadd.s32 s21, s20  }
0x1e: {  	[dreg:$0x13] =	wrdreg s19;
	s23 =	sshrl.u32 s25, $0x3;
	s19 =	sadd.s32 s16, s26  }
0x1f: {  	s25 =	smul.u32 $0x2710, s22;
	[dreg:$0x14] =	wrdreg s19;
	s26 =	sadd.s32 s16, s23  }
0x20: {  	s23 =	sshrl.u32 s24, $0x3;
	s24 =	sshrl.u32 s21, $0x3;
	s21 =	smul.u32 $0x27100, s22  }
0x21: {  	[dreg:$0x15] =	wrdreg s26;
	s19 =	sadd.s32 s16, s23;
	s26 =	sadd.s32 s1, s25  }
0x22: {  	s24 =	sadd.s32 s16, s24;
	s16 =	simm.s32 $0x0;
	[dreg:$0x16] =	wrdreg s19  }
0x23: {  	s23 =	sshrl.u32 s26, $0x3;
	s26 =	sadd.s32 $0x2C00, s2;
	[smem:$0x7FF] =	sst s16  }
0x24: {  	s31 =	sadd.s32 s28, s21;
	s21 =	rddreg [dreg:$0x3];
	s19 =	sadd.s32 s26, s23  }
0x25: {  	s25 =	sshrl.u32 s25, $0x3;
	[dreg:$0x17] =	wrdreg s19;
	s19 =	smul.u32 $0x271000, s22  }
0x26: {  	s26 =	sadd.s32 s26, s25;
	s23 =	rddreg [dreg:$0x4]  }
0x27: {  	s4 =	sadd.s32 s4, s21;
	s25 =	sadd.s32 s19, s30;
	s19 =	rddreg [dreg:$0x0]  }
0x28: {  	s6 =	sadd.s32 s6, s21;
	_ =	strace $0x80000047;
	[dreg:$0x1c] =	wrdreg s4  }
0x29: {  	s7 =	sadd.s32 s7, s21;
	[dreg:$0x1e] =	wrdreg s6  }
0x2a: {  	s8 =	sadd.s32 s8, s21;
	[dreg:$0x1f] =	wrdreg s7  }
0x2b: {  	s9 =	sadd.s32 s9, s21;
	[smem:$0x7DB] =	sst s8  }
0x2c: {  	s29 =	smul.u32 $0x27100, s3;
	s10 =	sadd.s32 s10, s21;
	[smem:$0x7DC] =	sst s9  }
0x2d: {  	p0 =	sne.s32 s3, $0x0;
	s0 =	smax.u32 s0, $0x1;
	[smem:$0x7DD] =	sst s10  }
0x2e: {  	s5 =	sadd.s32 s5, s21;
	s15 =	sadd.s32 s15, s21;
	[dreg:$0x6] =	wrdreg s31  }
0x2f: {  	s22 =	sshll.u32 s22, $0x4;
	s8 =	sadd.s32 s11, s21;
	[smem:$0x7F1] =	sst s0  }
0x30: {  	s10 =	sadd.s32 s12, s21;
	s12 =	sadd.s32 s18, s21;
	[smem:$0x7F9] =	sst s15  }
0x31: {  	s11 =	sadd.s32 s17, s21;
	s17 =	sadd.s32 s20, s21;
	[smem:$0x7DE] =	sst s12  }
0x32: {  	s22 =	sor.u32 s3, s22;
	s7 =	sadd.s32 s1, s23;
	[smem:$0x7FA] =	sst s17  }
0x33: {  	s28 =	sadd.s32 s29, s25;
	s29 =	sadd.s32 $0x2800, s2;
	[smem:$0x7FB] =	sst s7  }
0x34: {  	s25 =	smul.u32 $0x4E000, s3;
	s12 =	sadd.s32 s14, s21;
	[dreg:$0x18] =	wrdreg s29  }
0x35: {  	s29 =	sadd.s32 $0x2600, s2;
	s2 =	sadd.s32 $0x2400, s2;
	[smem:$0x7F8] =	sst s12  }
0x36: {  	s3 =	sshrl.u32 s25, $0x2;
	s25 =	smov.u32 s30;
	[dreg:$0x19] =	wrdreg s29  }
0x37: {  	[dreg:$0x1a] =	wrdreg s2;
	s2 =	smul.u32 $0x2710, s22;
	s30 =	sadd.s32 s3, s21  }
0x38: {  	s29 =	simm.s32 $0x100;
	s9 =	smov.u32 s30;
	s30 =	smov.u32 s5  }
0x39: {  	s5 =	sadd.s32 s13, s21;
	s13 =	smul.u32 $0x27100, s22;
	s14 =	sshrl.u32 s2, $0x3  }
0x3a: {  	s20 =	sadd.s32 $0x28, s2;
	s4 =	sadd.s32 $0x50, s2;
	s18 =	sadd.s32 s19, s14  }
0x3b: {  	s22 =	sshrl.u32 s20, $0x3;
	s1 =	sshll.u32 s20, $0x4;
	[dreg:$0x1b] =	wrdreg s9  }
0x3c: {  	s6 =	sshrl.u32 s4, $0x3;
	s20 =	sadd.s32 $0xA0, s2;
	[smem:$0x7F7] =	sst s5  }
0x3d: {  	[smem:$0x7DF] =	sst s18;
	s3 =	sadd.s32 s25, s13;
	s1 =	sadd.s32 s25, s1  }
0x3e: {  	s13 =	sadd.s32 $0x78, s2;
	[smem:$0x7E0] =	sst s3;
	s3 =	sadd.s32 s19, s22  }
0x3f: {  	[smem:$0x7E2] =	sst s1;
	s1 =	sshll.u32 s4, $0x4;
	s14 =	sshrl.u32 s13, $0x3  }
0x40: {  	s18 =	sshll.u32 s13, $0x4;
	[smem:$0x7E1] =	sst s3;
	s3 =	sadd.s32 s19, s6  }
0x41: {  	s22 =	sshrl.u32 s20, $0x3;
	s1 =	sadd.s32 s25, s1;
	[smem:$0x7E3] =	sst s3  }
0x42: {  	s4 =	sadd.s32 $0xC8, s2;
	s13 =	sadd.s32 $0xF0, s2;
	[smem:$0x7E4] =	sst s1  }
0x43: {  	s1 =	sadd.s32 s19, s14;
	s3 =	sshll.u32 s20, $0x4;
	s14 =	sshrl.u32 s13, $0x3  }
0x44: {  	s20 =	sshll.u32 s13, $0x4;
	s13 =	sadd.s32 $0x4E0, s26;
	[smem:$0x7E5] =	sst s1  }
0x45: {  	s6 =	sshrl.u32 s4, $0x3;
	s26 =	smov.u32 s10;
	[smem:$0x7F0] =	sst s13  }
0x46: {  	s10 =	simm.s32 $0xC;
	s1 =	sadd.s32 s25, s18;
	[smem:$0x7F5] =	sst s26  }
0x47: {  	s3 =	sadd.s32 s25, s3;
	s18 =	sadd.s32 $0x118, s2;
	[smem:$0x7E6] =	sst s1  }
0x48: {  	s13 =	simm.s32 $0xD;
	s1 =	sadd.s32 s19, s22;
	[smem:$0x7E8] =	sst s3  }
0x49: {  	s3 =	sadd.s32 s19, s6;
	s22 =	sshrl.u32 s18, $0x3;
	[smem:$0x7E7] =	sst s1  }
0x4a: {  	s6 =	sadd.s32 $0x27000, s24;
	s24 =	smov.u32 s8;
	[smem:$0x7E9] =	sst s3  }
0x4b: {  	s8 =	simm.s32 $0xB;
	s1 =	sshll.u32 s4, $0x4;
	[smem:$0x7EF] =	sst s6  }
0x4c: {  	s4 =	sadd.s32 s19, s22;
	s3 =	sadd.s32 $0x138000, s21;
	[smem:$0x7F4] =	sst s24  }
0x4d: {  	s6 =	simm.s32 $0x300;
	s21 =	simm.s32 $0xE;
	[smem:$0x7ED] =	sst s4  }
0x4e: {  	s1 =	sadd.s32 s25, s1;
	s4 =	sadd.s32 $0x2700, s23;
	[smem:$0x7FC] =	sst s3  }
0x4f: {  	s23 =	simm.s32 $0xF;
	[smem:$0x7EA] =	sst s1;
	s1 =	sadd.s32 s19, s14  }
0x50: {  	s14 =	sadd.s32 $0x26E8, s2;
	s2 =	sadd.s32 s25, s20;
	[smem:$0x7FD] =	sst s4  }
0x51: {  	s20 =	sadd.s32 $0x1680, s28;
	s28 =	smov.u32 s11;
	[smem:$0x7EB] =	sst s1  }
0x52: {  	s11 =	simm.s32 $0x28;
	s1 =	sshll.u32 s18, $0x4;
	[smem:$0x7EC] =	sst s2  }
0x53: {  	s18 =	sadd.s32 $0x168, s31;
	s31 =	smov.u32 s30;
	[smem:$0x7F2] =	sst s20  }
0x54: {  	s20 =	simm.s32 $0x11;
	s30 =	simm.s32 $0x2C00;
	[smem:$0x7F6] =	sst s28  }
0x55: {  	s1 =	sadd.s32 s25, s1;
	s22 =	sshrl.u32 s18, $0x3;
	[dreg:$0x1d] =	wrdreg s31  }
0x56: {  	s2 =	simm.s32 $0x0;
	[smem:$0x7EE] =	sst s1;
	s0 =	sadd.s32 s22, s19  }
0x57: {  	s22 =	simm.s32 $0xA480;
	[smem:$0x7F3] =	sst s0;
	s0 =	simm.s32 $0x380  }
.LBB2_1:
0x58: {  	[smem:$0x7DA] =	sst s2  }
0x59: {  	s1 =	rddreg [dreg:$0x18];
	s18 =	simm.s32 $0x400  }
0x5a: {  	[tilespmem:s18], [sflag:$0x11] =	stream.linear.gather [hbm4b:s1+s16], $0x1400, $0x38;
	[tilespmem:$0x1E1F8] =	vst v63  }
0x5b: {  	_ =	swait.ge [sflag:s20], $0x1400  }
0x5c: {  	[sflag:s20] =	ssyncset.done $0x0  }
0x5d: {  	s2 =	rddreg [dreg:$0x19];
	[sflag:s20] =	ssyncadd.s32 $0xFFFFEC00  }
0x5e: {  	[tilespmem:s22], [sflag:$0x11] =	stream.linear.gather [hbm4b:s2+s16], $0x280, $0x38;
	[tilespmem:$0x1E1F8] =	vst v63  }
0x5f: {  	_ =	swait.ge [sflag:s20], $0x280  }
0x60: {  	[sflag:s20] =	ssyncset.done $0x0  }
0x61: {  	[sflag:s20] =	ssyncadd.s32 $0xFFFFFD80  }
0x62: {  	[spmem:s9] =	stream.linear.scatter [tilespmem:s18], [sflag:$0x1], $0x1400, $0x38;
	[tilespmem:$0x1E1F8] =	vst v63  }
0x63: {  	s9 =	rddreg [dreg:$0x1c]  }
0x64: {  	[spmem:s9] =	stream.linear.scatter [tilespmem:s18], [sflag:$0x1], $0x1400, $0x38;
	[tilespmem:$0x1E1F8] =	vst v63  }
0x65: {  	s2 =	rddreg [dreg:$0x1e]  }
0x66: {  	[spmem:s31] =	stream.linear.scatter [tilespmem:s18], [sflag:$0x1], $0x1400, $0x38;
	[tilespmem:$0x1E1F8] =	vst v63  }
0x67: {  	s9 =	rddreg [dreg:$0x1f]  }
0x68: {  	[spmem:s2] =	stream.linear.scatter [tilespmem:s18], [sflag:$0x1], $0x1400, $0x38;
	[tilespmem:$0x1E1F8] =	vst v63  }
0x69: {  	s2 =	sld [smem:$0x7DB]  }
0x6a: {  	[spmem:s9] =	stream.linear.scatter [tilespmem:s18], [sflag:$0x1], $0x1400, $0x38;
	[tilespmem:$0x1E1F8] =	vst v63  }
0x6b: {  	s9 =	sld [smem:$0x7DC]  }
0x6c: {  	[spmem:s2] =	stream.linear.scatter [tilespmem:s18], [sflag:$0x1], $0x1400, $0x38;
	[tilespmem:$0x1E1F8] =	vst v63  }
0x6d: {  	s2 =	sld [smem:$0x7DD]  }
0x6e: {  	[spmem:s9] =	stream.linear.scatter [tilespmem:s18], [sflag:$0x1], $0x1400, $0x38;
	[tilespmem:$0x1E1F8] =	vst v63  }
0x6f: {  	_ = 	snop  }
0x70: {  	[spmem:s2] =	stream.linear.scatter [tilespmem:s18], [sflag:$0x1], $0x1400, $0x38;
	[tilespmem:$0x1E1F8] =	vst v63  }
0x71: {  	_ = 	snop  }
0x72: {  	[spmem:s24] =	stream.linear.scatter [tilespmem:s18], [sflag:$0x1], $0x1400, $0x38;
	[tilespmem:$0x1E1F8] =	vst v63  }
0x73: {  	_ = 	snop  }
0x74: {  	[spmem:s26] =	stream.linear.scatter [tilespmem:s18], [sflag:$0x1], $0x1400, $0x38;
	[tilespmem:$0x1E1F8] =	vst v63  }
0x75: {  	s9 =	sld [smem:$0x7DE]  }
0x76: {  	[spmem:s28] =	stream.linear.scatter [tilespmem:s18], [sflag:$0x1], $0x1400, $0x38;
	[tilespmem:$0x1E1F8] =	vst v63  }
0x77: {  	_ = 	snop  }
0x78: {  	[spmem:s9] =	stream.linear.scatter [tilespmem:s18], [sflag:$0x1], $0x1400, $0x38;
	[tilespmem:$0x1E1F8] =	vst v63  }
0x79: {  	_ = 	snop  }
0x7a: {  	[spmem:s5] =	stream.linear.scatter [tilespmem:s18], [sflag:$0x1], $0x1400, $0x38;
	[tilespmem:$0x1E1F8] =	vst v63  }
0x7b: {  	_ = 	snop  }
0x7c: {  	[spmem:s12] =	stream.linear.scatter [tilespmem:s18], [sflag:$0x1], $0x1400, $0x38;
	[tilespmem:$0x1E1F8] =	vst v63  }
0x7d: {  	_ = 	snop  }
0x7e: {  	[spmem:s15] =	stream.linear.scatter [tilespmem:s18], [sflag:$0x1], $0x1400, $0x38;
	[tilespmem:$0x1E1F8] =	vst v63  }
0x7f: {  	s5 =	simm.s32 $0x1  }
0x80: {  	[spmem:s17] =	stream.linear.scatter [tilespmem:s18], [sflag:$0x1], $0xC00, $0x38;
	[tilespmem:$0x1E1F8] =	vst v63  }
0x81: {  	_ =	swait.ge [sflag:s5], $0x1400  }
0x82: {  	[sflag:s5] =	ssyncset.done $0x0  }
0x83: {  	[sflag:s5] =	ssyncadd.s32 $0xFFFFEC00  }
0x84: {  	_ =	swait.ge [sflag:s5], $0x1400  }
0x85: {  	[sflag:s5] =	ssyncset.done $0x0  }
0x86: {  	[sflag:s5] =	ssyncadd.s32 $0xFFFFEC00  }
0x87: {  	_ =	swait.ge [sflag:s5], $0x1400  }
0x88: {  	[sflag:s5] =	ssyncset.done $0x0  }
0x89: {  	[sflag:s5] =	ssyncadd.s32 $0xFFFFEC00  }
0x8a: {  	_ =	swait.ge [sflag:s5], $0x1400  }
0x8b: {  	[sflag:s5] =	ssyncset.done $0x0  }
0x8c: {  	[sflag:s5] =	ssyncadd.s32 $0xFFFFEC00  }
0x8d: {  	_ =	swait.ge [sflag:s5], $0x1400  }
0x8e: {  	[sflag:s5] =	ssyncset.done $0x0  }
0x8f: {  	[sflag:s5] =	ssyncadd.s32 $0xFFFFEC00  }
0x90: {  	_ =	swait.ge [sflag:s5], $0x1400  }
0x91: {  	[sflag:s5] =	ssyncset.done $0x0  }
0x92: {  	[sflag:s5] =	ssyncadd.s32 $0xFFFFEC00  }
0x93: {  	_ =	swait.ge [sflag:s5], $0x1400  }
0x94: {  	[sflag:s5] =	ssyncset.done $0x0  }
0x95: {  	[sflag:s5] =	ssyncadd.s32 $0xFFFFEC00  }
0x96: {  	_ =	swait.ge [sflag:s5], $0x1400  }
0x97: {  	[sflag:s5] =	ssyncset.done $0x0  }
0x98: {  	[sflag:s5] =	ssyncadd.s32 $0xFFFFEC00  }
0x99: {  	_ =	swait.ge [sflag:s5], $0x1400  }
0x9a: {  	[sflag:s5] =	ssyncset.done $0x0  }
0x9b: {  	[sflag:s5] =	ssyncadd.s32 $0xFFFFEC00  }
0x9c: {  	_ =	swait.ge [sflag:s5], $0x1400  }
0x9d: {  	[sflag:s5] =	ssyncset.done $0x0  }
0x9e: {  	[sflag:s5] =	ssyncadd.s32 $0xFFFFEC00  }
0x9f: {  	_ =	swait.ge [sflag:s5], $0x1400  }
0xa0: {  	[sflag:s5] =	ssyncset.done $0x0  }
0xa1: {  	[sflag:s5] =	ssyncadd.s32 $0xFFFFEC00  }
0xa2: {  	_ =	swait.ge [sflag:s5], $0x1400  }
0xa3: {  	[sflag:s5] =	ssyncset.done $0x0  }
0xa4: {  	[sflag:s5] =	ssyncadd.s32 $0xFFFFEC00  }
0xa5: {  	_ =	swait.ge [sflag:s5], $0x1400  }
0xa6: {  	[sflag:s5] =	ssyncset.done $0x0  }
0xa7: {  	[sflag:s5] =	ssyncadd.s32 $0xFFFFEC00  }
0xa8: {  	_ =	swait.ge [sflag:s5], $0x1400  }
0xa9: {  	[sflag:s5] =	ssyncset.done $0x0  }
0xaa: {  	[sflag:s5] =	ssyncadd.s32 $0xFFFFEC00  }
0xab: {  	_ =	swait.ge [sflag:s5], $0x1400  }
0xac: {  	[sflag:s5] =	ssyncset.done $0x0  }
0xad: {  	[sflag:s5] =	ssyncadd.s32 $0xFFFFEC00  }
0xae: {  	_ =	swait.ge [sflag:s5], $0xC00  }
0xaf: {  	[sflag:s5] =	ssyncset.done $0x0  }
0xb0: {  	[sflag:s5] =	ssyncadd.s32 $0xFFFFF400  }
0xb1: {  	[spmem:s7] =	stream.linear.scatter [tilespmem:s22], [sflag:$0x11], $0x270, $0x38;
	[tilespmem:$0x1E1F8] =	vst v63  }
0xb2: {  	_ =	swait.ge [sflag:s20], $0x270  }
0xb3: {  	[sflag:s20] =	ssyncset.done $0x0  }
0xb4: {  	s1 =	simm.s32 @!p0 $0x400;
	[sflag:s20] =	ssyncadd.s32 $0xFFFFFD90  }
0xb5: {  	[spmem:s3] =	stream.linear.scatter @!p0 [tilespmem:s1], [sflag:$0x11], $0x800, $0x38;
	[tilespmem:$0x1E1F8] =	vst v63  }
0xb6: {  	s1 =	simm.s32 @!p0 $0x11  }
0xb7: {  	_ =	swait.ge @!p0 [sflag:s1], $0x800  }
0xb8: {  	[sflag:s1] =	ssyncset.done @!p0 $0x0  }
0xb9: {  	s3 =	simm.s32 @!p0 $0xA480;
	[sflag:s1] =	ssyncadd.s32 @!p0 $0xFFFFF800  }
0xba: {  	[spmem:s4] =	stream.linear.scatter @!p0 [tilespmem:s3], [sflag:$0x11], $0x10, $0x38;
	[tilespmem:$0x1E1F8] =	vst v63  }
0xbb: {  	_ =	swait.ge @!p0 [sflag:s1], $0x10  }
0xbc: {  	[sflag:s1] =	ssyncset.done @!p0 $0x0  }
0xbd: {  	s9 =	simm.s32 $0xA400;
	s22 =	rddreg [dreg:$0x1a];
	[sflag:s1] =	ssyncadd.s32 @!p0 $0xFFFFFFF0  }
0xbe: {  	[tilespmem:s9], [sflag:$0x11] =	stream.linear.gather [hbm4b:s22+s16], $0x80, $0x38;
	[tilespmem:$0x1E1F8] =	vst v63  }
0xbf: {  	_ =	swait.ge [sflag:s20], $0x80  }
0xc0: {  	[sflag:s20] =	ssyncset.done $0x0  }
0xc1: {  	[sflag:s20] =	ssyncadd.s32 $0xFFFFFF80  }
0xc2: {  	[bflag:$0x0] =	sbarrier.arrive $0xFFFF  }
0xc3: {  	s24 =	sld [smem:$0x7DF];
	_ =	sdelay $0x1  }
0xc4: {  	s26 =	sld [smem:$0x7E0]  }
0xc5: {  	[tilespmem:s16], [sflag:$0x1] =	stream.linear.gather [hbm4b:s24+s16], $0x28, $0x38;
	[tilespmem:$0x1E1F8] =	vst v63  }
0xc6: {  	s2 =	sld [smem:$0x7E1]  }
0xc7: {  	[tilespmem:s18], [sflag:$0x1] =	stream.linear.gather [hbm4b:s26+s16], $0x1400, $0x38;
	[tilespmem:$0x1E1F8] =	vst v63  }
0xc8: {  	s12 =	simm.s32 $0x80;
	s3 =	sld [smem:$0x7E2]  }
0xc9: {  	[tilespmem:s12], [sflag:$0x2] =	stream.linear.gather [hbm4b:s2+s16], $0x28, $0x38;
	[tilespmem:$0x1E1F8] =	vst v63  }
0xca: {  	s15 =	simm.s32 $0x1800;
	s4 =	sld [smem:$0x7E3]  }
0xcb: {  	[tilespmem:s15], [sflag:$0x2] =	stream.linear.gather [hbm4b:s3+s16], $0x1400, $0x38;
	[tilespmem:$0x1E1F8] =	vst v63  }
0xcc: {  	s7 =	sld [smem:$0x7E4]  }
0xcd: {  	[tilespmem:s29], [sflag:$0x3] =	stream.linear.gather [hbm4b:s4+s16], $0x28, $0x38;
	[tilespmem:$0x1E1F8] =	vst v63  }
0xce: {  	s17 =	sld [smem:$0x7E5]  }
0xcf: {  	[tilespmem:s30], [sflag:$0x3] =	stream.linear.gather [hbm4b:s7+s16], $0x1400, $0x38;
	[tilespmem:$0x1E1F8] =	vst v63  }
0xd0: {  	s20 =	simm.s32 $0x180;
	s22 =	sld [smem:$0x7E6]  }
0xd1: {  	[tilespmem:s20], [sflag:$0x4] =	stream.linear.gather [hbm4b:s17+s16], $0x28, $0x38;
	[tilespmem:$0x1E1F8] =	vst v63  }
0xd2: {  	s24 =	sld [smem:$0x7E7];
	s26 =	simm.s32 $0x4000  }
0xd3: {  	[tilespmem:s26], [sflag:$0x4] =	stream.linear.gather [hbm4b:s22+s16], $0x1400, $0x38;
	[tilespmem:$0x1E1F8] =	vst v63  }
0xd4: {  	s28 =	simm.s32 $0x200;
	s2 =	sld [smem:$0x7E8]  }
0xd5: {  	[tilespmem:s28], [sflag:$0x5] =	stream.linear.gather [hbm4b:s24+s16], $0x28, $0x38;
	[tilespmem:$0x1E1F8] =	vst v63  }
0xd6: {  	s3 =	simm.s32 $0x5400;
	s4 =	sld [smem:$0x7E9]  }
0xd7: {  	[tilespmem:s3], [sflag:$0x5] =	stream.linear.gather [hbm4b:s2+s16], $0x1400, $0x38;
	[tilespmem:$0x1E1F8] =	vst v63  }
0xd8: {  	s7 =	sld [smem:$0x7EA];
	s24 =	simm.s32 $0x280  }
0xd9: {  	[tilespmem:s24], [sflag:$0x6] =	stream.linear.gather [hbm4b:s4+s16], $0x28, $0x38;
	[tilespmem:$0x1E1F8] =	vst v63  }
0xda: {  	s17 =	sld [smem:$0x7EB];
	s4 =	simm.s32 $0x6800  }
0xdb: {  	[tilespmem:s4], [sflag:$0x6] =	stream.linear.gather [hbm4b:s7+s16], $0x1400, $0x38;
	[tilespmem:$0x1E1F8] =	vst v63  }
0xdc: {  	s22 =	sld [smem:$0x7EC]  }
0xdd: {  	[tilespmem:s6], [sflag:$0x7] =	stream.linear.gather [hbm4b:s17+s16], $0x28, $0x38;
	[tilespmem:$0x1E1F8] =	vst v63  }
0xde: {  	s2 =	sld [smem:$0x7ED];
	s17 =	simm.s32 $0x7C00  }
0xdf: {  	[tilespmem:s17], [sflag:$0x7] =	stream.linear.gather [hbm4b:s22+s16], $0x1400, $0x38;
	[tilespmem:$0x1E1F8] =	vst v63  }
0xe0: {  	s7 =	sld [smem:$0x7EE]  }
0xe1: {  	[tilespmem:s0], [sflag:$0x8] =	stream.linear.gather [hbm4b:s2+s16], $0x28, $0x38;
	[tilespmem:$0x1E1F8] =	vst v63  }
0xe2: {  	s2 =	simm.s32 $0x9000  }
0xe3: {  	[tilespmem:s2], [sflag:$0x8] =	stream.linear.gather [hbm4b:s7+s16], $0x1400, $0x38;
	[tilespmem:$0x1E1F8] =	vst v63  }
0xe4: {  	_ =	swait.ge [sflag:s5], $0x28  }
0xe5: {  	[sflag:s5] =	ssyncset.done $0x0  }
0xe6: {  	[sflag:s5] =	ssyncadd.s32 $0xFFFFFFD8  }
0xe7: {  	_ =	swait.ge [sflag:s5], $0x1400  }
0xe8: {  	[sflag:s5] =	ssyncset.done $0x0  }
0xe9: {  	[sflag:s5] =	ssyncadd.s32 $0xFFFFEC00  }
0xea: {  	s5 =	rddreg [dreg:$0x3]  }
0xeb: {  	[spmem:s5] =	stream.indirect.scatter.add.f32 [tilespmem:s18], [sflag:$0x9], $0x80, s16, s11, $0xb8;
	[tilespmem:$0x1E1F8] =	vst v63  }
0xec: {  	s22 =	simm.s32 $0x2;
	s7 =	rddreg [dreg:$0x4]  }
0xed: {  	[spmem:s7] =	stream.indirect.scatter.add.f32 [tilespmem:s9], [sflag:$0x9], $0x1, s16, s11, $0xb8;
	[tilespmem:$0x1E1F8] =	vst v63  }
0xee: {  	_ =	swait.ge [sflag:s22], $0x28  }
0xef: {  	[sflag:s22] =	ssyncset.done $0x0  }
0xf0: {  	[sflag:s22] =	ssyncadd.s32 $0xFFFFFFD8  }
0xf1: {  	_ =	swait.ge [sflag:s22], $0x1400  }
0xf2: {  	[sflag:s22] =	ssyncset.done $0x0  }
0xf3: {  	[sflag:s22] =	ssyncadd.s32 $0xFFFFEC00  }
0xf4: {  	[spmem:s5] =	stream.indirect.scatter.add.f32 [tilespmem:s15], [sflag:$0xA], $0x80, s12, s11, $0xb8;
	[tilespmem:$0x1E1F8] =	vst v63  }
0xf5: {  	s22 =	simm.s32 $0x3  }
0xf6: {  	[spmem:s7] =	stream.indirect.scatter.add.f32 [tilespmem:s9], [sflag:$0xA], $0x1, s12, s11, $0xb8;
	[tilespmem:$0x1E1F8] =	vst v63  }
0xf7: {  	_ =	swait.ge [sflag:s22], $0x28  }
0xf8: {  	[sflag:s22] =	ssyncset.done $0x0  }
0xf9: {  	[sflag:s22] =	ssyncadd.s32 $0xFFFFFFD8  }
0xfa: {  	_ =	swait.ge [sflag:s22], $0x1400  }
0xfb: {  	[sflag:s22] =	ssyncset.done $0x0  }
0xfc: {  	[sflag:s22] =	ssyncadd.s32 $0xFFFFEC00  }
0xfd: {  	[spmem:s5] =	stream.indirect.scatter.add.f32 [tilespmem:s30], [sflag:$0xB], $0x80, s29, s11, $0xb8;
	[tilespmem:$0x1E1F8] =	vst v63  }
0xfe: {  	s22 =	simm.s32 $0x4  }
0xff: {  	[spmem:s7] =	stream.indirect.scatter.add.f32 [tilespmem:s9], [sflag:$0xB], $0x1, s29, s11, $0xb8;
	[tilespmem:$0x1E1F8] =	vst v63  }
0x100: {  	_ =	swait.ge [sflag:s22], $0x28  }
0x101: {  	[sflag:s22] =	ssyncset.done $0x0  }
0x102: {  	[sflag:s22] =	ssyncadd.s32 $0xFFFFFFD8  }
0x103: {  	_ =	swait.ge [sflag:s22], $0x1400  }
0x104: {  	[sflag:s22] =	ssyncset.done $0x0  }
0x105: {  	[sflag:s22] =	ssyncadd.s32 $0xFFFFEC00  }
0x106: {  	[spmem:s5] =	stream.indirect.scatter.add.f32 [tilespmem:s26], [sflag:$0xC], $0x80, s20, s11, $0xb8;
	[tilespmem:$0x1E1F8] =	vst v63  }
0x107: {  	s22 =	simm.s32 $0x5  }
0x108: {  	[spmem:s7] =	stream.indirect.scatter.add.f32 [tilespmem:s9], [sflag:$0xC], $0x1, s20, s11, $0xb8;
	[tilespmem:$0x1E1F8] =	vst v63  }
0x109: {  	_ =	swait.ge [sflag:s22], $0x28  }
0x10a: {  	[sflag:s22] =	ssyncset.done $0x0  }
0x10b: {  	[sflag:s22] =	ssyncadd.s32 $0xFFFFFFD8  }
0x10c: {  	_ =	swait.ge [sflag:s22], $0x1400  }
0x10d: {  	[sflag:s22] =	ssyncset.done $0x0  }
0x10e: {  	[sflag:s22] =	ssyncadd.s32 $0xFFFFEC00  }
0x10f: {  	[spmem:s5] =	stream.indirect.scatter.add.f32 [tilespmem:s3], [sflag:$0xD], $0x80, s28, s11, $0xb8;
	[tilespmem:$0x1E1F8] =	vst v63  }
0x110: {  	s22 =	simm.s32 $0x6  }
0x111: {  	[spmem:s7] =	stream.indirect.scatter.add.f32 [tilespmem:s9], [sflag:$0xD], $0x1, s28, s11, $0xb8;
	[tilespmem:$0x1E1F8] =	vst v63  }
0x112: {  	_ =	swait.ge [sflag:s22], $0x28  }
0x113: {  	[sflag:s22] =	ssyncset.done $0x0  }
0x114: {  	[sflag:s22] =	ssyncadd.s32 $0xFFFFFFD8  }
0x115: {  	_ =	swait.ge [sflag:s22], $0x1400  }
0x116: {  	[sflag:s22] =	ssyncset.done $0x0  }
0x117: {  	[sflag:s22] =	ssyncadd.s32 $0xFFFFEC00  }
0x118: {  	[spmem:s5] =	stream.indirect.scatter.add.f32 [tilespmem:s4], [sflag:$0xE], $0x80, s24, s11, $0xb8;
	[tilespmem:$0x1E1F8] =	vst v63  }
0x119: {  	s3 =	simm.s32 $0x7  }
0x11a: {  	[spmem:s7] =	stream.indirect.scatter.add.f32 [tilespmem:s9], [sflag:$0xE], $0x1, s24, s11, $0xb8;
	[tilespmem:$0x1E1F8] =	vst v63  }
0x11b: {  	_ =	swait.ge [sflag:s3], $0x28  }
0x11c: {  	[sflag:s3] =	ssyncset.done $0x0  }
0x11d: {  	[sflag:s3] =	ssyncadd.s32 $0xFFFFFFD8  }
0x11e: {  	_ =	swait.ge [sflag:s3], $0x1400  }
0x11f: {  	[sflag:s3] =	ssyncset.done $0x0  }
0x120: {  	[sflag:s3] =	ssyncadd.s32 $0xFFFFEC00  }
0x121: {  	[spmem:s5] =	stream.indirect.scatter.add.f32 [tilespmem:s17], [sflag:$0xF], $0x80, s6, s11, $0xb8;
	[tilespmem:$0x1E1F8] =	vst v63  }
0x122: {  	s4 =	simm.s32 $0x8  }
0x123: {  	[spmem:s7] =	stream.indirect.scatter.add.f32 [tilespmem:s9], [sflag:$0xF], $0x1, s6, s11, $0xb8;
	[tilespmem:$0x1E1F8] =	vst v63  }
0x124: {  	_ =	swait.ge [sflag:s4], $0x28  }
0x125: {  	[sflag:s4] =	ssyncset.done $0x0  }
0x126: {  	[sflag:s4] =	ssyncadd.s32 $0xFFFFFFD8  }
0x127: {  	_ =	swait.ge [sflag:s4], $0x1400  }
0x128: {  	[sflag:s4] =	ssyncset.done $0x0  }
0x129: {  	[sflag:s4] =	ssyncadd.s32 $0xFFFFEC00  }
0x12a: {  	[spmem:s5] =	stream.indirect.scatter.add.f32 [tilespmem:s2], [sflag:$0x10], $0x80, s0, s11, $0xb8;
	[tilespmem:$0x1E1F8] =	vst v63  }
0x12b: {  	s22 =	simm.s32 $0x9  }
0x12c: {  	[spmem:s7] =	stream.indirect.scatter.add.f32 [tilespmem:s9], [sflag:$0x10], $0x1, s0, s11, $0xb8;
	[tilespmem:$0x1E1F8] =	vst v63  }
0x12d: {  	_ =	swait.ge [sflag:s22], $0x1400  }
0x12e: {  	[sflag:s22] =	ssyncset.done $0x0;
	s4 =	rddreg [dreg:$0x6]  }
0x12f: {  	[sflag:s22] =	ssyncadd.s32 $0xFFFFEC00;
	s1 =	sadd.s32 $0x0, s4  }
0x130: {  	_ =	swait.ge [sflag:s22], $0x28;
	s5 =	sadd.s32 $0x140, s1  }
0x131: {  	[sflag:s22] =	ssyncset.done $0x0;
	s3 =	sshrl.u32 s5, $0x3;
	s7 =	sld [smem:$0x7F2]  }
0x132: {  	[sflag:s22] =	ssyncadd.s32 $0xFFFFFFD8;
	s3 =	sadd.s32 s19, s3  }
0x133: {  	[tilespmem:s16], [sflag:$0x1] =	stream.linear.gather [hbm4b:s3+s16], $0x28, $0x38;
	[tilespmem:$0x1E1F8] =	vst v63  }
0x134: {  	s22 =	simm.s32 $0xA;
	s9 =	sadd.s32 $0xFFFFFD80, s7  }
0x135: {  	[tilespmem:s18], [sflag:$0x1] =	stream.linear.gather [hbm4b:s9+s16], $0x1400, $0x38;
	[tilespmem:$0x1E1F8] =	vst v63  }
0x136: {  	_ =	swait.ge [sflag:s22], $0x1400  }
0x137: {  	[sflag:s22] =	ssyncset.done $0x0  }
0x138: {  	[sflag:s22] =	ssyncadd.s32 $0xFFFFEC00  }
0x139: {  	_ =	swait.ge [sflag:s22], $0x28  }
0x13a: {  	s2 =	sld [smem:$0x7F3]  }
0x13b: {  	[sflag:s22] =	ssyncset.done $0x0  }
0x13c: {  	[sflag:s22] =	ssyncadd.s32 $0xFFFFFFD8  }
0x13d: {  	[tilespmem:s12], [sflag:$0x2] =	stream.linear.gather [hbm4b:s2+s16], $0x28, $0x38;
	[tilespmem:$0x1E1F8] =	vst v63  }
0x13e: {  	_ = 	snop  }
0x13f: {  	[tilespmem:s15], [sflag:$0x2] =	stream.linear.gather [hbm4b:s7+s16], $0x1400, $0x38;
	[tilespmem:$0x1E1F8] =	vst v63  }
0x140: {  	_ =	swait.ge [sflag:s8], $0x1400  }
0x141: {  	s3 =	sadd.s32 $0x190, s1;
	[sflag:s8] =	ssyncset.done $0x0  }
0x142: {  	s5 =	smov.u32 s14;
	p1 =	slt.s32 s3, s14;
	[sflag:s8] =	ssyncadd.s32 $0xFFFFEC00  }
0x143: {  	s5 =	smov.u32 @p1 s3;
	_ =	swait.ge [sflag:s8], $0x28  }
0x144: {  	s3 =	sshrl.u32 s5, $0x3;
	[sflag:s8] =	ssyncset.done $0x0  }
0x145: {  	s5 =	sshll.u32 s5, $0x4;
	s3 =	sadd.s32 s19, s3;
	[sflag:s8] =	ssyncadd.s32 $0xFFFFFFD8  }
0x146: {  	[tilespmem:s29], [sflag:$0x3] =	stream.linear.gather [hbm4b:s3+s16], $0x28, $0x38;
	[tilespmem:$0x1E1F8] =	vst v63  }
0x147: {  	s9 =	sadd.s32 s25, s5  }
0x148: {  	[tilespmem:s30], [sflag:$0x3] =	stream.linear.gather [hbm4b:s9+s16], $0x1400, $0x38;
	[tilespmem:$0x1E1F8] =	vst v63  }
0x149: {  	_ =	swait.ge [sflag:s10], $0x1400  }
0x14a: {  	s3 =	sadd.s32 $0x1B8, s1;
	[sflag:s10] =	ssyncset.done $0x0  }
0x14b: {  	s5 =	smov.u32 s14;
	p1 =	slt.s32 s3, s14;
	[sflag:s10] =	ssyncadd.s32 $0xFFFFEC00  }
0x14c: {  	s5 =	smov.u32 @p1 s3;
	_ =	swait.ge [sflag:s10], $0x28  }
0x14d: {  	s3 =	sshrl.u32 s5, $0x3;
	[sflag:s10] =	ssyncset.done $0x0  }
0x14e: {  	s5 =	sshll.u32 s5, $0x4;
	s3 =	sadd.s32 s19, s3;
	[sflag:s10] =	ssyncadd.s32 $0xFFFFFFD8  }
0x14f: {  	[tilespmem:s20], [sflag:$0x4] =	stream.linear.gather [hbm4b:s3+s16], $0x28, $0x38;
	[tilespmem:$0x1E1F8] =	vst v63  }
0x150: {  	s12 =	sadd.s32 s25, s5  }
0x151: {  	[tilespmem:s26], [sflag:$0x4] =	stream.linear.gather [hbm4b:s12+s16], $0x1400, $0x38;
	[tilespmem:$0x1E1F8] =	vst v63  }
0x152: {  	_ =	swait.ge [sflag:s13], $0x1400  }
0x153: {  	s3 =	sadd.s32 $0x1E0, s1;
	[sflag:s13] =	ssyncset.done $0x0  }
0x154: {  	s5 =	smov.u32 s14;
	p1 =	slt.s32 s3, s14;
	[sflag:s13] =	ssyncadd.s32 $0xFFFFEC00  }
0x155: {  	s5 =	smov.u32 @p1 s3;
	_ =	swait.ge [sflag:s13], $0x28  }
0x156: {  	s3 =	sshrl.u32 s5, $0x3;
	[sflag:s13] =	ssyncset.done $0x0  }
0x157: {  	s5 =	sshll.u32 s5, $0x4;
	s3 =	sadd.s32 s19, s3;
	[sflag:s13] =	ssyncadd.s32 $0xFFFFFFD8  }
0x158: {  	[tilespmem:s28], [sflag:$0x5] =	stream.linear.gather [hbm4b:s3+s16], $0x28, $0x38;
	[tilespmem:$0x1E1F8] =	vst v63  }
0x159: {  	s15 =	simm.s32 $0x5400;
	s13 =	sadd.s32 s25, s5  }
0x15a: {  	[tilespmem:s15], [sflag:$0x5] =	stream.linear.gather [hbm4b:s13+s16], $0x1400, $0x38;
	[tilespmem:$0x1E1F8] =	vst v63  }
0x15b: {  	_ =	swait.ge [sflag:s21], $0x1400  }
0x15c: {  	s3 =	sadd.s32 $0x208, s1;
	[sflag:s21] =	ssyncset.done $0x0  }
0x15d: {  	s5 =	smov.u32 s14;
	p1 =	slt.s32 s3, s14;
	[sflag:s21] =	ssyncadd.s32 $0xFFFFEC00  }
0x15e: {  	s5 =	smov.u32 @p1 s3;
	_ =	swait.ge [sflag:s21], $0x28  }
0x15f: {  	s3 =	sshrl.u32 s5, $0x3;
	[sflag:s21] =	ssyncset.done $0x0  }
0x160: {  	s5 =	sshll.u32 s5, $0x4;
	s3 =	sadd.s32 s19, s3;
	[sflag:s21] =	ssyncadd.s32 $0xFFFFFFD8  }
0x161: {  	[tilespmem:s24], [sflag:$0x6] =	stream.linear.gather [hbm4b:s3+s16], $0x28, $0x38;
	[tilespmem:$0x1E1F8] =	vst v63  }
0x162: {  	s18 =	simm.s32 $0x6800;
	s22 =	sadd.s32 s25, s5  }
0x163: {  	[tilespmem:s18], [sflag:$0x6] =	stream.linear.gather [hbm4b:s22+s16], $0x1400, $0x38;
	[tilespmem:$0x1E1F8] =	vst v63  }
0x164: {  	_ =	swait.ge [sflag:s23], $0x1400  }
0x165: {  	s3 =	sadd.s32 $0x230, s1;
	[sflag:s23] =	ssyncset.done $0x0  }
0x166: {  	s5 =	smov.u32 s14;
	p1 =	slt.s32 s3, s14;
	[sflag:s23] =	ssyncadd.s32 $0xFFFFEC00  }
0x167: {  	s31 =	simm.s32 $0x10;
	s5 =	smov.u32 @p1 s3;
	_ =	swait.ge [sflag:s23], $0x28  }
0x168: {  	s8 =	simm.s32 $0xB;
	s3 =	sshrl.u32 s5, $0x3;
	[sflag:s23] =	ssyncset.done $0x0  }
0x169: {  	s5 =	sshll.u32 s5, $0x4;
	s3 =	sadd.s32 s19, s3;
	[sflag:s23] =	ssyncadd.s32 $0xFFFFFFD8  }
0x16a: {  	[tilespmem:s6], [sflag:$0x7] =	stream.linear.gather [hbm4b:s3+s16], $0x28, $0x38;
	[tilespmem:$0x1E1F8] =	vst v63  }
0x16b: {  	s30 =	simm.s32 $0x140;
	s10 =	simm.s32 $0xC;
	s23 =	sadd.s32 s25, s5  }
0x16c: {  	[tilespmem:s17], [sflag:$0x7] =	stream.linear.gather [hbm4b:s23+s16], $0x1400, $0x38;
	[tilespmem:$0x1E1F8] =	vst v63  }
0x16d: {  	s13 =	simm.s32 $0xF;
	s1 =	sadd.s32 $0x258, s1;
	_ =	swait.ge [sflag:s31], $0x1400  }
0x16e: {  	p1 =	slt.s32 s1, s14;
	s3 =	smov.u32 s14;
	[sflag:s31] =	ssyncset.done $0x0  }
0x16f: {  	s21 =	smov.u32 s19;
	s3 =	smov.u32 @p1 s1;
	[sflag:s31] =	ssyncadd.s32 $0xFFFFEC00  }
0x170: {  	s22 =	sadd.s32 $0x1400, s7;
	s1 =	sshrl.u32 s3, $0x3;
	_ =	swait.ge [sflag:s31], $0x28  }
0x171: {  	s29 =	sshll.u32 s3, $0x4;
	s23 =	simm.s32 $0xE;
	[sflag:s31] =	ssyncset.done $0x0  }
0x172: {  	s1 =	sadd.s32 s19, s1;
	s3 =	sadd.s32 s25, s29;
	[sflag:s31] =	ssyncadd.s32 $0xFFFFFFD8  }
0x173: {  	[tilespmem:s0], [sflag:$0x8] =	stream.linear.gather [hbm4b:s1+s16], $0x28, $0x38;
	[tilespmem:$0x1E1F8] =	vst v63  }
0x174: {  	s19 =	simm.s32 $0xD;
	s1 =	sadd.s32 $0x28, s2;
	s0 =	simm.s32 $0x7C00  }
.LBB2_2:
0x175: {  	s5 =	simm.s32 $0x9000;
	s4 =	simm.s32 $0x1  }
0x176: {  	[tilespmem:s5], [sflag:$0x8] =	stream.linear.gather [hbm4b:s3+s16], $0x1400, $0x38;
	[tilespmem:$0x1E1F8] =	vst v63  }
0x177: {  	_ =	swait.ge [sflag:s4], $0x28  }
0x178: {  	[sflag:s4] =	ssyncset.done $0x0  }
0x179: {  	[sflag:s4] =	ssyncadd.s32 $0xFFFFFFD8  }
0x17a: {  	_ =	swait.ge [sflag:s4], $0x1400  }
0x17b: {  	[sflag:s4] =	ssyncset.done $0x0  }
0x17c: {  	[sflag:s4] =	ssyncadd.s32 $0xFFFFEC00  }
0x17d: {  	s12 =	simm.s32 $0x400;
	s7 =	rddreg [dreg:$0x3]  }
0x17e: {  	[spmem:s7] =	stream.indirect.scatter.add.f32 [tilespmem:s12], [sflag:$0x9], $0x80, s16, s11, $0xb8;
	[tilespmem:$0x1E1F8] =	vst v63  }
0x17f: {  	s9 =	simm.s32 $0xA400;
	s2 =	simm.s32 $0x2;
	s6 =	rddreg [dreg:$0x4]  }
0x180: {  	[spmem:s6] =	stream.indirect.scatter.add.f32 [tilespmem:s9], [sflag:$0x9], $0x1, s16, s11, $0xb8;
	[tilespmem:$0x1E1F8] =	vst v63  }
0x181: {  	_ =	swait.ge [sflag:s2], $0x28  }
0x182: {  	[sflag:s2] =	ssyncset.done $0x0  }
0x183: {  	[sflag:s2] =	ssyncadd.s32 $0xFFFFFFD8  }
0x184: {  	_ =	swait.ge [sflag:s2], $0x1400  }
0x185: {  	[sflag:s2] =	ssyncset.done $0x0  }
0x186: {  	s17 =	simm.s32 $0x80;
	s29 =	simm.s32 $0x1800;
	[sflag:s2] =	ssyncadd.s32 $0xFFFFEC00  }
0x187: {  	[spmem:s7] =	stream.indirect.scatter.add.f32 [tilespmem:s29], [sflag:$0xA], $0x80, s17, s11, $0xb8;
	[tilespmem:$0x1E1F8] =	vst v63  }
0x188: {  	s29 =	simm.s32 $0x3  }
0x189: {  	[spmem:s6] =	stream.indirect.scatter.add.f32 [tilespmem:s9], [sflag:$0xA], $0x1, s17, s11, $0xb8;
	[tilespmem:$0x1E1F8] =	vst v63  }
0x18a: {  	_ =	swait.ge [sflag:s29], $0x28  }
0x18b: {  	[sflag:s29] =	ssyncset.done $0x0  }
0x18c: {  	[sflag:s29] =	ssyncadd.s32 $0xFFFFFFD8  }
0x18d: {  	_ =	swait.ge [sflag:s29], $0x1400  }
0x18e: {  	[sflag:s29] =	ssyncset.done $0x0  }
0x18f: {  	s2 =	simm.s32 $0x2C00;
	[sflag:s29] =	ssyncadd.s32 $0xFFFFEC00;
	s29 =	simm.s32 $0x100  }
0x190: {  	[spmem:s7] =	stream.indirect.scatter.add.f32 [tilespmem:s2], [sflag:$0xB], $0x80, s29, s11, $0xb8;
	[tilespmem:$0x1E1F8] =	vst v63  }
0x191: {  	s2 =	simm.s32 $0x4  }
0x192: {  	[spmem:s6] =	stream.indirect.scatter.add.f32 [tilespmem:s9], [sflag:$0xB], $0x1, s29, s11, $0xb8;
	[tilespmem:$0x1E1F8] =	vst v63  }
0x193: {  	_ =	swait.ge [sflag:s2], $0x28  }
0x194: {  	[sflag:s2] =	ssyncset.done $0x0  }
0x195: {  	[sflag:s2] =	ssyncadd.s32 $0xFFFFFFD8  }
0x196: {  	_ =	swait.ge [sflag:s2], $0x1400  }
0x197: {  	[sflag:s2] =	ssyncset.done $0x0  }
0x198: {  	[sflag:s2] =	ssyncadd.s32 $0xFFFFEC00  }
0x199: {  	[spmem:s7] =	stream.indirect.scatter.add.f32 [tilespmem:s26], [sflag:$0xC], $0x80, s20, s11, $0xb8;
	[tilespmem:$0x1E1F8] =	vst v63  }
0x19a: {  	s26 =	simm.s32 $0x5  }
0x19b: {  	[spmem:s6] =	stream.indirect.scatter.add.f32 [tilespmem:s9], [sflag:$0xC], $0x1, s20, s11, $0xb8;
	[tilespmem:$0x1E1F8] =	vst v63  }
0x19c: {  	_ =	swait.ge [sflag:s26], $0x28  }
0x19d: {  	[sflag:s26] =	ssyncset.done $0x0  }
0x19e: {  	[sflag:s26] =	ssyncadd.s32 $0xFFFFFFD8  }
0x19f: {  	_ =	swait.ge [sflag:s26], $0x1400  }
0x1a0: {  	[sflag:s26] =	ssyncset.done $0x0  }
0x1a1: {  	[sflag:s26] =	ssyncadd.s32 $0xFFFFEC00  }
0x1a2: {  	[spmem:s7] =	stream.indirect.scatter.add.f32 [tilespmem:s15], [sflag:$0xD], $0x80, s28, s11, $0xb8;
	[tilespmem:$0x1E1F8] =	vst v63  }
0x1a3: {  	s20 =	simm.s32 $0x6  }
0x1a4: {  	[spmem:s6] =	stream.indirect.scatter.add.f32 [tilespmem:s9], [sflag:$0xD], $0x1, s28, s11, $0xb8;
	[tilespmem:$0x1E1F8] =	vst v63  }
0x1a5: {  	_ =	swait.ge [sflag:s20], $0x28  }
0x1a6: {  	[sflag:s20] =	ssyncset.done $0x0  }
0x1a7: {  	[sflag:s20] =	ssyncadd.s32 $0xFFFFFFD8  }
0x1a8: {  	_ =	swait.ge [sflag:s20], $0x1400  }
0x1a9: {  	[sflag:s20] =	ssyncset.done $0x0  }
0x1aa: {  	[sflag:s20] =	ssyncadd.s32 $0xFFFFEC00  }
0x1ab: {  	[spmem:s7] =	stream.indirect.scatter.add.f32 [tilespmem:s18], [sflag:$0xE], $0x80, s24, s11, $0xb8;
	[tilespmem:$0x1E1F8] =	vst v63  }
0x1ac: {  	s26 =	simm.s32 $0x7  }
0x1ad: {  	[spmem:s6] =	stream.indirect.scatter.add.f32 [tilespmem:s9], [sflag:$0xE], $0x1, s24, s11, $0xb8;
	[tilespmem:$0x1E1F8] =	vst v63  }
0x1ae: {  	_ =	swait.ge [sflag:s26], $0x28  }
0x1af: {  	[sflag:s26] =	ssyncset.done $0x0  }
0x1b0: {  	[sflag:s26] =	ssyncadd.s32 $0xFFFFFFD8  }
0x1b1: {  	_ =	swait.ge [sflag:s26], $0x1400  }
0x1b2: {  	[sflag:s26] =	ssyncset.done $0x0  }
0x1b3: {  	s4 =	simm.s32 $0x300;
	[sflag:s26] =	ssyncadd.s32 $0xFFFFEC00  }
0x1b4: {  	[spmem:s7] =	stream.indirect.scatter.add.f32 [tilespmem:s0], [sflag:$0xF], $0x80, s4, s11, $0xb8;
	[tilespmem:$0x1E1F8] =	vst v63  }
0x1b5: {  	s15 =	simm.s32 $0x8  }
0x1b6: {  	[spmem:s6] =	stream.indirect.scatter.add.f32 [tilespmem:s9], [sflag:$0xF], $0x1, s4, s11, $0xb8;
	[tilespmem:$0x1E1F8] =	vst v63  }
0x1b7: {  	_ =	swait.ge [sflag:s15], $0x28  }
0x1b8: {  	[sflag:s15] =	ssyncset.done $0x0  }
0x1b9: {  	[sflag:s15] =	ssyncadd.s32 $0xFFFFFFD8  }
0x1ba: {  	_ =	swait.ge [sflag:s15], $0x1400  }
0x1bb: {  	[sflag:s15] =	ssyncset.done $0x0  }
0x1bc: {  	s4 =	simm.s32 $0x380;
	[sflag:s15] =	ssyncadd.s32 $0xFFFFEC00  }
0x1bd: {  	[spmem:s7] =	stream.indirect.scatter.add.f32 [tilespmem:s5], [sflag:$0x10], $0x80, s4, s11, $0xb8;
	[tilespmem:$0x1E1F8] =	vst v63  }
0x1be: {  	s18 =	simm.s32 $0x9  }
0x1bf: {  	[spmem:s6] =	stream.indirect.scatter.add.f32 [tilespmem:s9], [sflag:$0x10], $0x1, s4, s11, $0xb8;
	[tilespmem:$0x1E1F8] =	vst v63  }
0x1c0: {  	_ =	swait.ge [sflag:s18], $0x1400  }
0x1c1: {  	s3 =	smov.u32 s30;
	[sflag:s18] =	ssyncset.done $0x0;
	s20 =	rddreg [dreg:$0x6]  }
0x1c2: {  	s28 =	smov.u32 s14;
	[sflag:s18] =	ssyncadd.s32 $0xFFFFEC00;
	s3 =	sadd.s32 s3, s20  }
0x1c3: {  	s24 =	sadd.s32 $0xFFFFFD80, s22;
	_ =	swait.ge [sflag:s18], $0x28;
	s26 =	sadd.s32 $0x140, s3  }
0x1c4: {  	s6 =	simm.s32 $0xA;
	[sflag:s18] =	ssyncset.done $0x0;
	s7 =	sshrl.u32 s26, $0x3  }
0x1c5: {  	s9 =	sadd.s32 $0x190, s3;
	[sflag:s18] =	ssyncadd.s32 $0xFFFFFFD8;
	s7 =	sadd.s32 s21, s7  }
0x1c6: {  	[tilespmem:s16], [sflag:$0x1] =	stream.linear.gather [hbm4b:s7+s16], $0x28, $0x38;
	[tilespmem:$0x1E1F8] =	vst v63  }
0x1c7: {  	s20 =	smov.u32 s25;
	s25 =	smov.u32 s14;
	p2 =	slt.s32 s9, s14  }
0x1c8: {  	[tilespmem:s12], [sflag:$0x1] =	stream.linear.gather [hbm4b:s24+s16], $0x1400, $0x38;
	[tilespmem:$0x1E1F8] =	vst v63  }
0x1c9: {  	s5 =	sadd.s32 $0x208, s3;
	s25 =	smov.u32 @p2 s9;
	_ =	swait.ge [sflag:s6], $0x1400  }
0x1ca: {  	s9 =	sadd.s32 $0x1E0, s3;
	s26 =	sshll.u32 s25, $0x4;
	[sflag:s6] =	ssyncset.done $0x0  }
0x1cb: {  	s7 =	sadd.s32 $0x1B8, s3;
	p3 =	slt.s32 s9, s14;
	[sflag:s6] =	ssyncadd.s32 $0xFFFFEC00  }
0x1cc: {  	p2 =	slt.s32 s7, s14;
	s28 =	smov.u32 @p3 s9;
	_ =	swait.ge [sflag:s6], $0x28  }
0x1cd: {  	p3 =	slt.s32 s5, s14;
	s24 =	smov.u32 s14;
	[sflag:s6] =	ssyncset.done $0x0  }
0x1ce: {  	s12 =	smov.u32 s14;
	s24 =	smov.u32 @p3 s5;
	[sflag:s6] =	ssyncadd.s32 $0xFFFFFFD8  }
0x1cf: {  	[tilespmem:s17], [sflag:$0x2] =	stream.linear.gather [hbm4b:s1+s16], $0x28, $0x38;
	[tilespmem:$0x1E1F8] =	vst v63  }
0x1d0: {  	s5 =	sadd.s32 $0x230, s3;
	s12 =	smov.u32 @p2 s7;
	s17 =	simm.s32 $0x1800  }
0x1d1: {  	[tilespmem:s17], [sflag:$0x2] =	stream.linear.gather [hbm4b:s22+s16], $0x1400, $0x38;
	[tilespmem:$0x1E1F8] =	vst v63  }
0x1d2: {  	s7 =	smov.u32 s14;
	s3 =	sadd.s32 $0x258, s3;
	_ =	swait.ge [sflag:s8], $0x1400  }
0x1d3: {  	p2 =	slt.s32 s3, s14;
	s17 =	smov.u32 s14;
	[sflag:s8] =	ssyncset.done $0x0  }
0x1d4: {  	p3 =	slt.s32 s5, s14;
	s17 =	smov.u32 @p2 s3;
	[sflag:s8] =	ssyncadd.s32 $0xFFFFEC00  }
0x1d5: {  	s7 =	smov.u32 @p3 s5;
	s5 =	sshrl.u32 s17, $0x3;
	_ =	swait.ge [sflag:s8], $0x28  }
0x1d6: {  	s3 =	sshll.u32 s17, $0x4;
	s17 =	sshrl.u32 s25, $0x3;
	[sflag:s8] =	ssyncset.done $0x0  }
0x1d7: {  	s25 =	smov.u32 s20;
	s17 =	sadd.s32 s21, s17;
	[sflag:s8] =	ssyncadd.s32 $0xFFFFFFD8  }
0x1d8: {  	[tilespmem:s29], [sflag:$0x3] =	stream.linear.gather [hbm4b:s17+s16], $0x28, $0x38;
	[tilespmem:$0x1E1F8] =	vst v63  }
0x1d9: {  	s17 =	sadd.s32 s25, s26;
	s29 =	simm.s32 $0x2C00  }
0x1da: {  	[tilespmem:s29], [sflag:$0x3] =	stream.linear.gather [hbm4b:s17+s16], $0x1400, $0x38;
	[tilespmem:$0x1E1F8] =	vst v63  }
0x1db: {  	_ =	swait.ge [sflag:s10], $0x1400  }
0x1dc: {  	[sflag:s10] =	ssyncset.done $0x0  }
0x1dd: {  	[sflag:s10] =	ssyncadd.s32 $0xFFFFEC00  }
0x1de: {  	_ =	swait.ge [sflag:s10], $0x28  }
0x1df: {  	s20 =	simm.s32 $0x180;
	s29 =	sshrl.u32 s12, $0x3;
	[sflag:s10] =	ssyncset.done $0x0  }
0x1e0: {  	s12 =	sshll.u32 s12, $0x4;
	s17 =	sadd.s32 s21, s29;
	[sflag:s10] =	ssyncadd.s32 $0xFFFFFFD8  }
0x1e1: {  	[tilespmem:s20], [sflag:$0x4] =	stream.linear.gather [hbm4b:s17+s16], $0x28, $0x38;
	[tilespmem:$0x1E1F8] =	vst v63  }
0x1e2: {  	s26 =	simm.s32 $0x4000;
	s12 =	sadd.s32 s25, s12  }
0x1e3: {  	[tilespmem:s26], [sflag:$0x4] =	stream.linear.gather [hbm4b:s12+s16], $0x1400, $0x38;
	[tilespmem:$0x1E1F8] =	vst v63  }
0x1e4: {  	_ =	swait.ge [sflag:s19], $0x1400  }
0x1e5: {  	[sflag:s19] =	ssyncset.done $0x0  }
0x1e6: {  	[sflag:s19] =	ssyncadd.s32 $0xFFFFEC00  }
0x1e7: {  	_ =	swait.ge [sflag:s19], $0x28  }
0x1e8: {  	s15 =	sshll.u32 s28, $0x4;
	s17 =	sshrl.u32 s28, $0x3;
	[sflag:s19] =	ssyncset.done $0x0  }
0x1e9: {  	s28 =	simm.s32 $0x200;
	s12 =	sadd.s32 s21, s17;
	[sflag:s19] =	ssyncadd.s32 $0xFFFFFFD8  }
0x1ea: {  	[tilespmem:s28], [sflag:$0x5] =	stream.linear.gather [hbm4b:s12+s16], $0x28, $0x38;
	[tilespmem:$0x1E1F8] =	vst v63  }
0x1eb: {  	s29 =	sadd.s32 s25, s15;
	s15 =	simm.s32 $0x5400  }
0x1ec: {  	[tilespmem:s15], [sflag:$0x5] =	stream.linear.gather [hbm4b:s29+s16], $0x1400, $0x38;
	[tilespmem:$0x1E1F8] =	vst v63  }
0x1ed: {  	_ =	swait.ge [sflag:s23], $0x1400  }
0x1ee: {  	[sflag:s23] =	ssyncset.done $0x0  }
0x1ef: {  	[sflag:s23] =	ssyncadd.s32 $0xFFFFEC00  }
0x1f0: {  	_ =	swait.ge [sflag:s23], $0x28  }
0x1f1: {  	s18 =	sshll.u32 s24, $0x4;
	s17 =	sshrl.u32 s24, $0x3;
	[sflag:s23] =	ssyncset.done $0x0  }
0x1f2: {  	s24 =	simm.s32 $0x280;
	s12 =	sadd.s32 s21, s17;
	[sflag:s23] =	ssyncadd.s32 $0xFFFFFFD8  }
0x1f3: {  	[tilespmem:s24], [sflag:$0x6] =	stream.linear.gather [hbm4b:s12+s16], $0x28, $0x38;
	[tilespmem:$0x1E1F8] =	vst v63  }
0x1f4: {  	s29 =	sadd.s32 s25, s18;
	s18 =	simm.s32 $0x6800  }
0x1f5: {  	[tilespmem:s18], [sflag:$0x6] =	stream.linear.gather [hbm4b:s29+s16], $0x1400, $0x38;
	[tilespmem:$0x1E1F8] =	vst v63  }
0x1f6: {  	_ =	swait.ge [sflag:s13], $0x1400  }
0x1f7: {  	[sflag:s13] =	ssyncset.done $0x0  }
0x1f8: {  	[sflag:s13] =	ssyncadd.s32 $0xFFFFEC00  }
0x1f9: {  	_ =	swait.ge [sflag:s13], $0x28  }
0x1fa: {  	s9 =	sshrl.u32 s7, $0x3;
	s7 =	sshll.u32 s7, $0x4;
	[sflag:s13] =	ssyncset.done $0x0  }
0x1fb: {  	s9 =	sadd.s32 s21, s9;
	s6 =	simm.s32 $0x300;
	[sflag:s13] =	ssyncadd.s32 $0xFFFFFFD8  }
0x1fc: {  	[tilespmem:s6], [sflag:$0x7] =	stream.linear.gather [hbm4b:s9+s16], $0x28, $0x38;
	[tilespmem:$0x1E1F8] =	vst v63  }
0x1fd: {  	s0 =	simm.s32 $0x7C00;
	s7 =	sadd.s32 s25, s7  }
0x1fe: {  	[tilespmem:s0], [sflag:$0x7] =	stream.linear.gather [hbm4b:s7+s16], $0x1400, $0x38;
	[tilespmem:$0x1E1F8] =	vst v63  }
0x1ff: {  	_ =	swait.ge [sflag:s31], $0x1400  }
0x200: {  	p1 =	sne.s32 s30, $0x2580;
	[sflag:s31] =	ssyncset.done $0x0  }
.Ltmp0:
0x201: {  	s30 =	sadd.s32 $0x140, s30;
	[sflag:s31] =	ssyncadd.s32 $0xFFFFEC00;
	(pc) =	sbr.rel @p1 .LBB2_2-.Ltmp0, $4  }
0x202: {  	s2 =	simm.s32 $0x9000;
	s1 =	sadd.s32 $0x28, s1;
	_ =	swait.ge [sflag:s31], $0x28  }
0x203: {  	s22 =	sadd.s32 $0x1400, s22;
	s5 =	sadd.s32 s21, s5;
	[sflag:s31] =	ssyncset.done $0x0  }
0x204: {  	s3 =	sadd.s32 s25, s3;
	s0 =	simm.s32 $0x7C00;
	[sflag:s31] =	ssyncadd.s32 $0xFFFFFFD8  }
0x205: {  	[tilespmem:s4], [sflag:$0x8] =	stream.linear.gather [hbm4b:s5+s16], $0x28, $0x38;
	[tilespmem:$0x1E1F8] =	vst v63  }
0x206: {  	[tilespmem:s2], [sflag:$0x8] =	stream.linear.gather [hbm4b:s3+s16], $0x1400, $0x38;
	[tilespmem:$0x1E1F8] =	vst v63  }
0x207: {  	s1 =	simm.s32 $0x1  }
0x208: {  	_ =	swait.ge [sflag:s1], $0x28  }
0x209: {  	[sflag:s1] =	ssyncset.done $0x0  }
0x20a: {  	[sflag:s1] =	ssyncadd.s32 $0xFFFFFFD8  }
0x20b: {  	_ =	swait.ge [sflag:s1], $0x1400  }
0x20c: {  	[sflag:s1] =	ssyncset.done $0x0  }
0x20d: {  	[sflag:s1] =	ssyncadd.s32 $0xFFFFEC00  }
0x20e: {  	s3 =	simm.s32 $0x400;
	s26 =	rddreg [dreg:$0x3]  }
0x20f: {  	[spmem:s26] =	stream.indirect.scatter.add.f32 [tilespmem:s3], [sflag:$0x9], $0x80, s16, s11, $0xb8;
	[tilespmem:$0x1E1F8] =	vst v63  }
0x210: {  	s7 =	simm.s32 $0xA400;
	s0 =	simm.s32 $0x2;
	s4 =	rddreg [dreg:$0x4]  }
0x211: {  	[spmem:s4] =	stream.indirect.scatter.add.f32 [tilespmem:s7], [sflag:$0x9], $0x1, s16, s11, $0xb8;
	[tilespmem:$0x1E1F8] =	vst v63  }
0x212: {  	_ =	swait.ge [sflag:s0], $0x28  }
0x213: {  	[sflag:s0] =	ssyncset.done $0x0  }
0x214: {  	[sflag:s0] =	ssyncadd.s32 $0xFFFFFFD8  }
0x215: {  	_ =	swait.ge [sflag:s0], $0x1400  }
0x216: {  	[sflag:s0] =	ssyncset.done $0x0  }
0x217: {  	s5 =	simm.s32 $0x1800;
	[sflag:s0] =	ssyncadd.s32 $0xFFFFEC00;
	s0 =	simm.s32 $0x80  }
0x218: {  	[spmem:s26] =	stream.indirect.scatter.add.f32 [tilespmem:s5], [sflag:$0xA], $0x80, s0, s11, $0xb8;
	[tilespmem:$0x1E1F8] =	vst v63  }
0x219: {  	_ = 	snop  }
0x21a: {  	[spmem:s4] =	stream.indirect.scatter.add.f32 [tilespmem:s7], [sflag:$0xA], $0x1, s0, s11, $0xb8;
	[tilespmem:$0x1E1F8] =	vst v63  }
0x21b: {  	s7 =	simm.s32 $0x3  }
0x21c: {  	_ =	swait.ge [sflag:s7], $0x28  }
0x21d: {  	[sflag:s7] =	ssyncset.done $0x0  }
0x21e: {  	[sflag:s7] =	ssyncadd.s32 $0xFFFFFFD8  }
0x21f: {  	_ =	swait.ge [sflag:s7], $0x1400  }
0x220: {  	[sflag:s7] =	ssyncset.done $0x0  }
0x221: {  	s8 =	simm.s32 $0x4;
	[sflag:s7] =	ssyncadd.s32 $0xFFFFEC00  }
0x222: {  	_ =	swait.ge [sflag:s8], $0x28  }
0x223: {  	[sflag:s8] =	ssyncset.done $0x0  }
0x224: {  	[sflag:s8] =	ssyncadd.s32 $0xFFFFFFD8  }
0x225: {  	_ =	swait.ge [sflag:s8], $0x1400  }
0x226: {  	[sflag:s8] =	ssyncset.done $0x0  }
0x227: {  	s9 =	simm.s32 $0x5;
	[sflag:s8] =	ssyncadd.s32 $0xFFFFEC00  }
0x228: {  	_ =	swait.ge [sflag:s9], $0x28  }
0x229: {  	[sflag:s9] =	ssyncset.done $0x0  }
0x22a: {  	[sflag:s9] =	ssyncadd.s32 $0xFFFFFFD8  }
0x22b: {  	_ =	swait.ge [sflag:s9], $0x1400  }
0x22c: {  	[sflag:s9] =	ssyncset.done $0x0  }
0x22d: {  	s10 =	simm.s32 $0x6;
	[sflag:s9] =	ssyncadd.s32 $0xFFFFEC00  }
0x22e: {  	_ =	swait.ge [sflag:s10], $0x28  }
0x22f: {  	[sflag:s10] =	ssyncset.done $0x0  }
0x230: {  	[sflag:s10] =	ssyncadd.s32 $0xFFFFFFD8  }
0x231: {  	_ =	swait.ge [sflag:s10], $0x1400  }
0x232: {  	[sflag:s10] =	ssyncset.done $0x0  }
0x233: {  	s12 =	simm.s32 $0x7;
	[sflag:s10] =	ssyncadd.s32 $0xFFFFEC00  }
0x234: {  	_ =	swait.ge [sflag:s12], $0x28  }
0x235: {  	[sflag:s12] =	ssyncset.done $0x0  }
0x236: {  	[sflag:s12] =	ssyncadd.s32 $0xFFFFFFD8  }
0x237: {  	_ =	swait.ge [sflag:s12], $0x1400  }
0x238: {  	[sflag:s12] =	ssyncset.done $0x0  }
0x239: {  	s13 =	simm.s32 $0x8;
	[sflag:s12] =	ssyncadd.s32 $0xFFFFEC00  }
0x23a: {  	_ =	swait.ge [sflag:s13], $0x28  }
0x23b: {  	[sflag:s13] =	ssyncset.done $0x0  }
0x23c: {  	[sflag:s13] =	ssyncadd.s32 $0xFFFFFFD8  }
0x23d: {  	_ =	swait.ge [sflag:s13], $0x1400  }
0x23e: {  	[sflag:s13] =	ssyncset.done $0x0  }
0x23f: {  	s0 =	simm.s32 $0x9;
	[sflag:s13] =	ssyncadd.s32 $0xFFFFEC00  }
0x240: {  	_ =	swait.ge [sflag:s0], $0x1400  }
0x241: {  	[sflag:s0] =	ssyncset.done $0x0  }
0x242: {  	[sflag:s0] =	ssyncadd.s32 $0xFFFFEC00  }
0x243: {  	_ =	swait.ge [sflag:s0], $0x28  }
0x244: {  	[sflag:s0] =	ssyncset.done $0x0  }
0x245: {  	s2 =	simm.s32 $0xA;
	[sflag:s0] =	ssyncadd.s32 $0xFFFFFFD8  }
0x246: {  	_ =	swait.ge [sflag:s2], $0x1400  }
0x247: {  	[sflag:s2] =	ssyncset.done $0x0  }
0x248: {  	[sflag:s2] =	ssyncadd.s32 $0xFFFFEC00  }
0x249: {  	_ =	swait.ge [sflag:s2], $0x28  }
0x24a: {  	[sflag:s2] =	ssyncset.done $0x0  }
0x24b: {  	[sflag:s2] =	ssyncadd.s32 $0xFFFFFFD8  }
0x24c: {  	[bflag:$0x0] =	sbarrier.arrive $0xFFFF  }
0x24d: {  	s4 =	simm.s32 $0x11;
	s9 =	rddreg [dreg:$0x1b]  }
0x24e: {  	[tilespmem:s3], [sflag:$0x11] =	stream.linear.gather [spmem:s9], $0x1400, $0x38;
	[tilespmem:$0x1E1F8] =	vst v63  }
0x24f: {  	_ =	swait.ge [sflag:s4], $0x1400  }
0x250: {  	[sflag:s4] =	ssyncset.done $0x0  }
0x251: {  	s15 =	rddreg [dreg:$0x7];
	[sflag:s4] =	ssyncadd.s32 $0xFFFFEC00  }
0x252: {  	[hbm4b:s15+s16] =	stream.linear.scatter [tilespmem:s3], [sflag:$0x9], $0x1400, $0x38;
	[tilespmem:$0x1E1F8] =	vst v63  }
0x253: {  	s17 =	rddreg [dreg:$0x1c]  }
0x254: {  	[tilespmem:s5], [sflag:$0x11] =	stream.linear.gather [spmem:s17], $0x1400, $0x38;
	[tilespmem:$0x1E1F8] =	vst v63  }
0x255: {  	_ =	swait.ge [sflag:s4], $0x1400  }
0x256: {  	[sflag:s4] =	ssyncset.done $0x0  }
0x257: {  	s18 =	rddreg [dreg:$0x8];
	[sflag:s4] =	ssyncadd.s32 $0xFFFFEC00  }
0x258: {  	[hbm4b:s18+s16] =	stream.linear.scatter [tilespmem:s5], [sflag:$0xA], $0x1400, $0x38;
	[tilespmem:$0x1E1F8] =	vst v63  }
0x259: {  	_ =	swait.ge [sflag:s0], $0x1400  }
0x25a: {  	[sflag:s0] =	ssyncset.done $0x0  }
0x25b: {  	s31 =	rddreg [dreg:$0x1d];
	[sflag:s0] =	ssyncadd.s32 $0xFFFFEC00  }
0x25c: {  	[tilespmem:s3], [sflag:$0x11] =	stream.linear.gather [spmem:s31], $0x1400, $0x38;
	[tilespmem:$0x1E1F8] =	vst v63  }
0x25d: {  	_ =	swait.ge [sflag:s4], $0x1400  }
0x25e: {  	[sflag:s4] =	ssyncset.done $0x0  }
0x25f: {  	s19 =	rddreg [dreg:$0x9];
	[sflag:s4] =	ssyncadd.s32 $0xFFFFEC00  }
0x260: {  	[hbm4b:s19+s16] =	stream.linear.scatter [tilespmem:s3], [sflag:$0x9], $0x1400, $0x38;
	[tilespmem:$0x1E1F8] =	vst v63  }
0x261: {  	_ =	swait.ge [sflag:s2], $0x1400  }
0x262: {  	[sflag:s2] =	ssyncset.done $0x0  }
0x263: {  	s20 =	rddreg [dreg:$0x1e];
	[sflag:s2] =	ssyncadd.s32 $0xFFFFEC00  }
0x264: {  	[tilespmem:s5], [sflag:$0x11] =	stream.linear.gather [spmem:s20], $0x1400, $0x38;
	[tilespmem:$0x1E1F8] =	vst v63  }
0x265: {  	_ =	swait.ge [sflag:s4], $0x1400  }
0x266: {  	[sflag:s4] =	ssyncset.done $0x0  }
0x267: {  	s22 =	rddreg [dreg:$0xa];
	[sflag:s4] =	ssyncadd.s32 $0xFFFFEC00  }
0x268: {  	[hbm4b:s22+s16] =	stream.linear.scatter [tilespmem:s5], [sflag:$0xA], $0x1400, $0x38;
	[tilespmem:$0x1E1F8] =	vst v63  }
0x269: {  	_ =	swait.ge [sflag:s0], $0x1400  }
0x26a: {  	[sflag:s0] =	ssyncset.done $0x0  }
0x26b: {  	s23 =	rddreg [dreg:$0x1f];
	[sflag:s0] =	ssyncadd.s32 $0xFFFFEC00  }
0x26c: {  	[tilespmem:s3], [sflag:$0x11] =	stream.linear.gather [spmem:s23], $0x1400, $0x38;
	[tilespmem:$0x1E1F8] =	vst v63  }
0x26d: {  	_ =	swait.ge [sflag:s4], $0x1400  }
0x26e: {  	[sflag:s4] =	ssyncset.done $0x0  }
0x26f: {  	s24 =	rddreg [dreg:$0xb];
	[sflag:s4] =	ssyncadd.s32 $0xFFFFEC00  }
0x270: {  	[hbm4b:s24+s16] =	stream.linear.scatter [tilespmem:s3], [sflag:$0x9], $0x1400, $0x38;
	[tilespmem:$0x1E1F8] =	vst v63  }
0x271: {  	_ =	swait.ge [sflag:s2], $0x1400  }
0x272: {  	s26 =	sld [smem:$0x7DB]  }
0x273: {  	[sflag:s2] =	ssyncset.done $0x0  }
0x274: {  	[sflag:s2] =	ssyncadd.s32 $0xFFFFEC00  }
0x275: {  	[tilespmem:s5], [sflag:$0x11] =	stream.linear.gather [spmem:s26], $0x1400, $0x38;
	[tilespmem:$0x1E1F8] =	vst v63  }
0x276: {  	_ =	swait.ge [sflag:s4], $0x1400  }
0x277: {  	[sflag:s4] =	ssyncset.done $0x0  }
0x278: {  	s7 =	rddreg [dreg:$0xc];
	[sflag:s4] =	ssyncadd.s32 $0xFFFFEC00  }
0x279: {  	[hbm4b:s7+s16] =	stream.linear.scatter [tilespmem:s5], [sflag:$0xA], $0x1400, $0x38;
	[tilespmem:$0x1E1F8] =	vst v63  }
0x27a: {  	_ =	swait.ge [sflag:s0], $0x1400  }
0x27b: {  	s8 =	sld [smem:$0x7DC]  }
0x27c: {  	[sflag:s0] =	ssyncset.done $0x0  }
0x27d: {  	[sflag:s0] =	ssyncadd.s32 $0xFFFFEC00  }
0x27e: {  	[tilespmem:s3], [sflag:$0x11] =	stream.linear.gather [spmem:s8], $0x1400, $0x38;
	[tilespmem:$0x1E1F8] =	vst v63  }
0x27f: {  	_ =	swait.ge [sflag:s4], $0x1400  }
0x280: {  	[sflag:s4] =	ssyncset.done $0x0  }
0x281: {  	s10 =	rddreg [dreg:$0xd];
	[sflag:s4] =	ssyncadd.s32 $0xFFFFEC00  }
0x282: {  	[hbm4b:s10+s16] =	stream.linear.scatter [tilespmem:s3], [sflag:$0x9], $0x1400, $0x38;
	[tilespmem:$0x1E1F8] =	vst v63  }
0x283: {  	_ =	swait.ge [sflag:s2], $0x1400  }
0x284: {  	s12 =	sld [smem:$0x7DD]  }
0x285: {  	[sflag:s2] =	ssyncset.done $0x0  }
0x286: {  	[sflag:s2] =	ssyncadd.s32 $0xFFFFEC00  }
0x287: {  	[tilespmem:s5], [sflag:$0x11] =	stream.linear.gather [spmem:s12], $0x1400, $0x38;
	[tilespmem:$0x1E1F8] =	vst v63  }
0x288: {  	_ =	swait.ge [sflag:s4], $0x1400  }
0x289: {  	[sflag:s4] =	ssyncset.done $0x0  }
0x28a: {  	s13 =	rddreg [dreg:$0xe];
	[sflag:s4] =	ssyncadd.s32 $0xFFFFEC00  }
0x28b: {  	[hbm4b:s13+s16] =	stream.linear.scatter [tilespmem:s5], [sflag:$0xA], $0x1400, $0x38;
	[tilespmem:$0x1E1F8] =	vst v63  }
0x28c: {  	_ =	swait.ge [sflag:s0], $0x1400  }
0x28d: {  	s24 =	sld [smem:$0x7F4]  }
0x28e: {  	[sflag:s0] =	ssyncset.done $0x0  }
0x28f: {  	[sflag:s0] =	ssyncadd.s32 $0xFFFFEC00  }
0x290: {  	[tilespmem:s3], [sflag:$0x11] =	stream.linear.gather [spmem:s24], $0x1400, $0x38;
	[tilespmem:$0x1E1F8] =	vst v63  }
0x291: {  	_ =	swait.ge [sflag:s4], $0x1400  }
0x292: {  	[sflag:s4] =	ssyncset.done $0x0  }
0x293: {  	s15 =	rddreg [dreg:$0xf];
	[sflag:s4] =	ssyncadd.s32 $0xFFFFEC00  }
0x294: {  	[hbm4b:s15+s16] =	stream.linear.scatter [tilespmem:s3], [sflag:$0x9], $0x1400, $0x38;
	[tilespmem:$0x1E1F8] =	vst v63  }
0x295: {  	_ =	swait.ge [sflag:s2], $0x1400  }
0x296: {  	s26 =	sld [smem:$0x7F5]  }
0x297: {  	[sflag:s2] =	ssyncset.done $0x0  }
0x298: {  	[sflag:s2] =	ssyncadd.s32 $0xFFFFEC00  }
0x299: {  	[tilespmem:s5], [sflag:$0x11] =	stream.linear.gather [spmem:s26], $0x1400, $0x38;
	[tilespmem:$0x1E1F8] =	vst v63  }
0x29a: {  	_ =	swait.ge [sflag:s4], $0x1400  }
0x29b: {  	[sflag:s4] =	ssyncset.done $0x0  }
0x29c: {  	s17 =	rddreg [dreg:$0x10];
	[sflag:s4] =	ssyncadd.s32 $0xFFFFEC00  }
0x29d: {  	[hbm4b:s17+s16] =	stream.linear.scatter [tilespmem:s5], [sflag:$0xA], $0x1400, $0x38;
	[tilespmem:$0x1E1F8] =	vst v63  }
0x29e: {  	_ =	swait.ge [sflag:s0], $0x1400  }
0x29f: {  	s28 =	sld [smem:$0x7F6]  }
0x2a0: {  	[sflag:s0] =	ssyncset.done $0x0  }
0x2a1: {  	[sflag:s0] =	ssyncadd.s32 $0xFFFFEC00  }
0x2a2: {  	[tilespmem:s3], [sflag:$0x11] =	stream.linear.gather [spmem:s28], $0x1400, $0x38;
	[tilespmem:$0x1E1F8] =	vst v63  }
0x2a3: {  	_ =	swait.ge [sflag:s4], $0x1400  }
0x2a4: {  	[sflag:s4] =	ssyncset.done $0x0  }
0x2a5: {  	s18 =	rddreg [dreg:$0x11];
	[sflag:s4] =	ssyncadd.s32 $0xFFFFEC00  }
0x2a6: {  	[hbm4b:s18+s16] =	stream.linear.scatter [tilespmem:s3], [sflag:$0x9], $0x1400, $0x38;
	[tilespmem:$0x1E1F8] =	vst v63  }
0x2a7: {  	_ =	swait.ge [sflag:s2], $0x1400  }
0x2a8: {  	s19 =	sld [smem:$0x7DE]  }
0x2a9: {  	[sflag:s2] =	ssyncset.done $0x0  }
0x2aa: {  	[sflag:s2] =	ssyncadd.s32 $0xFFFFEC00  }
0x2ab: {  	[tilespmem:s5], [sflag:$0x11] =	stream.linear.gather [spmem:s19], $0x1400, $0x38;
	[tilespmem:$0x1E1F8] =	vst v63  }
0x2ac: {  	_ =	swait.ge [sflag:s4], $0x1400  }
0x2ad: {  	[sflag:s4] =	ssyncset.done $0x0  }
0x2ae: {  	s20 =	rddreg [dreg:$0x12];
	[sflag:s4] =	ssyncadd.s32 $0xFFFFEC00  }
0x2af: {  	[hbm4b:s20+s16] =	stream.linear.scatter [tilespmem:s5], [sflag:$0xA], $0x1400, $0x38;
	[tilespmem:$0x1E1F8] =	vst v63  }
0x2b0: {  	_ =	swait.ge [sflag:s0], $0x1400  }
0x2b1: {  	s18 =	sld [smem:$0x7F7]  }
0x2b2: {  	[sflag:s0] =	ssyncset.done $0x0  }
0x2b3: {  	[sflag:s0] =	ssyncadd.s32 $0xFFFFEC00  }
0x2b4: {  	[tilespmem:s3], [sflag:$0x11] =	stream.linear.gather [spmem:s18], $0x1400, $0x38;
	[tilespmem:$0x1E1F8] =	vst v63  }
0x2b5: {  	_ =	swait.ge [sflag:s4], $0x1400  }
0x2b6: {  	[sflag:s4] =	ssyncset.done $0x0  }
0x2b7: {  	s22 =	rddreg [dreg:$0x13];
	[sflag:s4] =	ssyncadd.s32 $0xFFFFEC00  }
0x2b8: {  	[hbm4b:s22+s16] =	stream.linear.scatter [tilespmem:s3], [sflag:$0x9], $0x1400, $0x38;
	[tilespmem:$0x1E1F8] =	vst v63  }
0x2b9: {  	_ =	swait.ge [sflag:s2], $0x1400  }
0x2ba: {  	s12 =	sld [smem:$0x7F8]  }
0x2bb: {  	[sflag:s2] =	ssyncset.done $0x0  }
0x2bc: {  	[sflag:s2] =	ssyncadd.s32 $0xFFFFEC00  }
0x2bd: {  	[tilespmem:s5], [sflag:$0x11] =	stream.linear.gather [spmem:s12], $0x1400, $0x38;
	[tilespmem:$0x1E1F8] =	vst v63  }
0x2be: {  	_ =	swait.ge [sflag:s4], $0x1400  }
0x2bf: {  	[sflag:s4] =	ssyncset.done $0x0  }
0x2c0: {  	s23 =	rddreg [dreg:$0x14];
	[sflag:s4] =	ssyncadd.s32 $0xFFFFEC00  }
0x2c1: {  	[hbm4b:s23+s16] =	stream.linear.scatter [tilespmem:s5], [sflag:$0xA], $0x1400, $0x38;
	[tilespmem:$0x1E1F8] =	vst v63  }
0x2c2: {  	_ =	swait.ge [sflag:s0], $0x1400  }
0x2c3: {  	s15 =	sld [smem:$0x7F9]  }
0x2c4: {  	[sflag:s0] =	ssyncset.done $0x0  }
0x2c5: {  	[sflag:s0] =	ssyncadd.s32 $0xFFFFEC00  }
0x2c6: {  	[tilespmem:s3], [sflag:$0x11] =	stream.linear.gather [spmem:s15], $0x1400, $0x38;
	[tilespmem:$0x1E1F8] =	vst v63  }
0x2c7: {  	_ =	swait.ge [sflag:s4], $0x1400  }
0x2c8: {  	[sflag:s4] =	ssyncset.done $0x0  }
0x2c9: {  	s7 =	rddreg [dreg:$0x15];
	[sflag:s4] =	ssyncadd.s32 $0xFFFFEC00  }
0x2ca: {  	[hbm4b:s7+s16] =	stream.linear.scatter [tilespmem:s3], [sflag:$0x9], $0x1400, $0x38;
	[tilespmem:$0x1E1F8] =	vst v63  }
0x2cb: {  	_ =	swait.ge [sflag:s2], $0x1400  }
0x2cc: {  	s17 =	sld [smem:$0x7FA]  }
0x2cd: {  	[sflag:s2] =	ssyncset.done $0x0  }
0x2ce: {  	[sflag:s2] =	ssyncadd.s32 $0xFFFFEC00  }
0x2cf: {  	[tilespmem:s5], [sflag:$0x11] =	stream.linear.gather [spmem:s17], $0xC00, $0x38;
	[tilespmem:$0x1E1F8] =	vst v63  }
0x2d0: {  	_ =	swait.ge [sflag:s4], $0xC00  }
0x2d1: {  	[sflag:s4] =	ssyncset.done $0x0  }
0x2d2: {  	s8 =	rddreg [dreg:$0x16];
	[sflag:s4] =	ssyncadd.s32 $0xFFFFF400  }
0x2d3: {  	[hbm4b:s8+s16] =	stream.linear.scatter [tilespmem:s5], [sflag:$0xA], $0xC00, $0x38;
	[tilespmem:$0x1E1F8] =	vst v63  }
0x2d4: {  	_ =	swait.ge [sflag:s0], $0x1400  }
0x2d5: {  	[sflag:s0] =	ssyncset.done $0x0  }
0x2d6: {  	[sflag:s0] =	ssyncadd.s32 $0xFFFFEC00  }
0x2d7: {  	_ =	swait.ge [sflag:s2], $0xC00  }
0x2d8: {  	s7 =	sld [smem:$0x7FB]  }
0x2d9: {  	[sflag:s2] =	ssyncset.done $0x0  }
0x2da: {  	s10 =	simm.s32 $0xA480;
	[sflag:s2] =	ssyncadd.s32 $0xFFFFF400  }
0x2db: {  	[tilespmem:s10], [sflag:$0x11] =	stream.linear.gather [spmem:s7], $0x270, $0x38;
	[tilespmem:$0x1E1F8] =	vst v63  }
0x2dc: {  	_ =	swait.ge [sflag:s4], $0x270  }
0x2dd: {  	[sflag:s4] =	ssyncset.done $0x0  }
0x2de: {  	s13 =	rddreg [dreg:$0x17];
	[sflag:s4] =	ssyncadd.s32 $0xFFFFFD90  }
0x2df: {  	[hbm4b:s13+s16] =	stream.linear.scatter [tilespmem:s10], [sflag:$0x11], $0x270, $0x38;
	[tilespmem:$0x1E1F8] =	vst v63  }
0x2e0: {  	_ =	swait.ge [sflag:s4], $0x270  }
0x2e1: {  	s22 =	sld [smem:$0x7FC]  }
0x2e2: {  	[sflag:s4] =	ssyncset.done $0x0  }
0x2e3: {  	s1 =	simm.s32 @!p0 $0x400;
	s3 =	simm.s32 @!p0 $0x11;
	[sflag:s4] =	ssyncadd.s32 $0xFFFFFD90  }
0x2e4: {  	[tilespmem:s1], [sflag:$0x11] =	stream.linear.gather @!p0 [spmem:s22], $0x800, $0x38;
	[tilespmem:$0x1E1F8] =	vst v63  }
0x2e5: {  	_ =	swait.ge @!p0 [sflag:s3], $0x800  }
0x2e6: {  	s30 =	sld [smem:$0x7FD]  }
0x2e7: {  	[sflag:s3] =	ssyncset.done @!p0 $0x0  }
0x2e8: {  	s5 =	simm.s32 @!p0 $0xA480;
	[sflag:s3] =	ssyncadd.s32 @!p0 $0xFFFFF800  }
0x2e9: {  	[tilespmem:s5], [sflag:$0x11] =	stream.linear.gather @!p0 [spmem:s30], $0x10, $0x38;
	[tilespmem:$0x1E1F8] =	vst v63  }
0x2ea: {  	_ =	swait.ge @!p0 [sflag:s3], $0x10  }
0x2eb: {  	s4 =	sld [smem:$0x7EF]  }
0x2ec: {  	[sflag:s3] =	ssyncset.done @!p0 $0x0  }
0x2ed: {  	s20 =	simm.s32 @!p0 $0x0;
	[sflag:s3] =	ssyncadd.s32 @!p0 $0xFFFFFFF0  }
0x2ee: {  	[hbm4b:s4+s20] =	stream.linear.scatter @!p0 [tilespmem:s1], [sflag:$0x11], $0x800, $0x38;
	[tilespmem:$0x1E1F8] =	vst v63  }
0x2ef: {  	_ =	swait.ge @!p0 [sflag:s3], $0x800  }
0x2f0: {  	s1 =	sld [smem:$0x7F0]  }
0x2f1: {  	[sflag:s3] =	ssyncset.done @!p0 $0x0  }
0x2f2: {  	[sflag:s3] =	ssyncadd.s32 @!p0 $0xFFFFF800  }
0x2f3: {  	[hbm4b:s1+s20] =	stream.linear.scatter @!p0 [tilespmem:s5], [sflag:$0x11], $0x10, $0x38;
	[tilespmem:$0x1E1F8] =	vst v63  }
0x2f4: {  	_ =	swait.ge @!p0 [sflag:s3], $0x10  }
0x2f5: {  	s19 =	sld [smem:$0x7DA]  }
0x2f6: {  	s23 =	sld [smem:$0x7F1];
	_ =	sdelay $0x1  }
0x2f7: {  	s2 =	sadd.s32 $0x1, s19  }
0x2f8: {  	s29 =	simm.s32 $0x100;
	s8 =	simm.s32 $0xB;
	p1 =	sne.s32 s2, s23  }
.Ltmp1:
0x2f9: {  	s0 =	simm.s32 $0x380;
	s10 =	simm.s32 $0xC;
	(pc) =	sbr.rel @p1 .LBB2_1-.Ltmp1, $4  }
0x2fa: {  	s13 =	simm.s32 $0xD;
	s4 =	smov.u32 s30;
	s30 =	simm.s32 $0x2C00  }
0x2fb: {  	s20 =	simm.s32 $0x11;
	s5 =	smov.u32 s18;
	[sflag:s3] =	ssyncset.done @!p0 $0x0  }
0x2fc: {  	[sflag:s3] =	ssyncadd.s32 @!p0 $0xFFFFFFF0;
	s3 =	smov.u32 s22;
	s22 =	simm.s32 $0xA480  }
0x2fd: {  	s19 =	smov.u32 s21;
	s21 =	simm.s32 $0xE;
	s23 =	simm.s32 $0xF  }
0x2fe: {  	_ =	sfence.sel $0x180000  }
0x2ff: {  	[bflag:$0x0] =	sbarrier.arrive $0xFFFF  }
0x300: {  	_ =	strace $0x90000047  }
0x301: {  	[bflag:$0x2] =	sbarrier.arrive $0xFFFF  }
0x302: {  	s0 =	rddreg [dreg:$0x5]  }
0x303: {  	s0 =	sadd.s32 @!p0 $0x100000, s0  }
0x304: {  	[sflag:s0] =	ssyncadd.tile.s32 @!p0 $0x1;
	_ =	shalt  }
.Lfunc_end2:
_tile_overlayer_lowered:
.L_overlay_start_2:
0x305: {  	(tag) =	ssettag $0x2  }
0x306: {  	s0 =	rddreg [dreg:$0x0];
	s2 =	stileid.u32  }
0x307: {  	s1 =	rddreg [dreg:$0x1];
	p0 =	sne.s32 s2, $0x0  }
0x308: {  	s3 =	rddreg [dreg:$0x2];
	[bflag:$0x3] =	sbarrier.arrive $0xFFFF;
	s2 =	simm.s32 @!p0 $0x1C11  }
0x309: {  	[timem:s3], [sflag:s2] =	dma.local @!p0 [hbm:s0], s1  }
0x30a: {  	s0 =	simm.s32 @!p0 $0x11  }
0x30b: {  	_ =	swait.ge @!p0 [sflag:s0], s1  }
0x30c: {  	s1 =	ssub.s32 @!p0 $0x0, s1;
	[sflag:s0] =	ssyncset.done @!p0 $0x0  }
0x30d: {  	[sflag:s0] =	ssyncadd.s32 @!p0 s1  }
0x30e: {  	[bflag:$0x3] =	sbarrier.arrive $0xFFFF  }
0x30f: {  	_ =	shalt  }

</sc_bundles>
